<compile_context>
chip_gen: v7x
topology: tpu7x:2x2x1
jax: 0.10.2.dev20260603
libtpu: 0.0.44.dev20260713+nightly
codegen_flags: <defaults>
</compile_context>

<pallas_src>
import functools

import jax
import jax.numpy as jnp
from jax import lax
from jax.experimental import pallas as pl
from jax.experimental.pallas import tpu as pltpu
from jax.experimental.pallas import tpu_sc as plsc

B = 16384
D = 128
LANES = 16
NW = 32
NSUB = 16
ROWS_PER_W = B // NW
CHUNK = 64
NCHUNK = ROWS_PER_W // CHUNK
TROWS = 1000
SPLIT_HI = 64
SPLIT_LO = 40


def _body(x_hbm, lab_hbm, mu_hbm, la_hbm, eps_hbm, out_hbm,
          idx0, idx1, mu0, mu1, al0, al1, x0, x1, e0, e1, o0, o1,
          stg_s, stg_d, mu_tab, al_tab,
          sm0, sm1, sa0, sa1, sx0, sx1, se0, se1, sem_out0, sem_out1):
    idx_v = (idx0, idx1)
    mu_v = (mu0, mu1)
    al_v = (al0, al1)
    x_v = (x0, x1)
    eps_v = (e0, e1)
    out_v = (o0, o1)
    sem_m = (sm0, sm1)
    sem_a = (sa0, sa1)
    sem_x = (sx0, sx1)
    sem_e = (se0, se1)
    sem_out = (sem_out0, sem_out1)

    cid = lax.axis_index("c")
    sid = lax.axis_index("s")
    wid = sid * 2 + cid
    wbase = wid * ROWS_PER_W

    pre = []
    for p in range(2):
        base = wbase + p * CHUNK
        pltpu.sync_copy(lab_hbm.at[pl.ds(base, CHUNK)], idx_v[p])
        pre.append(pltpu.async_copy(x_hbm.at[pl.ds(base, CHUNK)], x_v[p], sem_x[p]))
        pre.append(pltpu.async_copy(eps_hbm.at[pl.ds(base, CHUNK)], eps_v[p], sem_e[p]))

    r0 = sid * SPLIT_HI
    nrows = jnp.where(sid < NSUB - 1, SPLIT_HI, SPLIT_LO)

    @pl.when(sid < NSUB - 1)
    def _():
        pltpu.sync_copy(mu_hbm.at[pl.ds(r0, SPLIT_HI)],
                        mu_tab.at[pl.ds(r0, SPLIT_HI)])
        pltpu.sync_copy(la_hbm.at[pl.ds(r0, SPLIT_HI)],
                        stg_s.at[pl.ds(0, SPLIT_HI)])

    @pl.when(sid == NSUB - 1)
    def _():
        pltpu.sync_copy(mu_hbm.at[pl.ds(r0, SPLIT_LO)],
                        mu_tab.at[pl.ds(r0, SPLIT_LO)])
        pltpu.sync_copy(la_hbm.at[pl.ds(r0, SPLIT_LO)],
                        stg_s.at[pl.ds(0, SPLIT_LO)])

    def exp_row(r, carry):
        for j in range(D // LANES):
            sl = pl.ds(j * LANES, LANES)
            stg_d[r, sl] = jnp.exp(stg_s[r, sl])
        return carry

    lax.fori_loop(0, nrows, exp_row, 0)

    @pl.when(sid < NSUB - 1)
    def _():
        pltpu.sync_copy(stg_d.at[pl.ds(0, SPLIT_HI)],
                        al_tab.at[pl.ds(r0, SPLIT_HI)])

    @pl.when(sid == NSUB - 1)
    def _():
        pltpu.sync_copy(stg_d.at[pl.ds(0, SPLIT_LO)],
                        al_tab.at[pl.ds(r0, SPLIT_LO)])

    plsc.subcore_barrier()

    copies = [list(pre[0:2]), list(pre[2:4])]
    outcp = [None, None]

    def start_gather(ch):
        p = ch % 2
        copies[p].append(pltpu.async_copy(mu_tab.at[idx_v[p]], mu_v[p], sem_m[p]))
        copies[p].append(pltpu.async_copy(al_tab.at[idx_v[p]], al_v[p], sem_a[p]))

    def start_all(ch):
        p = ch % 2
        base = wbase + ch * CHUNK
        pltpu.sync_copy(lab_hbm.at[pl.ds(base, CHUNK)], idx_v[p])
        copies[p] = [
            pltpu.async_copy(x_hbm.at[pl.ds(base, CHUNK)], x_v[p], sem_x[p]),
            pltpu.async_copy(eps_hbm.at[pl.ds(base, CHUNK)], eps_v[p], sem_e[p]),
        ]
        start_gather(ch)

    start_gather(0)
    start_gather(1)
    for ch in range(NCHUNK):
        p = ch % 2
        for c in copies[p]:
            c.wait()
        if outcp[p] is not None:
            outcp[p].wait()

        xv, ev, av, mv, ov = x_v[p], eps_v[p], al_v[p], mu_v[p], out_v[p]

        def row_body(r, carry):
            for j in range(D // LANES):
                sl = pl.ds(j * LANES, LANES)
                ov[r, sl] = xv[r, sl] * (ev[r, sl] * av[r, sl] + mv[r, sl])
            return carry

        lax.fori_loop(0, CHUNK, row_body, 0)
        outcp[p] = pltpu.async_copy(
            out_v[p], out_hbm.at[pl.ds(wbase + ch * CHUNK, CHUNK)], sem_out[p])
        if ch + 2 < NCHUNK:
            start_all(ch + 2)
    for p in range(2):
        if outcp[p] is not None:
            outcp[p].wait()


@jax.jit
def _gauss_dropout_sc(x, labels, muy, log_alpha, epsilon):
    mesh = plsc.VectorSubcoreMesh(core_axis_name="c", subcore_axis_name="s")
    buf = lambda: pltpu.VMEM((CHUNK, D), jnp.float32)
    kfn = functools.partial(
        pl.kernel,
        mesh=mesh,
        out_type=jax.ShapeDtypeStruct((B, D), jnp.float32),
        scratch_types=[
            pltpu.VMEM((CHUNK,), jnp.int32), pltpu.VMEM((CHUNK,), jnp.int32),
            buf(), buf(), buf(), buf(), buf(), buf(), buf(), buf(), buf(), buf(),
            pltpu.VMEM((SPLIT_HI, D), jnp.float32),
            pltpu.VMEM((SPLIT_HI, D), jnp.float32),
            pltpu.VMEM_SHARED((TROWS, D), jnp.float32),
            pltpu.VMEM_SHARED((TROWS, D), jnp.float32),
            pltpu.SemaphoreType.DMA, pltpu.SemaphoreType.DMA,
            pltpu.SemaphoreType.DMA, pltpu.SemaphoreType.DMA,
            pltpu.SemaphoreType.DMA, pltpu.SemaphoreType.DMA,
            pltpu.SemaphoreType.DMA, pltpu.SemaphoreType.DMA,
            pltpu.SemaphoreType.DMA, pltpu.SemaphoreType.DMA,
        ],
    )(_body)
    return kfn(x, labels, muy, log_alpha, epsilon)


def kernel(x, task_labels, muy, log_alpha, epsilon):
    labels = task_labels.astype(jnp.int32)
    return _gauss_dropout_sc(x, labels, muy, log_alpha, epsilon)

# --- scband reference (transcript-rebuilt; emitter-appended) ---
"""Pipeline reference for scband-gauss-dropout-695784702410 (READ-ONLY COPY).

The authoritative reference and input builder live on the scoring server;
editing this copy changes nothing except your own understanding.
"""

import jax, jax.numpy as jnp
import numpy as np
import math

TASKS = 1000
INPUT_SIZE = 128
BATCH = 16384
P = 0.5

def setup_inputs(seed: int = 0) -> dict:
    key = jax.random.key(seed)
    k_x, k_t, k_eps = jax.random.split(key, 3)
    x = jax.random.normal(k_x, (BATCH, INPUT_SIZE), dtype=jnp.float32)
    task_labels = jax.random.randint(k_t, (BATCH,), 0, TASKS, dtype=jnp.int64 if jax.config.jax_enable_x64 else jnp.int32)
    # Learned parameters, initialized exactly as reset_parameters():
    muy = jnp.ones((TASKS, INPUT_SIZE), dtype=jnp.float32)
    log_alpha = jnp.full((TASKS, INPUT_SIZE), math.log(math.sqrt(P)), dtype=jnp.float32)
    # The torch module draws epsilon internally via torch.randn; we materialize it
    # as an explicit input so the jax reference is deterministic.
    epsilon = jax.random.normal(k_eps, (BATCH, INPUT_SIZE), dtype=jnp.float32)
    return {"x": x, "task_labels": task_labels, "muy": muy, "log_alpha": log_alpha, "epsilon": epsilon}

def reference(x, task_labels, muy, log_alpha, epsilon):
    # F.embedding(task_labels, self.muy) -> gather rows
    muy_e = jnp.take(muy, task_labels, axis=0)            # [B, D]
    muy_e = muy_e * jnp.ones_like(x)
    log_alpha_e = jnp.take(log_alpha, task_labels, axis=0) # [B, D]
    alpha = jnp.exp(log_alpha_e)
    eps = epsilon * alpha + muy_e
    return x * eps

if False:  # reference __main__ guard neutralized (emitter)
    inp = setup_inputs()
    out = reference(**inp)
    print(out.shape, out.dtype)

if __name__ == "__main__":
    import jax
    _d = setup_inputs()
    print(jax.jit(kernel)(*tuple(_d.values())))

</pallas_src>

<mosaic_0001>
#map = affine_map<(d0, d1) -> (0, 0)>
#map1 = affine_map<(d0, d1) -> (0)>
module attributes {stable_mosaic.version = 14 : i64} {
  func.func @_body(%arg0: i32, %arg1: i32, %arg2: memref<16384x128xf32, #tpu.memory_space<hbm>>, %arg3: memref<16384xi32, #tpu.memory_space<hbm>>, %arg4: memref<1000x128xf32, #tpu.memory_space<hbm>>, %arg5: memref<1000x128xf32, #tpu.memory_space<hbm>>, %arg6: memref<16384x128xf32, #tpu.memory_space<hbm>>, %arg7: memref<16384x128xf32, #tpu.memory_space<hbm>>, %arg8: memref<64xi32, #tpu.memory_space<vmem>>, %arg9: memref<64xi32, #tpu.memory_space<vmem>>, %arg10: memref<64x128xf32, #tpu.memory_space<vmem>>, %arg11: memref<64x128xf32, #tpu.memory_space<vmem>>, %arg12: memref<64x128xf32, #tpu.memory_space<vmem>>, %arg13: memref<64x128xf32, #tpu.memory_space<vmem>>, %arg14: memref<64x128xf32, #tpu.memory_space<vmem>>, %arg15: memref<64x128xf32, #tpu.memory_space<vmem>>, %arg16: memref<64x128xf32, #tpu.memory_space<vmem>>, %arg17: memref<64x128xf32, #tpu.memory_space<vmem>>, %arg18: memref<64x128xf32, #tpu.memory_space<vmem>>, %arg19: memref<64x128xf32, #tpu.memory_space<vmem>>, %arg20: memref<64x128xf32, #tpu.memory_space<vmem>>, %arg21: memref<64x128xf32, #tpu.memory_space<vmem>>, %arg22: memref<1000x128xf32, #tpu.memory_space<vmem_shared>>, %arg23: memref<1000x128xf32, #tpu.memory_space<vmem_shared>>, %arg24: memref<!tpu.dma_semaphore, #tpu.memory_space<semaphore_mem>>, %arg25: memref<!tpu.dma_semaphore, #tpu.memory_space<semaphore_mem>>, %arg26: memref<!tpu.dma_semaphore, #tpu.memory_space<semaphore_mem>>, %arg27: memref<!tpu.dma_semaphore, #tpu.memory_space<semaphore_mem>>, %arg28: memref<!tpu.dma_semaphore, #tpu.memory_space<semaphore_mem>>, %arg29: memref<!tpu.dma_semaphore, #tpu.memory_space<semaphore_mem>>, %arg30: memref<!tpu.dma_semaphore, #tpu.memory_space<semaphore_mem>>, %arg31: memref<!tpu.dma_semaphore, #tpu.memory_space<semaphore_mem>>, %arg32: memref<!tpu.dma_semaphore, #tpu.memory_space<semaphore_mem>>, %arg33: memref<!tpu.dma_semaphore, #tpu.memory_space<semaphore_mem>>) attributes {dimension_semantics = [#tpu.dimension_semantics<core_parallel>, #tpu.dimension_semantics<subcore_parallel>], iteration_bounds = array<i64: 2, 16>, scalar_prefetch = 0 : i64, scratch_operands = 26 : i64, tpu.core_type = #tpu.core_type<sc_vector_subcore>, window_params = [{transform_indices = #map}, {transform_indices = #map1}, {transform_indices = #map}, {transform_indices = #map}, {transform_indices = #map}, {transform_indices = #map}]} {
    %mul3A = arith.constant 2 : i32
    %mul3A_0 = arith.muli %arg1, %mul3A : i32
    %add3A = arith.addi %mul3A_0, %arg0 : i32
    %mul3A_1 = arith.constant 512 : i32
    %mul3A_2 = arith.muli %add3A, %mul3A_1 : i32
    %add3A_3 = arith.constant 0 : i32
    %add3A_4 = arith.addi %mul3A_2, %add3A_3 : i32
    "tpu.region"() ({
      %run_scoped3A = tpu.sem_alloc : memref<!tpu.dma_semaphore, #tpu.memory_space<semaphore_mem>>
      %dma_start3A_398 = tpu.memref_slice %arg3[%add3A_4] : memref<16384xi32, #tpu.memory_space<hbm>> -> memref<64xi32, #tpu.memory_space<hbm>>
      %dma_start3A_399 = tpu.memref_slice %arg3[%add3A_4] : memref<16384xi32, #tpu.memory_space<hbm>> -> memref<64xi32, #tpu.memory_space<hbm>>
      tpu.enqueue_dma source(%dma_start3A_399 : memref<64xi32, #tpu.memory_space<hbm>>) target(%arg8 : memref<64xi32, #tpu.memory_space<vmem>>) target_semaphore(%run_scoped3A : memref<!tpu.dma_semaphore, #tpu.memory_space<semaphore_mem>>)
      %dma_wait3A_400 = tpu.memref_slice %arg3[%add3A_4] : memref<16384xi32, #tpu.memory_space<hbm>> -> memref<64xi32, #tpu.memory_space<hbm>>
      %dma_wait3A_401 = tpu.memref_slice %arg3[%add3A_4] : memref<16384xi32, #tpu.memory_space<hbm>> -> memref<64xi32, #tpu.memory_space<hbm>>
      tpu.wait_dma2 semaphore(%run_scoped3A : memref<!tpu.dma_semaphore, #tpu.memory_space<semaphore_mem>>) src(%dma_wait3A_401 : memref<64xi32, #tpu.memory_space<hbm>>) dst(%arg8 : memref<64xi32, #tpu.memory_space<vmem>>)
      tpu.yield
    }) : () -> ()
    %dma_start3A = arith.constant 0 : i32
    %dma_start3A_5 = tpu.memref_slice %arg2[%add3A_4, %dma_start3A] : memref<16384x128xf32, #tpu.memory_space<hbm>> -> memref<64x128xf32, #tpu.memory_space<hbm>>
    %dma_start3A_6 = arith.constant 0 : i32
    %dma_start3A_7 = tpu.memref_slice %arg2[%add3A_4, %dma_start3A_6] : memref<16384x128xf32, #tpu.memory_space<hbm>> -> memref<64x128xf32, #tpu.memory_space<hbm>>
    tpu.enqueue_dma source(%dma_start3A_7 : memref<64x128xf32, #tpu.memory_space<hbm>>) target(%arg14 : memref<64x128xf32, #tpu.memory_space<vmem>>) target_semaphore(%arg28 : memref<!tpu.dma_semaphore, #tpu.memory_space<semaphore_mem>>)
    %dma_start3A_8 = arith.constant 0 : i32
    %dma_start3A_9 = tpu.memref_slice %arg6[%add3A_4, %dma_start3A_8] : memref<16384x128xf32, #tpu.memory_space<hbm>> -> memref<64x128xf32, #tpu.memory_space<hbm>>
    %dma_start3A_10 = arith.constant 0 : i32
    %dma_start3A_11 = tpu.memref_slice %arg6[%add3A_4, %dma_start3A_10] : memref<16384x128xf32, #tpu.memory_space<hbm>> -> memref<64x128xf32, #tpu.memory_space<hbm>>
    tpu.enqueue_dma source(%dma_start3A_11 : memref<64x128xf32, #tpu.memory_space<hbm>>) target(%arg16 : memref<64x128xf32, #tpu.memory_space<vmem>>) target_semaphore(%arg30 : memref<!tpu.dma_semaphore, #tpu.memory_space<semaphore_mem>>)
    %add3A_12 = arith.constant 64 : i32
    %add3A_13 = arith.addi %mul3A_2, %add3A_12 : i32
    "tpu.region"() ({
      %run_scoped3A = tpu.sem_alloc : memref<!tpu.dma_semaphore, #tpu.memory_space<semaphore_mem>>
      %dma_start3A_398 = tpu.memref_slice %arg3[%add3A_13] : memref<16384xi32, #tpu.memory_space<hbm>> -> memref<64xi32, #tpu.memory_space<hbm>>
      %dma_start3A_399 = tpu.memref_slice %arg3[%add3A_13] : memref<16384xi32, #tpu.memory_space<hbm>> -> memref<64xi32, #tpu.memory_space<hbm>>
      tpu.enqueue_dma source(%dma_start3A_399 : memref<64xi32, #tpu.memory_space<hbm>>) target(%arg9 : memref<64xi32, #tpu.memory_space<vmem>>) target_semaphore(%run_scoped3A : memref<!tpu.dma_semaphore, #tpu.memory_space<semaphore_mem>>)
      %dma_wait3A_400 = tpu.memref_slice %arg3[%add3A_13] : memref<16384xi32, #tpu.memory_space<hbm>> -> memref<64xi32, #tpu.memory_space<hbm>>
      %dma_wait3A_401 = tpu.memref_slice %arg3[%add3A_13] : memref<16384xi32, #tpu.memory_space<hbm>> -> memref<64xi32, #tpu.memory_space<hbm>>
      tpu.wait_dma2 semaphore(%run_scoped3A : memref<!tpu.dma_semaphore, #tpu.memory_space<semaphore_mem>>) src(%dma_wait3A_401 : memref<64xi32, #tpu.memory_space<hbm>>) dst(%arg9 : memref<64xi32, #tpu.memory_space<vmem>>)
      tpu.yield
    }) : () -> ()
    %dma_start3A_14 = arith.constant 0 : i32
    %dma_start3A_15 = tpu.memref_slice %arg2[%add3A_13, %dma_start3A_14] : memref<16384x128xf32, #tpu.memory_space<hbm>> -> memref<64x128xf32, #tpu.memory_space<hbm>>
    %dma_start3A_16 = arith.constant 0 : i32
    %dma_start3A_17 = tpu.memref_slice %arg2[%add3A_13, %dma_start3A_16] : memref<16384x128xf32, #tpu.memory_space<hbm>> -> memref<64x128xf32, #tpu.memory_space<hbm>>
    tpu.enqueue_dma source(%dma_start3A_17 : memref<64x128xf32, #tpu.memory_space<hbm>>) target(%arg15 : memref<64x128xf32, #tpu.memory_space<vmem>>) target_semaphore(%arg29 : memref<!tpu.dma_semaphore, #tpu.memory_space<semaphore_mem>>)
    %dma_start3A_18 = arith.constant 0 : i32
    %dma_start3A_19 = tpu.memref_slice %arg6[%add3A_13, %dma_start3A_18] : memref<16384x128xf32, #tpu.memory_space<hbm>> -> memref<64x128xf32, #tpu.memory_space<hbm>>
    %dma_start3A_20 = arith.constant 0 : i32
    %dma_start3A_21 = tpu.memref_slice %arg6[%add3A_13, %dma_start3A_20] : memref<16384x128xf32, #tpu.memory_space<hbm>> -> memref<64x128xf32, #tpu.memory_space<hbm>>
    tpu.enqueue_dma source(%dma_start3A_21 : memref<64x128xf32, #tpu.memory_space<hbm>>) target(%arg17 : memref<64x128xf32, #tpu.memory_space<vmem>>) target_semaphore(%arg31 : memref<!tpu.dma_semaphore, #tpu.memory_space<semaphore_mem>>)
    %mul3A_22 = arith.constant 64 : i32
    %mul3A_23 = arith.muli %arg1, %mul3A_22 : i32
    %lt3A = arith.constant 15 : i32
    %lt3A_24 = arith.cmpi slt, %arg1, %lt3A : i32
    %jit3A = arith.constant 64 : i32
    %jit3A_25 = arith.constant 40 : i32
    %select_n3A = arith.select %lt3A_24, %jit3A, %jit3A_25 : i32
    %lt3A_26 = arith.constant 15 : i32
    %lt3A_27 = arith.cmpi slt, %arg1, %lt3A_26 : i32
    %convert_element_type3A = arith.extui %lt3A_27 : i1 to i32
    %cond3A = arith.constant 0 : i32
    %cond3A_28 = arith.cmpi ne, %convert_element_type3A, %cond3A : i32
    scf.if %cond3A_28 {
      "tpu.region"() ({
        %run_scoped3A = tpu.sem_alloc : memref<!tpu.dma_semaphore, #tpu.memory_space<semaphore_mem>>
        %dma_start3A_398 = arith.constant 0 : i32
        %dma_start3A_399 = tpu.memref_slice %arg22[%mul3A_23, %dma_start3A_398] : memref<1000x128xf32, #tpu.memory_space<vmem_shared>> -> memref<64x128xf32, #tpu.memory_space<vmem_shared>>
        %dma_start3A_400 = arith.constant 0 : i32
        %dma_start3A_401 = tpu.memref_slice %arg4[%mul3A_23, %dma_start3A_400] : memref<1000x128xf32, #tpu.memory_space<hbm>> -> memref<64x128xf32, #tpu.memory_space<hbm>>
        tpu.enqueue_dma source(%dma_start3A_401 : memref<64x128xf32, #tpu.memory_space<hbm>>) target(%dma_start3A_399 : memref<64x128xf32, #tpu.memory_space<vmem_shared>>) target_semaphore(%run_scoped3A : memref<!tpu.dma_semaphore, #tpu.memory_space<semaphore_mem>>)
        %dma_wait3A_402 = arith.constant 0 : i32
        %dma_wait3A_403 = tpu.memref_slice %arg22[%mul3A_23, %dma_wait3A_402] : memref<1000x128xf32, #tpu.memory_space<vmem_shared>> -> memref<64x128xf32, #tpu.memory_space<vmem_shared>>
        %dma_wait3A_404 = arith.constant 0 : i32
        %dma_wait3A_405 = tpu.memref_slice %arg4[%mul3A_23, %dma_wait3A_404] : memref<1000x128xf32, #tpu.memory_space<hbm>> -> memref<64x128xf32, #tpu.memory_space<hbm>>
        tpu.wait_dma2 semaphore(%run_scoped3A : memref<!tpu.dma_semaphore, #tpu.memory_space<semaphore_mem>>) src(%dma_wait3A_405 : memref<64x128xf32, #tpu.memory_space<hbm>>) dst(%dma_wait3A_403 : memref<64x128xf32, #tpu.memory_space<vmem_shared>>)
        tpu.yield
      }) : () -> ()
      "tpu.region"() ({
        %run_scoped3A = tpu.sem_alloc : memref<!tpu.dma_semaphore, #tpu.memory_space<semaphore_mem>>
        %dma_start3A_398 = arith.constant 0 : i32
        %dma_start3A_399 = arith.constant 0 : i32
        %dma_start3A_400 = tpu.memref_slice %arg20[%dma_start3A_398, %dma_start3A_399] : memref<64x128xf32, #tpu.memory_space<vmem>> -> memref<64x128xf32, #tpu.memory_space<vmem>>
        %dma_start3A_401 = arith.constant 0 : i32
        %dma_start3A_402 = tpu.memref_slice %arg5[%mul3A_23, %dma_start3A_401] : memref<1000x128xf32, #tpu.memory_space<hbm>> -> memref<64x128xf32, #tpu.memory_space<hbm>>
        %dma_start3A_403 = arith.constant 0 : i32
        %dma_start3A_404 = arith.constant 0 : i32
        %dma_start3A_405 = tpu.memref_slice %arg20[%dma_start3A_403, %dma_start3A_404] : memref<64x128xf32, #tpu.memory_space<vmem>> -> memref<64x128xf32, #tpu.memory_space<vmem>>
        %dma_start3A_406 = arith.constant 0 : i32
        %dma_start3A_407 = tpu.memref_slice %arg5[%mul3A_23, %dma_start3A_406] : memref<1000x128xf32, #tpu.memory_space<hbm>> -> memref<64x128xf32, #tpu.memory_space<hbm>>
        tpu.enqueue_dma source(%dma_start3A_407 : memref<64x128xf32, #tpu.memory_space<hbm>>) target(%dma_start3A_405 : memref<64x128xf32, #tpu.memory_space<vmem>>) target_semaphore(%run_scoped3A : memref<!tpu.dma_semaphore, #tpu.memory_space<semaphore_mem>>)
        %dma_wait3A_408 = arith.constant 0 : i32
        %dma_wait3A_409 = arith.constant 0 : i32
        %dma_wait3A_410 = tpu.memref_slice %arg20[%dma_wait3A_408, %dma_wait3A_409] : memref<64x128xf32, #tpu.memory_space<vmem>> -> memref<64x128xf32, #tpu.memory_space<vmem>>
        %dma_wait3A_411 = arith.constant 0 : i32
        %dma_wait3A_412 = tpu.memref_slice %arg5[%mul3A_23, %dma_wait3A_411] : memref<1000x128xf32, #tpu.memory_space<hbm>> -> memref<64x128xf32, #tpu.memory_space<hbm>>
        %dma_wait3A_413 = arith.constant 0 : i32
        %dma_wait3A_414 = arith.constant 0 : i32
        %dma_wait3A_415 = tpu.memref_slice %arg20[%dma_wait3A_413, %dma_wait3A_414] : memref<64x128xf32, #tpu.memory_space<vmem>> -> memref<64x128xf32, #tpu.memory_space<vmem>>
        %dma_wait3A_416 = arith.constant 0 : i32
        %dma_wait3A_417 = tpu.memref_slice %arg5[%mul3A_23, %dma_wait3A_416] : memref<1000x128xf32, #tpu.memory_space<hbm>> -> memref<64x128xf32, #tpu.memory_space<hbm>>
        tpu.wait_dma2 semaphore(%run_scoped3A : memref<!tpu.dma_semaphore, #tpu.memory_space<semaphore_mem>>) src(%dma_wait3A_417 : memref<64x128xf32, #tpu.memory_space<hbm>>) dst(%dma_wait3A_415 : memref<64x128xf32, #tpu.memory_space<vmem>>)
        tpu.yield
      }) : () -> ()
    } else {
    }
    %eq3A = arith.constant 15 : i32
    %eq3A_29 = arith.cmpi eq, %arg1, %eq3A : i32
    %convert_element_type3A_30 = arith.extui %eq3A_29 : i1 to i32
    %cond3A_31 = arith.constant 0 : i32
    %cond3A_32 = arith.cmpi ne, %convert_element_type3A_30, %cond3A_31 : i32
    scf.if %cond3A_32 {
      "tpu.region"() ({
        %run_scoped3A = tpu.sem_alloc : memref<!tpu.dma_semaphore, #tpu.memory_space<semaphore_mem>>
        %dma_start3A_398 = arith.constant 0 : i32
        %dma_start3A_399 = tpu.memref_slice %arg22[%mul3A_23, %dma_start3A_398] : memref<1000x128xf32, #tpu.memory_space<vmem_shared>> -> memref<40x128xf32, #tpu.memory_space<vmem_shared>>
        %dma_start3A_400 = arith.constant 0 : i32
        %dma_start3A_401 = tpu.memref_slice %arg4[%mul3A_23, %dma_start3A_400] : memref<1000x128xf32, #tpu.memory_space<hbm>> -> memref<40x128xf32, #tpu.memory_space<hbm>>
        tpu.enqueue_dma source(%dma_start3A_401 : memref<40x128xf32, #tpu.memory_space<hbm>>) target(%dma_start3A_399 : memref<40x128xf32, #tpu.memory_space<vmem_shared>>) target_semaphore(%run_scoped3A : memref<!tpu.dma_semaphore, #tpu.memory_space<semaphore_mem>>)
        %dma_wait3A_402 = arith.constant 0 : i32
        %dma_wait3A_403 = tpu.memref_slice %arg22[%mul3A_23, %dma_wait3A_402] : memref<1000x128xf32, #tpu.memory_space<vmem_shared>> -> memref<40x128xf32, #tpu.memory_space<vmem_shared>>
        %dma_wait3A_404 = arith.constant 0 : i32
        %dma_wait3A_405 = tpu.memref_slice %arg4[%mul3A_23, %dma_wait3A_404] : memref<1000x128xf32, #tpu.memory_space<hbm>> -> memref<40x128xf32, #tpu.memory_space<hbm>>
        tpu.wait_dma2 semaphore(%run_scoped3A : memref<!tpu.dma_semaphore, #tpu.memory_space<semaphore_mem>>) src(%dma_wait3A_405 : memref<40x128xf32, #tpu.memory_space<hbm>>) dst(%dma_wait3A_403 : memref<40x128xf32, #tpu.memory_space<vmem_shared>>)
        tpu.yield
      }) : () -> ()
      "tpu.region"() ({
        %run_scoped3A = tpu.sem_alloc : memref<!tpu.dma_semaphore, #tpu.memory_space<semaphore_mem>>
        %dma_start3A_398 = arith.constant 0 : i32
        %dma_start3A_399 = arith.constant 0 : i32
        %dma_start3A_400 = tpu.memref_slice %arg20[%dma_start3A_398, %dma_start3A_399] : memref<64x128xf32, #tpu.memory_space<vmem>> -> memref<40x128xf32, #tpu.memory_space<vmem>>
        %dma_start3A_401 = arith.constant 0 : i32
        %dma_start3A_402 = tpu.memref_slice %arg5[%mul3A_23, %dma_start3A_401] : memref<1000x128xf32, #tpu.memory_space<hbm>> -> memref<40x128xf32, #tpu.memory_space<hbm>>
        %dma_start3A_403 = arith.constant 0 : i32
        %dma_start3A_404 = arith.constant 0 : i32
        %dma_start3A_405 = tpu.memref_slice %arg20[%dma_start3A_403, %dma_start3A_404] : memref<64x128xf32, #tpu.memory_space<vmem>> -> memref<40x128xf32, #tpu.memory_space<vmem>>
        %dma_start3A_406 = arith.constant 0 : i32
        %dma_start3A_407 = tpu.memref_slice %arg5[%mul3A_23, %dma_start3A_406] : memref<1000x128xf32, #tpu.memory_space<hbm>> -> memref<40x128xf32, #tpu.memory_space<hbm>>
        tpu.enqueue_dma source(%dma_start3A_407 : memref<40x128xf32, #tpu.memory_space<hbm>>) target(%dma_start3A_405 : memref<40x128xf32, #tpu.memory_space<vmem>>) target_semaphore(%run_scoped3A : memref<!tpu.dma_semaphore, #tpu.memory_space<semaphore_mem>>)
        %dma_wait3A_408 = arith.constant 0 : i32
        %dma_wait3A_409 = arith.constant 0 : i32
        %dma_wait3A_410 = tpu.memref_slice %arg20[%dma_wait3A_408, %dma_wait3A_409] : memref<64x128xf32, #tpu.memory_space<vmem>> -> memref<40x128xf32, #tpu.memory_space<vmem>>
        %dma_wait3A_411 = arith.constant 0 : i32
        %dma_wait3A_412 = tpu.memref_slice %arg5[%mul3A_23, %dma_wait3A_411] : memref<1000x128xf32, #tpu.memory_space<hbm>> -> memref<40x128xf32, #tpu.memory_space<hbm>>
        %dma_wait3A_413 = arith.constant 0 : i32
        %dma_wait3A_414 = arith.constant 0 : i32
        %dma_wait3A_415 = tpu.memref_slice %arg20[%dma_wait3A_413, %dma_wait3A_414] : memref<64x128xf32, #tpu.memory_space<vmem>> -> memref<40x128xf32, #tpu.memory_space<vmem>>
        %dma_wait3A_416 = arith.constant 0 : i32
        %dma_wait3A_417 = tpu.memref_slice %arg5[%mul3A_23, %dma_wait3A_416] : memref<1000x128xf32, #tpu.memory_space<hbm>> -> memref<40x128xf32, #tpu.memory_space<hbm>>
        tpu.wait_dma2 semaphore(%run_scoped3A : memref<!tpu.dma_semaphore, #tpu.memory_space<semaphore_mem>>) src(%dma_wait3A_417 : memref<40x128xf32, #tpu.memory_space<hbm>>) dst(%dma_wait3A_415 : memref<40x128xf32, #tpu.memory_space<vmem>>)
        tpu.yield
      }) : () -> ()
    } else {
    }
    %while3A = arith.constant 0 : i32
    %while3A_33 = arith.constant 0 : i32
    %while3A_34 = arith.subi %select_n3A, %while3A_33 : i32
    %while3A_35 = arith.addi %while3A_33, %while3A_34 : i32
    %while3A_36 = arith.constant 1 : i32
    %while3A_37 = arith.divsi %while3A_34, %while3A_36 : i32
    %while3A_38 = arith.muli %while3A_37, %while3A_36 : i32
    %while3A_39 = arith.addi %while3A_33, %while3A_38 : i32
    %while3A_40 = arith.constant 1 : i32
    scf.for %while3A_398 = %while3A_33 to %while3A_39 step %while3A_40  : i32 {
      %get3A = arith.index_cast %while3A_398 : i32 to index
      %get3A_399 = arith.constant 0 : index
      %get3A_400 = tpu.vector_load %arg20[%get3A, %get3A_399] {strides = array<i32>} : memref<64x128xf32, #tpu.memory_space<vmem>>, vector<1x16xf32>,
      %get3A_401 = vector.shape_cast %get3A_400 : vector<1x16xf32> to vector<16xf32>
      %exp3A = math.exp %get3A_401 : vector<16xf32>
      %swap3A = arith.index_cast %while3A_398 : i32 to index
      %swap3A_402 = arith.constant 0 : index
      %swap3A_403 = tpu.vector_load %arg21[%swap3A, %swap3A_402] {strides = array<i32>} : memref<64x128xf32, #tpu.memory_space<vmem>>, vector<1x16xf32>,
      %swap3A_404 = vector.shape_cast %swap3A_403 : vector<1x16xf32> to vector<16xf32>
      %swap3A_405 = vector.shape_cast %exp3A : vector<16xf32> to vector<1x16xf32>
      tpu.vector_store %arg21[%swap3A, %swap3A_402], %swap3A_405 {strides = array<i32>} : memref<64x128xf32, #tpu.memory_space<vmem>>, vector<1x16xf32>,
      %get3A_406 = arith.index_cast %while3A_398 : i32 to index
      %get3A_407 = arith.constant 16 : index
      %get3A_408 = tpu.vector_load %arg20[%get3A_406, %get3A_407] {strides = array<i32>} : memref<64x128xf32, #tpu.memory_space<vmem>>, vector<1x16xf32>,
      %get3A_409 = vector.shape_cast %get3A_408 : vector<1x16xf32> to vector<16xf32>
      %exp3A_410 = math.exp %get3A_409 : vector<16xf32>
      %swap3A_411 = arith.index_cast %while3A_398 : i32 to index
      %swap3A_412 = arith.constant 16 : index
      %swap3A_413 = tpu.vector_load %arg21[%swap3A_411, %swap3A_412] {strides = array<i32>} : memref<64x128xf32, #tpu.memory_space<vmem>>, vector<1x16xf32>,
      %swap3A_414 = vector.shape_cast %swap3A_413 : vector<1x16xf32> to vector<16xf32>
      %swap3A_415 = vector.shape_cast %exp3A_410 : vector<16xf32> to vector<1x16xf32>
      tpu.vector_store %arg21[%swap3A_411, %swap3A_412], %swap3A_415 {strides = array<i32>} : memref<64x128xf32, #tpu.memory_space<vmem>>, vector<1x16xf32>,
      %get3A_416 = arith.index_cast %while3A_398 : i32 to index
      %get3A_417 = arith.constant 32 : index
      %get3A_418 = tpu.vector_load %arg20[%get3A_416, %get3A_417] {strides = array<i32>} : memref<64x128xf32, #tpu.memory_space<vmem>>, vector<1x16xf32>,
      %get3A_419 = vector.shape_cast %get3A_418 : vector<1x16xf32> to vector<16xf32>
      %exp3A_420 = math.exp %get3A_419 : vector<16xf32>
      %swap3A_421 = arith.index_cast %while3A_398 : i32 to index
      %swap3A_422 = arith.constant 32 : index
      %swap3A_423 = tpu.vector_load %arg21[%swap3A_421, %swap3A_422] {strides = array<i32>} : memref<64x128xf32, #tpu.memory_space<vmem>>, vector<1x16xf32>,
      %swap3A_424 = vector.shape_cast %swap3A_423 : vector<1x16xf32> to vector<16xf32>
      %swap3A_425 = vector.shape_cast %exp3A_420 : vector<16xf32> to vector<1x16xf32>
      tpu.vector_store %arg21[%swap3A_421, %swap3A_422], %swap3A_425 {strides = array<i32>} : memref<64x128xf32, #tpu.memory_space<vmem>>, vector<1x16xf32>,
      %get3A_426 = arith.index_cast %while3A_398 : i32 to index
      %get3A_427 = arith.constant 48 : index
      %get3A_428 = tpu.vector_load %arg20[%get3A_426, %get3A_427] {strides = array<i32>} : memref<64x128xf32, #tpu.memory_space<vmem>>, vector<1x16xf32>,
      %get3A_429 = vector.shape_cast %get3A_428 : vector<1x16xf32> to vector<16xf32>
      %exp3A_430 = math.exp %get3A_429 : vector<16xf32>
      %swap3A_431 = arith.index_cast %while3A_398 : i32 to index
      %swap3A_432 = arith.constant 48 : index
      %swap3A_433 = tpu.vector_load %arg21[%swap3A_431, %swap3A_432] {strides = array<i32>} : memref<64x128xf32, #tpu.memory_space<vmem>>, vector<1x16xf32>,
      %swap3A_434 = vector.shape_cast %swap3A_433 : vector<1x16xf32> to vector<16xf32>
      %swap3A_435 = vector.shape_cast %exp3A_430 : vector<16xf32> to vector<1x16xf32>
      tpu.vector_store %arg21[%swap3A_431, %swap3A_432], %swap3A_435 {strides = array<i32>} : memref<64x128xf32, #tpu.memory_space<vmem>>, vector<1x16xf32>,
      %get3A_436 = arith.index_cast %while3A_398 : i32 to index
      %get3A_437 = arith.constant 64 : index
      %get3A_438 = tpu.vector_load %arg20[%get3A_436, %get3A_437] {strides = array<i32>} : memref<64x128xf32, #tpu.memory_space<vmem>>, vector<1x16xf32>,
      %get3A_439 = vector.shape_cast %get3A_438 : vector<1x16xf32> to vector<16xf32>
      %exp3A_440 = math.exp %get3A_439 : vector<16xf32>
      %swap3A_441 = arith.index_cast %while3A_398 : i32 to index
      %swap3A_442 = arith.constant 64 : index
      %swap3A_443 = tpu.vector_load %arg21[%swap3A_441, %swap3A_442] {strides = array<i32>} : memref<64x128xf32, #tpu.memory_space<vmem>>, vector<1x16xf32>,
      %swap3A_444 = vector.shape_cast %swap3A_443 : vector<1x16xf32> to vector<16xf32>
      %swap3A_445 = vector.shape_cast %exp3A_440 : vector<16xf32> to vector<1x16xf32>
      tpu.vector_store %arg21[%swap3A_441, %swap3A_442], %swap3A_445 {strides = array<i32>} : memref<64x128xf32, #tpu.memory_space<vmem>>, vector<1x16xf32>,
      %get3A_446 = arith.index_cast %while3A_398 : i32 to index
      %get3A_447 = arith.constant 80 : index
      %get3A_448 = tpu.vector_load %arg20[%get3A_446, %get3A_447] {strides = array<i32>} : memref<64x128xf32, #tpu.memory_space<vmem>>, vector<1x16xf32>,
      %get3A_449 = vector.shape_cast %get3A_448 : vector<1x16xf32> to vector<16xf32>
      %exp3A_450 = math.exp %get3A_449 : vector<16xf32>
      %swap3A_451 = arith.index_cast %while3A_398 : i32 to index
      %swap3A_452 = arith.constant 80 : index
      %swap3A_453 = tpu.vector_load %arg21[%swap3A_451, %swap3A_452] {strides = array<i32>} : memref<64x128xf32, #tpu.memory_space<vmem>>, vector<1x16xf32>,
      %swap3A_454 = vector.shape_cast %swap3A_453 : vector<1x16xf32> to vector<16xf32>
      %swap3A_455 = vector.shape_cast %exp3A_450 : vector<16xf32> to vector<1x16xf32>
      tpu.vector_store %arg21[%swap3A_451, %swap3A_452], %swap3A_455 {strides = array<i32>} : memref<64x128xf32, #tpu.memory_space<vmem>>, vector<1x16xf32>,
      %get3A_456 = arith.index_cast %while3A_398 : i32 to index
      %get3A_457 = arith.constant 96 : index
      %get3A_458 = tpu.vector_load %arg20[%get3A_456, %get3A_457] {strides = array<i32>} : memref<64x128xf32, #tpu.memory_space<vmem>>, vector<1x16xf32>,
      %get3A_459 = vector.shape_cast %get3A_458 : vector<1x16xf32> to vector<16xf32>
      %exp3A_460 = math.exp %get3A_459 : vector<16xf32>
      %swap3A_461 = arith.index_cast %while3A_398 : i32 to index
      %swap3A_462 = arith.constant 96 : index
      %swap3A_463 = tpu.vector_load %arg21[%swap3A_461, %swap3A_462] {strides = array<i32>} : memref<64x128xf32, #tpu.memory_space<vmem>>, vector<1x16xf32>,
      %swap3A_464 = vector.shape_cast %swap3A_463 : vector<1x16xf32> to vector<16xf32>
      %swap3A_465 = vector.shape_cast %exp3A_460 : vector<16xf32> to vector<1x16xf32>
      tpu.vector_store %arg21[%swap3A_461, %swap3A_462], %swap3A_465 {strides = array<i32>} : memref<64x128xf32, #tpu.memory_space<vmem>>, vector<1x16xf32>,
      %get3A_466 = arith.index_cast %while3A_398 : i32 to index
      %get3A_467 = arith.constant 112 : index
      %get3A_468 = tpu.vector_load %arg20[%get3A_466, %get3A_467] {strides = array<i32>} : memref<64x128xf32, #tpu.memory_space<vmem>>, vector<1x16xf32>,
      %get3A_469 = vector.shape_cast %get3A_468 : vector<1x16xf32> to vector<16xf32>
      %exp3A_470 = math.exp %get3A_469 : vector<16xf32>
      %swap3A_471 = arith.index_cast %while3A_398 : i32 to index
      %swap3A_472 = arith.constant 112 : index
      %swap3A_473 = tpu.vector_load %arg21[%swap3A_471, %swap3A_472] {strides = array<i32>} : memref<64x128xf32, #tpu.memory_space<vmem>>, vector<1x16xf32>,
      %swap3A_474 = vector.shape_cast %swap3A_473 : vector<1x16xf32> to vector<16xf32>
      %swap3A_475 = vector.shape_cast %exp3A_470 : vector<16xf32> to vector<1x16xf32>
      tpu.vector_store %arg21[%swap3A_471, %swap3A_472], %swap3A_475 {strides = array<i32>} : memref<64x128xf32, #tpu.memory_space<vmem>>, vector<1x16xf32>,
    }
    %while3A_41 = arith.constant 1 : i32
    scf.for %while3A_398 = %while3A_39 to %while3A_35 step %while3A_41  : i32 {
      %get3A = arith.index_cast %while3A_398 : i32 to index
      %get3A_399 = arith.constant 0 : index
      %get3A_400 = tpu.vector_load %arg20[%get3A, %get3A_399] {strides = array<i32>} : memref<64x128xf32, #tpu.memory_space<vmem>>, vector<1x16xf32>,
      %get3A_401 = vector.shape_cast %get3A_400 : vector<1x16xf32> to vector<16xf32>
      %exp3A = math.exp %get3A_401 : vector<16xf32>
      %swap3A = arith.index_cast %while3A_398 : i32 to index
      %swap3A_402 = arith.constant 0 : index
      %swap3A_403 = tpu.vector_load %arg21[%swap3A, %swap3A_402] {strides = array<i32>} : memref<64x128xf32, #tpu.memory_space<vmem>>, vector<1x16xf32>,
      %swap3A_404 = vector.shape_cast %swap3A_403 : vector<1x16xf32> to vector<16xf32>
      %swap3A_405 = vector.shape_cast %exp3A : vector<16xf32> to vector<1x16xf32>
      tpu.vector_store %arg21[%swap3A, %swap3A_402], %swap3A_405 {strides = array<i32>} : memref<64x128xf32, #tpu.memory_space<vmem>>, vector<1x16xf32>,
      %get3A_406 = arith.index_cast %while3A_398 : i32 to index
      %get3A_407 = arith.constant 16 : index
      %get3A_408 = tpu.vector_load %arg20[%get3A_406, %get3A_407] {strides = array<i32>} : memref<64x128xf32, #tpu.memory_space<vmem>>, vector<1x16xf32>,
      %get3A_409 = vector.shape_cast %get3A_408 : vector<1x16xf32> to vector<16xf32>
      %exp3A_410 = math.exp %get3A_409 : vector<16xf32>
      %swap3A_411 = arith.index_cast %while3A_398 : i32 to index
      %swap3A_412 = arith.constant 16 : index
      %swap3A_413 = tpu.vector_load %arg21[%swap3A_411, %swap3A_412] {strides = array<i32>} : memref<64x128xf32, #tpu.memory_space<vmem>>, vector<1x16xf32>,
      %swap3A_414 = vector.shape_cast %swap3A_413 : vector<1x16xf32> to vector<16xf32>
      %swap3A_415 = vector.shape_cast %exp3A_410 : vector<16xf32> to vector<1x16xf32>
      tpu.vector_store %arg21[%swap3A_411, %swap3A_412], %swap3A_415 {strides = array<i32>} : memref<64x128xf32, #tpu.memory_space<vmem>>, vector<1x16xf32>,
      %get3A_416 = arith.index_cast %while3A_398 : i32 to index
      %get3A_417 = arith.constant 32 : index
      %get3A_418 = tpu.vector_load %arg20[%get3A_416, %get3A_417] {strides = array<i32>} : memref<64x128xf32, #tpu.memory_space<vmem>>, vector<1x16xf32>,
      %get3A_419 = vector.shape_cast %get3A_418 : vector<1x16xf32> to vector<16xf32>
      %exp3A_420 = math.exp %get3A_419 : vector<16xf32>
      %swap3A_421 = arith.index_cast %while3A_398 : i32 to index
      %swap3A_422 = arith.constant 32 : index
      %swap3A_423 = tpu.vector_load %arg21[%swap3A_421, %swap3A_422] {strides = array<i32>} : memref<64x128xf32, #tpu.memory_space<vmem>>, vector<1x16xf32>,
      %swap3A_424 = vector.shape_cast %swap3A_423 : vector<1x16xf32> to vector<16xf32>
      %swap3A_425 = vector.shape_cast %exp3A_420 : vector<16xf32> to vector<1x16xf32>
      tpu.vector_store %arg21[%swap3A_421, %swap3A_422], %swap3A_425 {strides = array<i32>} : memref<64x128xf32, #tpu.memory_space<vmem>>, vector<1x16xf32>,
      %get3A_426 = arith.index_cast %while3A_398 : i32 to index
      %get3A_427 = arith.constant 48 : index
      %get3A_428 = tpu.vector_load %arg20[%get3A_426, %get3A_427] {strides = array<i32>} : memref<64x128xf32, #tpu.memory_space<vmem>>, vector<1x16xf32>,
      %get3A_429 = vector.shape_cast %get3A_428 : vector<1x16xf32> to vector<16xf32>
      %exp3A_430 = math.exp %get3A_429 : vector<16xf32>
      %swap3A_431 = arith.index_cast %while3A_398 : i32 to index
      %swap3A_432 = arith.constant 48 : index
      %swap3A_433 = tpu.vector_load %arg21[%swap3A_431, %swap3A_432] {strides = array<i32>} : memref<64x128xf32, #tpu.memory_space<vmem>>, vector<1x16xf32>,
      %swap3A_434 = vector.shape_cast %swap3A_433 : vector<1x16xf32> to vector<16xf32>
      %swap3A_435 = vector.shape_cast %exp3A_430 : vector<16xf32> to vector<1x16xf32>
      tpu.vector_store %arg21[%swap3A_431, %swap3A_432], %swap3A_435 {strides = array<i32>} : memref<64x128xf32, #tpu.memory_space<vmem>>, vector<1x16xf32>,
      %get3A_436 = arith.index_cast %while3A_398 : i32 to index
      %get3A_437 = arith.constant 64 : index
      %get3A_438 = tpu.vector_load %arg20[%get3A_436, %get3A_437] {strides = array<i32>} : memref<64x128xf32, #tpu.memory_space<vmem>>, vector<1x16xf32>,
      %get3A_439 = vector.shape_cast %get3A_438 : vector<1x16xf32> to vector<16xf32>
      %exp3A_440 = math.exp %get3A_439 : vector<16xf32>
      %swap3A_441 = arith.index_cast %while3A_398 : i32 to index
      %swap3A_442 = arith.constant 64 : index
      %swap3A_443 = tpu.vector_load %arg21[%swap3A_441, %swap3A_442] {strides = array<i32>} : memref<64x128xf32, #tpu.memory_space<vmem>>, vector<1x16xf32>,
      %swap3A_444 = vector.shape_cast %swap3A_443 : vector<1x16xf32> to vector<16xf32>
      %swap3A_445 = vector.shape_cast %exp3A_440 : vector<16xf32> to vector<1x16xf32>
      tpu.vector_store %arg21[%swap3A_441, %swap3A_442], %swap3A_445 {strides = array<i32>} : memref<64x128xf32, #tpu.memory_space<vmem>>, vector<1x16xf32>,
      %get3A_446 = arith.index_cast %while3A_398 : i32 to index
      %get3A_447 = arith.constant 80 : index
      %get3A_448 = tpu.vector_load %arg20[%get3A_446, %get3A_447] {strides = array<i32>} : memref<64x128xf32, #tpu.memory_space<vmem>>, vector<1x16xf32>,
      %get3A_449 = vector.shape_cast %get3A_448 : vector<1x16xf32> to vector<16xf32>
      %exp3A_450 = math.exp %get3A_449 : vector<16xf32>
      %swap3A_451 = arith.index_cast %while3A_398 : i32 to index
      %swap3A_452 = arith.constant 80 : index
      %swap3A_453 = tpu.vector_load %arg21[%swap3A_451, %swap3A_452] {strides = array<i32>} : memref<64x128xf32, #tpu.memory_space<vmem>>, vector<1x16xf32>,
      %swap3A_454 = vector.shape_cast %swap3A_453 : vector<1x16xf32> to vector<16xf32>
      %swap3A_455 = vector.shape_cast %exp3A_450 : vector<16xf32> to vector<1x16xf32>
      tpu.vector_store %arg21[%swap3A_451, %swap3A_452], %swap3A_455 {strides = array<i32>} : memref<64x128xf32, #tpu.memory_space<vmem>>, vector<1x16xf32>,
      %get3A_456 = arith.index_cast %while3A_398 : i32 to index
      %get3A_457 = arith.constant 96 : index
      %get3A_458 = tpu.vector_load %arg20[%get3A_456, %get3A_457] {strides = array<i32>} : memref<64x128xf32, #tpu.memory_space<vmem>>, vector<1x16xf32>,
      %get3A_459 = vector.shape_cast %get3A_458 : vector<1x16xf32> to vector<16xf32>
      %exp3A_460 = math.exp %get3A_459 : vector<16xf32>
      %swap3A_461 = arith.index_cast %while3A_398 : i32 to index
      %swap3A_462 = arith.constant 96 : index
      %swap3A_463 = tpu.vector_load %arg21[%swap3A_461, %swap3A_462] {strides = array<i32>} : memref<64x128xf32, #tpu.memory_space<vmem>>, vector<1x16xf32>,
      %swap3A_464 = vector.shape_cast %swap3A_463 : vector<1x16xf32> to vector<16xf32>
      %swap3A_465 = vector.shape_cast %exp3A_460 : vector<16xf32> to vector<1x16xf32>
      tpu.vector_store %arg21[%swap3A_461, %swap3A_462], %swap3A_465 {strides = array<i32>} : memref<64x128xf32, #tpu.memory_space<vmem>>, vector<1x16xf32>,
      %get3A_466 = arith.index_cast %while3A_398 : i32 to index
      %get3A_467 = arith.constant 112 : index
      %get3A_468 = tpu.vector_load %arg20[%get3A_466, %get3A_467] {strides = array<i32>} : memref<64x128xf32, #tpu.memory_space<vmem>>, vector<1x16xf32>,
      %get3A_469 = vector.shape_cast %get3A_468 : vector<1x16xf32> to vector<16xf32>
      %exp3A_470 = math.exp %get3A_469 : vector<16xf32>
      %swap3A_471 = arith.index_cast %while3A_398 : i32 to index
      %swap3A_472 = arith.constant 112 : index
      %swap3A_473 = tpu.vector_load %arg21[%swap3A_471, %swap3A_472] {strides = array<i32>} : memref<64x128xf32, #tpu.memory_space<vmem>>, vector<1x16xf32>,
      %swap3A_474 = vector.shape_cast %swap3A_473 : vector<1x16xf32> to vector<16xf32>
      %swap3A_475 = vector.shape_cast %exp3A_470 : vector<16xf32> to vector<1x16xf32>
      tpu.vector_store %arg21[%swap3A_471, %swap3A_472], %swap3A_475 {strides = array<i32>} : memref<64x128xf32, #tpu.memory_space<vmem>>, vector<1x16xf32>,
    }
    %lt3A_42 = arith.constant 15 : i32
    %lt3A_43 = arith.cmpi slt, %arg1, %lt3A_42 : i32
    %convert_element_type3A_44 = arith.extui %lt3A_43 : i1 to i32
    %cond3A_45 = arith.constant 0 : i32
    %cond3A_46 = arith.cmpi ne, %convert_element_type3A_44, %cond3A_45 : i32
    scf.if %cond3A_46 {
      "tpu.region"() ({
        %run_scoped3A = tpu.sem_alloc : memref<!tpu.dma_semaphore, #tpu.memory_space<semaphore_mem>>
        %dma_start3A_398 = arith.constant 0 : i32
        %dma_start3A_399 = arith.constant 0 : i32
        %dma_start3A_400 = tpu.memref_slice %arg21[%dma_start3A_398, %dma_start3A_399] : memref<64x128xf32, #tpu.memory_space<vmem>> -> memref<64x128xf32, #tpu.memory_space<vmem>>
        %dma_start3A_401 = arith.constant 0 : i32
        %dma_start3A_402 = tpu.memref_slice %arg23[%mul3A_23, %dma_start3A_401] : memref<1000x128xf32, #tpu.memory_space<vmem_shared>> -> memref<64x128xf32, #tpu.memory_space<vmem_shared>>
        %dma_start3A_403 = arith.constant 0 : i32
        %dma_start3A_404 = tpu.memref_slice %arg23[%mul3A_23, %dma_start3A_403] : memref<1000x128xf32, #tpu.memory_space<vmem_shared>> -> memref<64x128xf32, #tpu.memory_space<vmem_shared>>
        %dma_start3A_405 = arith.constant 0 : i32
        %dma_start3A_406 = arith.constant 0 : i32
        %dma_start3A_407 = tpu.memref_slice %arg21[%dma_start3A_405, %dma_start3A_406] : memref<64x128xf32, #tpu.memory_space<vmem>> -> memref<64x128xf32, #tpu.memory_space<vmem>>
        tpu.enqueue_dma source(%dma_start3A_407 : memref<64x128xf32, #tpu.memory_space<vmem>>) target(%dma_start3A_404 : memref<64x128xf32, #tpu.memory_space<vmem_shared>>) target_semaphore(%run_scoped3A : memref<!tpu.dma_semaphore, #tpu.memory_space<semaphore_mem>>)
        %dma_wait3A_408 = arith.constant 0 : i32
        %dma_wait3A_409 = arith.constant 0 : i32
        %dma_wait3A_410 = tpu.memref_slice %arg21[%dma_wait3A_408, %dma_wait3A_409] : memref<64x128xf32, #tpu.memory_space<vmem>> -> memref<64x128xf32, #tpu.memory_space<vmem>>
        %dma_wait3A_411 = arith.constant 0 : i32
        %dma_wait3A_412 = tpu.memref_slice %arg23[%mul3A_23, %dma_wait3A_411] : memref<1000x128xf32, #tpu.memory_space<vmem_shared>> -> memref<64x128xf32, #tpu.memory_space<vmem_shared>>
        %dma_wait3A_413 = arith.constant 0 : i32
        %dma_wait3A_414 = tpu.memref_slice %arg23[%mul3A_23, %dma_wait3A_413] : memref<1000x128xf32, #tpu.memory_space<vmem_shared>> -> memref<64x128xf32, #tpu.memory_space<vmem_shared>>
        %dma_wait3A_415 = arith.constant 0 : i32
        %dma_wait3A_416 = arith.constant 0 : i32
        %dma_wait3A_417 = tpu.memref_slice %arg21[%dma_wait3A_415, %dma_wait3A_416] : memref<64x128xf32, #tpu.memory_space<vmem>> -> memref<64x128xf32, #tpu.memory_space<vmem>>
        tpu.wait_dma2 semaphore(%run_scoped3A : memref<!tpu.dma_semaphore, #tpu.memory_space<semaphore_mem>>) src(%dma_wait3A_417 : memref<64x128xf32, #tpu.memory_space<vmem>>) dst(%dma_wait3A_414 : memref<64x128xf32, #tpu.memory_space<vmem_shared>>)
        tpu.yield
      }) : () -> ()
    } else {
    }
    %eq3A_47 = arith.constant 15 : i32
    %eq3A_48 = arith.cmpi eq, %arg1, %eq3A_47 : i32
    %convert_element_type3A_49 = arith.extui %eq3A_48 : i1 to i32
    %cond3A_50 = arith.constant 0 : i32
    %cond3A_51 = arith.cmpi ne, %convert_element_type3A_49, %cond3A_50 : i32
    scf.if %cond3A_51 {
      "tpu.region"() ({
        %run_scoped3A = tpu.sem_alloc : memref<!tpu.dma_semaphore, #tpu.memory_space<semaphore_mem>>
        %dma_start3A_398 = arith.constant 0 : i32
        %dma_start3A_399 = arith.constant 0 : i32
        %dma_start3A_400 = tpu.memref_slice %arg21[%dma_start3A_398, %dma_start3A_399] : memref<64x128xf32, #tpu.memory_space<vmem>> -> memref<40x128xf32, #tpu.memory_space<vmem>>
        %dma_start3A_401 = arith.constant 0 : i32
        %dma_start3A_402 = tpu.memref_slice %arg23[%mul3A_23, %dma_start3A_401] : memref<1000x128xf32, #tpu.memory_space<vmem_shared>> -> memref<40x128xf32, #tpu.memory_space<vmem_shared>>
        %dma_start3A_403 = arith.constant 0 : i32
        %dma_start3A_404 = tpu.memref_slice %arg23[%mul3A_23, %dma_start3A_403] : memref<1000x128xf32, #tpu.memory_space<vmem_shared>> -> memref<40x128xf32, #tpu.memory_space<vmem_shared>>
        %dma_start3A_405 = arith.constant 0 : i32
        %dma_start3A_406 = arith.constant 0 : i32
        %dma_start3A_407 = tpu.memref_slice %arg21[%dma_start3A_405, %dma_start3A_406] : memref<64x128xf32, #tpu.memory_space<vmem>> -> memref<40x128xf32, #tpu.memory_space<vmem>>
        tpu.enqueue_dma source(%dma_start3A_407 : memref<40x128xf32, #tpu.memory_space<vmem>>) target(%dma_start3A_404 : memref<40x128xf32, #tpu.memory_space<vmem_shared>>) target_semaphore(%run_scoped3A : memref<!tpu.dma_semaphore, #tpu.memory_space<semaphore_mem>>)
        %dma_wait3A_408 = arith.constant 0 : i32
        %dma_wait3A_409 = arith.constant 0 : i32
        %dma_wait3A_410 = tpu.memref_slice %arg21[%dma_wait3A_408, %dma_wait3A_409] : memref<64x128xf32, #tpu.memory_space<vmem>> -> memref<40x128xf32, #tpu.memory_space<vmem>>
        %dma_wait3A_411 = arith.constant 0 : i32
        %dma_wait3A_412 = tpu.memref_slice %arg23[%mul3A_23, %dma_wait3A_411] : memref<1000x128xf32, #tpu.memory_space<vmem_shared>> -> memref<40x128xf32, #tpu.memory_space<vmem_shared>>
        %dma_wait3A_413 = arith.constant 0 : i32
        %dma_wait3A_414 = tpu.memref_slice %arg23[%mul3A_23, %dma_wait3A_413] : memref<1000x128xf32, #tpu.memory_space<vmem_shared>> -> memref<40x128xf32, #tpu.memory_space<vmem_shared>>
        %dma_wait3A_415 = arith.constant 0 : i32
        %dma_wait3A_416 = arith.constant 0 : i32
        %dma_wait3A_417 = tpu.memref_slice %arg21[%dma_wait3A_415, %dma_wait3A_416] : memref<64x128xf32, #tpu.memory_space<vmem>> -> memref<40x128xf32, #tpu.memory_space<vmem>>
        tpu.wait_dma2 semaphore(%run_scoped3A : memref<!tpu.dma_semaphore, #tpu.memory_space<semaphore_mem>>) src(%dma_wait3A_417 : memref<40x128xf32, #tpu.memory_space<vmem>>) dst(%dma_wait3A_414 : memref<40x128xf32, #tpu.memory_space<vmem_shared>>)
        tpu.yield
      }) : () -> ()
    } else {
    }
    %barrier3A = arith.constant 0 : index
    tpu.barrier barrier_id(%barrier3A)
    %dma_start3A_52 = arith.constant 0 : i32
    %dma_start3A_53 = arith.constant 0 : i32
    %dma_start3A_54 = tpu.memref_slice %arg22[%dma_start3A_52, %dma_start3A_53] : memref<1000x128xf32, #tpu.memory_space<vmem_shared>> -> memref<1000x128xf32, #tpu.memory_space<vmem_shared>>
    tpu.enqueue_indirect_dma source(%dma_start3A_54 : memref<1000x128xf32, #tpu.memory_space<vmem_shared>>) target(%arg10 : memref<64x128xf32, #tpu.memory_space<vmem>>) offsets(%arg8 : memref<64xi32, #tpu.memory_space<vmem>>) semaphore(%arg24 : memref<!tpu.dma_semaphore, #tpu.memory_space<semaphore_mem>>)
    %dma_start3A_55 = arith.constant 0 : i32
    %dma_start3A_56 = arith.constant 0 : i32
    %dma_start3A_57 = tpu.memref_slice %arg23[%dma_start3A_55, %dma_start3A_56] : memref<1000x128xf32, #tpu.memory_space<vmem_shared>> -> memref<1000x128xf32, #tpu.memory_space<vmem_shared>>
    tpu.enqueue_indirect_dma source(%dma_start3A_57 : memref<1000x128xf32, #tpu.memory_space<vmem_shared>>) target(%arg12 : memref<64x128xf32, #tpu.memory_space<vmem>>) offsets(%arg8 : memref<64xi32, #tpu.memory_space<vmem>>) semaphore(%arg26 : memref<!tpu.dma_semaphore, #tpu.memory_space<semaphore_mem>>)
    %dma_start3A_58 = arith.constant 0 : i32
    %dma_start3A_59 = arith.constant 0 : i32
    %dma_start3A_60 = tpu.memref_slice %arg22[%dma_start3A_58, %dma_start3A_59] : memref<1000x128xf32, #tpu.memory_space<vmem_shared>> -> memref<1000x128xf32, #tpu.memory_space<vmem_shared>>
    tpu.enqueue_indirect_dma source(%dma_start3A_60 : memref<1000x128xf32, #tpu.memory_space<vmem_shared>>) target(%arg11 : memref<64x128xf32, #tpu.memory_space<vmem>>) offsets(%arg9 : memref<64xi32, #tpu.memory_space<vmem>>) semaphore(%arg25 : memref<!tpu.dma_semaphore, #tpu.memory_space<semaphore_mem>>)
    %dma_start3A_61 = arith.constant 0 : i32
    %dma_start3A_62 = arith.constant 0 : i32
    %dma_start3A_63 = tpu.memref_slice %arg23[%dma_start3A_61, %dma_start3A_62] : memref<1000x128xf32, #tpu.memory_space<vmem_shared>> -> memref<1000x128xf32, #tpu.memory_space<vmem_shared>>
    tpu.enqueue_indirect_dma source(%dma_start3A_63 : memref<1000x128xf32, #tpu.memory_space<vmem_shared>>) target(%arg13 : memref<64x128xf32, #tpu.memory_space<vmem>>) offsets(%arg9 : memref<64xi32, #tpu.memory_space<vmem>>) semaphore(%arg27 : memref<!tpu.dma_semaphore, #tpu.memory_space<semaphore_mem>>)
    %dma_wait3A = arith.constant 0 : i32
    %dma_wait3A_64 = tpu.memref_slice %arg2[%add3A_4, %dma_wait3A] : memref<16384x128xf32, #tpu.memory_space<hbm>> -> memref<64x128xf32, #tpu.memory_space<hbm>>
    %dma_wait3A_65 = arith.constant 0 : i32
    %dma_wait3A_66 = tpu.memref_slice %arg2[%add3A_4, %dma_wait3A_65] : memref<16384x128xf32, #tpu.memory_space<hbm>> -> memref<64x128xf32, #tpu.memory_space<hbm>>
    tpu.wait_dma2 semaphore(%arg28 : memref<!tpu.dma_semaphore, #tpu.memory_space<semaphore_mem>>) src(%dma_wait3A_66 : memref<64x128xf32, #tpu.memory_space<hbm>>) dst(%arg14 : memref<64x128xf32, #tpu.memory_space<vmem>>)
    %dma_wait3A_67 = arith.constant 0 : i32
    %dma_wait3A_68 = tpu.memref_slice %arg6[%add3A_4, %dma_wait3A_67] : memref<16384x128xf32, #tpu.memory_space<hbm>> -> memref<64x128xf32, #tpu.memory_space<hbm>>
    %dma_wait3A_69 = arith.constant 0 : i32
    %dma_wait3A_70 = tpu.memref_slice %arg6[%add3A_4, %dma_wait3A_69] : memref<16384x128xf32, #tpu.memory_space<hbm>> -> memref<64x128xf32, #tpu.memory_space<hbm>>
    tpu.wait_dma2 semaphore(%arg30 : memref<!tpu.dma_semaphore, #tpu.memory_space<semaphore_mem>>) src(%dma_wait3A_70 : memref<64x128xf32, #tpu.memory_space<hbm>>) dst(%arg16 : memref<64x128xf32, #tpu.memory_space<vmem>>)
    %dma_wait3A_71 = arith.constant 0 : i32
    %dma_wait3A_72 = arith.constant 0 : i32
    %dma_wait3A_73 = tpu.memref_slice %arg22[%dma_wait3A_71, %dma_wait3A_72] : memref<1000x128xf32, #tpu.memory_space<vmem_shared>> -> memref<1000x128xf32, #tpu.memory_space<vmem_shared>>
    tpu.wait_indirect_dma semaphore(%arg24 : memref<!tpu.dma_semaphore, #tpu.memory_space<semaphore_mem>>) src(%dma_wait3A_73 : memref<1000x128xf32, #tpu.memory_space<vmem_shared>>) dst(%arg10 : memref<64x128xf32, #tpu.memory_space<vmem>>)
    %dma_wait3A_74 = arith.constant 0 : i32
    %dma_wait3A_75 = arith.constant 0 : i32
    %dma_wait3A_76 = tpu.memref_slice %arg23[%dma_wait3A_74, %dma_wait3A_75] : memref<1000x128xf32, #tpu.memory_space<vmem_shared>> -> memref<1000x128xf32, #tpu.memory_space<vmem_shared>>
    tpu.wait_indirect_dma semaphore(%arg26 : memref<!tpu.dma_semaphore, #tpu.memory_space<semaphore_mem>>) src(%dma_wait3A_76 : memref<1000x128xf32, #tpu.memory_space<vmem_shared>>) dst(%arg12 : memref<64x128xf32, #tpu.memory_space<vmem>>)
    %scan3A = arith.constant 0 : i32
    %scan3A_77 = arith.constant 0 : i32
    %scan3A_78 = arith.constant 64 : i32
    %scan3A_79 = arith.addi %scan3A_77, %scan3A_78 : i32
    %scan3A_80 = arith.constant 1 : i32
    scf.for %scan3A_398 = %scan3A_77 to %scan3A_79 step %scan3A_80  : i32 {
      %get3A = arith.index_cast %scan3A_398 : i32 to index
      %get3A_399 = arith.constant 0 : index
      %get3A_400 = tpu.vector_load %arg14[%get3A, %get3A_399] {strides = array<i32>} : memref<64x128xf32, #tpu.memory_space<vmem>>, vector<1x16xf32>,
      %get3A_401 = vector.shape_cast %get3A_400 : vector<1x16xf32> to vector<16xf32>
      %get3A_402 = arith.index_cast %scan3A_398 : i32 to index
      %get3A_403 = arith.constant 0 : index
      %get3A_404 = tpu.vector_load %arg16[%get3A_402, %get3A_403] {strides = array<i32>} : memref<64x128xf32, #tpu.memory_space<vmem>>, vector<1x16xf32>,
      %get3A_405 = vector.shape_cast %get3A_404 : vector<1x16xf32> to vector<16xf32>
      %get3A_406 = arith.index_cast %scan3A_398 : i32 to index
      %get3A_407 = arith.constant 0 : index
      %get3A_408 = tpu.vector_load %arg12[%get3A_406, %get3A_407] {strides = array<i32>} : memref<64x128xf32, #tpu.memory_space<vmem>>, vector<1x16xf32>,
      %get3A_409 = vector.shape_cast %get3A_408 : vector<1x16xf32> to vector<16xf32>
      %mul3A_410 = arith.mulf %get3A_405, %get3A_409 : vector<16xf32>
      %get3A_411 = arith.index_cast %scan3A_398 : i32 to index
      %get3A_412 = arith.constant 0 : index
      %get3A_413 = tpu.vector_load %arg10[%get3A_411, %get3A_412] {strides = array<i32>} : memref<64x128xf32, #tpu.memory_space<vmem>>, vector<1x16xf32>,
      %get3A_414 = vector.shape_cast %get3A_413 : vector<1x16xf32> to vector<16xf32>
      %add3A_415 = arith.addf %mul3A_410, %get3A_414 : vector<16xf32>
      %mul3A_416 = arith.mulf %get3A_401, %add3A_415 : vector<16xf32>
      %swap3A = arith.index_cast %scan3A_398 : i32 to index
      %swap3A_417 = arith.constant 0 : index
      %swap3A_418 = tpu.vector_load %arg18[%swap3A, %swap3A_417] {strides = array<i32>} : memref<64x128xf32, #tpu.memory_space<vmem>>, vector<1x16xf32>,
      %swap3A_419 = vector.shape_cast %swap3A_418 : vector<1x16xf32> to vector<16xf32>
      %swap3A_420 = vector.shape_cast %mul3A_416 : vector<16xf32> to vector<1x16xf32>
      tpu.vector_store %arg18[%swap3A, %swap3A_417], %swap3A_420 {strides = array<i32>} : memref<64x128xf32, #tpu.memory_space<vmem>>, vector<1x16xf32>,
      %get3A_421 = arith.index_cast %scan3A_398 : i32 to index
      %get3A_422 = arith.constant 16 : index
      %get3A_423 = tpu.vector_load %arg14[%get3A_421, %get3A_422] {strides = array<i32>} : memref<64x128xf32, #tpu.memory_space<vmem>>, vector<1x16xf32>,
      %get3A_424 = vector.shape_cast %get3A_423 : vector<1x16xf32> to vector<16xf32>
      %get3A_425 = arith.index_cast %scan3A_398 : i32 to index
      %get3A_426 = arith.constant 16 : index
      %get3A_427 = tpu.vector_load %arg16[%get3A_425, %get3A_426] {strides = array<i32>} : memref<64x128xf32, #tpu.memory_space<vmem>>, vector<1x16xf32>,
      %get3A_428 = vector.shape_cast %get3A_427 : vector<1x16xf32> to vector<16xf32>
      %get3A_429 = arith.index_cast %scan3A_398 : i32 to index
      %get3A_430 = arith.constant 16 : index
      %get3A_431 = tpu.vector_load %arg12[%get3A_429, %get3A_430] {strides = array<i32>} : memref<64x128xf32, #tpu.memory_space<vmem>>, vector<1x16xf32>,
      %get3A_432 = vector.shape_cast %get3A_431 : vector<1x16xf32> to vector<16xf32>
      %mul3A_433 = arith.mulf %get3A_428, %get3A_432 : vector<16xf32>
      %get3A_434 = arith.index_cast %scan3A_398 : i32 to index
      %get3A_435 = arith.constant 16 : index
      %get3A_436 = tpu.vector_load %arg10[%get3A_434, %get3A_435] {strides = array<i32>} : memref<64x128xf32, #tpu.memory_space<vmem>>, vector<1x16xf32>,
      %get3A_437 = vector.shape_cast %get3A_436 : vector<1x16xf32> to vector<16xf32>
      %add3A_438 = arith.addf %mul3A_433, %get3A_437 : vector<16xf32>
      %mul3A_439 = arith.mulf %get3A_424, %add3A_438 : vector<16xf32>
      %swap3A_440 = arith.index_cast %scan3A_398 : i32 to index
      %swap3A_441 = arith.constant 16 : index
      %swap3A_442 = tpu.vector_load %arg18[%swap3A_440, %swap3A_441] {strides = array<i32>} : memref<64x128xf32, #tpu.memory_space<vmem>>, vector<1x16xf32>,
      %swap3A_443 = vector.shape_cast %swap3A_442 : vector<1x16xf32> to vector<16xf32>
      %swap3A_444 = vector.shape_cast %mul3A_439 : vector<16xf32> to vector<1x16xf32>
      tpu.vector_store %arg18[%swap3A_440, %swap3A_441], %swap3A_444 {strides = array<i32>} : memref<64x128xf32, #tpu.memory_space<vmem>>, vector<1x16xf32>,
      %get3A_445 = arith.index_cast %scan3A_398 : i32 to index
      %get3A_446 = arith.constant 32 : index
      %get3A_447 = tpu.vector_load %arg14[%get3A_445, %get3A_446] {strides = array<i32>} : memref<64x128xf32, #tpu.memory_space<vmem>>, vector<1x16xf32>,
      %get3A_448 = vector.shape_cast %get3A_447 : vector<1x16xf32> to vector<16xf32>
      %get3A_449 = arith.index_cast %scan3A_398 : i32 to index
      %get3A_450 = arith.constant 32 : index
      %get3A_451 = tpu.vector_load %arg16[%get3A_449, %get3A_450] {strides = array<i32>} : memref<64x128xf32, #tpu.memory_space<vmem>>, vector<1x16xf32>,
      %get3A_452 = vector.shape_cast %get3A_451 : vector<1x16xf32> to vector<16xf32>
      %get3A_453 = arith.index_cast %scan3A_398 : i32 to index
      %get3A_454 = arith.constant 32 : index
      %get3A_455 = tpu.vector_load %arg12[%get3A_453, %get3A_454] {strides = array<i32>} : memref<64x128xf32, #tpu.memory_space<vmem>>, vector<1x16xf32>,
      %get3A_456 = vector.shape_cast %get3A_455 : vector<1x16xf32> to vector<16xf32>
      %mul3A_457 = arith.mulf %get3A_452, %get3A_456 : vector<16xf32>
      %get3A_458 = arith.index_cast %scan3A_398 : i32 to index
      %get3A_459 = arith.constant 32 : index
      %get3A_460 = tpu.vector_load %arg10[%get3A_458, %get3A_459] {strides = array<i32>} : memref<64x128xf32, #tpu.memory_space<vmem>>, vector<1x16xf32>,
      %get3A_461 = vector.shape_cast %get3A_460 : vector<1x16xf32> to vector<16xf32>
      %add3A_462 = arith.addf %mul3A_457, %get3A_461 : vector<16xf32>
      %mul3A_463 = arith.mulf %get3A_448, %add3A_462 : vector<16xf32>
      %swap3A_464 = arith.index_cast %scan3A_398 : i32 to index
      %swap3A_465 = arith.constant 32 : index
      %swap3A_466 = tpu.vector_load %arg18[%swap3A_464, %swap3A_465] {strides = array<i32>} : memref<64x128xf32, #tpu.memory_space<vmem>>, vector<1x16xf32>,
      %swap3A_467 = vector.shape_cast %swap3A_466 : vector<1x16xf32> to vector<16xf32>
      %swap3A_468 = vector.shape_cast %mul3A_463 : vector<16xf32> to vector<1x16xf32>
      tpu.vector_store %arg18[%swap3A_464, %swap3A_465], %swap3A_468 {strides = array<i32>} : memref<64x128xf32, #tpu.memory_space<vmem>>, vector<1x16xf32>,
      %get3A_469 = arith.index_cast %scan3A_398 : i32 to index
      %get3A_470 = arith.constant 48 : index
      %get3A_471 = tpu.vector_load %arg14[%get3A_469, %get3A_470] {strides = array<i32>} : memref<64x128xf32, #tpu.memory_space<vmem>>, vector<1x16xf32>,
      %get3A_472 = vector.shape_cast %get3A_471 : vector<1x16xf32> to vector<16xf32>
      %get3A_473 = arith.index_cast %scan3A_398 : i32 to index
      %get3A_474 = arith.constant 48 : index
      %get3A_475 = tpu.vector_load %arg16[%get3A_473, %get3A_474] {strides = array<i32>} : memref<64x128xf32, #tpu.memory_space<vmem>>, vector<1x16xf32>,
      %get3A_476 = vector.shape_cast %get3A_475 : vector<1x16xf32> to vector<16xf32>
      %get3A_477 = arith.index_cast %scan3A_398 : i32 to index
      %get3A_478 = arith.constant 48 : index
      %get3A_479 = tpu.vector_load %arg12[%get3A_477, %get3A_478] {strides = array<i32>} : memref<64x128xf32, #tpu.memory_space<vmem>>, vector<1x16xf32>,
      %get3A_480 = vector.shape_cast %get3A_479 : vector<1x16xf32> to vector<16xf32>
      %mul3A_481 = arith.mulf %get3A_476, %get3A_480 : vector<16xf32>
      %get3A_482 = arith.index_cast %scan3A_398 : i32 to index
      %get3A_483 = arith.constant 48 : index
      %get3A_484 = tpu.vector_load %arg10[%get3A_482, %get3A_483] {strides = array<i32>} : memref<64x128xf32, #tpu.memory_space<vmem>>, vector<1x16xf32>,
      %get3A_485 = vector.shape_cast %get3A_484 : vector<1x16xf32> to vector<16xf32>
      %add3A_486 = arith.addf %mul3A_481, %get3A_485 : vector<16xf32>
      %mul3A_487 = arith.mulf %get3A_472, %add3A_486 : vector<16xf32>
      %swap3A_488 = arith.index_cast %scan3A_398 : i32 to index
      %swap3A_489 = arith.constant 48 : index
      %swap3A_490 = tpu.vector_load %arg18[%swap3A_488, %swap3A_489] {strides = array<i32>} : memref<64x128xf32, #tpu.memory_space<vmem>>, vector<1x16xf32>,
      %swap3A_491 = vector.shape_cast %swap3A_490 : vector<1x16xf32> to vector<16xf32>
      %swap3A_492 = vector.shape_cast %mul3A_487 : vector<16xf32> to vector<1x16xf32>
      tpu.vector_store %arg18[%swap3A_488, %swap3A_489], %swap3A_492 {strides = array<i32>} : memref<64x128xf32, #tpu.memory_space<vmem>>, vector<1x16xf32>,
      %get3A_493 = arith.index_cast %scan3A_398 : i32 to index
      %get3A_494 = arith.constant 64 : index
      %get3A_495 = tpu.vector_load %arg14[%get3A_493, %get3A_494] {strides = array<i32>} : memref<64x128xf32, #tpu.memory_space<vmem>>, vector<1x16xf32>,
      %get3A_496 = vector.shape_cast %get3A_495 : vector<1x16xf32> to vector<16xf32>
      %get3A_497 = arith.index_cast %scan3A_398 : i32 to index
      %get3A_498 = arith.constant 64 : index
      %get3A_499 = tpu.vector_load %arg16[%get3A_497, %get3A_498] {strides = array<i32>} : memref<64x128xf32, #tpu.memory_space<vmem>>, vector<1x16xf32>,
      %get3A_500 = vector.shape_cast %get3A_499 : vector<1x16xf32> to vector<16xf32>
      %get3A_501 = arith.index_cast %scan3A_398 : i32 to index
      %get3A_502 = arith.constant 64 : index
      %get3A_503 = tpu.vector_load %arg12[%get3A_501, %get3A_502] {strides = array<i32>} : memref<64x128xf32, #tpu.memory_space<vmem>>, vector<1x16xf32>,
      %get3A_504 = vector.shape_cast %get3A_503 : vector<1x16xf32> to vector<16xf32>
      %mul3A_505 = arith.mulf %get3A_500, %get3A_504 : vector<16xf32>
      %get3A_506 = arith.index_cast %scan3A_398 : i32 to index
      %get3A_507 = arith.constant 64 : index
      %get3A_508 = tpu.vector_load %arg10[%get3A_506, %get3A_507] {strides = array<i32>} : memref<64x128xf32, #tpu.memory_space<vmem>>, vector<1x16xf32>,
      %get3A_509 = vector.shape_cast %get3A_508 : vector<1x16xf32> to vector<16xf32>
      %add3A_510 = arith.addf %mul3A_505, %get3A_509 : vector<16xf32>
      %mul3A_511 = arith.mulf %get3A_496, %add3A_510 : vector<16xf32>
      %swap3A_512 = arith.index_cast %scan3A_398 : i32 to index
      %swap3A_513 = arith.constant 64 : index
      %swap3A_514 = tpu.vector_load %arg18[%swap3A_512, %swap3A_513] {strides = array<i32>} : memref<64x128xf32, #tpu.memory_space<vmem>>, vector<1x16xf32>,
      %swap3A_515 = vector.shape_cast %swap3A_514 : vector<1x16xf32> to vector<16xf32>
      %swap3A_516 = vector.shape_cast %mul3A_511 : vector<16xf32> to vector<1x16xf32>
      tpu.vector_store %arg18[%swap3A_512, %swap3A_513], %swap3A_516 {strides = array<i32>} : memref<64x128xf32, #tpu.memory_space<vmem>>, vector<1x16xf32>,
      %get3A_517 = arith.index_cast %scan3A_398 : i32 to index
      %get3A_518 = arith.constant 80 : index
      %get3A_519 = tpu.vector_load %arg14[%get3A_517, %get3A_518] {strides = array<i32>} : memref<64x128xf32, #tpu.memory_space<vmem>>, vector<1x16xf32>,
      %get3A_520 = vector.shape_cast %get3A_519 : vector<1x16xf32> to vector<16xf32>
      %get3A_521 = arith.index_cast %scan3A_398 : i32 to index
      %get3A_522 = arith.constant 80 : index
      %get3A_523 = tpu.vector_load %arg16[%get3A_521, %get3A_522] {strides = array<i32>} : memref<64x128xf32, #tpu.memory_space<vmem>>, vector<1x16xf32>,
      %get3A_524 = vector.shape_cast %get3A_523 : vector<1x16xf32> to vector<16xf32>
      %get3A_525 = arith.index_cast %scan3A_398 : i32 to index
      %get3A_526 = arith.constant 80 : index
      %get3A_527 = tpu.vector_load %arg12[%get3A_525, %get3A_526] {strides = array<i32>} : memref<64x128xf32, #tpu.memory_space<vmem>>, vector<1x16xf32>,
      %get3A_528 = vector.shape_cast %get3A_527 : vector<1x16xf32> to vector<16xf32>
      %mul3A_529 = arith.mulf %get3A_524, %get3A_528 : vector<16xf32>
      %get3A_530 = arith.index_cast %scan3A_398 : i32 to index
      %get3A_531 = arith.constant 80 : index
      %get3A_532 = tpu.vector_load %arg10[%get3A_530, %get3A_531] {strides = array<i32>} : memref<64x128xf32, #tpu.memory_space<vmem>>, vector<1x16xf32>,
      %get3A_533 = vector.shape_cast %get3A_532 : vector<1x16xf32> to vector<16xf32>
      %add3A_534 = arith.addf %mul3A_529, %get3A_533 : vector<16xf32>
      %mul3A_535 = arith.mulf %get3A_520, %add3A_534 : vector<16xf32>
      %swap3A_536 = arith.index_cast %scan3A_398 : i32 to index
      %swap3A_537 = arith.constant 80 : index
      %swap3A_538 = tpu.vector_load %arg18[%swap3A_536, %swap3A_537] {strides = array<i32>} : memref<64x128xf32, #tpu.memory_space<vmem>>, vector<1x16xf32>,
      %swap3A_539 = vector.shape_cast %swap3A_538 : vector<1x16xf32> to vector<16xf32>
      %swap3A_540 = vector.shape_cast %mul3A_535 : vector<16xf32> to vector<1x16xf32>
      tpu.vector_store %arg18[%swap3A_536, %swap3A_537], %swap3A_540 {strides = array<i32>} : memref<64x128xf32, #tpu.memory_space<vmem>>, vector<1x16xf32>,
      %get3A_541 = arith.index_cast %scan3A_398 : i32 to index
      %get3A_542 = arith.constant 96 : index
      %get3A_543 = tpu.vector_load %arg14[%get3A_541, %get3A_542] {strides = array<i32>} : memref<64x128xf32, #tpu.memory_space<vmem>>, vector<1x16xf32>,
      %get3A_544 = vector.shape_cast %get3A_543 : vector<1x16xf32> to vector<16xf32>
      %get3A_545 = arith.index_cast %scan3A_398 : i32 to index
      %get3A_546 = arith.constant 96 : index
      %get3A_547 = tpu.vector_load %arg16[%get3A_545, %get3A_546] {strides = array<i32>} : memref<64x128xf32, #tpu.memory_space<vmem>>, vector<1x16xf32>,
      %get3A_548 = vector.shape_cast %get3A_547 : vector<1x16xf32> to vector<16xf32>
      %get3A_549 = arith.index_cast %scan3A_398 : i32 to index
      %get3A_550 = arith.constant 96 : index
      %get3A_551 = tpu.vector_load %arg12[%get3A_549, %get3A_550] {strides = array<i32>} : memref<64x128xf32, #tpu.memory_space<vmem>>, vector<1x16xf32>,
      %get3A_552 = vector.shape_cast %get3A_551 : vector<1x16xf32> to vector<16xf32>
      %mul3A_553 = arith.mulf %get3A_548, %get3A_552 : vector<16xf32>
      %get3A_554 = arith.index_cast %scan3A_398 : i32 to index
      %get3A_555 = arith.constant 96 : index
      %get3A_556 = tpu.vector_load %arg10[%get3A_554, %get3A_555] {strides = array<i32>} : memref<64x128xf32, #tpu.memory_space<vmem>>, vector<1x16xf32>,
      %get3A_557 = vector.shape_cast %get3A_556 : vector<1x16xf32> to vector<16xf32>
      %add3A_558 = arith.addf %mul3A_553, %get3A_557 : vector<16xf32>
      %mul3A_559 = arith.mulf %get3A_544, %add3A_558 : vector<16xf32>
      %swap3A_560 = arith.index_cast %scan3A_398 : i32 to index
      %swap3A_561 = arith.constant 96 : index
      %swap3A_562 = tpu.vector_load %arg18[%swap3A_560, %swap3A_561] {strides = array<i32>} : memref<64x128xf32, #tpu.memory_space<vmem>>, vector<1x16xf32>,
      %swap3A_563 = vector.shape_cast %swap3A_562 : vector<1x16xf32> to vector<16xf32>
      %swap3A_564 = vector.shape_cast %mul3A_559 : vector<16xf32> to vector<1x16xf32>
      tpu.vector_store %arg18[%swap3A_560, %swap3A_561], %swap3A_564 {strides = array<i32>} : memref<64x128xf32, #tpu.memory_space<vmem>>, vector<1x16xf32>,
      %get3A_565 = arith.index_cast %scan3A_398 : i32 to index
      %get3A_566 = arith.constant 112 : index
      %get3A_567 = tpu.vector_load %arg14[%get3A_565, %get3A_566] {strides = array<i32>} : memref<64x128xf32, #tpu.memory_space<vmem>>, vector<1x16xf32>,
      %get3A_568 = vector.shape_cast %get3A_567 : vector<1x16xf32> to vector<16xf32>
      %get3A_569 = arith.index_cast %scan3A_398 : i32 to index
      %get3A_570 = arith.constant 112 : index
      %get3A_571 = tpu.vector_load %arg16[%get3A_569, %get3A_570] {strides = array<i32>} : memref<64x128xf32, #tpu.memory_space<vmem>>, vector<1x16xf32>,
      %get3A_572 = vector.shape_cast %get3A_571 : vector<1x16xf32> to vector<16xf32>
      %get3A_573 = arith.index_cast %scan3A_398 : i32 to index
      %get3A_574 = arith.constant 112 : index
      %get3A_575 = tpu.vector_load %arg12[%get3A_573, %get3A_574] {strides = array<i32>} : memref<64x128xf32, #tpu.memory_space<vmem>>, vector<1x16xf32>,
      %get3A_576 = vector.shape_cast %get3A_575 : vector<1x16xf32> to vector<16xf32>
      %mul3A_577 = arith.mulf %get3A_572, %get3A_576 : vector<16xf32>
      %get3A_578 = arith.index_cast %scan3A_398 : i32 to index
      %get3A_579 = arith.constant 112 : index
      %get3A_580 = tpu.vector_load %arg10[%get3A_578, %get3A_579] {strides = array<i32>} : memref<64x128xf32, #tpu.memory_space<vmem>>, vector<1x16xf32>,
      %get3A_581 = vector.shape_cast %get3A_580 : vector<1x16xf32> to vector<16xf32>
      %add3A_582 = arith.addf %mul3A_577, %get3A_581 : vector<16xf32>
      %mul3A_583 = arith.mulf %get3A_568, %add3A_582 : vector<16xf32>
      %swap3A_584 = arith.index_cast %scan3A_398 : i32 to index
      %swap3A_585 = arith.constant 112 : index
      %swap3A_586 = tpu.vector_load %arg18[%swap3A_584, %swap3A_585] {strides = array<i32>} : memref<64x128xf32, #tpu.memory_space<vmem>>, vector<1x16xf32>,
      %swap3A_587 = vector.shape_cast %swap3A_586 : vector<1x16xf32> to vector<16xf32>
      %swap3A_588 = vector.shape_cast %mul3A_583 : vector<16xf32> to vector<1x16xf32>
      tpu.vector_store %arg18[%swap3A_584, %swap3A_585], %swap3A_588 {strides = array<i32>} : memref<64x128xf32, #tpu.memory_space<vmem>>, vector<1x16xf32>,
    }
    %scan3A_81 = arith.constant 64 : i32
    %add3A_82 = arith.constant 0 : i32
    %add3A_83 = arith.addi %mul3A_2, %add3A_82 : i32
    %dma_start3A_84 = arith.constant 0 : i32
    %dma_start3A_85 = tpu.memref_slice %arg7[%add3A_83, %dma_start3A_84] : memref<16384x128xf32, #tpu.memory_space<hbm>> -> memref<64x128xf32, #tpu.memory_space<hbm>>
    %dma_start3A_86 = arith.constant 0 : i32
    %dma_start3A_87 = tpu.memref_slice %arg7[%add3A_83, %dma_start3A_86] : memref<16384x128xf32, #tpu.memory_space<hbm>> -> memref<64x128xf32, #tpu.memory_space<hbm>>
    tpu.enqueue_dma source(%arg18 : memref<64x128xf32, #tpu.memory_space<vmem>>) target(%dma_start3A_87 : memref<64x128xf32, #tpu.memory_space<hbm>>) target_semaphore(%arg32 : memref<!tpu.dma_semaphore, #tpu.memory_space<semaphore_mem>>)
    %add3A_88 = arith.constant 128 : i32
    %add3A_89 = arith.addi %mul3A_2, %add3A_88 : i32
    "tpu.region"() ({
      %run_scoped3A = tpu.sem_alloc : memref<!tpu.dma_semaphore, #tpu.memory_space<semaphore_mem>>
      %dma_start3A_398 = tpu.memref_slice %arg3[%add3A_89] : memref<16384xi32, #tpu.memory_space<hbm>> -> memref<64xi32, #tpu.memory_space<hbm>>
      %dma_start3A_399 = tpu.memref_slice %arg3[%add3A_89] : memref<16384xi32, #tpu.memory_space<hbm>> -> memref<64xi32, #tpu.memory_space<hbm>>
      tpu.enqueue_dma source(%dma_start3A_399 : memref<64xi32, #tpu.memory_space<hbm>>) target(%arg8 : memref<64xi32, #tpu.memory_space<vmem>>) target_semaphore(%run_scoped3A : memref<!tpu.dma_semaphore, #tpu.memory_space<semaphore_mem>>)
      %dma_wait3A_400 = tpu.memref_slice %arg3[%add3A_89] : memref<16384xi32, #tpu.memory_space<hbm>> -> memref<64xi32, #tpu.memory_space<hbm>>
      %dma_wait3A_401 = tpu.memref_slice %arg3[%add3A_89] : memref<16384xi32, #tpu.memory_space<hbm>> -> memref<64xi32, #tpu.memory_space<hbm>>
      tpu.wait_dma2 semaphore(%run_scoped3A : memref<!tpu.dma_semaphore, #tpu.memory_space<semaphore_mem>>) src(%dma_wait3A_401 : memref<64xi32, #tpu.memory_space<hbm>>) dst(%arg8 : memref<64xi32, #tpu.memory_space<vmem>>)
      tpu.yield
    }) : () -> ()
    %dma_start3A_90 = arith.constant 0 : i32
    %dma_start3A_91 = tpu.memref_slice %arg2[%add3A_89, %dma_start3A_90] : memref<16384x128xf32, #tpu.memory_space<hbm>> -> memref<64x128xf32, #tpu.memory_space<hbm>>
    %dma_start3A_92 = arith.constant 0 : i32
    %dma_start3A_93 = tpu.memref_slice %arg2[%add3A_89, %dma_start3A_92] : memref<16384x128xf32, #tpu.memory_space<hbm>> -> memref<64x128xf32, #tpu.memory_space<hbm>>
    tpu.enqueue_dma source(%dma_start3A_93 : memref<64x128xf32, #tpu.memory_space<hbm>>) target(%arg14 : memref<64x128xf32, #tpu.memory_space<vmem>>) target_semaphore(%arg28 : memref<!tpu.dma_semaphore, #tpu.memory_space<semaphore_mem>>)
    %dma_start3A_94 = arith.constant 0 : i32
    %dma_start3A_95 = tpu.memref_slice %arg6[%add3A_89, %dma_start3A_94] : memref<16384x128xf32, #tpu.memory_space<hbm>> -> memref<64x128xf32, #tpu.memory_space<hbm>>
    %dma_start3A_96 = arith.constant 0 : i32
    %dma_start3A_97 = tpu.memref_slice %arg6[%add3A_89, %dma_start3A_96] : memref<16384x128xf32, #tpu.memory_space<hbm>> -> memref<64x128xf32, #tpu.memory_space<hbm>>
    tpu.enqueue_dma source(%dma_start3A_97 : memref<64x128xf32, #tpu.memory_space<hbm>>) target(%arg16 : memref<64x128xf32, #tpu.memory_space<vmem>>) target_semaphore(%arg30 : memref<!tpu.dma_semaphore, #tpu.memory_space<semaphore_mem>>)
    %dma_start3A_98 = arith.constant 0 : i32
    %dma_start3A_99 = arith.constant 0 : i32
    %dma_start3A_100 = tpu.memref_slice %arg22[%dma_start3A_98, %dma_start3A_99] : memref<1000x128xf32, #tpu.memory_space<vmem_shared>> -> memref<1000x128xf32, #tpu.memory_space<vmem_shared>>
    tpu.enqueue_indirect_dma source(%dma_start3A_100 : memref<1000x128xf32, #tpu.memory_space<vmem_shared>>) target(%arg10 : memref<64x128xf32, #tpu.memory_space<vmem>>) offsets(%arg8 : memref<64xi32, #tpu.memory_space<vmem>>) semaphore(%arg24 : memref<!tpu.dma_semaphore, #tpu.memory_space<semaphore_mem>>)
    %dma_start3A_101 = arith.constant 0 : i32
    %dma_start3A_102 = arith.constant 0 : i32
    %dma_start3A_103 = tpu.memref_slice %arg23[%dma_start3A_101, %dma_start3A_102] : memref<1000x128xf32, #tpu.memory_space<vmem_shared>> -> memref<1000x128xf32, #tpu.memory_space<vmem_shared>>
    tpu.enqueue_indirect_dma source(%dma_start3A_103 : memref<1000x128xf32, #tpu.memory_space<vmem_shared>>) target(%arg12 : memref<64x128xf32, #tpu.memory_space<vmem>>) offsets(%arg8 : memref<64xi32, #tpu.memory_space<vmem>>) semaphore(%arg26 : memref<!tpu.dma_semaphore, #tpu.memory_space<semaphore_mem>>)
    %dma_wait3A_104 = arith.constant 0 : i32
    %dma_wait3A_105 = tpu.memref_slice %arg2[%add3A_13, %dma_wait3A_104] : memref<16384x128xf32, #tpu.memory_space<hbm>> -> memref<64x128xf32, #tpu.memory_space<hbm>>
    %dma_wait3A_106 = arith.constant 0 : i32
    %dma_wait3A_107 = tpu.memref_slice %arg2[%add3A_13, %dma_wait3A_106] : memref<16384x128xf32, #tpu.memory_space<hbm>> -> memref<64x128xf32, #tpu.memory_space<hbm>>
    tpu.wait_dma2 semaphore(%arg29 : memref<!tpu.dma_semaphore, #tpu.memory_space<semaphore_mem>>) src(%dma_wait3A_107 : memref<64x128xf32, #tpu.memory_space<hbm>>) dst(%arg15 : memref<64x128xf32, #tpu.memory_space<vmem>>)
    %dma_wait3A_108 = arith.constant 0 : i32
    %dma_wait3A_109 = tpu.memref_slice %arg6[%add3A_13, %dma_wait3A_108] : memref<16384x128xf32, #tpu.memory_space<hbm>> -> memref<64x128xf32, #tpu.memory_space<hbm>>
    %dma_wait3A_110 = arith.constant 0 : i32
    %dma_wait3A_111 = tpu.memref_slice %arg6[%add3A_13, %dma_wait3A_110] : memref<16384x128xf32, #tpu.memory_space<hbm>> -> memref<64x128xf32, #tpu.memory_space<hbm>>
    tpu.wait_dma2 semaphore(%arg31 : memref<!tpu.dma_semaphore, #tpu.memory_space<semaphore_mem>>) src(%dma_wait3A_111 : memref<64x128xf32, #tpu.memory_space<hbm>>) dst(%arg17 : memref<64x128xf32, #tpu.memory_space<vmem>>)
    %dma_wait3A_112 = arith.constant 0 : i32
    %dma_wait3A_113 = arith.constant 0 : i32
    %dma_wait3A_114 = tpu.memref_slice %arg22[%dma_wait3A_112, %dma_wait3A_113] : memref<1000x128xf32, #tpu.memory_space<vmem_shared>> -> memref<1000x128xf32, #tpu.memory_space<vmem_shared>>
    tpu.wait_indirect_dma semaphore(%arg25 : memref<!tpu.dma_semaphore, #tpu.memory_space<semaphore_mem>>) src(%dma_wait3A_114 : memref<1000x128xf32, #tpu.memory_space<vmem_shared>>) dst(%arg11 : memref<64x128xf32, #tpu.memory_space<vmem>>)
    %dma_wait3A_115 = arith.constant 0 : i32
    %dma_wait3A_116 = arith.constant 0 : i32
    %dma_wait3A_117 = tpu.memref_slice %arg23[%dma_wait3A_115, %dma_wait3A_116] : memref<1000x128xf32, #tpu.memory_space<vmem_shared>> -> memref<1000x128xf32, #tpu.memory_space<vmem_shared>>
    tpu.wait_indirect_dma semaphore(%arg27 : memref<!tpu.dma_semaphore, #tpu.memory_space<semaphore_mem>>) src(%dma_wait3A_117 : memref<1000x128xf32, #tpu.memory_space<vmem_shared>>) dst(%arg13 : memref<64x128xf32, #tpu.memory_space<vmem>>)
    %scan3A_118 = arith.constant 0 : i32
    %scan3A_119 = arith.constant 0 : i32
    %scan3A_120 = arith.constant 64 : i32
    %scan3A_121 = arith.addi %scan3A_119, %scan3A_120 : i32
    %scan3A_122 = arith.constant 1 : i32
    scf.for %scan3A_398 = %scan3A_119 to %scan3A_121 step %scan3A_122  : i32 {
      %get3A = arith.index_cast %scan3A_398 : i32 to index
      %get3A_399 = arith.constant 0 : index
      %get3A_400 = tpu.vector_load %arg15[%get3A, %get3A_399] {strides = array<i32>} : memref<64x128xf32, #tpu.memory_space<vmem>>, vector<1x16xf32>,
      %get3A_401 = vector.shape_cast %get3A_400 : vector<1x16xf32> to vector<16xf32>
      %get3A_402 = arith.index_cast %scan3A_398 : i32 to index
      %get3A_403 = arith.constant 0 : index
      %get3A_404 = tpu.vector_load %arg17[%get3A_402, %get3A_403] {strides = array<i32>} : memref<64x128xf32, #tpu.memory_space<vmem>>, vector<1x16xf32>,
      %get3A_405 = vector.shape_cast %get3A_404 : vector<1x16xf32> to vector<16xf32>
      %get3A_406 = arith.index_cast %scan3A_398 : i32 to index
      %get3A_407 = arith.constant 0 : index
      %get3A_408 = tpu.vector_load %arg13[%get3A_406, %get3A_407] {strides = array<i32>} : memref<64x128xf32, #tpu.memory_space<vmem>>, vector<1x16xf32>,
      %get3A_409 = vector.shape_cast %get3A_408 : vector<1x16xf32> to vector<16xf32>
      %mul3A_410 = arith.mulf %get3A_405, %get3A_409 : vector<16xf32>
      %get3A_411 = arith.index_cast %scan3A_398 : i32 to index
      %get3A_412 = arith.constant 0 : index
      %get3A_413 = tpu.vector_load %arg11[%get3A_411, %get3A_412] {strides = array<i32>} : memref<64x128xf32, #tpu.memory_space<vmem>>, vector<1x16xf32>,
      %get3A_414 = vector.shape_cast %get3A_413 : vector<1x16xf32> to vector<16xf32>
      %add3A_415 = arith.addf %mul3A_410, %get3A_414 : vector<16xf32>
      %mul3A_416 = arith.mulf %get3A_401, %add3A_415 : vector<16xf32>
      %swap3A = arith.index_cast %scan3A_398 : i32 to index
      %swap3A_417 = arith.constant 0 : index
      %swap3A_418 = tpu.vector_load %arg19[%swap3A, %swap3A_417] {strides = array<i32>} : memref<64x128xf32, #tpu.memory_space<vmem>>, vector<1x16xf32>,
      %swap3A_419 = vector.shape_cast %swap3A_418 : vector<1x16xf32> to vector<16xf32>
      %swap3A_420 = vector.shape_cast %mul3A_416 : vector<16xf32> to vector<1x16xf32>
      tpu.vector_store %arg19[%swap3A, %swap3A_417], %swap3A_420 {strides = array<i32>} : memref<64x128xf32, #tpu.memory_space<vmem>>, vector<1x16xf32>,
      %get3A_421 = arith.index_cast %scan3A_398 : i32 to index
      %get3A_422 = arith.constant 16 : index
      %get3A_423 = tpu.vector_load %arg15[%get3A_421, %get3A_422] {strides = array<i32>} : memref<64x128xf32, #tpu.memory_space<vmem>>, vector<1x16xf32>,
      %get3A_424 = vector.shape_cast %get3A_423 : vector<1x16xf32> to vector<16xf32>
      %get3A_425 = arith.index_cast %scan3A_398 : i32 to index
      %get3A_426 = arith.constant 16 : index
      %get3A_427 = tpu.vector_load %arg17[%get3A_425, %get3A_426] {strides = array<i32>} : memref<64x128xf32, #tpu.memory_space<vmem>>, vector<1x16xf32>,
      %get3A_428 = vector.shape_cast %get3A_427 : vector<1x16xf32> to vector<16xf32>
      %get3A_429 = arith.index_cast %scan3A_398 : i32 to index
      %get3A_430 = arith.constant 16 : index
      %get3A_431 = tpu.vector_load %arg13[%get3A_429, %get3A_430] {strides = array<i32>} : memref<64x128xf32, #tpu.memory_space<vmem>>, vector<1x16xf32>,
      %get3A_432 = vector.shape_cast %get3A_431 : vector<1x16xf32> to vector<16xf32>
      %mul3A_433 = arith.mulf %get3A_428, %get3A_432 : vector<16xf32>
      %get3A_434 = arith.index_cast %scan3A_398 : i32 to index
      %get3A_435 = arith.constant 16 : index
      %get3A_436 = tpu.vector_load %arg11[%get3A_434, %get3A_435] {strides = array<i32>} : memref<64x128xf32, #tpu.memory_space<vmem>>, vector<1x16xf32>,
      %get3A_437 = vector.shape_cast %get3A_436 : vector<1x16xf32> to vector<16xf32>
      %add3A_438 = arith.addf %mul3A_433, %get3A_437 : vector<16xf32>
      %mul3A_439 = arith.mulf %get3A_424, %add3A_438 : vector<16xf32>
      %swap3A_440 = arith.index_cast %scan3A_398 : i32 to index
      %swap3A_441 = arith.constant 16 : index
      %swap3A_442 = tpu.vector_load %arg19[%swap3A_440, %swap3A_441] {strides = array<i32>} : memref<64x128xf32, #tpu.memory_space<vmem>>, vector<1x16xf32>,
      %swap3A_443 = vector.shape_cast %swap3A_442 : vector<1x16xf32> to vector<16xf32>
      %swap3A_444 = vector.shape_cast %mul3A_439 : vector<16xf32> to vector<1x16xf32>
      tpu.vector_store %arg19[%swap3A_440, %swap3A_441], %swap3A_444 {strides = array<i32>} : memref<64x128xf32, #tpu.memory_space<vmem>>, vector<1x16xf32>,
      %get3A_445 = arith.index_cast %scan3A_398 : i32 to index
      %get3A_446 = arith.constant 32 : index
      %get3A_447 = tpu.vector_load %arg15[%get3A_445, %get3A_446] {strides = array<i32>} : memref<64x128xf32, #tpu.memory_space<vmem>>, vector<1x16xf32>,
      %get3A_448 = vector.shape_cast %get3A_447 : vector<1x16xf32> to vector<16xf32>
      %get3A_449 = arith.index_cast %scan3A_398 : i32 to index
      %get3A_450 = arith.constant 32 : index
      %get3A_451 = tpu.vector_load %arg17[%get3A_449, %get3A_450] {strides = array<i32>} : memref<64x128xf32, #tpu.memory_space<vmem>>, vector<1x16xf32>,
      %get3A_452 = vector.shape_cast %get3A_451 : vector<1x16xf32> to vector<16xf32>
      %get3A_453 = arith.index_cast %scan3A_398 : i32 to index
      %get3A_454 = arith.constant 32 : index
      %get3A_455 = tpu.vector_load %arg13[%get3A_453, %get3A_454] {strides = array<i32>} : memref<64x128xf32, #tpu.memory_space<vmem>>, vector<1x16xf32>,
      %get3A_456 = vector.shape_cast %get3A_455 : vector<1x16xf32> to vector<16xf32>
      %mul3A_457 = arith.mulf %get3A_452, %get3A_456 : vector<16xf32>
      %get3A_458 = arith.index_cast %scan3A_398 : i32 to index
      %get3A_459 = arith.constant 32 : index
      %get3A_460 = tpu.vector_load %arg11[%get3A_458, %get3A_459] {strides = array<i32>} : memref<64x128xf32, #tpu.memory_space<vmem>>, vector<1x16xf32>,
      %get3A_461 = vector.shape_cast %get3A_460 : vector<1x16xf32> to vector<16xf32>
      %add3A_462 = arith.addf %mul3A_457, %get3A_461 : vector<16xf32>
      %mul3A_463 = arith.mulf %get3A_448, %add3A_462 : vector<16xf32>
      %swap3A_464 = arith.index_cast %scan3A_398 : i32 to index
      %swap3A_465 = arith.constant 32 : index
      %swap3A_466 = tpu.vector_load %arg19[%swap3A_464, %swap3A_465] {strides = array<i32>} : memref<64x128xf32, #tpu.memory_space<vmem>>, vector<1x16xf32>,
      %swap3A_467 = vector.shape_cast %swap3A_466 : vector<1x16xf32> to vector<16xf32>
      %swap3A_468 = vector.shape_cast %mul3A_463 : vector<16xf32> to vector<1x16xf32>
      tpu.vector_store %arg19[%swap3A_464, %swap3A_465], %swap3A_468 {strides = array<i32>} : memref<64x128xf32, #tpu.memory_space<vmem>>, vector<1x16xf32>,
      %get3A_469 = arith.index_cast %scan3A_398 : i32 to index
      %get3A_470 = arith.constant 48 : index
      %get3A_471 = tpu.vector_load %arg15[%get3A_469, %get3A_470] {strides = array<i32>} : memref<64x128xf32, #tpu.memory_space<vmem>>, vector<1x16xf32>,
      %get3A_472 = vector.shape_cast %get3A_471 : vector<1x16xf32> to vector<16xf32>
      %get3A_473 = arith.index_cast %scan3A_398 : i32 to index
      %get3A_474 = arith.constant 48 : index
      %get3A_475 = tpu.vector_load %arg17[%get3A_473, %get3A_474] {strides = array<i32>} : memref<64x128xf32, #tpu.memory_space<vmem>>, vector<1x16xf32>,
      %get3A_476 = vector.shape_cast %get3A_475 : vector<1x16xf32> to vector<16xf32>
      %get3A_477 = arith.index_cast %scan3A_398 : i32 to index
      %get3A_478 = arith.constant 48 : index
      %get3A_479 = tpu.vector_load %arg13[%get3A_477, %get3A_478] {strides = array<i32>} : memref<64x128xf32, #tpu.memory_space<vmem>>, vector<1x16xf32>,
      %get3A_480 = vector.shape_cast %get3A_479 : vector<1x16xf32> to vector<16xf32>
      %mul3A_481 = arith.mulf %get3A_476, %get3A_480 : vector<16xf32>
      %get3A_482 = arith.index_cast %scan3A_398 : i32 to index
      %get3A_483 = arith.constant 48 : index
      %get3A_484 = tpu.vector_load %arg11[%get3A_482, %get3A_483] {strides = array<i32>} : memref<64x128xf32, #tpu.memory_space<vmem>>, vector<1x16xf32>,
      %get3A_485 = vector.shape_cast %get3A_484 : vector<1x16xf32> to vector<16xf32>
      %add3A_486 = arith.addf %mul3A_481, %get3A_485 : vector<16xf32>
      %mul3A_487 = arith.mulf %get3A_472, %add3A_486 : vector<16xf32>
      %swap3A_488 = arith.index_cast %scan3A_398 : i32 to index
      %swap3A_489 = arith.constant 48 : index
      %swap3A_490 = tpu.vector_load %arg19[%swap3A_488, %swap3A_489] {strides = array<i32>} : memref<64x128xf32, #tpu.memory_space<vmem>>, vector<1x16xf32>,
      %swap3A_491 = vector.shape_cast %swap3A_490 : vector<1x16xf32> to vector<16xf32>
      %swap3A_492 = vector.shape_cast %mul3A_487 : vector<16xf32> to vector<1x16xf32>
      tpu.vector_store %arg19[%swap3A_488, %swap3A_489], %swap3A_492 {strides = array<i32>} : memref<64x128xf32, #tpu.memory_space<vmem>>, vector<1x16xf32>,
      %get3A_493 = arith.index_cast %scan3A_398 : i32 to index
      %get3A_494 = arith.constant 64 : index
      %get3A_495 = tpu.vector_load %arg15[%get3A_493, %get3A_494] {strides = array<i32>} : memref<64x128xf32, #tpu.memory_space<vmem>>, vector<1x16xf32>,
      %get3A_496 = vector.shape_cast %get3A_495 : vector<1x16xf32> to vector<16xf32>
      %get3A_497 = arith.index_cast %scan3A_398 : i32 to index
      %get3A_498 = arith.constant 64 : index
      %get3A_499 = tpu.vector_load %arg17[%get3A_497, %get3A_498] {strides = array<i32>} : memref<64x128xf32, #tpu.memory_space<vmem>>, vector<1x16xf32>,
      %get3A_500 = vector.shape_cast %get3A_499 : vector<1x16xf32> to vector<16xf32>
      %get3A_501 = arith.index_cast %scan3A_398 : i32 to index
      %get3A_502 = arith.constant 64 : index
      %get3A_503 = tpu.vector_load %arg13[%get3A_501, %get3A_502] {strides = array<i32>} : memref<64x128xf32, #tpu.memory_space<vmem>>, vector<1x16xf32>,
      %get3A_504 = vector.shape_cast %get3A_503 : vector<1x16xf32> to vector<16xf32>
      %mul3A_505 = arith.mulf %get3A_500, %get3A_504 : vector<16xf32>
      %get3A_506 = arith.index_cast %scan3A_398 : i32 to index
      %get3A_507 = arith.constant 64 : index
      %get3A_508 = tpu.vector_load %arg11[%get3A_506, %get3A_507] {strides = array<i32>} : memref<64x128xf32, #tpu.memory_space<vmem>>, vector<1x16xf32>,
      %get3A_509 = vector.shape_cast %get3A_508 : vector<1x16xf32> to vector<16xf32>
      %add3A_510 = arith.addf %mul3A_505, %get3A_509 : vector<16xf32>
      %mul3A_511 = arith.mulf %get3A_496, %add3A_510 : vector<16xf32>
      %swap3A_512 = arith.index_cast %scan3A_398 : i32 to index
      %swap3A_513 = arith.constant 64 : index
      %swap3A_514 = tpu.vector_load %arg19[%swap3A_512, %swap3A_513] {strides = array<i32>} : memref<64x128xf32, #tpu.memory_space<vmem>>, vector<1x16xf32>,
      %swap3A_515 = vector.shape_cast %swap3A_514 : vector<1x16xf32> to vector<16xf32>
      %swap3A_516 = vector.shape_cast %mul3A_511 : vector<16xf32> to vector<1x16xf32>
      tpu.vector_store %arg19[%swap3A_512, %swap3A_513], %swap3A_516 {strides = array<i32>} : memref<64x128xf32, #tpu.memory_space<vmem>>, vector<1x16xf32>,
      %get3A_517 = arith.index_cast %scan3A_398 : i32 to index
      %get3A_518 = arith.constant 80 : index
      %get3A_519 = tpu.vector_load %arg15[%get3A_517, %get3A_518] {strides = array<i32>} : memref<64x128xf32, #tpu.memory_space<vmem>>, vector<1x16xf32>,
      %get3A_520 = vector.shape_cast %get3A_519 : vector<1x16xf32> to vector<16xf32>
      %get3A_521 = arith.index_cast %scan3A_398 : i32 to index
      %get3A_522 = arith.constant 80 : index
      %get3A_523 = tpu.vector_load %arg17[%get3A_521, %get3A_522] {strides = array<i32>} : memref<64x128xf32, #tpu.memory_space<vmem>>, vector<1x16xf32>,
      %get3A_524 = vector.shape_cast %get3A_523 : vector<1x16xf32> to vector<16xf32>
      %get3A_525 = arith.index_cast %scan3A_398 : i32 to index
      %get3A_526 = arith.constant 80 : index
      %get3A_527 = tpu.vector_load %arg13[%get3A_525, %get3A_526] {strides = array<i32>} : memref<64x128xf32, #tpu.memory_space<vmem>>, vector<1x16xf32>,
      %get3A_528 = vector.shape_cast %get3A_527 : vector<1x16xf32> to vector<16xf32>
      %mul3A_529 = arith.mulf %get3A_524, %get3A_528 : vector<16xf32>
      %get3A_530 = arith.index_cast %scan3A_398 : i32 to index
      %get3A_531 = arith.constant 80 : index
      %get3A_532 = tpu.vector_load %arg11[%get3A_530, %get3A_531] {strides = array<i32>} : memref<64x128xf32, #tpu.memory_space<vmem>>, vector<1x16xf32>,
      %get3A_533 = vector.shape_cast %get3A_532 : vector<1x16xf32> to vector<16xf32>
      %add3A_534 = arith.addf %mul3A_529, %get3A_533 : vector<16xf32>
      %mul3A_535 = arith.mulf %get3A_520, %add3A_534 : vector<16xf32>
      %swap3A_536 = arith.index_cast %scan3A_398 : i32 to index
      %swap3A_537 = arith.constant 80 : index
      %swap3A_538 = tpu.vector_load %arg19[%swap3A_536, %swap3A_537] {strides = array<i32>} : memref<64x128xf32, #tpu.memory_space<vmem>>, vector<1x16xf32>,
      %swap3A_539 = vector.shape_cast %swap3A_538 : vector<1x16xf32> to vector<16xf32>
      %swap3A_540 = vector.shape_cast %mul3A_535 : vector<16xf32> to vector<1x16xf32>
      tpu.vector_store %arg19[%swap3A_536, %swap3A_537], %swap3A_540 {strides = array<i32>} : memref<64x128xf32, #tpu.memory_space<vmem>>, vector<1x16xf32>,
      %get3A_541 = arith.index_cast %scan3A_398 : i32 to index
      %get3A_542 = arith.constant 96 : index
      %get3A_543 = tpu.vector_load %arg15[%get3A_541, %get3A_542] {strides = array<i32>} : memref<64x128xf32, #tpu.memory_space<vmem>>, vector<1x16xf32>,
      %get3A_544 = vector.shape_cast %get3A_543 : vector<1x16xf32> to vector<16xf32>
      %get3A_545 = arith.index_cast %scan3A_398 : i32 to index
      %get3A_546 = arith.constant 96 : index
      %get3A_547 = tpu.vector_load %arg17[%get3A_545, %get3A_546] {strides = array<i32>} : memref<64x128xf32, #tpu.memory_space<vmem>>, vector<1x16xf32>,
      %get3A_548 = vector.shape_cast %get3A_547 : vector<1x16xf32> to vector<16xf32>
      %get3A_549 = arith.index_cast %scan3A_398 : i32 to index
      %get3A_550 = arith.constant 96 : index
      %get3A_551 = tpu.vector_load %arg13[%get3A_549, %get3A_550] {strides = array<i32>} : memref<64x128xf32, #tpu.memory_space<vmem>>, vector<1x16xf32>,
      %get3A_552 = vector.shape_cast %get3A_551 : vector<1x16xf32> to vector<16xf32>
      %mul3A_553 = arith.mulf %get3A_548, %get3A_552 : vector<16xf32>
      %get3A_554 = arith.index_cast %scan3A_398 : i32 to index
      %get3A_555 = arith.constant 96 : index
      %get3A_556 = tpu.vector_load %arg11[%get3A_554, %get3A_555] {strides = array<i32>} : memref<64x128xf32, #tpu.memory_space<vmem>>, vector<1x16xf32>,
      %get3A_557 = vector.shape_cast %get3A_556 : vector<1x16xf32> to vector<16xf32>
      %add3A_558 = arith.addf %mul3A_553, %get3A_557 : vector<16xf32>
      %mul3A_559 = arith.mulf %get3A_544, %add3A_558 : vector<16xf32>
      %swap3A_560 = arith.index_cast %scan3A_398 : i32 to index
      %swap3A_561 = arith.constant 96 : index
      %swap3A_562 = tpu.vector_load %arg19[%swap3A_560, %swap3A_561] {strides = array<i32>} : memref<64x128xf32, #tpu.memory_space<vmem>>, vector<1x16xf32>,
      %swap3A_563 = vector.shape_cast %swap3A_562 : vector<1x16xf32> to vector<16xf32>
      %swap3A_564 = vector.shape_cast %mul3A_559 : vector<16xf32> to vector<1x16xf32>
      tpu.vector_store %arg19[%swap3A_560, %swap3A_561], %swap3A_564 {strides = array<i32>} : memref<64x128xf32, #tpu.memory_space<vmem>>, vector<1x16xf32>,
      %get3A_565 = arith.index_cast %scan3A_398 : i32 to index
      %get3A_566 = arith.constant 112 : index
      %get3A_567 = tpu.vector_load %arg15[%get3A_565, %get3A_566] {strides = array<i32>} : memref<64x128xf32, #tpu.memory_space<vmem>>, vector<1x16xf32>,
      %get3A_568 = vector.shape_cast %get3A_567 : vector<1x16xf32> to vector<16xf32>
      %get3A_569 = arith.index_cast %scan3A_398 : i32 to index
      %get3A_570 = arith.constant 112 : index
      %get3A_571 = tpu.vector_load %arg17[%get3A_569, %get3A_570] {strides = array<i32>} : memref<64x128xf32, #tpu.memory_space<vmem>>, vector<1x16xf32>,
      %get3A_572 = vector.shape_cast %get3A_571 : vector<1x16xf32> to vector<16xf32>
      %get3A_573 = arith.index_cast %scan3A_398 : i32 to index
      %get3A_574 = arith.constant 112 : index
      %get3A_575 = tpu.vector_load %arg13[%get3A_573, %get3A_574] {strides = array<i32>} : memref<64x128xf32, #tpu.memory_space<vmem>>, vector<1x16xf32>,
      %get3A_576 = vector.shape_cast %get3A_575 : vector<1x16xf32> to vector<16xf32>
      %mul3A_577 = arith.mulf %get3A_572, %get3A_576 : vector<16xf32>
      %get3A_578 = arith.index_cast %scan3A_398 : i32 to index
      %get3A_579 = arith.constant 112 : index
      %get3A_580 = tpu.vector_load %arg11[%get3A_578, %get3A_579] {strides = array<i32>} : memref<64x128xf32, #tpu.memory_space<vmem>>, vector<1x16xf32>,
      %get3A_581 = vector.shape_cast %get3A_580 : vector<1x16xf32> to vector<16xf32>
      %add3A_582 = arith.addf %mul3A_577, %get3A_581 : vector<16xf32>
      %mul3A_583 = arith.mulf %get3A_568, %add3A_582 : vector<16xf32>
      %swap3A_584 = arith.index_cast %scan3A_398 : i32 to index
      %swap3A_585 = arith.constant 112 : index
      %swap3A_586 = tpu.vector_load %arg19[%swap3A_584, %swap3A_585] {strides = array<i32>} : memref<64x128xf32, #tpu.memory_space<vmem>>, vector<1x16xf32>,
      %swap3A_587 = vector.shape_cast %swap3A_586 : vector<1x16xf32> to vector<16xf32>
      %swap3A_588 = vector.shape_cast %mul3A_583 : vector<16xf32> to vector<1x16xf32>
      tpu.vector_store %arg19[%swap3A_584, %swap3A_585], %swap3A_588 {strides = array<i32>} : memref<64x128xf32, #tpu.memory_space<vmem>>, vector<1x16xf32>,
    }
    %scan3A_123 = arith.constant 64 : i32
    %add3A_124 = arith.constant 64 : i32
    %add3A_125 = arith.addi %mul3A_2, %add3A_124 : i32
    %dma_start3A_126 = arith.constant 0 : i32
    %dma_start3A_127 = tpu.memref_slice %arg7[%add3A_125, %dma_start3A_126] : memref<16384x128xf32, #tpu.memory_space<hbm>> -> memref<64x128xf32, #tpu.memory_space<hbm>>
    %dma_start3A_128 = arith.constant 0 : i32
    %dma_start3A_129 = tpu.memref_slice %arg7[%add3A_125, %dma_start3A_128] : memref<16384x128xf32, #tpu.memory_space<hbm>> -> memref<64x128xf32, #tpu.memory_space<hbm>>
    tpu.enqueue_dma source(%arg19 : memref<64x128xf32, #tpu.memory_space<vmem>>) target(%dma_start3A_129 : memref<64x128xf32, #tpu.memory_space<hbm>>) target_semaphore(%arg33 : memref<!tpu.dma_semaphore, #tpu.memory_space<semaphore_mem>>)
    %add3A_130 = arith.constant 192 : i32
    %add3A_131 = arith.addi %mul3A_2, %add3A_130 : i32
    "tpu.region"() ({
      %run_scoped3A = tpu.sem_alloc : memref<!tpu.dma_semaphore, #tpu.memory_space<semaphore_mem>>
      %dma_start3A_398 = tpu.memref_slice %arg3[%add3A_131] : memref<16384xi32, #tpu.memory_space<hbm>> -> memref<64xi32, #tpu.memory_space<hbm>>
      %dma_start3A_399 = tpu.memref_slice %arg3[%add3A_131] : memref<16384xi32, #tpu.memory_space<hbm>> -> memref<64xi32, #tpu.memory_space<hbm>>
      tpu.enqueue_dma source(%dma_start3A_399 : memref<64xi32, #tpu.memory_space<hbm>>) target(%arg9 : memref<64xi32, #tpu.memory_space<vmem>>) target_semaphore(%run_scoped3A : memref<!tpu.dma_semaphore, #tpu.memory_space<semaphore_mem>>)
      %dma_wait3A_400 = tpu.memref_slice %arg3[%add3A_131] : memref<16384xi32, #tpu.memory_space<hbm>> -> memref<64xi32, #tpu.memory_space<hbm>>
      %dma_wait3A_401 = tpu.memref_slice %arg3[%add3A_131] : memref<16384xi32, #tpu.memory_space<hbm>> -> memref<64xi32, #tpu.memory_space<hbm>>
      tpu.wait_dma2 semaphore(%run_scoped3A : memref<!tpu.dma_semaphore, #tpu.memory_space<semaphore_mem>>) src(%dma_wait3A_401 : memref<64xi32, #tpu.memory_space<hbm>>) dst(%arg9 : memref<64xi32, #tpu.memory_space<vmem>>)
      tpu.yield
    }) : () -> ()
    %dma_start3A_132 = arith.constant 0 : i32
    %dma_start3A_133 = tpu.memref_slice %arg2[%add3A_131, %dma_start3A_132] : memref<16384x128xf32, #tpu.memory_space<hbm>> -> memref<64x128xf32, #tpu.memory_space<hbm>>
    %dma_start3A_134 = arith.constant 0 : i32
    %dma_start3A_135 = tpu.memref_slice %arg2[%add3A_131, %dma_start3A_134] : memref<16384x128xf32, #tpu.memory_space<hbm>> -> memref<64x128xf32, #tpu.memory_space<hbm>>
    tpu.enqueue_dma source(%dma_start3A_135 : memref<64x128xf32, #tpu.memory_space<hbm>>) target(%arg15 : memref<64x128xf32, #tpu.memory_space<vmem>>) target_semaphore(%arg29 : memref<!tpu.dma_semaphore, #tpu.memory_space<semaphore_mem>>)
    %dma_start3A_136 = arith.constant 0 : i32
    %dma_start3A_137 = tpu.memref_slice %arg6[%add3A_131, %dma_start3A_136] : memref<16384x128xf32, #tpu.memory_space<hbm>> -> memref<64x128xf32, #tpu.memory_space<hbm>>
    %dma_start3A_138 = arith.constant 0 : i32
    %dma_start3A_139 = tpu.memref_slice %arg6[%add3A_131, %dma_start3A_138] : memref<16384x128xf32, #tpu.memory_space<hbm>> -> memref<64x128xf32, #tpu.memory_space<hbm>>
    tpu.enqueue_dma source(%dma_start3A_139 : memref<64x128xf32, #tpu.memory_space<hbm>>) target(%arg17 : memref<64x128xf32, #tpu.memory_space<vmem>>) target_semaphore(%arg31 : memref<!tpu.dma_semaphore, #tpu.memory_space<semaphore_mem>>)
    %dma_start3A_140 = arith.constant 0 : i32
    %dma_start3A_141 = arith.constant 0 : i32
    %dma_start3A_142 = tpu.memref_slice %arg22[%dma_start3A_140, %dma_start3A_141] : memref<1000x128xf32, #tpu.memory_space<vmem_shared>> -> memref<1000x128xf32, #tpu.memory_space<vmem_shared>>
    tpu.enqueue_indirect_dma source(%dma_start3A_142 : memref<1000x128xf32, #tpu.memory_space<vmem_shared>>) target(%arg11 : memref<64x128xf32, #tpu.memory_space<vmem>>) offsets(%arg9 : memref<64xi32, #tpu.memory_space<vmem>>) semaphore(%arg25 : memref<!tpu.dma_semaphore, #tpu.memory_space<semaphore_mem>>)
    %dma_start3A_143 = arith.constant 0 : i32
    %dma_start3A_144 = arith.constant 0 : i32
    %dma_start3A_145 = tpu.memref_slice %arg23[%dma_start3A_143, %dma_start3A_144] : memref<1000x128xf32, #tpu.memory_space<vmem_shared>> -> memref<1000x128xf32, #tpu.memory_space<vmem_shared>>
    tpu.enqueue_indirect_dma source(%dma_start3A_145 : memref<1000x128xf32, #tpu.memory_space<vmem_shared>>) target(%arg13 : memref<64x128xf32, #tpu.memory_space<vmem>>) offsets(%arg9 : memref<64xi32, #tpu.memory_space<vmem>>) semaphore(%arg27 : memref<!tpu.dma_semaphore, #tpu.memory_space<semaphore_mem>>)
    %dma_wait3A_146 = arith.constant 0 : i32
    %dma_wait3A_147 = tpu.memref_slice %arg2[%add3A_89, %dma_wait3A_146] : memref<16384x128xf32, #tpu.memory_space<hbm>> -> memref<64x128xf32, #tpu.memory_space<hbm>>
    %dma_wait3A_148 = arith.constant 0 : i32
    %dma_wait3A_149 = tpu.memref_slice %arg2[%add3A_89, %dma_wait3A_148] : memref<16384x128xf32, #tpu.memory_space<hbm>> -> memref<64x128xf32, #tpu.memory_space<hbm>>
    tpu.wait_dma2 semaphore(%arg28 : memref<!tpu.dma_semaphore, #tpu.memory_space<semaphore_mem>>) src(%dma_wait3A_149 : memref<64x128xf32, #tpu.memory_space<hbm>>) dst(%arg14 : memref<64x128xf32, #tpu.memory_space<vmem>>)
    %dma_wait3A_150 = arith.constant 0 : i32
    %dma_wait3A_151 = tpu.memref_slice %arg6[%add3A_89, %dma_wait3A_150] : memref<16384x128xf32, #tpu.memory_space<hbm>> -> memref<64x128xf32, #tpu.memory_space<hbm>>
    %dma_wait3A_152 = arith.constant 0 : i32
    %dma_wait3A_153 = tpu.memref_slice %arg6[%add3A_89, %dma_wait3A_152] : memref<16384x128xf32, #tpu.memory_space<hbm>> -> memref<64x128xf32, #tpu.memory_space<hbm>>
    tpu.wait_dma2 semaphore(%arg30 : memref<!tpu.dma_semaphore, #tpu.memory_space<semaphore_mem>>) src(%dma_wait3A_153 : memref<64x128xf32, #tpu.memory_space<hbm>>) dst(%arg16 : memref<64x128xf32, #tpu.memory_space<vmem>>)
    %dma_wait3A_154 = arith.constant 0 : i32
    %dma_wait3A_155 = arith.constant 0 : i32
    %dma_wait3A_156 = tpu.memref_slice %arg22[%dma_wait3A_154, %dma_wait3A_155] : memref<1000x128xf32, #tpu.memory_space<vmem_shared>> -> memref<1000x128xf32, #tpu.memory_space<vmem_shared>>
    tpu.wait_indirect_dma semaphore(%arg24 : memref<!tpu.dma_semaphore, #tpu.memory_space<semaphore_mem>>) src(%dma_wait3A_156 : memref<1000x128xf32, #tpu.memory_space<vmem_shared>>) dst(%arg10 : memref<64x128xf32, #tpu.memory_space<vmem>>)
    %dma_wait3A_157 = arith.constant 0 : i32
    %dma_wait3A_158 = arith.constant 0 : i32
    %dma_wait3A_159 = tpu.memref_slice %arg23[%dma_wait3A_157, %dma_wait3A_158] : memref<1000x128xf32, #tpu.memory_space<vmem_shared>> -> memref<1000x128xf32, #tpu.memory_space<vmem_shared>>
    tpu.wait_indirect_dma semaphore(%arg26 : memref<!tpu.dma_semaphore, #tpu.memory_space<semaphore_mem>>) src(%dma_wait3A_159 : memref<1000x128xf32, #tpu.memory_space<vmem_shared>>) dst(%arg12 : memref<64x128xf32, #tpu.memory_space<vmem>>)
    %dma_wait3A_160 = arith.constant 0 : i32
    %dma_wait3A_161 = tpu.memref_slice %arg7[%add3A_83, %dma_wait3A_160] : memref<16384x128xf32, #tpu.memory_space<hbm>> -> memref<64x128xf32, #tpu.memory_space<hbm>>
    %dma_wait3A_162 = arith.constant 0 : i32
    %dma_wait3A_163 = tpu.memref_slice %arg7[%add3A_83, %dma_wait3A_162] : memref<16384x128xf32, #tpu.memory_space<hbm>> -> memref<64x128xf32, #tpu.memory_space<hbm>>
    tpu.wait_dma2 semaphore(%arg32 : memref<!tpu.dma_semaphore, #tpu.memory_space<semaphore_mem>>) src(%arg18 : memref<64x128xf32, #tpu.memory_space<vmem>>) dst(%dma_wait3A_163 : memref<64x128xf32, #tpu.memory_space<hbm>>)
    %scan3A_164 = arith.constant 0 : i32
    %scan3A_165 = arith.constant 0 : i32
    %scan3A_166 = arith.constant 64 : i32
    %scan3A_167 = arith.addi %scan3A_165, %scan3A_166 : i32
    %scan3A_168 = arith.constant 1 : i32
    scf.for %scan3A_398 = %scan3A_165 to %scan3A_167 step %scan3A_168  : i32 {
      %get3A = arith.index_cast %scan3A_398 : i32 to index
      %get3A_399 = arith.constant 0 : index
      %get3A_400 = tpu.vector_load %arg14[%get3A, %get3A_399] {strides = array<i32>} : memref<64x128xf32, #tpu.memory_space<vmem>>, vector<1x16xf32>,
      %get3A_401 = vector.shape_cast %get3A_400 : vector<1x16xf32> to vector<16xf32>
      %get3A_402 = arith.index_cast %scan3A_398 : i32 to index
      %get3A_403 = arith.constant 0 : index
      %get3A_404 = tpu.vector_load %arg16[%get3A_402, %get3A_403] {strides = array<i32>} : memref<64x128xf32, #tpu.memory_space<vmem>>, vector<1x16xf32>,
      %get3A_405 = vector.shape_cast %get3A_404 : vector<1x16xf32> to vector<16xf32>
      %get3A_406 = arith.index_cast %scan3A_398 : i32 to index
      %get3A_407 = arith.constant 0 : index
      %get3A_408 = tpu.vector_load %arg12[%get3A_406, %get3A_407] {strides = array<i32>} : memref<64x128xf32, #tpu.memory_space<vmem>>, vector<1x16xf32>,
      %get3A_409 = vector.shape_cast %get3A_408 : vector<1x16xf32> to vector<16xf32>
      %mul3A_410 = arith.mulf %get3A_405, %get3A_409 : vector<16xf32>
      %get3A_411 = arith.index_cast %scan3A_398 : i32 to index
      %get3A_412 = arith.constant 0 : index
      %get3A_413 = tpu.vector_load %arg10[%get3A_411, %get3A_412] {strides = array<i32>} : memref<64x128xf32, #tpu.memory_space<vmem>>, vector<1x16xf32>,
      %get3A_414 = vector.shape_cast %get3A_413 : vector<1x16xf32> to vector<16xf32>
      %add3A_415 = arith.addf %mul3A_410, %get3A_414 : vector<16xf32>
      %mul3A_416 = arith.mulf %get3A_401, %add3A_415 : vector<16xf32>
      %swap3A = arith.index_cast %scan3A_398 : i32 to index
      %swap3A_417 = arith.constant 0 : index
      %swap3A_418 = tpu.vector_load %arg18[%swap3A, %swap3A_417] {strides = array<i32>} : memref<64x128xf32, #tpu.memory_space<vmem>>, vector<1x16xf32>,
      %swap3A_419 = vector.shape_cast %swap3A_418 : vector<1x16xf32> to vector<16xf32>
      %swap3A_420 = vector.shape_cast %mul3A_416 : vector<16xf32> to vector<1x16xf32>
      tpu.vector_store %arg18[%swap3A, %swap3A_417], %swap3A_420 {strides = array<i32>} : memref<64x128xf32, #tpu.memory_space<vmem>>, vector<1x16xf32>,
      %get3A_421 = arith.index_cast %scan3A_398 : i32 to index
      %get3A_422 = arith.constant 16 : index
      %get3A_423 = tpu.vector_load %arg14[%get3A_421, %get3A_422] {strides = array<i32>} : memref<64x128xf32, #tpu.memory_space<vmem>>, vector<1x16xf32>,
      %get3A_424 = vector.shape_cast %get3A_423 : vector<1x16xf32> to vector<16xf32>
      %get3A_425 = arith.index_cast %scan3A_398 : i32 to index
      %get3A_426 = arith.constant 16 : index
      %get3A_427 = tpu.vector_load %arg16[%get3A_425, %get3A_426] {strides = array<i32>} : memref<64x128xf32, #tpu.memory_space<vmem>>, vector<1x16xf32>,
      %get3A_428 = vector.shape_cast %get3A_427 : vector<1x16xf32> to vector<16xf32>
      %get3A_429 = arith.index_cast %scan3A_398 : i32 to index
      %get3A_430 = arith.constant 16 : index
      %get3A_431 = tpu.vector_load %arg12[%get3A_429, %get3A_430] {strides = array<i32>} : memref<64x128xf32, #tpu.memory_space<vmem>>, vector<1x16xf32>,
      %get3A_432 = vector.shape_cast %get3A_431 : vector<1x16xf32> to vector<16xf32>
      %mul3A_433 = arith.mulf %get3A_428, %get3A_432 : vector<16xf32>
      %get3A_434 = arith.index_cast %scan3A_398 : i32 to index
      %get3A_435 = arith.constant 16 : index
      %get3A_436 = tpu.vector_load %arg10[%get3A_434, %get3A_435] {strides = array<i32>} : memref<64x128xf32, #tpu.memory_space<vmem>>, vector<1x16xf32>,
      %get3A_437 = vector.shape_cast %get3A_436 : vector<1x16xf32> to vector<16xf32>
      %add3A_438 = arith.addf %mul3A_433, %get3A_437 : vector<16xf32>
      %mul3A_439 = arith.mulf %get3A_424, %add3A_438 : vector<16xf32>
      %swap3A_440 = arith.index_cast %scan3A_398 : i32 to index
      %swap3A_441 = arith.constant 16 : index
      %swap3A_442 = tpu.vector_load %arg18[%swap3A_440, %swap3A_441] {strides = array<i32>} : memref<64x128xf32, #tpu.memory_space<vmem>>, vector<1x16xf32>,
      %swap3A_443 = vector.shape_cast %swap3A_442 : vector<1x16xf32> to vector<16xf32>
      %swap3A_444 = vector.shape_cast %mul3A_439 : vector<16xf32> to vector<1x16xf32>
      tpu.vector_store %arg18[%swap3A_440, %swap3A_441], %swap3A_444 {strides = array<i32>} : memref<64x128xf32, #tpu.memory_space<vmem>>, vector<1x16xf32>,
      %get3A_445 = arith.index_cast %scan3A_398 : i32 to index
      %get3A_446 = arith.constant 32 : index
      %get3A_447 = tpu.vector_load %arg14[%get3A_445, %get3A_446] {strides = array<i32>} : memref<64x128xf32, #tpu.memory_space<vmem>>, vector<1x16xf32>,
      %get3A_448 = vector.shape_cast %get3A_447 : vector<1x16xf32> to vector<16xf32>
      %get3A_449 = arith.index_cast %scan3A_398 : i32 to index
      %get3A_450 = arith.constant 32 : index
      %get3A_451 = tpu.vector_load %arg16[%get3A_449, %get3A_450] {strides = array<i32>} : memref<64x128xf32, #tpu.memory_space<vmem>>, vector<1x16xf32>,
      %get3A_452 = vector.shape_cast %get3A_451 : vector<1x16xf32> to vector<16xf32>
      %get3A_453 = arith.index_cast %scan3A_398 : i32 to index
      %get3A_454 = arith.constant 32 : index
      %get3A_455 = tpu.vector_load %arg12[%get3A_453, %get3A_454] {strides = array<i32>} : memref<64x128xf32, #tpu.memory_space<vmem>>, vector<1x16xf32>,
      %get3A_456 = vector.shape_cast %get3A_455 : vector<1x16xf32> to vector<16xf32>
      %mul3A_457 = arith.mulf %get3A_452, %get3A_456 : vector<16xf32>
      %get3A_458 = arith.index_cast %scan3A_398 : i32 to index
      %get3A_459 = arith.constant 32 : index
      %get3A_460 = tpu.vector_load %arg10[%get3A_458, %get3A_459] {strides = array<i32>} : memref<64x128xf32, #tpu.memory_space<vmem>>, vector<1x16xf32>,
      %get3A_461 = vector.shape_cast %get3A_460 : vector<1x16xf32> to vector<16xf32>
      %add3A_462 = arith.addf %mul3A_457, %get3A_461 : vector<16xf32>
      %mul3A_463 = arith.mulf %get3A_448, %add3A_462 : vector<16xf32>
      %swap3A_464 = arith.index_cast %scan3A_398 : i32 to index
      %swap3A_465 = arith.constant 32 : index
      %swap3A_466 = tpu.vector_load %arg18[%swap3A_464, %swap3A_465] {strides = array<i32>} : memref<64x128xf32, #tpu.memory_space<vmem>>, vector<1x16xf32>,
      %swap3A_467 = vector.shape_cast %swap3A_466 : vector<1x16xf32> to vector<16xf32>
      %swap3A_468 = vector.shape_cast %mul3A_463 : vector<16xf32> to vector<1x16xf32>
      tpu.vector_store %arg18[%swap3A_464, %swap3A_465], %swap3A_468 {strides = array<i32>} : memref<64x128xf32, #tpu.memory_space<vmem>>, vector<1x16xf32>,
      %get3A_469 = arith.index_cast %scan3A_398 : i32 to index
      %get3A_470 = arith.constant 48 : index
      %get3A_471 = tpu.vector_load %arg14[%get3A_469, %get3A_470] {strides = array<i32>} : memref<64x128xf32, #tpu.memory_space<vmem>>, vector<1x16xf32>,
      %get3A_472 = vector.shape_cast %get3A_471 : vector<1x16xf32> to vector<16xf32>
      %get3A_473 = arith.index_cast %scan3A_398 : i32 to index
      %get3A_474 = arith.constant 48 : index
      %get3A_475 = tpu.vector_load %arg16[%get3A_473, %get3A_474] {strides = array<i32>} : memref<64x128xf32, #tpu.memory_space<vmem>>, vector<1x16xf32>,
      %get3A_476 = vector.shape_cast %get3A_475 : vector<1x16xf32> to vector<16xf32>
      %get3A_477 = arith.index_cast %scan3A_398 : i32 to index
      %get3A_478 = arith.constant 48 : index
      %get3A_479 = tpu.vector_load %arg12[%get3A_477, %get3A_478] {strides = array<i32>} : memref<64x128xf32, #tpu.memory_space<vmem>>, vector<1x16xf32>,
      %get3A_480 = vector.shape_cast %get3A_479 : vector<1x16xf32> to vector<16xf32>
      %mul3A_481 = arith.mulf %get3A_476, %get3A_480 : vector<16xf32>
      %get3A_482 = arith.index_cast %scan3A_398 : i32 to index
      %get3A_483 = arith.constant 48 : index
      %get3A_484 = tpu.vector_load %arg10[%get3A_482, %get3A_483] {strides = array<i32>} : memref<64x128xf32, #tpu.memory_space<vmem>>, vector<1x16xf32>,
      %get3A_485 = vector.shape_cast %get3A_484 : vector<1x16xf32> to vector<16xf32>
      %add3A_486 = arith.addf %mul3A_481, %get3A_485 : vector<16xf32>
      %mul3A_487 = arith.mulf %get3A_472, %add3A_486 : vector<16xf32>
      %swap3A_488 = arith.index_cast %scan3A_398 : i32 to index
      %swap3A_489 = arith.constant 48 : index
      %swap3A_490 = tpu.vector_load %arg18[%swap3A_488, %swap3A_489] {strides = array<i32>} : memref<64x128xf32, #tpu.memory_space<vmem>>, vector<1x16xf32>,
      %swap3A_491 = vector.shape_cast %swap3A_490 : vector<1x16xf32> to vector<16xf32>
      %swap3A_492 = vector.shape_cast %mul3A_487 : vector<16xf32> to vector<1x16xf32>
      tpu.vector_store %arg18[%swap3A_488, %swap3A_489], %swap3A_492 {strides = array<i32>} : memref<64x128xf32, #tpu.memory_space<vmem>>, vector<1x16xf32>,
      %get3A_493 = arith.index_cast %scan3A_398 : i32 to index
      %get3A_494 = arith.constant 64 : index
      %get3A_495 = tpu.vector_load %arg14[%get3A_493, %get3A_494] {strides = array<i32>} : memref<64x128xf32, #tpu.memory_space<vmem>>, vector<1x16xf32>,
      %get3A_496 = vector.shape_cast %get3A_495 : vector<1x16xf32> to vector<16xf32>
      %get3A_497 = arith.index_cast %scan3A_398 : i32 to index
      %get3A_498 = arith.constant 64 : index
      %get3A_499 = tpu.vector_load %arg16[%get3A_497, %get3A_498] {strides = array<i32>} : memref<64x128xf32, #tpu.memory_space<vmem>>, vector<1x16xf32>,
      %get3A_500 = vector.shape_cast %get3A_499 : vector<1x16xf32> to vector<16xf32>
      %get3A_501 = arith.index_cast %scan3A_398 : i32 to index
      %get3A_502 = arith.constant 64 : index
      %get3A_503 = tpu.vector_load %arg12[%get3A_501, %get3A_502] {strides = array<i32>} : memref<64x128xf32, #tpu.memory_space<vmem>>, vector<1x16xf32>,
      %get3A_504 = vector.shape_cast %get3A_503 : vector<1x16xf32> to vector<16xf32>
      %mul3A_505 = arith.mulf %get3A_500, %get3A_504 : vector<16xf32>
      %get3A_506 = arith.index_cast %scan3A_398 : i32 to index
      %get3A_507 = arith.constant 64 : index
      %get3A_508 = tpu.vector_load %arg10[%get3A_506, %get3A_507] {strides = array<i32>} : memref<64x128xf32, #tpu.memory_space<vmem>>, vector<1x16xf32>,
      %get3A_509 = vector.shape_cast %get3A_508 : vector<1x16xf32> to vector<16xf32>
      %add3A_510 = arith.addf %mul3A_505, %get3A_509 : vector<16xf32>
      %mul3A_511 = arith.mulf %get3A_496, %add3A_510 : vector<16xf32>
      %swap3A_512 = arith.index_cast %scan3A_398 : i32 to index
      %swap3A_513 = arith.constant 64 : index
      %swap3A_514 = tpu.vector_load %arg18[%swap3A_512, %swap3A_513] {strides = array<i32>} : memref<64x128xf32, #tpu.memory_space<vmem>>, vector<1x16xf32>,
      %swap3A_515 = vector.shape_cast %swap3A_514 : vector<1x16xf32> to vector<16xf32>
      %swap3A_516 = vector.shape_cast %mul3A_511 : vector<16xf32> to vector<1x16xf32>
      tpu.vector_store %arg18[%swap3A_512, %swap3A_513], %swap3A_516 {strides = array<i32>} : memref<64x128xf32, #tpu.memory_space<vmem>>, vector<1x16xf32>,
      %get3A_517 = arith.index_cast %scan3A_398 : i32 to index
      %get3A_518 = arith.constant 80 : index
      %get3A_519 = tpu.vector_load %arg14[%get3A_517, %get3A_518] {strides = array<i32>} : memref<64x128xf32, #tpu.memory_space<vmem>>, vector<1x16xf32>,
      %get3A_520 = vector.shape_cast %get3A_519 : vector<1x16xf32> to vector<16xf32>
      %get3A_521 = arith.index_cast %scan3A_398 : i32 to index
      %get3A_522 = arith.constant 80 : index
      %get3A_523 = tpu.vector_load %arg16[%get3A_521, %get3A_522] {strides = array<i32>} : memref<64x128xf32, #tpu.memory_space<vmem>>, vector<1x16xf32>,
      %get3A_524 = vector.shape_cast %get3A_523 : vector<1x16xf32> to vector<16xf32>
      %get3A_525 = arith.index_cast %scan3A_398 : i32 to index
      %get3A_526 = arith.constant 80 : index
      %get3A_527 = tpu.vector_load %arg12[%get3A_525, %get3A_526] {strides = array<i32>} : memref<64x128xf32, #tpu.memory_space<vmem>>, vector<1x16xf32>,
      %get3A_528 = vector.shape_cast %get3A_527 : vector<1x16xf32> to vector<16xf32>
      %mul3A_529 = arith.mulf %get3A_524, %get3A_528 : vector<16xf32>
      %get3A_530 = arith.index_cast %scan3A_398 : i32 to index
      %get3A_531 = arith.constant 80 : index
      %get3A_532 = tpu.vector_load %arg10[%get3A_530, %get3A_531] {strides = array<i32>} : memref<64x128xf32, #tpu.memory_space<vmem>>, vector<1x16xf32>,
      %get3A_533 = vector.shape_cast %get3A_532 : vector<1x16xf32> to vector<16xf32>
      %add3A_534 = arith.addf %mul3A_529, %get3A_533 : vector<16xf32>
      %mul3A_535 = arith.mulf %get3A_520, %add3A_534 : vector<16xf32>
      %swap3A_536 = arith.index_cast %scan3A_398 : i32 to index
      %swap3A_537 = arith.constant 80 : index
      %swap3A_538 = tpu.vector_load %arg18[%swap3A_536, %swap3A_537] {strides = array<i32>} : memref<64x128xf32, #tpu.memory_space<vmem>>, vector<1x16xf32>,
      %swap3A_539 = vector.shape_cast %swap3A_538 : vector<1x16xf32> to vector<16xf32>
      %swap3A_540 = vector.shape_cast %mul3A_535 : vector<16xf32> to vector<1x16xf32>
      tpu.vector_store %arg18[%swap3A_536, %swap3A_537], %swap3A_540 {strides = array<i32>} : memref<64x128xf32, #tpu.memory_space<vmem>>, vector<1x16xf32>,
      %get3A_541 = arith.index_cast %scan3A_398 : i32 to index
      %get3A_542 = arith.constant 96 : index
      %get3A_543 = tpu.vector_load %arg14[%get3A_541, %get3A_542] {strides = array<i32>} : memref<64x128xf32, #tpu.memory_space<vmem>>, vector<1x16xf32>,
      %get3A_544 = vector.shape_cast %get3A_543 : vector<1x16xf32> to vector<16xf32>
      %get3A_545 = arith.index_cast %scan3A_398 : i32 to index
      %get3A_546 = arith.constant 96 : index
      %get3A_547 = tpu.vector_load %arg16[%get3A_545, %get3A_546] {strides = array<i32>} : memref<64x128xf32, #tpu.memory_space<vmem>>, vector<1x16xf32>,
      %get3A_548 = vector.shape_cast %get3A_547 : vector<1x16xf32> to vector<16xf32>
      %get3A_549 = arith.index_cast %scan3A_398 : i32 to index
      %get3A_550 = arith.constant 96 : index
      %get3A_551 = tpu.vector_load %arg12[%get3A_549, %get3A_550] {strides = array<i32>} : memref<64x128xf32, #tpu.memory_space<vmem>>, vector<1x16xf32>,
      %get3A_552 = vector.shape_cast %get3A_551 : vector<1x16xf32> to vector<16xf32>
      %mul3A_553 = arith.mulf %get3A_548, %get3A_552 : vector<16xf32>
      %get3A_554 = arith.index_cast %scan3A_398 : i32 to index
      %get3A_555 = arith.constant 96 : index
      %get3A_556 = tpu.vector_load %arg10[%get3A_554, %get3A_555] {strides = array<i32>} : memref<64x128xf32, #tpu.memory_space<vmem>>, vector<1x16xf32>,
      %get3A_557 = vector.shape_cast %get3A_556 : vector<1x16xf32> to vector<16xf32>
      %add3A_558 = arith.addf %mul3A_553, %get3A_557 : vector<16xf32>
      %mul3A_559 = arith.mulf %get3A_544, %add3A_558 : vector<16xf32>
      %swap3A_560 = arith.index_cast %scan3A_398 : i32 to index
      %swap3A_561 = arith.constant 96 : index
      %swap3A_562 = tpu.vector_load %arg18[%swap3A_560, %swap3A_561] {strides = array<i32>} : memref<64x128xf32, #tpu.memory_space<vmem>>, vector<1x16xf32>,
      %swap3A_563 = vector.shape_cast %swap3A_562 : vector<1x16xf32> to vector<16xf32>
      %swap3A_564 = vector.shape_cast %mul3A_559 : vector<16xf32> to vector<1x16xf32>
      tpu.vector_store %arg18[%swap3A_560, %swap3A_561], %swap3A_564 {strides = array<i32>} : memref<64x128xf32, #tpu.memory_space<vmem>>, vector<1x16xf32>,
      %get3A_565 = arith.index_cast %scan3A_398 : i32 to index
      %get3A_566 = arith.constant 112 : index
      %get3A_567 = tpu.vector_load %arg14[%get3A_565, %get3A_566] {strides = array<i32>} : memref<64x128xf32, #tpu.memory_space<vmem>>, vector<1x16xf32>,
      %get3A_568 = vector.shape_cast %get3A_567 : vector<1x16xf32> to vector<16xf32>
      %get3A_569 = arith.index_cast %scan3A_398 : i32 to index
      %get3A_570 = arith.constant 112 : index
      %get3A_571 = tpu.vector_load %arg16[%get3A_569, %get3A_570] {strides = array<i32>} : memref<64x128xf32, #tpu.memory_space<vmem>>, vector<1x16xf32>,
      %get3A_572 = vector.shape_cast %get3A_571 : vector<1x16xf32> to vector<16xf32>
      %get3A_573 = arith.index_cast %scan3A_398 : i32 to index
      %get3A_574 = arith.constant 112 : index
      %get3A_575 = tpu.vector_load %arg12[%get3A_573, %get3A_574] {strides = array<i32>} : memref<64x128xf32, #tpu.memory_space<vmem>>, vector<1x16xf32>,
      %get3A_576 = vector.shape_cast %get3A_575 : vector<1x16xf32> to vector<16xf32>
      %mul3A_577 = arith.mulf %get3A_572, %get3A_576 : vector<16xf32>
      %get3A_578 = arith.index_cast %scan3A_398 : i32 to index
      %get3A_579 = arith.constant 112 : index
      %get3A_580 = tpu.vector_load %arg10[%get3A_578, %get3A_579] {strides = array<i32>} : memref<64x128xf32, #tpu.memory_space<vmem>>, vector<1x16xf32>,
      %get3A_581 = vector.shape_cast %get3A_580 : vector<1x16xf32> to vector<16xf32>
      %add3A_582 = arith.addf %mul3A_577, %get3A_581 : vector<16xf32>
      %mul3A_583 = arith.mulf %get3A_568, %add3A_582 : vector<16xf32>
      %swap3A_584 = arith.index_cast %scan3A_398 : i32 to index
      %swap3A_585 = arith.constant 112 : index
      %swap3A_586 = tpu.vector_load %arg18[%swap3A_584, %swap3A_585] {strides = array<i32>} : memref<64x128xf32, #tpu.memory_space<vmem>>, vector<1x16xf32>,
      %swap3A_587 = vector.shape_cast %swap3A_586 : vector<1x16xf32> to vector<16xf32>
      %swap3A_588 = vector.shape_cast %mul3A_583 : vector<16xf32> to vector<1x16xf32>
      tpu.vector_store %arg18[%swap3A_584, %swap3A_585], %swap3A_588 {strides = array<i32>} : memref<64x128xf32, #tpu.memory_space<vmem>>, vector<1x16xf32>,
    }
    %scan3A_169 = arith.constant 64 : i32
    %add3A_170 = arith.constant 128 : i32
    %add3A_171 = arith.addi %mul3A_2, %add3A_170 : i32
    %dma_start3A_172 = arith.constant 0 : i32
    %dma_start3A_173 = tpu.memref_slice %arg7[%add3A_171, %dma_start3A_172] : memref<16384x128xf32, #tpu.memory_space<hbm>> -> memref<64x128xf32, #tpu.memory_space<hbm>>
    %dma_start3A_174 = arith.constant 0 : i32
    %dma_start3A_175 = tpu.memref_slice %arg7[%add3A_171, %dma_start3A_174] : memref<16384x128xf32, #tpu.memory_space<hbm>> -> memref<64x128xf32, #tpu.memory_space<hbm>>
    tpu.enqueue_dma source(%arg18 : memref<64x128xf32, #tpu.memory_space<vmem>>) target(%dma_start3A_175 : memref<64x128xf32, #tpu.memory_space<hbm>>) target_semaphore(%arg32 : memref<!tpu.dma_semaphore, #tpu.memory_space<semaphore_mem>>)
    %add3A_176 = arith.constant 256 : i32
    %add3A_177 = arith.addi %mul3A_2, %add3A_176 : i32
    "tpu.region"() ({
      %run_scoped3A = tpu.sem_alloc : memref<!tpu.dma_semaphore, #tpu.memory_space<semaphore_mem>>
      %dma_start3A_398 = tpu.memref_slice %arg3[%add3A_177] : memref<16384xi32, #tpu.memory_space<hbm>> -> memref<64xi32, #tpu.memory_space<hbm>>
      %dma_start3A_399 = tpu.memref_slice %arg3[%add3A_177] : memref<16384xi32, #tpu.memory_space<hbm>> -> memref<64xi32, #tpu.memory_space<hbm>>
      tpu.enqueue_dma source(%dma_start3A_399 : memref<64xi32, #tpu.memory_space<hbm>>) target(%arg8 : memref<64xi32, #tpu.memory_space<vmem>>) target_semaphore(%run_scoped3A : memref<!tpu.dma_semaphore, #tpu.memory_space<semaphore_mem>>)
      %dma_wait3A_400 = tpu.memref_slice %arg3[%add3A_177] : memref<16384xi32, #tpu.memory_space<hbm>> -> memref<64xi32, #tpu.memory_space<hbm>>
      %dma_wait3A_401 = tpu.memref_slice %arg3[%add3A_177] : memref<16384xi32, #tpu.memory_space<hbm>> -> memref<64xi32, #tpu.memory_space<hbm>>
      tpu.wait_dma2 semaphore(%run_scoped3A : memref<!tpu.dma_semaphore, #tpu.memory_space<semaphore_mem>>) src(%dma_wait3A_401 : memref<64xi32, #tpu.memory_space<hbm>>) dst(%arg8 : memref<64xi32, #tpu.memory_space<vmem>>)
      tpu.yield
    }) : () -> ()
    %dma_start3A_178 = arith.constant 0 : i32
    %dma_start3A_179 = tpu.memref_slice %arg2[%add3A_177, %dma_start3A_178] : memref<16384x128xf32, #tpu.memory_space<hbm>> -> memref<64x128xf32, #tpu.memory_space<hbm>>
    %dma_start3A_180 = arith.constant 0 : i32
    %dma_start3A_181 = tpu.memref_slice %arg2[%add3A_177, %dma_start3A_180] : memref<16384x128xf32, #tpu.memory_space<hbm>> -> memref<64x128xf32, #tpu.memory_space<hbm>>
    tpu.enqueue_dma source(%dma_start3A_181 : memref<64x128xf32, #tpu.memory_space<hbm>>) target(%arg14 : memref<64x128xf32, #tpu.memory_space<vmem>>) target_semaphore(%arg28 : memref<!tpu.dma_semaphore, #tpu.memory_space<semaphore_mem>>)
    %dma_start3A_182 = arith.constant 0 : i32
    %dma_start3A_183 = tpu.memref_slice %arg6[%add3A_177, %dma_start3A_182] : memref<16384x128xf32, #tpu.memory_space<hbm>> -> memref<64x128xf32, #tpu.memory_space<hbm>>
    %dma_start3A_184 = arith.constant 0 : i32
    %dma_start3A_185 = tpu.memref_slice %arg6[%add3A_177, %dma_start3A_184] : memref<16384x128xf32, #tpu.memory_space<hbm>> -> memref<64x128xf32, #tpu.memory_space<hbm>>
    tpu.enqueue_dma source(%dma_start3A_185 : memref<64x128xf32, #tpu.memory_space<hbm>>) target(%arg16 : memref<64x128xf32, #tpu.memory_space<vmem>>) target_semaphore(%arg30 : memref<!tpu.dma_semaphore, #tpu.memory_space<semaphore_mem>>)
    %dma_start3A_186 = arith.constant 0 : i32
    %dma_start3A_187 = arith.constant 0 : i32
    %dma_start3A_188 = tpu.memref_slice %arg22[%dma_start3A_186, %dma_start3A_187] : memref<1000x128xf32, #tpu.memory_space<vmem_shared>> -> memref<1000x128xf32, #tpu.memory_space<vmem_shared>>
    tpu.enqueue_indirect_dma source(%dma_start3A_188 : memref<1000x128xf32, #tpu.memory_space<vmem_shared>>) target(%arg10 : memref<64x128xf32, #tpu.memory_space<vmem>>) offsets(%arg8 : memref<64xi32, #tpu.memory_space<vmem>>) semaphore(%arg24 : memref<!tpu.dma_semaphore, #tpu.memory_space<semaphore_mem>>)
    %dma_start3A_189 = arith.constant 0 : i32
    %dma_start3A_190 = arith.constant 0 : i32
    %dma_start3A_191 = tpu.memref_slice %arg23[%dma_start3A_189, %dma_start3A_190] : memref<1000x128xf32, #tpu.memory_space<vmem_shared>> -> memref<1000x128xf32, #tpu.memory_space<vmem_shared>>
    tpu.enqueue_indirect_dma source(%dma_start3A_191 : memref<1000x128xf32, #tpu.memory_space<vmem_shared>>) target(%arg12 : memref<64x128xf32, #tpu.memory_space<vmem>>) offsets(%arg8 : memref<64xi32, #tpu.memory_space<vmem>>) semaphore(%arg26 : memref<!tpu.dma_semaphore, #tpu.memory_space<semaphore_mem>>)
    %dma_wait3A_192 = arith.constant 0 : i32
    %dma_wait3A_193 = tpu.memref_slice %arg2[%add3A_131, %dma_wait3A_192] : memref<16384x128xf32, #tpu.memory_space<hbm>> -> memref<64x128xf32, #tpu.memory_space<hbm>>
    %dma_wait3A_194 = arith.constant 0 : i32
    %dma_wait3A_195 = tpu.memref_slice %arg2[%add3A_131, %dma_wait3A_194] : memref<16384x128xf32, #tpu.memory_space<hbm>> -> memref<64x128xf32, #tpu.memory_space<hbm>>
    tpu.wait_dma2 semaphore(%arg29 : memref<!tpu.dma_semaphore, #tpu.memory_space<semaphore_mem>>) src(%dma_wait3A_195 : memref<64x128xf32, #tpu.memory_space<hbm>>) dst(%arg15 : memref<64x128xf32, #tpu.memory_space<vmem>>)
    %dma_wait3A_196 = arith.constant 0 : i32
    %dma_wait3A_197 = tpu.memref_slice %arg6[%add3A_131, %dma_wait3A_196] : memref<16384x128xf32, #tpu.memory_space<hbm>> -> memref<64x128xf32, #tpu.memory_space<hbm>>
    %dma_wait3A_198 = arith.constant 0 : i32
    %dma_wait3A_199 = tpu.memref_slice %arg6[%add3A_131, %dma_wait3A_198] : memref<16384x128xf32, #tpu.memory_space<hbm>> -> memref<64x128xf32, #tpu.memory_space<hbm>>
    tpu.wait_dma2 semaphore(%arg31 : memref<!tpu.dma_semaphore, #tpu.memory_space<semaphore_mem>>) src(%dma_wait3A_199 : memref<64x128xf32, #tpu.memory_space<hbm>>) dst(%arg17 : memref<64x128xf32, #tpu.memory_space<vmem>>)
    %dma_wait3A_200 = arith.constant 0 : i32
    %dma_wait3A_201 = arith.constant 0 : i32
    %dma_wait3A_202 = tpu.memref_slice %arg22[%dma_wait3A_200, %dma_wait3A_201] : memref<1000x128xf32, #tpu.memory_space<vmem_shared>> -> memref<1000x128xf32, #tpu.memory_space<vmem_shared>>
    tpu.wait_indirect_dma semaphore(%arg25 : memref<!tpu.dma_semaphore, #tpu.memory_space<semaphore_mem>>) src(%dma_wait3A_202 : memref<1000x128xf32, #tpu.memory_space<vmem_shared>>) dst(%arg11 : memref<64x128xf32, #tpu.memory_space<vmem>>)
    %dma_wait3A_203 = arith.constant 0 : i32
    %dma_wait3A_204 = arith.constant 0 : i32
    %dma_wait3A_205 = tpu.memref_slice %arg23[%dma_wait3A_203, %dma_wait3A_204] : memref<1000x128xf32, #tpu.memory_space<vmem_shared>> -> memref<1000x128xf32, #tpu.memory_space<vmem_shared>>
    tpu.wait_indirect_dma semaphore(%arg27 : memref<!tpu.dma_semaphore, #tpu.memory_space<semaphore_mem>>) src(%dma_wait3A_205 : memref<1000x128xf32, #tpu.memory_space<vmem_shared>>) dst(%arg13 : memref<64x128xf32, #tpu.memory_space<vmem>>)
    %dma_wait3A_206 = arith.constant 0 : i32
    %dma_wait3A_207 = tpu.memref_slice %arg7[%add3A_125, %dma_wait3A_206] : memref<16384x128xf32, #tpu.memory_space<hbm>> -> memref<64x128xf32, #tpu.memory_space<hbm>>
    %dma_wait3A_208 = arith.constant 0 : i32
    %dma_wait3A_209 = tpu.memref_slice %arg7[%add3A_125, %dma_wait3A_208] : memref<16384x128xf32, #tpu.memory_space<hbm>> -> memref<64x128xf32, #tpu.memory_space<hbm>>
    tpu.wait_dma2 semaphore(%arg33 : memref<!tpu.dma_semaphore, #tpu.memory_space<semaphore_mem>>) src(%arg19 : memref<64x128xf32, #tpu.memory_space<vmem>>) dst(%dma_wait3A_209 : memref<64x128xf32, #tpu.memory_space<hbm>>)
    %scan3A_210 = arith.constant 0 : i32
    %scan3A_211 = arith.constant 0 : i32
    %scan3A_212 = arith.constant 64 : i32
    %scan3A_213 = arith.addi %scan3A_211, %scan3A_212 : i32
    %scan3A_214 = arith.constant 1 : i32
    scf.for %scan3A_398 = %scan3A_211 to %scan3A_213 step %scan3A_214  : i32 {
      %get3A = arith.index_cast %scan3A_398 : i32 to index
      %get3A_399 = arith.constant 0 : index
      %get3A_400 = tpu.vector_load %arg15[%get3A, %get3A_399] {strides = array<i32>} : memref<64x128xf32, #tpu.memory_space<vmem>>, vector<1x16xf32>,
      %get3A_401 = vector.shape_cast %get3A_400 : vector<1x16xf32> to vector<16xf32>
      %get3A_402 = arith.index_cast %scan3A_398 : i32 to index
      %get3A_403 = arith.constant 0 : index
      %get3A_404 = tpu.vector_load %arg17[%get3A_402, %get3A_403] {strides = array<i32>} : memref<64x128xf32, #tpu.memory_space<vmem>>, vector<1x16xf32>,
      %get3A_405 = vector.shape_cast %get3A_404 : vector<1x16xf32> to vector<16xf32>
      %get3A_406 = arith.index_cast %scan3A_398 : i32 to index
      %get3A_407 = arith.constant 0 : index
      %get3A_408 = tpu.vector_load %arg13[%get3A_406, %get3A_407] {strides = array<i32>} : memref<64x128xf32, #tpu.memory_space<vmem>>, vector<1x16xf32>,
      %get3A_409 = vector.shape_cast %get3A_408 : vector<1x16xf32> to vector<16xf32>
      %mul3A_410 = arith.mulf %get3A_405, %get3A_409 : vector<16xf32>
      %get3A_411 = arith.index_cast %scan3A_398 : i32 to index
      %get3A_412 = arith.constant 0 : index
      %get3A_413 = tpu.vector_load %arg11[%get3A_411, %get3A_412] {strides = array<i32>} : memref<64x128xf32, #tpu.memory_space<vmem>>, vector<1x16xf32>,
      %get3A_414 = vector.shape_cast %get3A_413 : vector<1x16xf32> to vector<16xf32>
      %add3A_415 = arith.addf %mul3A_410, %get3A_414 : vector<16xf32>
      %mul3A_416 = arith.mulf %get3A_401, %add3A_415 : vector<16xf32>
      %swap3A = arith.index_cast %scan3A_398 : i32 to index
      %swap3A_417 = arith.constant 0 : index
      %swap3A_418 = tpu.vector_load %arg19[%swap3A, %swap3A_417] {strides = array<i32>} : memref<64x128xf32, #tpu.memory_space<vmem>>, vector<1x16xf32>,
      %swap3A_419 = vector.shape_cast %swap3A_418 : vector<1x16xf32> to vector<16xf32>
      %swap3A_420 = vector.shape_cast %mul3A_416 : vector<16xf32> to vector<1x16xf32>
      tpu.vector_store %arg19[%swap3A, %swap3A_417], %swap3A_420 {strides = array<i32>} : memref<64x128xf32, #tpu.memory_space<vmem>>, vector<1x16xf32>,
      %get3A_421 = arith.index_cast %scan3A_398 : i32 to index
      %get3A_422 = arith.constant 16 : index
      %get3A_423 = tpu.vector_load %arg15[%get3A_421, %get3A_422] {strides = array<i32>} : memref<64x128xf32, #tpu.memory_space<vmem>>, vector<1x16xf32>,
      %get3A_424 = vector.shape_cast %get3A_423 : vector<1x16xf32> to vector<16xf32>
      %get3A_425 = arith.index_cast %scan3A_398 : i32 to index
      %get3A_426 = arith.constant 16 : index
      %get3A_427 = tpu.vector_load %arg17[%get3A_425, %get3A_426] {strides = array<i32>} : memref<64x128xf32, #tpu.memory_space<vmem>>, vector<1x16xf32>,
      %get3A_428 = vector.shape_cast %get3A_427 : vector<1x16xf32> to vector<16xf32>
      %get3A_429 = arith.index_cast %scan3A_398 : i32 to index
      %get3A_430 = arith.constant 16 : index
      %get3A_431 = tpu.vector_load %arg13[%get3A_429, %get3A_430] {strides = array<i32>} : memref<64x128xf32, #tpu.memory_space<vmem>>, vector<1x16xf32>,
      %get3A_432 = vector.shape_cast %get3A_431 : vector<1x16xf32> to vector<16xf32>
      %mul3A_433 = arith.mulf %get3A_428, %get3A_432 : vector<16xf32>
      %get3A_434 = arith.index_cast %scan3A_398 : i32 to index
      %get3A_435 = arith.constant 16 : index
      %get3A_436 = tpu.vector_load %arg11[%get3A_434, %get3A_435] {strides = array<i32>} : memref<64x128xf32, #tpu.memory_space<vmem>>, vector<1x16xf32>,
      %get3A_437 = vector.shape_cast %get3A_436 : vector<1x16xf32> to vector<16xf32>
      %add3A_438 = arith.addf %mul3A_433, %get3A_437 : vector<16xf32>
      %mul3A_439 = arith.mulf %get3A_424, %add3A_438 : vector<16xf32>
      %swap3A_440 = arith.index_cast %scan3A_398 : i32 to index
      %swap3A_441 = arith.constant 16 : index
      %swap3A_442 = tpu.vector_load %arg19[%swap3A_440, %swap3A_441] {strides = array<i32>} : memref<64x128xf32, #tpu.memory_space<vmem>>, vector<1x16xf32>,
      %swap3A_443 = vector.shape_cast %swap3A_442 : vector<1x16xf32> to vector<16xf32>
      %swap3A_444 = vector.shape_cast %mul3A_439 : vector<16xf32> to vector<1x16xf32>
      tpu.vector_store %arg19[%swap3A_440, %swap3A_441], %swap3A_444 {strides = array<i32>} : memref<64x128xf32, #tpu.memory_space<vmem>>, vector<1x16xf32>,
      %get3A_445 = arith.index_cast %scan3A_398 : i32 to index
      %get3A_446 = arith.constant 32 : index
      %get3A_447 = tpu.vector_load %arg15[%get3A_445, %get3A_446] {strides = array<i32>} : memref<64x128xf32, #tpu.memory_space<vmem>>, vector<1x16xf32>,
      %get3A_448 = vector.shape_cast %get3A_447 : vector<1x16xf32> to vector<16xf32>
      %get3A_449 = arith.index_cast %scan3A_398 : i32 to index
      %get3A_450 = arith.constant 32 : index
      %get3A_451 = tpu.vector_load %arg17[%get3A_449, %get3A_450] {strides = array<i32>} : memref<64x128xf32, #tpu.memory_space<vmem>>, vector<1x16xf32>,
      %get3A_452 = vector.shape_cast %get3A_451 : vector<1x16xf32> to vector<16xf32>
      %get3A_453 = arith.index_cast %scan3A_398 : i32 to index
      %get3A_454 = arith.constant 32 : index
      %get3A_455 = tpu.vector_load %arg13[%get3A_453, %get3A_454] {strides = array<i32>} : memref<64x128xf32, #tpu.memory_space<vmem>>, vector<1x16xf32>,
      %get3A_456 = vector.shape_cast %get3A_455 : vector<1x16xf32> to vector<16xf32>
      %mul3A_457 = arith.mulf %get3A_452, %get3A_456 : vector<16xf32>
      %get3A_458 = arith.index_cast %scan3A_398 : i32 to index
      %get3A_459 = arith.constant 32 : index
      %get3A_460 = tpu.vector_load %arg11[%get3A_458, %get3A_459] {strides = array<i32>} : memref<64x128xf32, #tpu.memory_space<vmem>>, vector<1x16xf32>,
      %get3A_461 = vector.shape_cast %get3A_460 : vector<1x16xf32> to vector<16xf32>
      %add3A_462 = arith.addf %mul3A_457, %get3A_461 : vector<16xf32>
      %mul3A_463 = arith.mulf %get3A_448, %add3A_462 : vector<16xf32>
      %swap3A_464 = arith.index_cast %scan3A_398 : i32 to index
      %swap3A_465 = arith.constant 32 : index
      %swap3A_466 = tpu.vector_load %arg19[%swap3A_464, %swap3A_465] {strides = array<i32>} : memref<64x128xf32, #tpu.memory_space<vmem>>, vector<1x16xf32>,
      %swap3A_467 = vector.shape_cast %swap3A_466 : vector<1x16xf32> to vector<16xf32>
      %swap3A_468 = vector.shape_cast %mul3A_463 : vector<16xf32> to vector<1x16xf32>
      tpu.vector_store %arg19[%swap3A_464, %swap3A_465], %swap3A_468 {strides = array<i32>} : memref<64x128xf32, #tpu.memory_space<vmem>>, vector<1x16xf32>,
      %get3A_469 = arith.index_cast %scan3A_398 : i32 to index
      %get3A_470 = arith.constant 48 : index
      %get3A_471 = tpu.vector_load %arg15[%get3A_469, %get3A_470] {strides = array<i32>} : memref<64x128xf32, #tpu.memory_space<vmem>>, vector<1x16xf32>,
      %get3A_472 = vector.shape_cast %get3A_471 : vector<1x16xf32> to vector<16xf32>
      %get3A_473 = arith.index_cast %scan3A_398 : i32 to index
      %get3A_474 = arith.constant 48 : index
      %get3A_475 = tpu.vector_load %arg17[%get3A_473, %get3A_474] {strides = array<i32>} : memref<64x128xf32, #tpu.memory_space<vmem>>, vector<1x16xf32>,
      %get3A_476 = vector.shape_cast %get3A_475 : vector<1x16xf32> to vector<16xf32>
      %get3A_477 = arith.index_cast %scan3A_398 : i32 to index
      %get3A_478 = arith.constant 48 : index
      %get3A_479 = tpu.vector_load %arg13[%get3A_477, %get3A_478] {strides = array<i32>} : memref<64x128xf32, #tpu.memory_space<vmem>>, vector<1x16xf32>,
      %get3A_480 = vector.shape_cast %get3A_479 : vector<1x16xf32> to vector<16xf32>
      %mul3A_481 = arith.mulf %get3A_476, %get3A_480 : vector<16xf32>
      %get3A_482 = arith.index_cast %scan3A_398 : i32 to index
      %get3A_483 = arith.constant 48 : index
      %get3A_484 = tpu.vector_load %arg11[%get3A_482, %get3A_483] {strides = array<i32>} : memref<64x128xf32, #tpu.memory_space<vmem>>, vector<1x16xf32>,
      %get3A_485 = vector.shape_cast %get3A_484 : vector<1x16xf32> to vector<16xf32>
      %add3A_486 = arith.addf %mul3A_481, %get3A_485 : vector<16xf32>
      %mul3A_487 = arith.mulf %get3A_472, %add3A_486 : vector<16xf32>
      %swap3A_488 = arith.index_cast %scan3A_398 : i32 to index
      %swap3A_489 = arith.constant 48 : index
      %swap3A_490 = tpu.vector_load %arg19[%swap3A_488, %swap3A_489] {strides = array<i32>} : memref<64x128xf32, #tpu.memory_space<vmem>>, vector<1x16xf32>,
      %swap3A_491 = vector.shape_cast %swap3A_490 : vector<1x16xf32> to vector<16xf32>
      %swap3A_492 = vector.shape_cast %mul3A_487 : vector<16xf32> to vector<1x16xf32>
      tpu.vector_store %arg19[%swap3A_488, %swap3A_489], %swap3A_492 {strides = array<i32>} : memref<64x128xf32, #tpu.memory_space<vmem>>, vector<1x16xf32>,
      %get3A_493 = arith.index_cast %scan3A_398 : i32 to index
      %get3A_494 = arith.constant 64 : index
      %get3A_495 = tpu.vector_load %arg15[%get3A_493, %get3A_494] {strides = array<i32>} : memref<64x128xf32, #tpu.memory_space<vmem>>, vector<1x16xf32>,
      %get3A_496 = vector.shape_cast %get3A_495 : vector<1x16xf32> to vector<16xf32>
      %get3A_497 = arith.index_cast %scan3A_398 : i32 to index
      %get3A_498 = arith.constant 64 : index
      %get3A_499 = tpu.vector_load %arg17[%get3A_497, %get3A_498] {strides = array<i32>} : memref<64x128xf32, #tpu.memory_space<vmem>>, vector<1x16xf32>,
      %get3A_500 = vector.shape_cast %get3A_499 : vector<1x16xf32> to vector<16xf32>
      %get3A_501 = arith.index_cast %scan3A_398 : i32 to index
      %get3A_502 = arith.constant 64 : index
      %get3A_503 = tpu.vector_load %arg13[%get3A_501, %get3A_502] {strides = array<i32>} : memref<64x128xf32, #tpu.memory_space<vmem>>, vector<1x16xf32>,
      %get3A_504 = vector.shape_cast %get3A_503 : vector<1x16xf32> to vector<16xf32>
      %mul3A_505 = arith.mulf %get3A_500, %get3A_504 : vector<16xf32>
      %get3A_506 = arith.index_cast %scan3A_398 : i32 to index
      %get3A_507 = arith.constant 64 : index
      %get3A_508 = tpu.vector_load %arg11[%get3A_506, %get3A_507] {strides = array<i32>} : memref<64x128xf32, #tpu.memory_space<vmem>>, vector<1x16xf32>,
      %get3A_509 = vector.shape_cast %get3A_508 : vector<1x16xf32> to vector<16xf32>
      %add3A_510 = arith.addf %mul3A_505, %get3A_509 : vector<16xf32>
      %mul3A_511 = arith.mulf %get3A_496, %add3A_510 : vector<16xf32>
      %swap3A_512 = arith.index_cast %scan3A_398 : i32 to index
      %swap3A_513 = arith.constant 64 : index
      %swap3A_514 = tpu.vector_load %arg19[%swap3A_512, %swap3A_513] {strides = array<i32>} : memref<64x128xf32, #tpu.memory_space<vmem>>, vector<1x16xf32>,
      %swap3A_515 = vector.shape_cast %swap3A_514 : vector<1x16xf32> to vector<16xf32>
      %swap3A_516 = vector.shape_cast %mul3A_511 : vector<16xf32> to vector<1x16xf32>
      tpu.vector_store %arg19[%swap3A_512, %swap3A_513], %swap3A_516 {strides = array<i32>} : memref<64x128xf32, #tpu.memory_space<vmem>>, vector<1x16xf32>,
      %get3A_517 = arith.index_cast %scan3A_398 : i32 to index
      %get3A_518 = arith.constant 80 : index
      %get3A_519 = tpu.vector_load %arg15[%get3A_517, %get3A_518] {strides = array<i32>} : memref<64x128xf32, #tpu.memory_space<vmem>>, vector<1x16xf32>,
      %get3A_520 = vector.shape_cast %get3A_519 : vector<1x16xf32> to vector<16xf32>
      %get3A_521 = arith.index_cast %scan3A_398 : i32 to index
      %get3A_522 = arith.constant 80 : index
      %get3A_523 = tpu.vector_load %arg17[%get3A_521, %get3A_522] {strides = array<i32>} : memref<64x128xf32, #tpu.memory_space<vmem>>, vector<1x16xf32>,
      %get3A_524 = vector.shape_cast %get3A_523 : vector<1x16xf32> to vector<16xf32>
      %get3A_525 = arith.index_cast %scan3A_398 : i32 to index
      %get3A_526 = arith.constant 80 : index
      %get3A_527 = tpu.vector_load %arg13[%get3A_525, %get3A_526] {strides = array<i32>} : memref<64x128xf32, #tpu.memory_space<vmem>>, vector<1x16xf32>,
      %get3A_528 = vector.shape_cast %get3A_527 : vector<1x16xf32> to vector<16xf32>
      %mul3A_529 = arith.mulf %get3A_524, %get3A_528 : vector<16xf32>
      %get3A_530 = arith.index_cast %scan3A_398 : i32 to index
      %get3A_531 = arith.constant 80 : index
      %get3A_532 = tpu.vector_load %arg11[%get3A_530, %get3A_531] {strides = array<i32>} : memref<64x128xf32, #tpu.memory_space<vmem>>, vector<1x16xf32>,
      %get3A_533 = vector.shape_cast %get3A_532 : vector<1x16xf32> to vector<16xf32>
      %add3A_534 = arith.addf %mul3A_529, %get3A_533 : vector<16xf32>
      %mul3A_535 = arith.mulf %get3A_520, %add3A_534 : vector<16xf32>
      %swap3A_536 = arith.index_cast %scan3A_398 : i32 to index
      %swap3A_537 = arith.constant 80 : index
      %swap3A_538 = tpu.vector_load %arg19[%swap3A_536, %swap3A_537] {strides = array<i32>} : memref<64x128xf32, #tpu.memory_space<vmem>>, vector<1x16xf32>,
      %swap3A_539 = vector.shape_cast %swap3A_538 : vector<1x16xf32> to vector<16xf32>
      %swap3A_540 = vector.shape_cast %mul3A_535 : vector<16xf32> to vector<1x16xf32>
      tpu.vector_store %arg19[%swap3A_536, %swap3A_537], %swap3A_540 {strides = array<i32>} : memref<64x128xf32, #tpu.memory_space<vmem>>, vector<1x16xf32>,
      %get3A_541 = arith.index_cast %scan3A_398 : i32 to index
      %get3A_542 = arith.constant 96 : index
      %get3A_543 = tpu.vector_load %arg15[%get3A_541, %get3A_542] {strides = array<i32>} : memref<64x128xf32, #tpu.memory_space<vmem>>, vector<1x16xf32>,
      %get3A_544 = vector.shape_cast %get3A_543 : vector<1x16xf32> to vector<16xf32>
      %get3A_545 = arith.index_cast %scan3A_398 : i32 to index
      %get3A_546 = arith.constant 96 : index
      %get3A_547 = tpu.vector_load %arg17[%get3A_545, %get3A_546] {strides = array<i32>} : memref<64x128xf32, #tpu.memory_space<vmem>>, vector<1x16xf32>,
      %get3A_548 = vector.shape_cast %get3A_547 : vector<1x16xf32> to vector<16xf32>
      %get3A_549 = arith.index_cast %scan3A_398 : i32 to index
      %get3A_550 = arith.constant 96 : index
      %get3A_551 = tpu.vector_load %arg13[%get3A_549, %get3A_550] {strides = array<i32>} : memref<64x128xf32, #tpu.memory_space<vmem>>, vector<1x16xf32>,
      %get3A_552 = vector.shape_cast %get3A_551 : vector<1x16xf32> to vector<16xf32>
      %mul3A_553 = arith.mulf %get3A_548, %get3A_552 : vector<16xf32>
      %get3A_554 = arith.index_cast %scan3A_398 : i32 to index
      %get3A_555 = arith.constant 96 : index
      %get3A_556 = tpu.vector_load %arg11[%get3A_554, %get3A_555] {strides = array<i32>} : memref<64x128xf32, #tpu.memory_space<vmem>>, vector<1x16xf32>,
      %get3A_557 = vector.shape_cast %get3A_556 : vector<1x16xf32> to vector<16xf32>
      %add3A_558 = arith.addf %mul3A_553, %get3A_557 : vector<16xf32>
      %mul3A_559 = arith.mulf %get3A_544, %add3A_558 : vector<16xf32>
      %swap3A_560 = arith.index_cast %scan3A_398 : i32 to index
      %swap3A_561 = arith.constant 96 : index
      %swap3A_562 = tpu.vector_load %arg19[%swap3A_560, %swap3A_561] {strides = array<i32>} : memref<64x128xf32, #tpu.memory_space<vmem>>, vector<1x16xf32>,
      %swap3A_563 = vector.shape_cast %swap3A_562 : vector<1x16xf32> to vector<16xf32>
      %swap3A_564 = vector.shape_cast %mul3A_559 : vector<16xf32> to vector<1x16xf32>
      tpu.vector_store %arg19[%swap3A_560, %swap3A_561], %swap3A_564 {strides = array<i32>} : memref<64x128xf32, #tpu.memory_space<vmem>>, vector<1x16xf32>,
      %get3A_565 = arith.index_cast %scan3A_398 : i32 to index
      %get3A_566 = arith.constant 112 : index
      %get3A_567 = tpu.vector_load %arg15[%get3A_565, %get3A_566] {strides = array<i32>} : memref<64x128xf32, #tpu.memory_space<vmem>>, vector<1x16xf32>,
      %get3A_568 = vector.shape_cast %get3A_567 : vector<1x16xf32> to vector<16xf32>
      %get3A_569 = arith.index_cast %scan3A_398 : i32 to index
      %get3A_570 = arith.constant 112 : index
      %get3A_571 = tpu.vector_load %arg17[%get3A_569, %get3A_570] {strides = array<i32>} : memref<64x128xf32, #tpu.memory_space<vmem>>, vector<1x16xf32>,
      %get3A_572 = vector.shape_cast %get3A_571 : vector<1x16xf32> to vector<16xf32>
      %get3A_573 = arith.index_cast %scan3A_398 : i32 to index
      %get3A_574 = arith.constant 112 : index
      %get3A_575 = tpu.vector_load %arg13[%get3A_573, %get3A_574] {strides = array<i32>} : memref<64x128xf32, #tpu.memory_space<vmem>>, vector<1x16xf32>,
      %get3A_576 = vector.shape_cast %get3A_575 : vector<1x16xf32> to vector<16xf32>
      %mul3A_577 = arith.mulf %get3A_572, %get3A_576 : vector<16xf32>
      %get3A_578 = arith.index_cast %scan3A_398 : i32 to index
      %get3A_579 = arith.constant 112 : index
      %get3A_580 = tpu.vector_load %arg11[%get3A_578, %get3A_579] {strides = array<i32>} : memref<64x128xf32, #tpu.memory_space<vmem>>, vector<1x16xf32>,
      %get3A_581 = vector.shape_cast %get3A_580 : vector<1x16xf32> to vector<16xf32>
      %add3A_582 = arith.addf %mul3A_577, %get3A_581 : vector<16xf32>
      %mul3A_583 = arith.mulf %get3A_568, %add3A_582 : vector<16xf32>
      %swap3A_584 = arith.index_cast %scan3A_398 : i32 to index
      %swap3A_585 = arith.constant 112 : index
      %swap3A_586 = tpu.vector_load %arg19[%swap3A_584, %swap3A_585] {strides = array<i32>} : memref<64x128xf32, #tpu.memory_space<vmem>>, vector<1x16xf32>,
      %swap3A_587 = vector.shape_cast %swap3A_586 : vector<1x16xf32> to vector<16xf32>
      %swap3A_588 = vector.shape_cast %mul3A_583 : vector<16xf32> to vector<1x16xf32>
      tpu.vector_store %arg19[%swap3A_584, %swap3A_585], %swap3A_588 {strides = array<i32>} : memref<64x128xf32, #tpu.memory_space<vmem>>, vector<1x16xf32>,
    }
    %scan3A_215 = arith.constant 64 : i32
    %add3A_216 = arith.constant 192 : i32
    %add3A_217 = arith.addi %mul3A_2, %add3A_216 : i32
    %dma_start3A_218 = arith.constant 0 : i32
    %dma_start3A_219 = tpu.memref_slice %arg7[%add3A_217, %dma_start3A_218] : memref<16384x128xf32, #tpu.memory_space<hbm>> -> memref<64x128xf32, #tpu.memory_space<hbm>>
    %dma_start3A_220 = arith.constant 0 : i32
    %dma_start3A_221 = tpu.memref_slice %arg7[%add3A_217, %dma_start3A_220] : memref<16384x128xf32, #tpu.memory_space<hbm>> -> memref<64x128xf32, #tpu.memory_space<hbm>>
    tpu.enqueue_dma source(%arg19 : memref<64x128xf32, #tpu.memory_space<vmem>>) target(%dma_start3A_221 : memref<64x128xf32, #tpu.memory_space<hbm>>) target_semaphore(%arg33 : memref<!tpu.dma_semaphore, #tpu.memory_space<semaphore_mem>>)
    %add3A_222 = arith.constant 320 : i32
    %add3A_223 = arith.addi %mul3A_2, %add3A_222 : i32
    "tpu.region"() ({
      %run_scoped3A = tpu.sem_alloc : memref<!tpu.dma_semaphore, #tpu.memory_space<semaphore_mem>>
      %dma_start3A_398 = tpu.memref_slice %arg3[%add3A_223] : memref<16384xi32, #tpu.memory_space<hbm>> -> memref<64xi32, #tpu.memory_space<hbm>>
      %dma_start3A_399 = tpu.memref_slice %arg3[%add3A_223] : memref<16384xi32, #tpu.memory_space<hbm>> -> memref<64xi32, #tpu.memory_space<hbm>>
      tpu.enqueue_dma source(%dma_start3A_399 : memref<64xi32, #tpu.memory_space<hbm>>) target(%arg9 : memref<64xi32, #tpu.memory_space<vmem>>) target_semaphore(%run_scoped3A : memref<!tpu.dma_semaphore, #tpu.memory_space<semaphore_mem>>)
      %dma_wait3A_400 = tpu.memref_slice %arg3[%add3A_223] : memref<16384xi32, #tpu.memory_space<hbm>> -> memref<64xi32, #tpu.memory_space<hbm>>
      %dma_wait3A_401 = tpu.memref_slice %arg3[%add3A_223] : memref<16384xi32, #tpu.memory_space<hbm>> -> memref<64xi32, #tpu.memory_space<hbm>>
      tpu.wait_dma2 semaphore(%run_scoped3A : memref<!tpu.dma_semaphore, #tpu.memory_space<semaphore_mem>>) src(%dma_wait3A_401 : memref<64xi32, #tpu.memory_space<hbm>>) dst(%arg9 : memref<64xi32, #tpu.memory_space<vmem>>)
      tpu.yield
    }) : () -> ()
    %dma_start3A_224 = arith.constant 0 : i32
    %dma_start3A_225 = tpu.memref_slice %arg2[%add3A_223, %dma_start3A_224] : memref<16384x128xf32, #tpu.memory_space<hbm>> -> memref<64x128xf32, #tpu.memory_space<hbm>>
    %dma_start3A_226 = arith.constant 0 : i32
    %dma_start3A_227 = tpu.memref_slice %arg2[%add3A_223, %dma_start3A_226] : memref<16384x128xf32, #tpu.memory_space<hbm>> -> memref<64x128xf32, #tpu.memory_space<hbm>>
    tpu.enqueue_dma source(%dma_start3A_227 : memref<64x128xf32, #tpu.memory_space<hbm>>) target(%arg15 : memref<64x128xf32, #tpu.memory_space<vmem>>) target_semaphore(%arg29 : memref<!tpu.dma_semaphore, #tpu.memory_space<semaphore_mem>>)
    %dma_start3A_228 = arith.constant 0 : i32
    %dma_start3A_229 = tpu.memref_slice %arg6[%add3A_223, %dma_start3A_228] : memref<16384x128xf32, #tpu.memory_space<hbm>> -> memref<64x128xf32, #tpu.memory_space<hbm>>
    %dma_start3A_230 = arith.constant 0 : i32
    %dma_start3A_231 = tpu.memref_slice %arg6[%add3A_223, %dma_start3A_230] : memref<16384x128xf32, #tpu.memory_space<hbm>> -> memref<64x128xf32, #tpu.memory_space<hbm>>
    tpu.enqueue_dma source(%dma_start3A_231 : memref<64x128xf32, #tpu.memory_space<hbm>>) target(%arg17 : memref<64x128xf32, #tpu.memory_space<vmem>>) target_semaphore(%arg31 : memref<!tpu.dma_semaphore, #tpu.memory_space<semaphore_mem>>)
    %dma_start3A_232 = arith.constant 0 : i32
    %dma_start3A_233 = arith.constant 0 : i32
    %dma_start3A_234 = tpu.memref_slice %arg22[%dma_start3A_232, %dma_start3A_233] : memref<1000x128xf32, #tpu.memory_space<vmem_shared>> -> memref<1000x128xf32, #tpu.memory_space<vmem_shared>>
    tpu.enqueue_indirect_dma source(%dma_start3A_234 : memref<1000x128xf32, #tpu.memory_space<vmem_shared>>) target(%arg11 : memref<64x128xf32, #tpu.memory_space<vmem>>) offsets(%arg9 : memref<64xi32, #tpu.memory_space<vmem>>) semaphore(%arg25 : memref<!tpu.dma_semaphore, #tpu.memory_space<semaphore_mem>>)
    %dma_start3A_235 = arith.constant 0 : i32
    %dma_start3A_236 = arith.constant 0 : i32
    %dma_start3A_237 = tpu.memref_slice %arg23[%dma_start3A_235, %dma_start3A_236] : memref<1000x128xf32, #tpu.memory_space<vmem_shared>> -> memref<1000x128xf32, #tpu.memory_space<vmem_shared>>
    tpu.enqueue_indirect_dma source(%dma_start3A_237 : memref<1000x128xf32, #tpu.memory_space<vmem_shared>>) target(%arg13 : memref<64x128xf32, #tpu.memory_space<vmem>>) offsets(%arg9 : memref<64xi32, #tpu.memory_space<vmem>>) semaphore(%arg27 : memref<!tpu.dma_semaphore, #tpu.memory_space<semaphore_mem>>)
    %dma_wait3A_238 = arith.constant 0 : i32
    %dma_wait3A_239 = tpu.memref_slice %arg2[%add3A_177, %dma_wait3A_238] : memref<16384x128xf32, #tpu.memory_space<hbm>> -> memref<64x128xf32, #tpu.memory_space<hbm>>
    %dma_wait3A_240 = arith.constant 0 : i32
    %dma_wait3A_241 = tpu.memref_slice %arg2[%add3A_177, %dma_wait3A_240] : memref<16384x128xf32, #tpu.memory_space<hbm>> -> memref<64x128xf32, #tpu.memory_space<hbm>>
    tpu.wait_dma2 semaphore(%arg28 : memref<!tpu.dma_semaphore, #tpu.memory_space<semaphore_mem>>) src(%dma_wait3A_241 : memref<64x128xf32, #tpu.memory_space<hbm>>) dst(%arg14 : memref<64x128xf32, #tpu.memory_space<vmem>>)
    %dma_wait3A_242 = arith.constant 0 : i32
    %dma_wait3A_243 = tpu.memref_slice %arg6[%add3A_177, %dma_wait3A_242] : memref<16384x128xf32, #tpu.memory_space<hbm>> -> memref<64x128xf32, #tpu.memory_space<hbm>>
    %dma_wait3A_244 = arith.constant 0 : i32
    %dma_wait3A_245 = tpu.memref_slice %arg6[%add3A_177, %dma_wait3A_244] : memref<16384x128xf32, #tpu.memory_space<hbm>> -> memref<64x128xf32, #tpu.memory_space<hbm>>
    tpu.wait_dma2 semaphore(%arg30 : memref<!tpu.dma_semaphore, #tpu.memory_space<semaphore_mem>>) src(%dma_wait3A_245 : memref<64x128xf32, #tpu.memory_space<hbm>>) dst(%arg16 : memref<64x128xf32, #tpu.memory_space<vmem>>)
    %dma_wait3A_246 = arith.constant 0 : i32
    %dma_wait3A_247 = arith.constant 0 : i32
    %dma_wait3A_248 = tpu.memref_slice %arg22[%dma_wait3A_246, %dma_wait3A_247] : memref<1000x128xf32, #tpu.memory_space<vmem_shared>> -> memref<1000x128xf32, #tpu.memory_space<vmem_shared>>
    tpu.wait_indirect_dma semaphore(%arg24 : memref<!tpu.dma_semaphore, #tpu.memory_space<semaphore_mem>>) src(%dma_wait3A_248 : memref<1000x128xf32, #tpu.memory_space<vmem_shared>>) dst(%arg10 : memref<64x128xf32, #tpu.memory_space<vmem>>)
    %dma_wait3A_249 = arith.constant 0 : i32
    %dma_wait3A_250 = arith.constant 0 : i32
    %dma_wait3A_251 = tpu.memref_slice %arg23[%dma_wait3A_249, %dma_wait3A_250] : memref<1000x128xf32, #tpu.memory_space<vmem_shared>> -> memref<1000x128xf32, #tpu.memory_space<vmem_shared>>
    tpu.wait_indirect_dma semaphore(%arg26 : memref<!tpu.dma_semaphore, #tpu.memory_space<semaphore_mem>>) src(%dma_wait3A_251 : memref<1000x128xf32, #tpu.memory_space<vmem_shared>>) dst(%arg12 : memref<64x128xf32, #tpu.memory_space<vmem>>)
    %dma_wait3A_252 = arith.constant 0 : i32
    %dma_wait3A_253 = tpu.memref_slice %arg7[%add3A_171, %dma_wait3A_252] : memref<16384x128xf32, #tpu.memory_space<hbm>> -> memref<64x128xf32, #tpu.memory_space<hbm>>
    %dma_wait3A_254 = arith.constant 0 : i32
    %dma_wait3A_255 = tpu.memref_slice %arg7[%add3A_171, %dma_wait3A_254] : memref<16384x128xf32, #tpu.memory_space<hbm>> -> memref<64x128xf32, #tpu.memory_space<hbm>>
    tpu.wait_dma2 semaphore(%arg32 : memref<!tpu.dma_semaphore, #tpu.memory_space<semaphore_mem>>) src(%arg18 : memref<64x128xf32, #tpu.memory_space<vmem>>) dst(%dma_wait3A_255 : memref<64x128xf32, #tpu.memory_space<hbm>>)
    %scan3A_256 = arith.constant 0 : i32
    %scan3A_257 = arith.constant 0 : i32
    %scan3A_258 = arith.constant 64 : i32
    %scan3A_259 = arith.addi %scan3A_257, %scan3A_258 : i32
    %scan3A_260 = arith.constant 1 : i32
    scf.for %scan3A_398 = %scan3A_257 to %scan3A_259 step %scan3A_260  : i32 {
      %get3A = arith.index_cast %scan3A_398 : i32 to index
      %get3A_399 = arith.constant 0 : index
      %get3A_400 = tpu.vector_load %arg14[%get3A, %get3A_399] {strides = array<i32>} : memref<64x128xf32, #tpu.memory_space<vmem>>, vector<1x16xf32>,
      %get3A_401 = vector.shape_cast %get3A_400 : vector<1x16xf32> to vector<16xf32>
      %get3A_402 = arith.index_cast %scan3A_398 : i32 to index
      %get3A_403 = arith.constant 0 : index
      %get3A_404 = tpu.vector_load %arg16[%get3A_402, %get3A_403] {strides = array<i32>} : memref<64x128xf32, #tpu.memory_space<vmem>>, vector<1x16xf32>,
      %get3A_405 = vector.shape_cast %get3A_404 : vector<1x16xf32> to vector<16xf32>
      %get3A_406 = arith.index_cast %scan3A_398 : i32 to index
      %get3A_407 = arith.constant 0 : index
      %get3A_408 = tpu.vector_load %arg12[%get3A_406, %get3A_407] {strides = array<i32>} : memref<64x128xf32, #tpu.memory_space<vmem>>, vector<1x16xf32>,
      %get3A_409 = vector.shape_cast %get3A_408 : vector<1x16xf32> to vector<16xf32>
      %mul3A_410 = arith.mulf %get3A_405, %get3A_409 : vector<16xf32>
      %get3A_411 = arith.index_cast %scan3A_398 : i32 to index
      %get3A_412 = arith.constant 0 : index
      %get3A_413 = tpu.vector_load %arg10[%get3A_411, %get3A_412] {strides = array<i32>} : memref<64x128xf32, #tpu.memory_space<vmem>>, vector<1x16xf32>,
      %get3A_414 = vector.shape_cast %get3A_413 : vector<1x16xf32> to vector<16xf32>
      %add3A_415 = arith.addf %mul3A_410, %get3A_414 : vector<16xf32>
      %mul3A_416 = arith.mulf %get3A_401, %add3A_415 : vector<16xf32>
      %swap3A = arith.index_cast %scan3A_398 : i32 to index
      %swap3A_417 = arith.constant 0 : index
      %swap3A_418 = tpu.vector_load %arg18[%swap3A, %swap3A_417] {strides = array<i32>} : memref<64x128xf32, #tpu.memory_space<vmem>>, vector<1x16xf32>,
      %swap3A_419 = vector.shape_cast %swap3A_418 : vector<1x16xf32> to vector<16xf32>
      %swap3A_420 = vector.shape_cast %mul3A_416 : vector<16xf32> to vector<1x16xf32>
      tpu.vector_store %arg18[%swap3A, %swap3A_417], %swap3A_420 {strides = array<i32>} : memref<64x128xf32, #tpu.memory_space<vmem>>, vector<1x16xf32>,
      %get3A_421 = arith.index_cast %scan3A_398 : i32 to index
      %get3A_422 = arith.constant 16 : index
      %get3A_423 = tpu.vector_load %arg14[%get3A_421, %get3A_422] {strides = array<i32>} : memref<64x128xf32, #tpu.memory_space<vmem>>, vector<1x16xf32>,
      %get3A_424 = vector.shape_cast %get3A_423 : vector<1x16xf32> to vector<16xf32>
      %get3A_425 = arith.index_cast %scan3A_398 : i32 to index
      %get3A_426 = arith.constant 16 : index
      %get3A_427 = tpu.vector_load %arg16[%get3A_425, %get3A_426] {strides = array<i32>} : memref<64x128xf32, #tpu.memory_space<vmem>>, vector<1x16xf32>,
      %get3A_428 = vector.shape_cast %get3A_427 : vector<1x16xf32> to vector<16xf32>
      %get3A_429 = arith.index_cast %scan3A_398 : i32 to index
      %get3A_430 = arith.constant 16 : index
      %get3A_431 = tpu.vector_load %arg12[%get3A_429, %get3A_430] {strides = array<i32>} : memref<64x128xf32, #tpu.memory_space<vmem>>, vector<1x16xf32>,
      %get3A_432 = vector.shape_cast %get3A_431 : vector<1x16xf32> to vector<16xf32>
      %mul3A_433 = arith.mulf %get3A_428, %get3A_432 : vector<16xf32>
      %get3A_434 = arith.index_cast %scan3A_398 : i32 to index
      %get3A_435 = arith.constant 16 : index
      %get3A_436 = tpu.vector_load %arg10[%get3A_434, %get3A_435] {strides = array<i32>} : memref<64x128xf32, #tpu.memory_space<vmem>>, vector<1x16xf32>,
      %get3A_437 = vector.shape_cast %get3A_436 : vector<1x16xf32> to vector<16xf32>
      %add3A_438 = arith.addf %mul3A_433, %get3A_437 : vector<16xf32>
      %mul3A_439 = arith.mulf %get3A_424, %add3A_438 : vector<16xf32>
      %swap3A_440 = arith.index_cast %scan3A_398 : i32 to index
      %swap3A_441 = arith.constant 16 : index
      %swap3A_442 = tpu.vector_load %arg18[%swap3A_440, %swap3A_441] {strides = array<i32>} : memref<64x128xf32, #tpu.memory_space<vmem>>, vector<1x16xf32>,
      %swap3A_443 = vector.shape_cast %swap3A_442 : vector<1x16xf32> to vector<16xf32>
      %swap3A_444 = vector.shape_cast %mul3A_439 : vector<16xf32> to vector<1x16xf32>
      tpu.vector_store %arg18[%swap3A_440, %swap3A_441], %swap3A_444 {strides = array<i32>} : memref<64x128xf32, #tpu.memory_space<vmem>>, vector<1x16xf32>,
      %get3A_445 = arith.index_cast %scan3A_398 : i32 to index
      %get3A_446 = arith.constant 32 : index
      %get3A_447 = tpu.vector_load %arg14[%get3A_445, %get3A_446] {strides = array<i32>} : memref<64x128xf32, #tpu.memory_space<vmem>>, vector<1x16xf32>,
      %get3A_448 = vector.shape_cast %get3A_447 : vector<1x16xf32> to vector<16xf32>
      %get3A_449 = arith.index_cast %scan3A_398 : i32 to index
      %get3A_450 = arith.constant 32 : index
      %get3A_451 = tpu.vector_load %arg16[%get3A_449, %get3A_450] {strides = array<i32>} : memref<64x128xf32, #tpu.memory_space<vmem>>, vector<1x16xf32>,
      %get3A_452 = vector.shape_cast %get3A_451 : vector<1x16xf32> to vector<16xf32>
      %get3A_453 = arith.index_cast %scan3A_398 : i32 to index
      %get3A_454 = arith.constant 32 : index
      %get3A_455 = tpu.vector_load %arg12[%get3A_453, %get3A_454] {strides = array<i32>} : memref<64x128xf32, #tpu.memory_space<vmem>>, vector<1x16xf32>,
      %get3A_456 = vector.shape_cast %get3A_455 : vector<1x16xf32> to vector<16xf32>
      %mul3A_457 = arith.mulf %get3A_452, %get3A_456 : vector<16xf32>
      %get3A_458 = arith.index_cast %scan3A_398 : i32 to index
      %get3A_459 = arith.constant 32 : index
      %get3A_460 = tpu.vector_load %arg10[%get3A_458, %get3A_459] {strides = array<i32>} : memref<64x128xf32, #tpu.memory_space<vmem>>, vector<1x16xf32>,
      %get3A_461 = vector.shape_cast %get3A_460 : vector<1x16xf32> to vector<16xf32>
      %add3A_462 = arith.addf %mul3A_457, %get3A_461 : vector<16xf32>
      %mul3A_463 = arith.mulf %get3A_448, %add3A_462 : vector<16xf32>
      %swap3A_464 = arith.index_cast %scan3A_398 : i32 to index
      %swap3A_465 = arith.constant 32 : index
      %swap3A_466 = tpu.vector_load %arg18[%swap3A_464, %swap3A_465] {strides = array<i32>} : memref<64x128xf32, #tpu.memory_space<vmem>>, vector<1x16xf32>,
      %swap3A_467 = vector.shape_cast %swap3A_466 : vector<1x16xf32> to vector<16xf32>
      %swap3A_468 = vector.shape_cast %mul3A_463 : vector<16xf32> to vector<1x16xf32>
      tpu.vector_store %arg18[%swap3A_464, %swap3A_465], %swap3A_468 {strides = array<i32>} : memref<64x128xf32, #tpu.memory_space<vmem>>, vector<1x16xf32>,
      %get3A_469 = arith.index_cast %scan3A_398 : i32 to index
      %get3A_470 = arith.constant 48 : index
      %get3A_471 = tpu.vector_load %arg14[%get3A_469, %get3A_470] {strides = array<i32>} : memref<64x128xf32, #tpu.memory_space<vmem>>, vector<1x16xf32>,
      %get3A_472 = vector.shape_cast %get3A_471 : vector<1x16xf32> to vector<16xf32>
      %get3A_473 = arith.index_cast %scan3A_398 : i32 to index
      %get3A_474 = arith.constant 48 : index
      %get3A_475 = tpu.vector_load %arg16[%get3A_473, %get3A_474] {strides = array<i32>} : memref<64x128xf32, #tpu.memory_space<vmem>>, vector<1x16xf32>,
      %get3A_476 = vector.shape_cast %get3A_475 : vector<1x16xf32> to vector<16xf32>
      %get3A_477 = arith.index_cast %scan3A_398 : i32 to index
      %get3A_478 = arith.constant 48 : index
      %get3A_479 = tpu.vector_load %arg12[%get3A_477, %get3A_478] {strides = array<i32>} : memref<64x128xf32, #tpu.memory_space<vmem>>, vector<1x16xf32>,
      %get3A_480 = vector.shape_cast %get3A_479 : vector<1x16xf32> to vector<16xf32>
      %mul3A_481 = arith.mulf %get3A_476, %get3A_480 : vector<16xf32>
      %get3A_482 = arith.index_cast %scan3A_398 : i32 to index
      %get3A_483 = arith.constant 48 : index
      %get3A_484 = tpu.vector_load %arg10[%get3A_482, %get3A_483] {strides = array<i32>} : memref<64x128xf32, #tpu.memory_space<vmem>>, vector<1x16xf32>,
      %get3A_485 = vector.shape_cast %get3A_484 : vector<1x16xf32> to vector<16xf32>
      %add3A_486 = arith.addf %mul3A_481, %get3A_485 : vector<16xf32>
      %mul3A_487 = arith.mulf %get3A_472, %add3A_486 : vector<16xf32>
      %swap3A_488 = arith.index_cast %scan3A_398 : i32 to index
      %swap3A_489 = arith.constant 48 : index
      %swap3A_490 = tpu.vector_load %arg18[%swap3A_488, %swap3A_489] {strides = array<i32>} : memref<64x128xf32, #tpu.memory_space<vmem>>, vector<1x16xf32>,
      %swap3A_491 = vector.shape_cast %swap3A_490 : vector<1x16xf32> to vector<16xf32>
      %swap3A_492 = vector.shape_cast %mul3A_487 : vector<16xf32> to vector<1x16xf32>
      tpu.vector_store %arg18[%swap3A_488, %swap3A_489], %swap3A_492 {strides = array<i32>} : memref<64x128xf32, #tpu.memory_space<vmem>>, vector<1x16xf32>,
      %get3A_493 = arith.index_cast %scan3A_398 : i32 to index
      %get3A_494 = arith.constant 64 : index
      %get3A_495 = tpu.vector_load %arg14[%get3A_493, %get3A_494] {strides = array<i32>} : memref<64x128xf32, #tpu.memory_space<vmem>>, vector<1x16xf32>,
      %get3A_496 = vector.shape_cast %get3A_495 : vector<1x16xf32> to vector<16xf32>
      %get3A_497 = arith.index_cast %scan3A_398 : i32 to index
      %get3A_498 = arith.constant 64 : index
      %get3A_499 = tpu.vector_load %arg16[%get3A_497, %get3A_498] {strides = array<i32>} : memref<64x128xf32, #tpu.memory_space<vmem>>, vector<1x16xf32>,
      %get3A_500 = vector.shape_cast %get3A_499 : vector<1x16xf32> to vector<16xf32>
      %get3A_501 = arith.index_cast %scan3A_398 : i32 to index
      %get3A_502 = arith.constant 64 : index
      %get3A_503 = tpu.vector_load %arg12[%get3A_501, %get3A_502] {strides = array<i32>} : memref<64x128xf32, #tpu.memory_space<vmem>>, vector<1x16xf32>,
      %get3A_504 = vector.shape_cast %get3A_503 : vector<1x16xf32> to vector<16xf32>
      %mul3A_505 = arith.mulf %get3A_500, %get3A_504 : vector<16xf32>
      %get3A_506 = arith.index_cast %scan3A_398 : i32 to index
      %get3A_507 = arith.constant 64 : index
      %get3A_508 = tpu.vector_load %arg10[%get3A_506, %get3A_507] {strides = array<i32>} : memref<64x128xf32, #tpu.memory_space<vmem>>, vector<1x16xf32>,
      %get3A_509 = vector.shape_cast %get3A_508 : vector<1x16xf32> to vector<16xf32>
      %add3A_510 = arith.addf %mul3A_505, %get3A_509 : vector<16xf32>
      %mul3A_511 = arith.mulf %get3A_496, %add3A_510 : vector<16xf32>
      %swap3A_512 = arith.index_cast %scan3A_398 : i32 to index
      %swap3A_513 = arith.constant 64 : index
      %swap3A_514 = tpu.vector_load %arg18[%swap3A_512, %swap3A_513] {strides = array<i32>} : memref<64x128xf32, #tpu.memory_space<vmem>>, vector<1x16xf32>,
      %swap3A_515 = vector.shape_cast %swap3A_514 : vector<1x16xf32> to vector<16xf32>
      %swap3A_516 = vector.shape_cast %mul3A_511 : vector<16xf32> to vector<1x16xf32>
      tpu.vector_store %arg18[%swap3A_512, %swap3A_513], %swap3A_516 {strides = array<i32>} : memref<64x128xf32, #tpu.memory_space<vmem>>, vector<1x16xf32>,
      %get3A_517 = arith.index_cast %scan3A_398 : i32 to index
      %get3A_518 = arith.constant 80 : index
      %get3A_519 = tpu.vector_load %arg14[%get3A_517, %get3A_518] {strides = array<i32>} : memref<64x128xf32, #tpu.memory_space<vmem>>, vector<1x16xf32>,
      %get3A_520 = vector.shape_cast %get3A_519 : vector<1x16xf32> to vector<16xf32>
      %get3A_521 = arith.index_cast %scan3A_398 : i32 to index
      %get3A_522 = arith.constant 80 : index
      %get3A_523 = tpu.vector_load %arg16[%get3A_521, %get3A_522] {strides = array<i32>} : memref<64x128xf32, #tpu.memory_space<vmem>>, vector<1x16xf32>,
      %get3A_524 = vector.shape_cast %get3A_523 : vector<1x16xf32> to vector<16xf32>
      %get3A_525 = arith.index_cast %scan3A_398 : i32 to index
      %get3A_526 = arith.constant 80 : index
      %get3A_527 = tpu.vector_load %arg12[%get3A_525, %get3A_526] {strides = array<i32>} : memref<64x128xf32, #tpu.memory_space<vmem>>, vector<1x16xf32>,
      %get3A_528 = vector.shape_cast %get3A_527 : vector<1x16xf32> to vector<16xf32>
      %mul3A_529 = arith.mulf %get3A_524, %get3A_528 : vector<16xf32>
      %get3A_530 = arith.index_cast %scan3A_398 : i32 to index
      %get3A_531 = arith.constant 80 : index
      %get3A_532 = tpu.vector_load %arg10[%get3A_530, %get3A_531] {strides = array<i32>} : memref<64x128xf32, #tpu.memory_space<vmem>>, vector<1x16xf32>,
      %get3A_533 = vector.shape_cast %get3A_532 : vector<1x16xf32> to vector<16xf32>
      %add3A_534 = arith.addf %mul3A_529, %get3A_533 : vector<16xf32>
      %mul3A_535 = arith.mulf %get3A_520, %add3A_534 : vector<16xf32>
      %swap3A_536 = arith.index_cast %scan3A_398 : i32 to index
      %swap3A_537 = arith.constant 80 : index
      %swap3A_538 = tpu.vector_load %arg18[%swap3A_536, %swap3A_537] {strides = array<i32>} : memref<64x128xf32, #tpu.memory_space<vmem>>, vector<1x16xf32>,
      %swap3A_539 = vector.shape_cast %swap3A_538 : vector<1x16xf32> to vector<16xf32>
      %swap3A_540 = vector.shape_cast %mul3A_535 : vector<16xf32> to vector<1x16xf32>
      tpu.vector_store %arg18[%swap3A_536, %swap3A_537], %swap3A_540 {strides = array<i32>} : memref<64x128xf32, #tpu.memory_space<vmem>>, vector<1x16xf32>,
      %get3A_541 = arith.index_cast %scan3A_398 : i32 to index
      %get3A_542 = arith.constant 96 : index
      %get3A_543 = tpu.vector_load %arg14[%get3A_541, %get3A_542] {strides = array<i32>} : memref<64x128xf32, #tpu.memory_space<vmem>>, vector<1x16xf32>,
      %get3A_544 = vector.shape_cast %get3A_543 : vector<1x16xf32> to vector<16xf32>
      %get3A_545 = arith.index_cast %scan3A_398 : i32 to index
      %get3A_546 = arith.constant 96 : index
      %get3A_547 = tpu.vector_load %arg16[%get3A_545, %get3A_546] {strides = array<i32>} : memref<64x128xf32, #tpu.memory_space<vmem>>, vector<1x16xf32>,
      %get3A_548 = vector.shape_cast %get3A_547 : vector<1x16xf32> to vector<16xf32>
      %get3A_549 = arith.index_cast %scan3A_398 : i32 to index
      %get3A_550 = arith.constant 96 : index
      %get3A_551 = tpu.vector_load %arg12[%get3A_549, %get3A_550] {strides = array<i32>} : memref<64x128xf32, #tpu.memory_space<vmem>>, vector<1x16xf32>,
      %get3A_552 = vector.shape_cast %get3A_551 : vector<1x16xf32> to vector<16xf32>
      %mul3A_553 = arith.mulf %get3A_548, %get3A_552 : vector<16xf32>
      %get3A_554 = arith.index_cast %scan3A_398 : i32 to index
      %get3A_555 = arith.constant 96 : index
      %get3A_556 = tpu.vector_load %arg10[%get3A_554, %get3A_555] {strides = array<i32>} : memref<64x128xf32, #tpu.memory_space<vmem>>, vector<1x16xf32>,
      %get3A_557 = vector.shape_cast %get3A_556 : vector<1x16xf32> to vector<16xf32>
      %add3A_558 = arith.addf %mul3A_553, %get3A_557 : vector<16xf32>
      %mul3A_559 = arith.mulf %get3A_544, %add3A_558 : vector<16xf32>
      %swap3A_560 = arith.index_cast %scan3A_398 : i32 to index
      %swap3A_561 = arith.constant 96 : index
      %swap3A_562 = tpu.vector_load %arg18[%swap3A_560, %swap3A_561] {strides = array<i32>} : memref<64x128xf32, #tpu.memory_space<vmem>>, vector<1x16xf32>,
      %swap3A_563 = vector.shape_cast %swap3A_562 : vector<1x16xf32> to vector<16xf32>
      %swap3A_564 = vector.shape_cast %mul3A_559 : vector<16xf32> to vector<1x16xf32>
      tpu.vector_store %arg18[%swap3A_560, %swap3A_561], %swap3A_564 {strides = array<i32>} : memref<64x128xf32, #tpu.memory_space<vmem>>, vector<1x16xf32>,
      %get3A_565 = arith.index_cast %scan3A_398 : i32 to index
      %get3A_566 = arith.constant 112 : index
      %get3A_567 = tpu.vector_load %arg14[%get3A_565, %get3A_566] {strides = array<i32>} : memref<64x128xf32, #tpu.memory_space<vmem>>, vector<1x16xf32>,
      %get3A_568 = vector.shape_cast %get3A_567 : vector<1x16xf32> to vector<16xf32>
      %get3A_569 = arith.index_cast %scan3A_398 : i32 to index
      %get3A_570 = arith.constant 112 : index
      %get3A_571 = tpu.vector_load %arg16[%get3A_569, %get3A_570] {strides = array<i32>} : memref<64x128xf32, #tpu.memory_space<vmem>>, vector<1x16xf32>,
      %get3A_572 = vector.shape_cast %get3A_571 : vector<1x16xf32> to vector<16xf32>
      %get3A_573 = arith.index_cast %scan3A_398 : i32 to index
      %get3A_574 = arith.constant 112 : index
      %get3A_575 = tpu.vector_load %arg12[%get3A_573, %get3A_574] {strides = array<i32>} : memref<64x128xf32, #tpu.memory_space<vmem>>, vector<1x16xf32>,
      %get3A_576 = vector.shape_cast %get3A_575 : vector<1x16xf32> to vector<16xf32>
      %mul3A_577 = arith.mulf %get3A_572, %get3A_576 : vector<16xf32>
      %get3A_578 = arith.index_cast %scan3A_398 : i32 to index
      %get3A_579 = arith.constant 112 : index
      %get3A_580 = tpu.vector_load %arg10[%get3A_578, %get3A_579] {strides = array<i32>} : memref<64x128xf32, #tpu.memory_space<vmem>>, vector<1x16xf32>,
      %get3A_581 = vector.shape_cast %get3A_580 : vector<1x16xf32> to vector<16xf32>
      %add3A_582 = arith.addf %mul3A_577, %get3A_581 : vector<16xf32>
      %mul3A_583 = arith.mulf %get3A_568, %add3A_582 : vector<16xf32>
      %swap3A_584 = arith.index_cast %scan3A_398 : i32 to index
      %swap3A_585 = arith.constant 112 : index
      %swap3A_586 = tpu.vector_load %arg18[%swap3A_584, %swap3A_585] {strides = array<i32>} : memref<64x128xf32, #tpu.memory_space<vmem>>, vector<1x16xf32>,
      %swap3A_587 = vector.shape_cast %swap3A_586 : vector<1x16xf32> to vector<16xf32>
      %swap3A_588 = vector.shape_cast %mul3A_583 : vector<16xf32> to vector<1x16xf32>
      tpu.vector_store %arg18[%swap3A_584, %swap3A_585], %swap3A_588 {strides = array<i32>} : memref<64x128xf32, #tpu.memory_space<vmem>>, vector<1x16xf32>,
    }
    %scan3A_261 = arith.constant 64 : i32
    %add3A_262 = arith.constant 256 : i32
    %add3A_263 = arith.addi %mul3A_2, %add3A_262 : i32
    %dma_start3A_264 = arith.constant 0 : i32
    %dma_start3A_265 = tpu.memref_slice %arg7[%add3A_263, %dma_start3A_264] : memref<16384x128xf32, #tpu.memory_space<hbm>> -> memref<64x128xf32, #tpu.memory_space<hbm>>
    %dma_start3A_266 = arith.constant 0 : i32
    %dma_start3A_267 = tpu.memref_slice %arg7[%add3A_263, %dma_start3A_266] : memref<16384x128xf32, #tpu.memory_space<hbm>> -> memref<64x128xf32, #tpu.memory_space<hbm>>
    tpu.enqueue_dma source(%arg18 : memref<64x128xf32, #tpu.memory_space<vmem>>) target(%dma_start3A_267 : memref<64x128xf32, #tpu.memory_space<hbm>>) target_semaphore(%arg32 : memref<!tpu.dma_semaphore, #tpu.memory_space<semaphore_mem>>)
    %add3A_268 = arith.constant 384 : i32
    %add3A_269 = arith.addi %mul3A_2, %add3A_268 : i32
    "tpu.region"() ({
      %run_scoped3A = tpu.sem_alloc : memref<!tpu.dma_semaphore, #tpu.memory_space<semaphore_mem>>
      %dma_start3A_398 = tpu.memref_slice %arg3[%add3A_269] : memref<16384xi32, #tpu.memory_space<hbm>> -> memref<64xi32, #tpu.memory_space<hbm>>
      %dma_start3A_399 = tpu.memref_slice %arg3[%add3A_269] : memref<16384xi32, #tpu.memory_space<hbm>> -> memref<64xi32, #tpu.memory_space<hbm>>
      tpu.enqueue_dma source(%dma_start3A_399 : memref<64xi32, #tpu.memory_space<hbm>>) target(%arg8 : memref<64xi32, #tpu.memory_space<vmem>>) target_semaphore(%run_scoped3A : memref<!tpu.dma_semaphore, #tpu.memory_space<semaphore_mem>>)
      %dma_wait3A_400 = tpu.memref_slice %arg3[%add3A_269] : memref<16384xi32, #tpu.memory_space<hbm>> -> memref<64xi32, #tpu.memory_space<hbm>>
      %dma_wait3A_401 = tpu.memref_slice %arg3[%add3A_269] : memref<16384xi32, #tpu.memory_space<hbm>> -> memref<64xi32, #tpu.memory_space<hbm>>
      tpu.wait_dma2 semaphore(%run_scoped3A : memref<!tpu.dma_semaphore, #tpu.memory_space<semaphore_mem>>) src(%dma_wait3A_401 : memref<64xi32, #tpu.memory_space<hbm>>) dst(%arg8 : memref<64xi32, #tpu.memory_space<vmem>>)
      tpu.yield
    }) : () -> ()
    %dma_start3A_270 = arith.constant 0 : i32
    %dma_start3A_271 = tpu.memref_slice %arg2[%add3A_269, %dma_start3A_270] : memref<16384x128xf32, #tpu.memory_space<hbm>> -> memref<64x128xf32, #tpu.memory_space<hbm>>
    %dma_start3A_272 = arith.constant 0 : i32
    %dma_start3A_273 = tpu.memref_slice %arg2[%add3A_269, %dma_start3A_272] : memref<16384x128xf32, #tpu.memory_space<hbm>> -> memref<64x128xf32, #tpu.memory_space<hbm>>
    tpu.enqueue_dma source(%dma_start3A_273 : memref<64x128xf32, #tpu.memory_space<hbm>>) target(%arg14 : memref<64x128xf32, #tpu.memory_space<vmem>>) target_semaphore(%arg28 : memref<!tpu.dma_semaphore, #tpu.memory_space<semaphore_mem>>)
    %dma_start3A_274 = arith.constant 0 : i32
    %dma_start3A_275 = tpu.memref_slice %arg6[%add3A_269, %dma_start3A_274] : memref<16384x128xf32, #tpu.memory_space<hbm>> -> memref<64x128xf32, #tpu.memory_space<hbm>>
    %dma_start3A_276 = arith.constant 0 : i32
    %dma_start3A_277 = tpu.memref_slice %arg6[%add3A_269, %dma_start3A_276] : memref<16384x128xf32, #tpu.memory_space<hbm>> -> memref<64x128xf32, #tpu.memory_space<hbm>>
    tpu.enqueue_dma source(%dma_start3A_277 : memref<64x128xf32, #tpu.memory_space<hbm>>) target(%arg16 : memref<64x128xf32, #tpu.memory_space<vmem>>) target_semaphore(%arg30 : memref<!tpu.dma_semaphore, #tpu.memory_space<semaphore_mem>>)
    %dma_start3A_278 = arith.constant 0 : i32
    %dma_start3A_279 = arith.constant 0 : i32
    %dma_start3A_280 = tpu.memref_slice %arg22[%dma_start3A_278, %dma_start3A_279] : memref<1000x128xf32, #tpu.memory_space<vmem_shared>> -> memref<1000x128xf32, #tpu.memory_space<vmem_shared>>
    tpu.enqueue_indirect_dma source(%dma_start3A_280 : memref<1000x128xf32, #tpu.memory_space<vmem_shared>>) target(%arg10 : memref<64x128xf32, #tpu.memory_space<vmem>>) offsets(%arg8 : memref<64xi32, #tpu.memory_space<vmem>>) semaphore(%arg24 : memref<!tpu.dma_semaphore, #tpu.memory_space<semaphore_mem>>)
    %dma_start3A_281 = arith.constant 0 : i32
    %dma_start3A_282 = arith.constant 0 : i32
    %dma_start3A_283 = tpu.memref_slice %arg23[%dma_start3A_281, %dma_start3A_282] : memref<1000x128xf32, #tpu.memory_space<vmem_shared>> -> memref<1000x128xf32, #tpu.memory_space<vmem_shared>>
    tpu.enqueue_indirect_dma source(%dma_start3A_283 : memref<1000x128xf32, #tpu.memory_space<vmem_shared>>) target(%arg12 : memref<64x128xf32, #tpu.memory_space<vmem>>) offsets(%arg8 : memref<64xi32, #tpu.memory_space<vmem>>) semaphore(%arg26 : memref<!tpu.dma_semaphore, #tpu.memory_space<semaphore_mem>>)
    %dma_wait3A_284 = arith.constant 0 : i32
    %dma_wait3A_285 = tpu.memref_slice %arg2[%add3A_223, %dma_wait3A_284] : memref<16384x128xf32, #tpu.memory_space<hbm>> -> memref<64x128xf32, #tpu.memory_space<hbm>>
    %dma_wait3A_286 = arith.constant 0 : i32
    %dma_wait3A_287 = tpu.memref_slice %arg2[%add3A_223, %dma_wait3A_286] : memref<16384x128xf32, #tpu.memory_space<hbm>> -> memref<64x128xf32, #tpu.memory_space<hbm>>
    tpu.wait_dma2 semaphore(%arg29 : memref<!tpu.dma_semaphore, #tpu.memory_space<semaphore_mem>>) src(%dma_wait3A_287 : memref<64x128xf32, #tpu.memory_space<hbm>>) dst(%arg15 : memref<64x128xf32, #tpu.memory_space<vmem>>)
    %dma_wait3A_288 = arith.constant 0 : i32
    %dma_wait3A_289 = tpu.memref_slice %arg6[%add3A_223, %dma_wait3A_288] : memref<16384x128xf32, #tpu.memory_space<hbm>> -> memref<64x128xf32, #tpu.memory_space<hbm>>
    %dma_wait3A_290 = arith.constant 0 : i32
    %dma_wait3A_291 = tpu.memref_slice %arg6[%add3A_223, %dma_wait3A_290] : memref<16384x128xf32, #tpu.memory_space<hbm>> -> memref<64x128xf32, #tpu.memory_space<hbm>>
    tpu.wait_dma2 semaphore(%arg31 : memref<!tpu.dma_semaphore, #tpu.memory_space<semaphore_mem>>) src(%dma_wait3A_291 : memref<64x128xf32, #tpu.memory_space<hbm>>) dst(%arg17 : memref<64x128xf32, #tpu.memory_space<vmem>>)
    %dma_wait3A_292 = arith.constant 0 : i32
    %dma_wait3A_293 = arith.constant 0 : i32
    %dma_wait3A_294 = tpu.memref_slice %arg22[%dma_wait3A_292, %dma_wait3A_293] : memref<1000x128xf32, #tpu.memory_space<vmem_shared>> -> memref<1000x128xf32, #tpu.memory_space<vmem_shared>>
    tpu.wait_indirect_dma semaphore(%arg25 : memref<!tpu.dma_semaphore, #tpu.memory_space<semaphore_mem>>) src(%dma_wait3A_294 : memref<1000x128xf32, #tpu.memory_space<vmem_shared>>) dst(%arg11 : memref<64x128xf32, #tpu.memory_space<vmem>>)
    %dma_wait3A_295 = arith.constant 0 : i32
    %dma_wait3A_296 = arith.constant 0 : i32
    %dma_wait3A_297 = tpu.memref_slice %arg23[%dma_wait3A_295, %dma_wait3A_296] : memref<1000x128xf32, #tpu.memory_space<vmem_shared>> -> memref<1000x128xf32, #tpu.memory_space<vmem_shared>>
    tpu.wait_indirect_dma semaphore(%arg27 : memref<!tpu.dma_semaphore, #tpu.memory_space<semaphore_mem>>) src(%dma_wait3A_297 : memref<1000x128xf32, #tpu.memory_space<vmem_shared>>) dst(%arg13 : memref<64x128xf32, #tpu.memory_space<vmem>>)
    %dma_wait3A_298 = arith.constant 0 : i32
    %dma_wait3A_299 = tpu.memref_slice %arg7[%add3A_217, %dma_wait3A_298] : memref<16384x128xf32, #tpu.memory_space<hbm>> -> memref<64x128xf32, #tpu.memory_space<hbm>>
    %dma_wait3A_300 = arith.constant 0 : i32
    %dma_wait3A_301 = tpu.memref_slice %arg7[%add3A_217, %dma_wait3A_300] : memref<16384x128xf32, #tpu.memory_space<hbm>> -> memref<64x128xf32, #tpu.memory_space<hbm>>
    tpu.wait_dma2 semaphore(%arg33 : memref<!tpu.dma_semaphore, #tpu.memory_space<semaphore_mem>>) src(%arg19 : memref<64x128xf32, #tpu.memory_space<vmem>>) dst(%dma_wait3A_301 : memref<64x128xf32, #tpu.memory_space<hbm>>)
    %scan3A_302 = arith.constant 0 : i32
    %scan3A_303 = arith.constant 0 : i32
    %scan3A_304 = arith.constant 64 : i32
    %scan3A_305 = arith.addi %scan3A_303, %scan3A_304 : i32
    %scan3A_306 = arith.constant 1 : i32
    scf.for %scan3A_398 = %scan3A_303 to %scan3A_305 step %scan3A_306  : i32 {
      %get3A = arith.index_cast %scan3A_398 : i32 to index
      %get3A_399 = arith.constant 0 : index
      %get3A_400 = tpu.vector_load %arg15[%get3A, %get3A_399] {strides = array<i32>} : memref<64x128xf32, #tpu.memory_space<vmem>>, vector<1x16xf32>,
      %get3A_401 = vector.shape_cast %get3A_400 : vector<1x16xf32> to vector<16xf32>
      %get3A_402 = arith.index_cast %scan3A_398 : i32 to index
      %get3A_403 = arith.constant 0 : index
      %get3A_404 = tpu.vector_load %arg17[%get3A_402, %get3A_403] {strides = array<i32>} : memref<64x128xf32, #tpu.memory_space<vmem>>, vector<1x16xf32>,
      %get3A_405 = vector.shape_cast %get3A_404 : vector<1x16xf32> to vector<16xf32>
      %get3A_406 = arith.index_cast %scan3A_398 : i32 to index
      %get3A_407 = arith.constant 0 : index
      %get3A_408 = tpu.vector_load %arg13[%get3A_406, %get3A_407] {strides = array<i32>} : memref<64x128xf32, #tpu.memory_space<vmem>>, vector<1x16xf32>,
      %get3A_409 = vector.shape_cast %get3A_408 : vector<1x16xf32> to vector<16xf32>
      %mul3A_410 = arith.mulf %get3A_405, %get3A_409 : vector<16xf32>
      %get3A_411 = arith.index_cast %scan3A_398 : i32 to index
      %get3A_412 = arith.constant 0 : index
      %get3A_413 = tpu.vector_load %arg11[%get3A_411, %get3A_412] {strides = array<i32>} : memref<64x128xf32, #tpu.memory_space<vmem>>, vector<1x16xf32>,
      %get3A_414 = vector.shape_cast %get3A_413 : vector<1x16xf32> to vector<16xf32>
      %add3A_415 = arith.addf %mul3A_410, %get3A_414 : vector<16xf32>
      %mul3A_416 = arith.mulf %get3A_401, %add3A_415 : vector<16xf32>
      %swap3A = arith.index_cast %scan3A_398 : i32 to index
      %swap3A_417 = arith.constant 0 : index
      %swap3A_418 = tpu.vector_load %arg19[%swap3A, %swap3A_417] {strides = array<i32>} : memref<64x128xf32, #tpu.memory_space<vmem>>, vector<1x16xf32>,
      %swap3A_419 = vector.shape_cast %swap3A_418 : vector<1x16xf32> to vector<16xf32>
      %swap3A_420 = vector.shape_cast %mul3A_416 : vector<16xf32> to vector<1x16xf32>
      tpu.vector_store %arg19[%swap3A, %swap3A_417], %swap3A_420 {strides = array<i32>} : memref<64x128xf32, #tpu.memory_space<vmem>>, vector<1x16xf32>,
      %get3A_421 = arith.index_cast %scan3A_398 : i32 to index
      %get3A_422 = arith.constant 16 : index
      %get3A_423 = tpu.vector_load %arg15[%get3A_421, %get3A_422] {strides = array<i32>} : memref<64x128xf32, #tpu.memory_space<vmem>>, vector<1x16xf32>,
      %get3A_424 = vector.shape_cast %get3A_423 : vector<1x16xf32> to vector<16xf32>
      %get3A_425 = arith.index_cast %scan3A_398 : i32 to index
      %get3A_426 = arith.constant 16 : index
      %get3A_427 = tpu.vector_load %arg17[%get3A_425, %get3A_426] {strides = array<i32>} : memref<64x128xf32, #tpu.memory_space<vmem>>, vector<1x16xf32>,
      %get3A_428 = vector.shape_cast %get3A_427 : vector<1x16xf32> to vector<16xf32>
      %get3A_429 = arith.index_cast %scan3A_398 : i32 to index
      %get3A_430 = arith.constant 16 : index
      %get3A_431 = tpu.vector_load %arg13[%get3A_429, %get3A_430] {strides = array<i32>} : memref<64x128xf32, #tpu.memory_space<vmem>>, vector<1x16xf32>,
      %get3A_432 = vector.shape_cast %get3A_431 : vector<1x16xf32> to vector<16xf32>
      %mul3A_433 = arith.mulf %get3A_428, %get3A_432 : vector<16xf32>
      %get3A_434 = arith.index_cast %scan3A_398 : i32 to index
      %get3A_435 = arith.constant 16 : index
      %get3A_436 = tpu.vector_load %arg11[%get3A_434, %get3A_435] {strides = array<i32>} : memref<64x128xf32, #tpu.memory_space<vmem>>, vector<1x16xf32>,
      %get3A_437 = vector.shape_cast %get3A_436 : vector<1x16xf32> to vector<16xf32>
      %add3A_438 = arith.addf %mul3A_433, %get3A_437 : vector<16xf32>
      %mul3A_439 = arith.mulf %get3A_424, %add3A_438 : vector<16xf32>
      %swap3A_440 = arith.index_cast %scan3A_398 : i32 to index
      %swap3A_441 = arith.constant 16 : index
      %swap3A_442 = tpu.vector_load %arg19[%swap3A_440, %swap3A_441] {strides = array<i32>} : memref<64x128xf32, #tpu.memory_space<vmem>>, vector<1x16xf32>,
      %swap3A_443 = vector.shape_cast %swap3A_442 : vector<1x16xf32> to vector<16xf32>
      %swap3A_444 = vector.shape_cast %mul3A_439 : vector<16xf32> to vector<1x16xf32>
      tpu.vector_store %arg19[%swap3A_440, %swap3A_441], %swap3A_444 {strides = array<i32>} : memref<64x128xf32, #tpu.memory_space<vmem>>, vector<1x16xf32>,
      %get3A_445 = arith.index_cast %scan3A_398 : i32 to index
      %get3A_446 = arith.constant 32 : index
      %get3A_447 = tpu.vector_load %arg15[%get3A_445, %get3A_446] {strides = array<i32>} : memref<64x128xf32, #tpu.memory_space<vmem>>, vector<1x16xf32>,
      %get3A_448 = vector.shape_cast %get3A_447 : vector<1x16xf32> to vector<16xf32>
      %get3A_449 = arith.index_cast %scan3A_398 : i32 to index
      %get3A_450 = arith.constant 32 : index
      %get3A_451 = tpu.vector_load %arg17[%get3A_449, %get3A_450] {strides = array<i32>} : memref<64x128xf32, #tpu.memory_space<vmem>>, vector<1x16xf32>,
      %get3A_452 = vector.shape_cast %get3A_451 : vector<1x16xf32> to vector<16xf32>
      %get3A_453 = arith.index_cast %scan3A_398 : i32 to index
      %get3A_454 = arith.constant 32 : index
      %get3A_455 = tpu.vector_load %arg13[%get3A_453, %get3A_454] {strides = array<i32>} : memref<64x128xf32, #tpu.memory_space<vmem>>, vector<1x16xf32>,
      %get3A_456 = vector.shape_cast %get3A_455 : vector<1x16xf32> to vector<16xf32>
      %mul3A_457 = arith.mulf %get3A_452, %get3A_456 : vector<16xf32>
      %get3A_458 = arith.index_cast %scan3A_398 : i32 to index
      %get3A_459 = arith.constant 32 : index
      %get3A_460 = tpu.vector_load %arg11[%get3A_458, %get3A_459] {strides = array<i32>} : memref<64x128xf32, #tpu.memory_space<vmem>>, vector<1x16xf32>,
      %get3A_461 = vector.shape_cast %get3A_460 : vector<1x16xf32> to vector<16xf32>
      %add3A_462 = arith.addf %mul3A_457, %get3A_461 : vector<16xf32>
      %mul3A_463 = arith.mulf %get3A_448, %add3A_462 : vector<16xf32>
      %swap3A_464 = arith.index_cast %scan3A_398 : i32 to index
      %swap3A_465 = arith.constant 32 : index
      %swap3A_466 = tpu.vector_load %arg19[%swap3A_464, %swap3A_465] {strides = array<i32>} : memref<64x128xf32, #tpu.memory_space<vmem>>, vector<1x16xf32>,
      %swap3A_467 = vector.shape_cast %swap3A_466 : vector<1x16xf32> to vector<16xf32>
      %swap3A_468 = vector.shape_cast %mul3A_463 : vector<16xf32> to vector<1x16xf32>
      tpu.vector_store %arg19[%swap3A_464, %swap3A_465], %swap3A_468 {strides = array<i32>} : memref<64x128xf32, #tpu.memory_space<vmem>>, vector<1x16xf32>,
      %get3A_469 = arith.index_cast %scan3A_398 : i32 to index
      %get3A_470 = arith.constant 48 : index
      %get3A_471 = tpu.vector_load %arg15[%get3A_469, %get3A_470] {strides = array<i32>} : memref<64x128xf32, #tpu.memory_space<vmem>>, vector<1x16xf32>,
      %get3A_472 = vector.shape_cast %get3A_471 : vector<1x16xf32> to vector<16xf32>
      %get3A_473 = arith.index_cast %scan3A_398 : i32 to index
      %get3A_474 = arith.constant 48 : index
      %get3A_475 = tpu.vector_load %arg17[%get3A_473, %get3A_474] {strides = array<i32>} : memref<64x128xf32, #tpu.memory_space<vmem>>, vector<1x16xf32>,
      %get3A_476 = vector.shape_cast %get3A_475 : vector<1x16xf32> to vector<16xf32>
      %get3A_477 = arith.index_cast %scan3A_398 : i32 to index
      %get3A_478 = arith.constant 48 : index
      %get3A_479 = tpu.vector_load %arg13[%get3A_477, %get3A_478] {strides = array<i32>} : memref<64x128xf32, #tpu.memory_space<vmem>>, vector<1x16xf32>,
      %get3A_480 = vector.shape_cast %get3A_479 : vector<1x16xf32> to vector<16xf32>
      %mul3A_481 = arith.mulf %get3A_476, %get3A_480 : vector<16xf32>
      %get3A_482 = arith.index_cast %scan3A_398 : i32 to index
      %get3A_483 = arith.constant 48 : index
      %get3A_484 = tpu.vector_load %arg11[%get3A_482, %get3A_483] {strides = array<i32>} : memref<64x128xf32, #tpu.memory_space<vmem>>, vector<1x16xf32>,
      %get3A_485 = vector.shape_cast %get3A_484 : vector<1x16xf32> to vector<16xf32>
      %add3A_486 = arith.addf %mul3A_481, %get3A_485 : vector<16xf32>
      %mul3A_487 = arith.mulf %get3A_472, %add3A_486 : vector<16xf32>
      %swap3A_488 = arith.index_cast %scan3A_398 : i32 to index
      %swap3A_489 = arith.constant 48 : index
      %swap3A_490 = tpu.vector_load %arg19[%swap3A_488, %swap3A_489] {strides = array<i32>} : memref<64x128xf32, #tpu.memory_space<vmem>>, vector<1x16xf32>,
      %swap3A_491 = vector.shape_cast %swap3A_490 : vector<1x16xf32> to vector<16xf32>
      %swap3A_492 = vector.shape_cast %mul3A_487 : vector<16xf32> to vector<1x16xf32>
      tpu.vector_store %arg19[%swap3A_488, %swap3A_489], %swap3A_492 {strides = array<i32>} : memref<64x128xf32, #tpu.memory_space<vmem>>, vector<1x16xf32>,
      %get3A_493 = arith.index_cast %scan3A_398 : i32 to index
      %get3A_494 = arith.constant 64 : index
      %get3A_495 = tpu.vector_load %arg15[%get3A_493, %get3A_494] {strides = array<i32>} : memref<64x128xf32, #tpu.memory_space<vmem>>, vector<1x16xf32>,
      %get3A_496 = vector.shape_cast %get3A_495 : vector<1x16xf32> to vector<16xf32>
      %get3A_497 = arith.index_cast %scan3A_398 : i32 to index
      %get3A_498 = arith.constant 64 : index
      %get3A_499 = tpu.vector_load %arg17[%get3A_497, %get3A_498] {strides = array<i32>} : memref<64x128xf32, #tpu.memory_space<vmem>>, vector<1x16xf32>,
      %get3A_500 = vector.shape_cast %get3A_499 : vector<1x16xf32> to vector<16xf32>
      %get3A_501 = arith.index_cast %scan3A_398 : i32 to index
      %get3A_502 = arith.constant 64 : index
      %get3A_503 = tpu.vector_load %arg13[%get3A_501, %get3A_502] {strides = array<i32>} : memref<64x128xf32, #tpu.memory_space<vmem>>, vector<1x16xf32>,
      %get3A_504 = vector.shape_cast %get3A_503 : vector<1x16xf32> to vector<16xf32>
      %mul3A_505 = arith.mulf %get3A_500, %get3A_504 : vector<16xf32>
      %get3A_506 = arith.index_cast %scan3A_398 : i32 to index
      %get3A_507 = arith.constant 64 : index
      %get3A_508 = tpu.vector_load %arg11[%get3A_506, %get3A_507] {strides = array<i32>} : memref<64x128xf32, #tpu.memory_space<vmem>>, vector<1x16xf32>,
      %get3A_509 = vector.shape_cast %get3A_508 : vector<1x16xf32> to vector<16xf32>
      %add3A_510 = arith.addf %mul3A_505, %get3A_509 : vector<16xf32>
      %mul3A_511 = arith.mulf %get3A_496, %add3A_510 : vector<16xf32>
      %swap3A_512 = arith.index_cast %scan3A_398 : i32 to index
      %swap3A_513 = arith.constant 64 : index
      %swap3A_514 = tpu.vector_load %arg19[%swap3A_512, %swap3A_513] {strides = array<i32>} : memref<64x128xf32, #tpu.memory_space<vmem>>, vector<1x16xf32>,
      %swap3A_515 = vector.shape_cast %swap3A_514 : vector<1x16xf32> to vector<16xf32>
      %swap3A_516 = vector.shape_cast %mul3A_511 : vector<16xf32> to vector<1x16xf32>
      tpu.vector_store %arg19[%swap3A_512, %swap3A_513], %swap3A_516 {strides = array<i32>} : memref<64x128xf32, #tpu.memory_space<vmem>>, vector<1x16xf32>,
      %get3A_517 = arith.index_cast %scan3A_398 : i32 to index
      %get3A_518 = arith.constant 80 : index
      %get3A_519 = tpu.vector_load %arg15[%get3A_517, %get3A_518] {strides = array<i32>} : memref<64x128xf32, #tpu.memory_space<vmem>>, vector<1x16xf32>,
      %get3A_520 = vector.shape_cast %get3A_519 : vector<1x16xf32> to vector<16xf32>
      %get3A_521 = arith.index_cast %scan3A_398 : i32 to index
      %get3A_522 = arith.constant 80 : index
      %get3A_523 = tpu.vector_load %arg17[%get3A_521, %get3A_522] {strides = array<i32>} : memref<64x128xf32, #tpu.memory_space<vmem>>, vector<1x16xf32>,
      %get3A_524 = vector.shape_cast %get3A_523 : vector<1x16xf32> to vector<16xf32>
      %get3A_525 = arith.index_cast %scan3A_398 : i32 to index
      %get3A_526 = arith.constant 80 : index
      %get3A_527 = tpu.vector_load %arg13[%get3A_525, %get3A_526] {strides = array<i32>} : memref<64x128xf32, #tpu.memory_space<vmem>>, vector<1x16xf32>,
      %get3A_528 = vector.shape_cast %get3A_527 : vector<1x16xf32> to vector<16xf32>
      %mul3A_529 = arith.mulf %get3A_524, %get3A_528 : vector<16xf32>
      %get3A_530 = arith.index_cast %scan3A_398 : i32 to index
      %get3A_531 = arith.constant 80 : index
      %get3A_532 = tpu.vector_load %arg11[%get3A_530, %get3A_531] {strides = array<i32>} : memref<64x128xf32, #tpu.memory_space<vmem>>, vector<1x16xf32>,
      %get3A_533 = vector.shape_cast %get3A_532 : vector<1x16xf32> to vector<16xf32>
      %add3A_534 = arith.addf %mul3A_529, %get3A_533 : vector<16xf32>
      %mul3A_535 = arith.mulf %get3A_520, %add3A_534 : vector<16xf32>
      %swap3A_536 = arith.index_cast %scan3A_398 : i32 to index
      %swap3A_537 = arith.constant 80 : index
      %swap3A_538 = tpu.vector_load %arg19[%swap3A_536, %swap3A_537] {strides = array<i32>} : memref<64x128xf32, #tpu.memory_space<vmem>>, vector<1x16xf32>,
      %swap3A_539 = vector.shape_cast %swap3A_538 : vector<1x16xf32> to vector<16xf32>
      %swap3A_540 = vector.shape_cast %mul3A_535 : vector<16xf32> to vector<1x16xf32>
      tpu.vector_store %arg19[%swap3A_536, %swap3A_537], %swap3A_540 {strides = array<i32>} : memref<64x128xf32, #tpu.memory_space<vmem>>, vector<1x16xf32>,
      %get3A_541 = arith.index_cast %scan3A_398 : i32 to index
      %get3A_542 = arith.constant 96 : index
      %get3A_543 = tpu.vector_load %arg15[%get3A_541, %get3A_542] {strides = array<i32>} : memref<64x128xf32, #tpu.memory_space<vmem>>, vector<1x16xf32>,
      %get3A_544 = vector.shape_cast %get3A_543 : vector<1x16xf32> to vector<16xf32>
      %get3A_545 = arith.index_cast %scan3A_398 : i32 to index
      %get3A_546 = arith.constant 96 : index
      %get3A_547 = tpu.vector_load %arg17[%get3A_545, %get3A_546] {strides = array<i32>} : memref<64x128xf32, #tpu.memory_space<vmem>>, vector<1x16xf32>,
      %get3A_548 = vector.shape_cast %get3A_547 : vector<1x16xf32> to vector<16xf32>
      %get3A_549 = arith.index_cast %scan3A_398 : i32 to index
      %get3A_550 = arith.constant 96 : index
      %get3A_551 = tpu.vector_load %arg13[%get3A_549, %get3A_550] {strides = array<i32>} : memref<64x128xf32, #tpu.memory_space<vmem>>, vector<1x16xf32>,
      %get3A_552 = vector.shape_cast %get3A_551 : vector<1x16xf32> to vector<16xf32>
      %mul3A_553 = arith.mulf %get3A_548, %get3A_552 : vector<16xf32>
      %get3A_554 = arith.index_cast %scan3A_398 : i32 to index
      %get3A_555 = arith.constant 96 : index
      %get3A_556 = tpu.vector_load %arg11[%get3A_554, %get3A_555] {strides = array<i32>} : memref<64x128xf32, #tpu.memory_space<vmem>>, vector<1x16xf32>,
      %get3A_557 = vector.shape_cast %get3A_556 : vector<1x16xf32> to vector<16xf32>
      %add3A_558 = arith.addf %mul3A_553, %get3A_557 : vector<16xf32>
      %mul3A_559 = arith.mulf %get3A_544, %add3A_558 : vector<16xf32>
      %swap3A_560 = arith.index_cast %scan3A_398 : i32 to index
      %swap3A_561 = arith.constant 96 : index
      %swap3A_562 = tpu.vector_load %arg19[%swap3A_560, %swap3A_561] {strides = array<i32>} : memref<64x128xf32, #tpu.memory_space<vmem>>, vector<1x16xf32>,
      %swap3A_563 = vector.shape_cast %swap3A_562 : vector<1x16xf32> to vector<16xf32>
      %swap3A_564 = vector.shape_cast %mul3A_559 : vector<16xf32> to vector<1x16xf32>
      tpu.vector_store %arg19[%swap3A_560, %swap3A_561], %swap3A_564 {strides = array<i32>} : memref<64x128xf32, #tpu.memory_space<vmem>>, vector<1x16xf32>,
      %get3A_565 = arith.index_cast %scan3A_398 : i32 to index
      %get3A_566 = arith.constant 112 : index
      %get3A_567 = tpu.vector_load %arg15[%get3A_565, %get3A_566] {strides = array<i32>} : memref<64x128xf32, #tpu.memory_space<vmem>>, vector<1x16xf32>,
      %get3A_568 = vector.shape_cast %get3A_567 : vector<1x16xf32> to vector<16xf32>
      %get3A_569 = arith.index_cast %scan3A_398 : i32 to index
      %get3A_570 = arith.constant 112 : index
      %get3A_571 = tpu.vector_load %arg17[%get3A_569, %get3A_570] {strides = array<i32>} : memref<64x128xf32, #tpu.memory_space<vmem>>, vector<1x16xf32>,
      %get3A_572 = vector.shape_cast %get3A_571 : vector<1x16xf32> to vector<16xf32>
      %get3A_573 = arith.index_cast %scan3A_398 : i32 to index
      %get3A_574 = arith.constant 112 : index
      %get3A_575 = tpu.vector_load %arg13[%get3A_573, %get3A_574] {strides = array<i32>} : memref<64x128xf32, #tpu.memory_space<vmem>>, vector<1x16xf32>,
      %get3A_576 = vector.shape_cast %get3A_575 : vector<1x16xf32> to vector<16xf32>
      %mul3A_577 = arith.mulf %get3A_572, %get3A_576 : vector<16xf32>
      %get3A_578 = arith.index_cast %scan3A_398 : i32 to index
      %get3A_579 = arith.constant 112 : index
      %get3A_580 = tpu.vector_load %arg11[%get3A_578, %get3A_579] {strides = array<i32>} : memref<64x128xf32, #tpu.memory_space<vmem>>, vector<1x16xf32>,
      %get3A_581 = vector.shape_cast %get3A_580 : vector<1x16xf32> to vector<16xf32>
      %add3A_582 = arith.addf %mul3A_577, %get3A_581 : vector<16xf32>
      %mul3A_583 = arith.mulf %get3A_568, %add3A_582 : vector<16xf32>
      %swap3A_584 = arith.index_cast %scan3A_398 : i32 to index
      %swap3A_585 = arith.constant 112 : index
      %swap3A_586 = tpu.vector_load %arg19[%swap3A_584, %swap3A_585] {strides = array<i32>} : memref<64x128xf32, #tpu.memory_space<vmem>>, vector<1x16xf32>,
      %swap3A_587 = vector.shape_cast %swap3A_586 : vector<1x16xf32> to vector<16xf32>
      %swap3A_588 = vector.shape_cast %mul3A_583 : vector<16xf32> to vector<1x16xf32>
      tpu.vector_store %arg19[%swap3A_584, %swap3A_585], %swap3A_588 {strides = array<i32>} : memref<64x128xf32, #tpu.memory_space<vmem>>, vector<1x16xf32>,
    }
    %scan3A_307 = arith.constant 64 : i32
    %add3A_308 = arith.constant 320 : i32
    %add3A_309 = arith.addi %mul3A_2, %add3A_308 : i32
    %dma_start3A_310 = arith.constant 0 : i32
    %dma_start3A_311 = tpu.memref_slice %arg7[%add3A_309, %dma_start3A_310] : memref<16384x128xf32, #tpu.memory_space<hbm>> -> memref<64x128xf32, #tpu.memory_space<hbm>>
    %dma_start3A_312 = arith.constant 0 : i32
    %dma_start3A_313 = tpu.memref_slice %arg7[%add3A_309, %dma_start3A_312] : memref<16384x128xf32, #tpu.memory_space<hbm>> -> memref<64x128xf32, #tpu.memory_space<hbm>>
    tpu.enqueue_dma source(%arg19 : memref<64x128xf32, #tpu.memory_space<vmem>>) target(%dma_start3A_313 : memref<64x128xf32, #tpu.memory_space<hbm>>) target_semaphore(%arg33 : memref<!tpu.dma_semaphore, #tpu.memory_space<semaphore_mem>>)
    %add3A_314 = arith.constant 448 : i32
    %add3A_315 = arith.addi %mul3A_2, %add3A_314 : i32
    "tpu.region"() ({
      %run_scoped3A = tpu.sem_alloc : memref<!tpu.dma_semaphore, #tpu.memory_space<semaphore_mem>>
      %dma_start3A_398 = tpu.memref_slice %arg3[%add3A_315] : memref<16384xi32, #tpu.memory_space<hbm>> -> memref<64xi32, #tpu.memory_space<hbm>>
      %dma_start3A_399 = tpu.memref_slice %arg3[%add3A_315] : memref<16384xi32, #tpu.memory_space<hbm>> -> memref<64xi32, #tpu.memory_space<hbm>>
      tpu.enqueue_dma source(%dma_start3A_399 : memref<64xi32, #tpu.memory_space<hbm>>) target(%arg9 : memref<64xi32, #tpu.memory_space<vmem>>) target_semaphore(%run_scoped3A : memref<!tpu.dma_semaphore, #tpu.memory_space<semaphore_mem>>)
      %dma_wait3A_400 = tpu.memref_slice %arg3[%add3A_315] : memref<16384xi32, #tpu.memory_space<hbm>> -> memref<64xi32, #tpu.memory_space<hbm>>
      %dma_wait3A_401 = tpu.memref_slice %arg3[%add3A_315] : memref<16384xi32, #tpu.memory_space<hbm>> -> memref<64xi32, #tpu.memory_space<hbm>>
      tpu.wait_dma2 semaphore(%run_scoped3A : memref<!tpu.dma_semaphore, #tpu.memory_space<semaphore_mem>>) src(%dma_wait3A_401 : memref<64xi32, #tpu.memory_space<hbm>>) dst(%arg9 : memref<64xi32, #tpu.memory_space<vmem>>)
      tpu.yield
    }) : () -> ()
    %dma_start3A_316 = arith.constant 0 : i32
    %dma_start3A_317 = tpu.memref_slice %arg2[%add3A_315, %dma_start3A_316] : memref<16384x128xf32, #tpu.memory_space<hbm>> -> memref<64x128xf32, #tpu.memory_space<hbm>>
    %dma_start3A_318 = arith.constant 0 : i32
    %dma_start3A_319 = tpu.memref_slice %arg2[%add3A_315, %dma_start3A_318] : memref<16384x128xf32, #tpu.memory_space<hbm>> -> memref<64x128xf32, #tpu.memory_space<hbm>>
    tpu.enqueue_dma source(%dma_start3A_319 : memref<64x128xf32, #tpu.memory_space<hbm>>) target(%arg15 : memref<64x128xf32, #tpu.memory_space<vmem>>) target_semaphore(%arg29 : memref<!tpu.dma_semaphore, #tpu.memory_space<semaphore_mem>>)
    %dma_start3A_320 = arith.constant 0 : i32
    %dma_start3A_321 = tpu.memref_slice %arg6[%add3A_315, %dma_start3A_320] : memref<16384x128xf32, #tpu.memory_space<hbm>> -> memref<64x128xf32, #tpu.memory_space<hbm>>
    %dma_start3A_322 = arith.constant 0 : i32
    %dma_start3A_323 = tpu.memref_slice %arg6[%add3A_315, %dma_start3A_322] : memref<16384x128xf32, #tpu.memory_space<hbm>> -> memref<64x128xf32, #tpu.memory_space<hbm>>
    tpu.enqueue_dma source(%dma_start3A_323 : memref<64x128xf32, #tpu.memory_space<hbm>>) target(%arg17 : memref<64x128xf32, #tpu.memory_space<vmem>>) target_semaphore(%arg31 : memref<!tpu.dma_semaphore, #tpu.memory_space<semaphore_mem>>)
    %dma_start3A_324 = arith.constant 0 : i32
    %dma_start3A_325 = arith.constant 0 : i32
    %dma_start3A_326 = tpu.memref_slice %arg22[%dma_start3A_324, %dma_start3A_325] : memref<1000x128xf32, #tpu.memory_space<vmem_shared>> -> memref<1000x128xf32, #tpu.memory_space<vmem_shared>>
    tpu.enqueue_indirect_dma source(%dma_start3A_326 : memref<1000x128xf32, #tpu.memory_space<vmem_shared>>) target(%arg11 : memref<64x128xf32, #tpu.memory_space<vmem>>) offsets(%arg9 : memref<64xi32, #tpu.memory_space<vmem>>) semaphore(%arg25 : memref<!tpu.dma_semaphore, #tpu.memory_space<semaphore_mem>>)
    %dma_start3A_327 = arith.constant 0 : i32
    %dma_start3A_328 = arith.constant 0 : i32
    %dma_start3A_329 = tpu.memref_slice %arg23[%dma_start3A_327, %dma_start3A_328] : memref<1000x128xf32, #tpu.memory_space<vmem_shared>> -> memref<1000x128xf32, #tpu.memory_space<vmem_shared>>
    tpu.enqueue_indirect_dma source(%dma_start3A_329 : memref<1000x128xf32, #tpu.memory_space<vmem_shared>>) target(%arg13 : memref<64x128xf32, #tpu.memory_space<vmem>>) offsets(%arg9 : memref<64xi32, #tpu.memory_space<vmem>>) semaphore(%arg27 : memref<!tpu.dma_semaphore, #tpu.memory_space<semaphore_mem>>)
    %dma_wait3A_330 = arith.constant 0 : i32
    %dma_wait3A_331 = tpu.memref_slice %arg2[%add3A_269, %dma_wait3A_330] : memref<16384x128xf32, #tpu.memory_space<hbm>> -> memref<64x128xf32, #tpu.memory_space<hbm>>
    %dma_wait3A_332 = arith.constant 0 : i32
    %dma_wait3A_333 = tpu.memref_slice %arg2[%add3A_269, %dma_wait3A_332] : memref<16384x128xf32, #tpu.memory_space<hbm>> -> memref<64x128xf32, #tpu.memory_space<hbm>>
    tpu.wait_dma2 semaphore(%arg28 : memref<!tpu.dma_semaphore, #tpu.memory_space<semaphore_mem>>) src(%dma_wait3A_333 : memref<64x128xf32, #tpu.memory_space<hbm>>) dst(%arg14 : memref<64x128xf32, #tpu.memory_space<vmem>>)
    %dma_wait3A_334 = arith.constant 0 : i32
    %dma_wait3A_335 = tpu.memref_slice %arg6[%add3A_269, %dma_wait3A_334] : memref<16384x128xf32, #tpu.memory_space<hbm>> -> memref<64x128xf32, #tpu.memory_space<hbm>>
    %dma_wait3A_336 = arith.constant 0 : i32
    %dma_wait3A_337 = tpu.memref_slice %arg6[%add3A_269, %dma_wait3A_336] : memref<16384x128xf32, #tpu.memory_space<hbm>> -> memref<64x128xf32, #tpu.memory_space<hbm>>
    tpu.wait_dma2 semaphore(%arg30 : memref<!tpu.dma_semaphore, #tpu.memory_space<semaphore_mem>>) src(%dma_wait3A_337 : memref<64x128xf32, #tpu.memory_space<hbm>>) dst(%arg16 : memref<64x128xf32, #tpu.memory_space<vmem>>)
    %dma_wait3A_338 = arith.constant 0 : i32
    %dma_wait3A_339 = arith.constant 0 : i32
    %dma_wait3A_340 = tpu.memref_slice %arg22[%dma_wait3A_338, %dma_wait3A_339] : memref<1000x128xf32, #tpu.memory_space<vmem_shared>> -> memref<1000x128xf32, #tpu.memory_space<vmem_shared>>
    tpu.wait_indirect_dma semaphore(%arg24 : memref<!tpu.dma_semaphore, #tpu.memory_space<semaphore_mem>>) src(%dma_wait3A_340 : memref<1000x128xf32, #tpu.memory_space<vmem_shared>>) dst(%arg10 : memref<64x128xf32, #tpu.memory_space<vmem>>)
    %dma_wait3A_341 = arith.constant 0 : i32
    %dma_wait3A_342 = arith.constant 0 : i32
    %dma_wait3A_343 = tpu.memref_slice %arg23[%dma_wait3A_341, %dma_wait3A_342] : memref<1000x128xf32, #tpu.memory_space<vmem_shared>> -> memref<1000x128xf32, #tpu.memory_space<vmem_shared>>
    tpu.wait_indirect_dma semaphore(%arg26 : memref<!tpu.dma_semaphore, #tpu.memory_space<semaphore_mem>>) src(%dma_wait3A_343 : memref<1000x128xf32, #tpu.memory_space<vmem_shared>>) dst(%arg12 : memref<64x128xf32, #tpu.memory_space<vmem>>)
    %dma_wait3A_344 = arith.constant 0 : i32
    %dma_wait3A_345 = tpu.memref_slice %arg7[%add3A_263, %dma_wait3A_344] : memref<16384x128xf32, #tpu.memory_space<hbm>> -> memref<64x128xf32, #tpu.memory_space<hbm>>
    %dma_wait3A_346 = arith.constant 0 : i32
    %dma_wait3A_347 = tpu.memref_slice %arg7[%add3A_263, %dma_wait3A_346] : memref<16384x128xf32, #tpu.memory_space<hbm>> -> memref<64x128xf32, #tpu.memory_space<hbm>>
    tpu.wait_dma2 semaphore(%arg32 : memref<!tpu.dma_semaphore, #tpu.memory_space<semaphore_mem>>) src(%arg18 : memref<64x128xf32, #tpu.memory_space<vmem>>) dst(%dma_wait3A_347 : memref<64x128xf32, #tpu.memory_space<hbm>>)
    %scan3A_348 = arith.constant 0 : i32
    %scan3A_349 = arith.constant 0 : i32
    %scan3A_350 = arith.constant 64 : i32
    %scan3A_351 = arith.addi %scan3A_349, %scan3A_350 : i32
    %scan3A_352 = arith.constant 1 : i32
    scf.for %scan3A_398 = %scan3A_349 to %scan3A_351 step %scan3A_352  : i32 {
      %get3A = arith.index_cast %scan3A_398 : i32 to index
      %get3A_399 = arith.constant 0 : index
      %get3A_400 = tpu.vector_load %arg14[%get3A, %get3A_399] {strides = array<i32>} : memref<64x128xf32, #tpu.memory_space<vmem>>, vector<1x16xf32>,
      %get3A_401 = vector.shape_cast %get3A_400 : vector<1x16xf32> to vector<16xf32>
      %get3A_402 = arith.index_cast %scan3A_398 : i32 to index
      %get3A_403 = arith.constant 0 : index
      %get3A_404 = tpu.vector_load %arg16[%get3A_402, %get3A_403] {strides = array<i32>} : memref<64x128xf32, #tpu.memory_space<vmem>>, vector<1x16xf32>,
      %get3A_405 = vector.shape_cast %get3A_404 : vector<1x16xf32> to vector<16xf32>
      %get3A_406 = arith.index_cast %scan3A_398 : i32 to index
      %get3A_407 = arith.constant 0 : index
      %get3A_408 = tpu.vector_load %arg12[%get3A_406, %get3A_407] {strides = array<i32>} : memref<64x128xf32, #tpu.memory_space<vmem>>, vector<1x16xf32>,
      %get3A_409 = vector.shape_cast %get3A_408 : vector<1x16xf32> to vector<16xf32>
      %mul3A_410 = arith.mulf %get3A_405, %get3A_409 : vector<16xf32>
      %get3A_411 = arith.index_cast %scan3A_398 : i32 to index
      %get3A_412 = arith.constant 0 : index
      %get3A_413 = tpu.vector_load %arg10[%get3A_411, %get3A_412] {strides = array<i32>} : memref<64x128xf32, #tpu.memory_space<vmem>>, vector<1x16xf32>,
      %get3A_414 = vector.shape_cast %get3A_413 : vector<1x16xf32> to vector<16xf32>
      %add3A_415 = arith.addf %mul3A_410, %get3A_414 : vector<16xf32>
      %mul3A_416 = arith.mulf %get3A_401, %add3A_415 : vector<16xf32>
      %swap3A = arith.index_cast %scan3A_398 : i32 to index
      %swap3A_417 = arith.constant 0 : index
      %swap3A_418 = tpu.vector_load %arg18[%swap3A, %swap3A_417] {strides = array<i32>} : memref<64x128xf32, #tpu.memory_space<vmem>>, vector<1x16xf32>,
      %swap3A_419 = vector.shape_cast %swap3A_418 : vector<1x16xf32> to vector<16xf32>
      %swap3A_420 = vector.shape_cast %mul3A_416 : vector<16xf32> to vector<1x16xf32>
      tpu.vector_store %arg18[%swap3A, %swap3A_417], %swap3A_420 {strides = array<i32>} : memref<64x128xf32, #tpu.memory_space<vmem>>, vector<1x16xf32>,
      %get3A_421 = arith.index_cast %scan3A_398 : i32 to index
      %get3A_422 = arith.constant 16 : index
      %get3A_423 = tpu.vector_load %arg14[%get3A_421, %get3A_422] {strides = array<i32>} : memref<64x128xf32, #tpu.memory_space<vmem>>, vector<1x16xf32>,
      %get3A_424 = vector.shape_cast %get3A_423 : vector<1x16xf32> to vector<16xf32>
      %get3A_425 = arith.index_cast %scan3A_398 : i32 to index
      %get3A_426 = arith.constant 16 : index
      %get3A_427 = tpu.vector_load %arg16[%get3A_425, %get3A_426] {strides = array<i32>} : memref<64x128xf32, #tpu.memory_space<vmem>>, vector<1x16xf32>,
      %get3A_428 = vector.shape_cast %get3A_427 : vector<1x16xf32> to vector<16xf32>
      %get3A_429 = arith.index_cast %scan3A_398 : i32 to index
      %get3A_430 = arith.constant 16 : index
      %get3A_431 = tpu.vector_load %arg12[%get3A_429, %get3A_430] {strides = array<i32>} : memref<64x128xf32, #tpu.memory_space<vmem>>, vector<1x16xf32>,
      %get3A_432 = vector.shape_cast %get3A_431 : vector<1x16xf32> to vector<16xf32>
      %mul3A_433 = arith.mulf %get3A_428, %get3A_432 : vector<16xf32>
      %get3A_434 = arith.index_cast %scan3A_398 : i32 to index
      %get3A_435 = arith.constant 16 : index
      %get3A_436 = tpu.vector_load %arg10[%get3A_434, %get3A_435] {strides = array<i32>} : memref<64x128xf32, #tpu.memory_space<vmem>>, vector<1x16xf32>,
      %get3A_437 = vector.shape_cast %get3A_436 : vector<1x16xf32> to vector<16xf32>
      %add3A_438 = arith.addf %mul3A_433, %get3A_437 : vector<16xf32>
      %mul3A_439 = arith.mulf %get3A_424, %add3A_438 : vector<16xf32>
      %swap3A_440 = arith.index_cast %scan3A_398 : i32 to index
      %swap3A_441 = arith.constant 16 : index
      %swap3A_442 = tpu.vector_load %arg18[%swap3A_440, %swap3A_441] {strides = array<i32>} : memref<64x128xf32, #tpu.memory_space<vmem>>, vector<1x16xf32>,
      %swap3A_443 = vector.shape_cast %swap3A_442 : vector<1x16xf32> to vector<16xf32>
      %swap3A_444 = vector.shape_cast %mul3A_439 : vector<16xf32> to vector<1x16xf32>
      tpu.vector_store %arg18[%swap3A_440, %swap3A_441], %swap3A_444 {strides = array<i32>} : memref<64x128xf32, #tpu.memory_space<vmem>>, vector<1x16xf32>,
      %get3A_445 = arith.index_cast %scan3A_398 : i32 to index
      %get3A_446 = arith.constant 32 : index
      %get3A_447 = tpu.vector_load %arg14[%get3A_445, %get3A_446] {strides = array<i32>} : memref<64x128xf32, #tpu.memory_space<vmem>>, vector<1x16xf32>,
      %get3A_448 = vector.shape_cast %get3A_447 : vector<1x16xf32> to vector<16xf32>
      %get3A_449 = arith.index_cast %scan3A_398 : i32 to index
      %get3A_450 = arith.constant 32 : index
      %get3A_451 = tpu.vector_load %arg16[%get3A_449, %get3A_450] {strides = array<i32>} : memref<64x128xf32, #tpu.memory_space<vmem>>, vector<1x16xf32>,
      %get3A_452 = vector.shape_cast %get3A_451 : vector<1x16xf32> to vector<16xf32>
      %get3A_453 = arith.index_cast %scan3A_398 : i32 to index
      %get3A_454 = arith.constant 32 : index
      %get3A_455 = tpu.vector_load %arg12[%get3A_453, %get3A_454] {strides = array<i32>} : memref<64x128xf32, #tpu.memory_space<vmem>>, vector<1x16xf32>,
      %get3A_456 = vector.shape_cast %get3A_455 : vector<1x16xf32> to vector<16xf32>
      %mul3A_457 = arith.mulf %get3A_452, %get3A_456 : vector<16xf32>
      %get3A_458 = arith.index_cast %scan3A_398 : i32 to index
      %get3A_459 = arith.constant 32 : index
      %get3A_460 = tpu.vector_load %arg10[%get3A_458, %get3A_459] {strides = array<i32>} : memref<64x128xf32, #tpu.memory_space<vmem>>, vector<1x16xf32>,
      %get3A_461 = vector.shape_cast %get3A_460 : vector<1x16xf32> to vector<16xf32>
      %add3A_462 = arith.addf %mul3A_457, %get3A_461 : vector<16xf32>
      %mul3A_463 = arith.mulf %get3A_448, %add3A_462 : vector<16xf32>
      %swap3A_464 = arith.index_cast %scan3A_398 : i32 to index
      %swap3A_465 = arith.constant 32 : index
      %swap3A_466 = tpu.vector_load %arg18[%swap3A_464, %swap3A_465] {strides = array<i32>} : memref<64x128xf32, #tpu.memory_space<vmem>>, vector<1x16xf32>,
      %swap3A_467 = vector.shape_cast %swap3A_466 : vector<1x16xf32> to vector<16xf32>
      %swap3A_468 = vector.shape_cast %mul3A_463 : vector<16xf32> to vector<1x16xf32>
      tpu.vector_store %arg18[%swap3A_464, %swap3A_465], %swap3A_468 {strides = array<i32>} : memref<64x128xf32, #tpu.memory_space<vmem>>, vector<1x16xf32>,
      %get3A_469 = arith.index_cast %scan3A_398 : i32 to index
      %get3A_470 = arith.constant 48 : index
      %get3A_471 = tpu.vector_load %arg14[%get3A_469, %get3A_470] {strides = array<i32>} : memref<64x128xf32, #tpu.memory_space<vmem>>, vector<1x16xf32>,
      %get3A_472 = vector.shape_cast %get3A_471 : vector<1x16xf32> to vector<16xf32>
      %get3A_473 = arith.index_cast %scan3A_398 : i32 to index
      %get3A_474 = arith.constant 48 : index
      %get3A_475 = tpu.vector_load %arg16[%get3A_473, %get3A_474] {strides = array<i32>} : memref<64x128xf32, #tpu.memory_space<vmem>>, vector<1x16xf32>,
      %get3A_476 = vector.shape_cast %get3A_475 : vector<1x16xf32> to vector<16xf32>
      %get3A_477 = arith.index_cast %scan3A_398 : i32 to index
      %get3A_478 = arith.constant 48 : index
      %get3A_479 = tpu.vector_load %arg12[%get3A_477, %get3A_478] {strides = array<i32>} : memref<64x128xf32, #tpu.memory_space<vmem>>, vector<1x16xf32>,
      %get3A_480 = vector.shape_cast %get3A_479 : vector<1x16xf32> to vector<16xf32>
      %mul3A_481 = arith.mulf %get3A_476, %get3A_480 : vector<16xf32>
      %get3A_482 = arith.index_cast %scan3A_398 : i32 to index
      %get3A_483 = arith.constant 48 : index
      %get3A_484 = tpu.vector_load %arg10[%get3A_482, %get3A_483] {strides = array<i32>} : memref<64x128xf32, #tpu.memory_space<vmem>>, vector<1x16xf32>,
      %get3A_485 = vector.shape_cast %get3A_484 : vector<1x16xf32> to vector<16xf32>
      %add3A_486 = arith.addf %mul3A_481, %get3A_485 : vector<16xf32>
      %mul3A_487 = arith.mulf %get3A_472, %add3A_486 : vector<16xf32>
      %swap3A_488 = arith.index_cast %scan3A_398 : i32 to index
      %swap3A_489 = arith.constant 48 : index
      %swap3A_490 = tpu.vector_load %arg18[%swap3A_488, %swap3A_489] {strides = array<i32>} : memref<64x128xf32, #tpu.memory_space<vmem>>, vector<1x16xf32>,
      %swap3A_491 = vector.shape_cast %swap3A_490 : vector<1x16xf32> to vector<16xf32>
      %swap3A_492 = vector.shape_cast %mul3A_487 : vector<16xf32> to vector<1x16xf32>
      tpu.vector_store %arg18[%swap3A_488, %swap3A_489], %swap3A_492 {strides = array<i32>} : memref<64x128xf32, #tpu.memory_space<vmem>>, vector<1x16xf32>,
      %get3A_493 = arith.index_cast %scan3A_398 : i32 to index
      %get3A_494 = arith.constant 64 : index
      %get3A_495 = tpu.vector_load %arg14[%get3A_493, %get3A_494] {strides = array<i32>} : memref<64x128xf32, #tpu.memory_space<vmem>>, vector<1x16xf32>,
      %get3A_496 = vector.shape_cast %get3A_495 : vector<1x16xf32> to vector<16xf32>
      %get3A_497 = arith.index_cast %scan3A_398 : i32 to index
      %get3A_498 = arith.constant 64 : index
      %get3A_499 = tpu.vector_load %arg16[%get3A_497, %get3A_498] {strides = array<i32>} : memref<64x128xf32, #tpu.memory_space<vmem>>, vector<1x16xf32>,
      %get3A_500 = vector.shape_cast %get3A_499 : vector<1x16xf32> to vector<16xf32>
      %get3A_501 = arith.index_cast %scan3A_398 : i32 to index
      %get3A_502 = arith.constant 64 : index
      %get3A_503 = tpu.vector_load %arg12[%get3A_501, %get3A_502] {strides = array<i32>} : memref<64x128xf32, #tpu.memory_space<vmem>>, vector<1x16xf32>,
      %get3A_504 = vector.shape_cast %get3A_503 : vector<1x16xf32> to vector<16xf32>
      %mul3A_505 = arith.mulf %get3A_500, %get3A_504 : vector<16xf32>
      %get3A_506 = arith.index_cast %scan3A_398 : i32 to index
      %get3A_507 = arith.constant 64 : index
      %get3A_508 = tpu.vector_load %arg10[%get3A_506, %get3A_507] {strides = array<i32>} : memref<64x128xf32, #tpu.memory_space<vmem>>, vector<1x16xf32>,
      %get3A_509 = vector.shape_cast %get3A_508 : vector<1x16xf32> to vector<16xf32>
      %add3A_510 = arith.addf %mul3A_505, %get3A_509 : vector<16xf32>
      %mul3A_511 = arith.mulf %get3A_496, %add3A_510 : vector<16xf32>
      %swap3A_512 = arith.index_cast %scan3A_398 : i32 to index
      %swap3A_513 = arith.constant 64 : index
      %swap3A_514 = tpu.vector_load %arg18[%swap3A_512, %swap3A_513] {strides = array<i32>} : memref<64x128xf32, #tpu.memory_space<vmem>>, vector<1x16xf32>,
      %swap3A_515 = vector.shape_cast %swap3A_514 : vector<1x16xf32> to vector<16xf32>
      %swap3A_516 = vector.shape_cast %mul3A_511 : vector<16xf32> to vector<1x16xf32>
      tpu.vector_store %arg18[%swap3A_512, %swap3A_513], %swap3A_516 {strides = array<i32>} : memref<64x128xf32, #tpu.memory_space<vmem>>, vector<1x16xf32>,
      %get3A_517 = arith.index_cast %scan3A_398 : i32 to index
      %get3A_518 = arith.constant 80 : index
      %get3A_519 = tpu.vector_load %arg14[%get3A_517, %get3A_518] {strides = array<i32>} : memref<64x128xf32, #tpu.memory_space<vmem>>, vector<1x16xf32>,
      %get3A_520 = vector.shape_cast %get3A_519 : vector<1x16xf32> to vector<16xf32>
      %get3A_521 = arith.index_cast %scan3A_398 : i32 to index
      %get3A_522 = arith.constant 80 : index
      %get3A_523 = tpu.vector_load %arg16[%get3A_521, %get3A_522] {strides = array<i32>} : memref<64x128xf32, #tpu.memory_space<vmem>>, vector<1x16xf32>,
      %get3A_524 = vector.shape_cast %get3A_523 : vector<1x16xf32> to vector<16xf32>
      %get3A_525 = arith.index_cast %scan3A_398 : i32 to index
      %get3A_526 = arith.constant 80 : index
      %get3A_527 = tpu.vector_load %arg12[%get3A_525, %get3A_526] {strides = array<i32>} : memref<64x128xf32, #tpu.memory_space<vmem>>, vector<1x16xf32>,
      %get3A_528 = vector.shape_cast %get3A_527 : vector<1x16xf32> to vector<16xf32>
      %mul3A_529 = arith.mulf %get3A_524, %get3A_528 : vector<16xf32>
      %get3A_530 = arith.index_cast %scan3A_398 : i32 to index
      %get3A_531 = arith.constant 80 : index
      %get3A_532 = tpu.vector_load %arg10[%get3A_530, %get3A_531] {strides = array<i32>} : memref<64x128xf32, #tpu.memory_space<vmem>>, vector<1x16xf32>,
      %get3A_533 = vector.shape_cast %get3A_532 : vector<1x16xf32> to vector<16xf32>
      %add3A_534 = arith.addf %mul3A_529, %get3A_533 : vector<16xf32>
      %mul3A_535 = arith.mulf %get3A_520, %add3A_534 : vector<16xf32>
      %swap3A_536 = arith.index_cast %scan3A_398 : i32 to index
      %swap3A_537 = arith.constant 80 : index
      %swap3A_538 = tpu.vector_load %arg18[%swap3A_536, %swap3A_537] {strides = array<i32>} : memref<64x128xf32, #tpu.memory_space<vmem>>, vector<1x16xf32>,
      %swap3A_539 = vector.shape_cast %swap3A_538 : vector<1x16xf32> to vector<16xf32>
      %swap3A_540 = vector.shape_cast %mul3A_535 : vector<16xf32> to vector<1x16xf32>
      tpu.vector_store %arg18[%swap3A_536, %swap3A_537], %swap3A_540 {strides = array<i32>} : memref<64x128xf32, #tpu.memory_space<vmem>>, vector<1x16xf32>,
      %get3A_541 = arith.index_cast %scan3A_398 : i32 to index
      %get3A_542 = arith.constant 96 : index
      %get3A_543 = tpu.vector_load %arg14[%get3A_541, %get3A_542] {strides = array<i32>} : memref<64x128xf32, #tpu.memory_space<vmem>>, vector<1x16xf32>,
      %get3A_544 = vector.shape_cast %get3A_543 : vector<1x16xf32> to vector<16xf32>
      %get3A_545 = arith.index_cast %scan3A_398 : i32 to index
      %get3A_546 = arith.constant 96 : index
      %get3A_547 = tpu.vector_load %arg16[%get3A_545, %get3A_546] {strides = array<i32>} : memref<64x128xf32, #tpu.memory_space<vmem>>, vector<1x16xf32>,
      %get3A_548 = vector.shape_cast %get3A_547 : vector<1x16xf32> to vector<16xf32>
      %get3A_549 = arith.index_cast %scan3A_398 : i32 to index
      %get3A_550 = arith.constant 96 : index
      %get3A_551 = tpu.vector_load %arg12[%get3A_549, %get3A_550] {strides = array<i32>} : memref<64x128xf32, #tpu.memory_space<vmem>>, vector<1x16xf32>,
      %get3A_552 = vector.shape_cast %get3A_551 : vector<1x16xf32> to vector<16xf32>
      %mul3A_553 = arith.mulf %get3A_548, %get3A_552 : vector<16xf32>
      %get3A_554 = arith.index_cast %scan3A_398 : i32 to index
      %get3A_555 = arith.constant 96 : index
      %get3A_556 = tpu.vector_load %arg10[%get3A_554, %get3A_555] {strides = array<i32>} : memref<64x128xf32, #tpu.memory_space<vmem>>, vector<1x16xf32>,
      %get3A_557 = vector.shape_cast %get3A_556 : vector<1x16xf32> to vector<16xf32>
      %add3A_558 = arith.addf %mul3A_553, %get3A_557 : vector<16xf32>
      %mul3A_559 = arith.mulf %get3A_544, %add3A_558 : vector<16xf32>
      %swap3A_560 = arith.index_cast %scan3A_398 : i32 to index
      %swap3A_561 = arith.constant 96 : index
      %swap3A_562 = tpu.vector_load %arg18[%swap3A_560, %swap3A_561] {strides = array<i32>} : memref<64x128xf32, #tpu.memory_space<vmem>>, vector<1x16xf32>,
      %swap3A_563 = vector.shape_cast %swap3A_562 : vector<1x16xf32> to vector<16xf32>
      %swap3A_564 = vector.shape_cast %mul3A_559 : vector<16xf32> to vector<1x16xf32>
      tpu.vector_store %arg18[%swap3A_560, %swap3A_561], %swap3A_564 {strides = array<i32>} : memref<64x128xf32, #tpu.memory_space<vmem>>, vector<1x16xf32>,
      %get3A_565 = arith.index_cast %scan3A_398 : i32 to index
      %get3A_566 = arith.constant 112 : index
      %get3A_567 = tpu.vector_load %arg14[%get3A_565, %get3A_566] {strides = array<i32>} : memref<64x128xf32, #tpu.memory_space<vmem>>, vector<1x16xf32>,
      %get3A_568 = vector.shape_cast %get3A_567 : vector<1x16xf32> to vector<16xf32>
      %get3A_569 = arith.index_cast %scan3A_398 : i32 to index
      %get3A_570 = arith.constant 112 : index
      %get3A_571 = tpu.vector_load %arg16[%get3A_569, %get3A_570] {strides = array<i32>} : memref<64x128xf32, #tpu.memory_space<vmem>>, vector<1x16xf32>,
      %get3A_572 = vector.shape_cast %get3A_571 : vector<1x16xf32> to vector<16xf32>
      %get3A_573 = arith.index_cast %scan3A_398 : i32 to index
      %get3A_574 = arith.constant 112 : index
      %get3A_575 = tpu.vector_load %arg12[%get3A_573, %get3A_574] {strides = array<i32>} : memref<64x128xf32, #tpu.memory_space<vmem>>, vector<1x16xf32>,
      %get3A_576 = vector.shape_cast %get3A_575 : vector<1x16xf32> to vector<16xf32>
      %mul3A_577 = arith.mulf %get3A_572, %get3A_576 : vector<16xf32>
      %get3A_578 = arith.index_cast %scan3A_398 : i32 to index
      %get3A_579 = arith.constant 112 : index
      %get3A_580 = tpu.vector_load %arg10[%get3A_578, %get3A_579] {strides = array<i32>} : memref<64x128xf32, #tpu.memory_space<vmem>>, vector<1x16xf32>,
      %get3A_581 = vector.shape_cast %get3A_580 : vector<1x16xf32> to vector<16xf32>
      %add3A_582 = arith.addf %mul3A_577, %get3A_581 : vector<16xf32>
      %mul3A_583 = arith.mulf %get3A_568, %add3A_582 : vector<16xf32>
      %swap3A_584 = arith.index_cast %scan3A_398 : i32 to index
      %swap3A_585 = arith.constant 112 : index
      %swap3A_586 = tpu.vector_load %arg18[%swap3A_584, %swap3A_585] {strides = array<i32>} : memref<64x128xf32, #tpu.memory_space<vmem>>, vector<1x16xf32>,
      %swap3A_587 = vector.shape_cast %swap3A_586 : vector<1x16xf32> to vector<16xf32>
      %swap3A_588 = vector.shape_cast %mul3A_583 : vector<16xf32> to vector<1x16xf32>
      tpu.vector_store %arg18[%swap3A_584, %swap3A_585], %swap3A_588 {strides = array<i32>} : memref<64x128xf32, #tpu.memory_space<vmem>>, vector<1x16xf32>,
    }
    %scan3A_353 = arith.constant 64 : i32
    %add3A_354 = arith.constant 384 : i32
    %add3A_355 = arith.addi %mul3A_2, %add3A_354 : i32
    %dma_start3A_356 = arith.constant 0 : i32
    %dma_start3A_357 = tpu.memref_slice %arg7[%add3A_355, %dma_start3A_356] : memref<16384x128xf32, #tpu.memory_space<hbm>> -> memref<64x128xf32, #tpu.memory_space<hbm>>
    %dma_start3A_358 = arith.constant 0 : i32
    %dma_start3A_359 = tpu.memref_slice %arg7[%add3A_355, %dma_start3A_358] : memref<16384x128xf32, #tpu.memory_space<hbm>> -> memref<64x128xf32, #tpu.memory_space<hbm>>
    tpu.enqueue_dma source(%arg18 : memref<64x128xf32, #tpu.memory_space<vmem>>) target(%dma_start3A_359 : memref<64x128xf32, #tpu.memory_space<hbm>>) target_semaphore(%arg32 : memref<!tpu.dma_semaphore, #tpu.memory_space<semaphore_mem>>)
    %dma_wait3A_360 = arith.constant 0 : i32
    %dma_wait3A_361 = tpu.memref_slice %arg2[%add3A_315, %dma_wait3A_360] : memref<16384x128xf32, #tpu.memory_space<hbm>> -> memref<64x128xf32, #tpu.memory_space<hbm>>
    %dma_wait3A_362 = arith.constant 0 : i32
    %dma_wait3A_363 = tpu.memref_slice %arg2[%add3A_315, %dma_wait3A_362] : memref<16384x128xf32, #tpu.memory_space<hbm>> -> memref<64x128xf32, #tpu.memory_space<hbm>>
    tpu.wait_dma2 semaphore(%arg29 : memref<!tpu.dma_semaphore, #tpu.memory_space<semaphore_mem>>) src(%dma_wait3A_363 : memref<64x128xf32, #tpu.memory_space<hbm>>) dst(%arg15 : memref<64x128xf32, #tpu.memory_space<vmem>>)
    %dma_wait3A_364 = arith.constant 0 : i32
    %dma_wait3A_365 = tpu.memref_slice %arg6[%add3A_315, %dma_wait3A_364] : memref<16384x128xf32, #tpu.memory_space<hbm>> -> memref<64x128xf32, #tpu.memory_space<hbm>>
    %dma_wait3A_366 = arith.constant 0 : i32
    %dma_wait3A_367 = tpu.memref_slice %arg6[%add3A_315, %dma_wait3A_366] : memref<16384x128xf32, #tpu.memory_space<hbm>> -> memref<64x128xf32, #tpu.memory_space<hbm>>
    tpu.wait_dma2 semaphore(%arg31 : memref<!tpu.dma_semaphore, #tpu.memory_space<semaphore_mem>>) src(%dma_wait3A_367 : memref<64x128xf32, #tpu.memory_space<hbm>>) dst(%arg17 : memref<64x128xf32, #tpu.memory_space<vmem>>)
    %dma_wait3A_368 = arith.constant 0 : i32
    %dma_wait3A_369 = arith.constant 0 : i32
    %dma_wait3A_370 = tpu.memref_slice %arg22[%dma_wait3A_368, %dma_wait3A_369] : memref<1000x128xf32, #tpu.memory_space<vmem_shared>> -> memref<1000x128xf32, #tpu.memory_space<vmem_shared>>
    tpu.wait_indirect_dma semaphore(%arg25 : memref<!tpu.dma_semaphore, #tpu.memory_space<semaphore_mem>>) src(%dma_wait3A_370 : memref<1000x128xf32, #tpu.memory_space<vmem_shared>>) dst(%arg11 : memref<64x128xf32, #tpu.memory_space<vmem>>)
    %dma_wait3A_371 = arith.constant 0 : i32
    %dma_wait3A_372 = arith.constant 0 : i32
    %dma_wait3A_373 = tpu.memref_slice %arg23[%dma_wait3A_371, %dma_wait3A_372] : memref<1000x128xf32, #tpu.memory_space<vmem_shared>> -> memref<1000x128xf32, #tpu.memory_space<vmem_shared>>
    tpu.wait_indirect_dma semaphore(%arg27 : memref<!tpu.dma_semaphore, #tpu.memory_space<semaphore_mem>>) src(%dma_wait3A_373 : memref<1000x128xf32, #tpu.memory_space<vmem_shared>>) dst(%arg13 : memref<64x128xf32, #tpu.memory_space<vmem>>)
    %dma_wait3A_374 = arith.constant 0 : i32
    %dma_wait3A_375 = tpu.memref_slice %arg7[%add3A_309, %dma_wait3A_374] : memref<16384x128xf32, #tpu.memory_space<hbm>> -> memref<64x128xf32, #tpu.memory_space<hbm>>
    %dma_wait3A_376 = arith.constant 0 : i32
    %dma_wait3A_377 = tpu.memref_slice %arg7[%add3A_309, %dma_wait3A_376] : memref<16384x128xf32, #tpu.memory_space<hbm>> -> memref<64x128xf32, #tpu.memory_space<hbm>>
    tpu.wait_dma2 semaphore(%arg33 : memref<!tpu.dma_semaphore, #tpu.memory_space<semaphore_mem>>) src(%arg19 : memref<64x128xf32, #tpu.memory_space<vmem>>) dst(%dma_wait3A_377 : memref<64x128xf32, #tpu.memory_space<hbm>>)
    %scan3A_378 = arith.constant 0 : i32
    %scan3A_379 = arith.constant 0 : i32
    %scan3A_380 = arith.constant 64 : i32
    %scan3A_381 = arith.addi %scan3A_379, %scan3A_380 : i32
    %scan3A_382 = arith.constant 1 : i32
    scf.for %scan3A_398 = %scan3A_379 to %scan3A_381 step %scan3A_382  : i32 {
      %get3A = arith.index_cast %scan3A_398 : i32 to index
      %get3A_399 = arith.constant 0 : index
      %get3A_400 = tpu.vector_load %arg15[%get3A, %get3A_399] {strides = array<i32>} : memref<64x128xf32, #tpu.memory_space<vmem>>, vector<1x16xf32>,
      %get3A_401 = vector.shape_cast %get3A_400 : vector<1x16xf32> to vector<16xf32>
      %get3A_402 = arith.index_cast %scan3A_398 : i32 to index
      %get3A_403 = arith.constant 0 : index
      %get3A_404 = tpu.vector_load %arg17[%get3A_402, %get3A_403] {strides = array<i32>} : memref<64x128xf32, #tpu.memory_space<vmem>>, vector<1x16xf32>,
      %get3A_405 = vector.shape_cast %get3A_404 : vector<1x16xf32> to vector<16xf32>
      %get3A_406 = arith.index_cast %scan3A_398 : i32 to index
      %get3A_407 = arith.constant 0 : index
      %get3A_408 = tpu.vector_load %arg13[%get3A_406, %get3A_407] {strides = array<i32>} : memref<64x128xf32, #tpu.memory_space<vmem>>, vector<1x16xf32>,
      %get3A_409 = vector.shape_cast %get3A_408 : vector<1x16xf32> to vector<16xf32>
      %mul3A_410 = arith.mulf %get3A_405, %get3A_409 : vector<16xf32>
      %get3A_411 = arith.index_cast %scan3A_398 : i32 to index
      %get3A_412 = arith.constant 0 : index
      %get3A_413 = tpu.vector_load %arg11[%get3A_411, %get3A_412] {strides = array<i32>} : memref<64x128xf32, #tpu.memory_space<vmem>>, vector<1x16xf32>,
      %get3A_414 = vector.shape_cast %get3A_413 : vector<1x16xf32> to vector<16xf32>
      %add3A_415 = arith.addf %mul3A_410, %get3A_414 : vector<16xf32>
      %mul3A_416 = arith.mulf %get3A_401, %add3A_415 : vector<16xf32>
      %swap3A = arith.index_cast %scan3A_398 : i32 to index
      %swap3A_417 = arith.constant 0 : index
      %swap3A_418 = tpu.vector_load %arg19[%swap3A, %swap3A_417] {strides = array<i32>} : memref<64x128xf32, #tpu.memory_space<vmem>>, vector<1x16xf32>,
      %swap3A_419 = vector.shape_cast %swap3A_418 : vector<1x16xf32> to vector<16xf32>
      %swap3A_420 = vector.shape_cast %mul3A_416 : vector<16xf32> to vector<1x16xf32>
      tpu.vector_store %arg19[%swap3A, %swap3A_417], %swap3A_420 {strides = array<i32>} : memref<64x128xf32, #tpu.memory_space<vmem>>, vector<1x16xf32>,
      %get3A_421 = arith.index_cast %scan3A_398 : i32 to index
      %get3A_422 = arith.constant 16 : index
      %get3A_423 = tpu.vector_load %arg15[%get3A_421, %get3A_422] {strides = array<i32>} : memref<64x128xf32, #tpu.memory_space<vmem>>, vector<1x16xf32>,
      %get3A_424 = vector.shape_cast %get3A_423 : vector<1x16xf32> to vector<16xf32>
      %get3A_425 = arith.index_cast %scan3A_398 : i32 to index
      %get3A_426 = arith.constant 16 : index
      %get3A_427 = tpu.vector_load %arg17[%get3A_425, %get3A_426] {strides = array<i32>} : memref<64x128xf32, #tpu.memory_space<vmem>>, vector<1x16xf32>,
      %get3A_428 = vector.shape_cast %get3A_427 : vector<1x16xf32> to vector<16xf32>
      %get3A_429 = arith.index_cast %scan3A_398 : i32 to index
      %get3A_430 = arith.constant 16 : index
      %get3A_431 = tpu.vector_load %arg13[%get3A_429, %get3A_430] {strides = array<i32>} : memref<64x128xf32, #tpu.memory_space<vmem>>, vector<1x16xf32>,
      %get3A_432 = vector.shape_cast %get3A_431 : vector<1x16xf32> to vector<16xf32>
      %mul3A_433 = arith.mulf %get3A_428, %get3A_432 : vector<16xf32>
      %get3A_434 = arith.index_cast %scan3A_398 : i32 to index
      %get3A_435 = arith.constant 16 : index
      %get3A_436 = tpu.vector_load %arg11[%get3A_434, %get3A_435] {strides = array<i32>} : memref<64x128xf32, #tpu.memory_space<vmem>>, vector<1x16xf32>,
      %get3A_437 = vector.shape_cast %get3A_436 : vector<1x16xf32> to vector<16xf32>
      %add3A_438 = arith.addf %mul3A_433, %get3A_437 : vector<16xf32>
      %mul3A_439 = arith.mulf %get3A_424, %add3A_438 : vector<16xf32>
      %swap3A_440 = arith.index_cast %scan3A_398 : i32 to index
      %swap3A_441 = arith.constant 16 : index
      %swap3A_442 = tpu.vector_load %arg19[%swap3A_440, %swap3A_441] {strides = array<i32>} : memref<64x128xf32, #tpu.memory_space<vmem>>, vector<1x16xf32>,
      %swap3A_443 = vector.shape_cast %swap3A_442 : vector<1x16xf32> to vector<16xf32>
      %swap3A_444 = vector.shape_cast %mul3A_439 : vector<16xf32> to vector<1x16xf32>
      tpu.vector_store %arg19[%swap3A_440, %swap3A_441], %swap3A_444 {strides = array<i32>} : memref<64x128xf32, #tpu.memory_space<vmem>>, vector<1x16xf32>,
      %get3A_445 = arith.index_cast %scan3A_398 : i32 to index
      %get3A_446 = arith.constant 32 : index
      %get3A_447 = tpu.vector_load %arg15[%get3A_445, %get3A_446] {strides = array<i32>} : memref<64x128xf32, #tpu.memory_space<vmem>>, vector<1x16xf32>,
      %get3A_448 = vector.shape_cast %get3A_447 : vector<1x16xf32> to vector<16xf32>
      %get3A_449 = arith.index_cast %scan3A_398 : i32 to index
      %get3A_450 = arith.constant 32 : index
      %get3A_451 = tpu.vector_load %arg17[%get3A_449, %get3A_450] {strides = array<i32>} : memref<64x128xf32, #tpu.memory_space<vmem>>, vector<1x16xf32>,
      %get3A_452 = vector.shape_cast %get3A_451 : vector<1x16xf32> to vector<16xf32>
      %get3A_453 = arith.index_cast %scan3A_398 : i32 to index
      %get3A_454 = arith.constant 32 : index
      %get3A_455 = tpu.vector_load %arg13[%get3A_453, %get3A_454] {strides = array<i32>} : memref<64x128xf32, #tpu.memory_space<vmem>>, vector<1x16xf32>,
      %get3A_456 = vector.shape_cast %get3A_455 : vector<1x16xf32> to vector<16xf32>
      %mul3A_457 = arith.mulf %get3A_452, %get3A_456 : vector<16xf32>
      %get3A_458 = arith.index_cast %scan3A_398 : i32 to index
      %get3A_459 = arith.constant 32 : index
      %get3A_460 = tpu.vector_load %arg11[%get3A_458, %get3A_459] {strides = array<i32>} : memref<64x128xf32, #tpu.memory_space<vmem>>, vector<1x16xf32>,
      %get3A_461 = vector.shape_cast %get3A_460 : vector<1x16xf32> to vector<16xf32>
      %add3A_462 = arith.addf %mul3A_457, %get3A_461 : vector<16xf32>
      %mul3A_463 = arith.mulf %get3A_448, %add3A_462 : vector<16xf32>
      %swap3A_464 = arith.index_cast %scan3A_398 : i32 to index
      %swap3A_465 = arith.constant 32 : index
      %swap3A_466 = tpu.vector_load %arg19[%swap3A_464, %swap3A_465] {strides = array<i32>} : memref<64x128xf32, #tpu.memory_space<vmem>>, vector<1x16xf32>,
      %swap3A_467 = vector.shape_cast %swap3A_466 : vector<1x16xf32> to vector<16xf32>
      %swap3A_468 = vector.shape_cast %mul3A_463 : vector<16xf32> to vector<1x16xf32>
      tpu.vector_store %arg19[%swap3A_464, %swap3A_465], %swap3A_468 {strides = array<i32>} : memref<64x128xf32, #tpu.memory_space<vmem>>, vector<1x16xf32>,
      %get3A_469 = arith.index_cast %scan3A_398 : i32 to index
      %get3A_470 = arith.constant 48 : index
      %get3A_471 = tpu.vector_load %arg15[%get3A_469, %get3A_470] {strides = array<i32>} : memref<64x128xf32, #tpu.memory_space<vmem>>, vector<1x16xf32>,
      %get3A_472 = vector.shape_cast %get3A_471 : vector<1x16xf32> to vector<16xf32>
      %get3A_473 = arith.index_cast %scan3A_398 : i32 to index
      %get3A_474 = arith.constant 48 : index
      %get3A_475 = tpu.vector_load %arg17[%get3A_473, %get3A_474] {strides = array<i32>} : memref<64x128xf32, #tpu.memory_space<vmem>>, vector<1x16xf32>,
      %get3A_476 = vector.shape_cast %get3A_475 : vector<1x16xf32> to vector<16xf32>
      %get3A_477 = arith.index_cast %scan3A_398 : i32 to index
      %get3A_478 = arith.constant 48 : index
      %get3A_479 = tpu.vector_load %arg13[%get3A_477, %get3A_478] {strides = array<i32>} : memref<64x128xf32, #tpu.memory_space<vmem>>, vector<1x16xf32>,
      %get3A_480 = vector.shape_cast %get3A_479 : vector<1x16xf32> to vector<16xf32>
      %mul3A_481 = arith.mulf %get3A_476, %get3A_480 : vector<16xf32>
      %get3A_482 = arith.index_cast %scan3A_398 : i32 to index
      %get3A_483 = arith.constant 48 : index
      %get3A_484 = tpu.vector_load %arg11[%get3A_482, %get3A_483] {strides = array<i32>} : memref<64x128xf32, #tpu.memory_space<vmem>>, vector<1x16xf32>,
      %get3A_485 = vector.shape_cast %get3A_484 : vector<1x16xf32> to vector<16xf32>
      %add3A_486 = arith.addf %mul3A_481, %get3A_485 : vector<16xf32>
      %mul3A_487 = arith.mulf %get3A_472, %add3A_486 : vector<16xf32>
      %swap3A_488 = arith.index_cast %scan3A_398 : i32 to index
      %swap3A_489 = arith.constant 48 : index
      %swap3A_490 = tpu.vector_load %arg19[%swap3A_488, %swap3A_489] {strides = array<i32>} : memref<64x128xf32, #tpu.memory_space<vmem>>, vector<1x16xf32>,
      %swap3A_491 = vector.shape_cast %swap3A_490 : vector<1x16xf32> to vector<16xf32>
      %swap3A_492 = vector.shape_cast %mul3A_487 : vector<16xf32> to vector<1x16xf32>
      tpu.vector_store %arg19[%swap3A_488, %swap3A_489], %swap3A_492 {strides = array<i32>} : memref<64x128xf32, #tpu.memory_space<vmem>>, vector<1x16xf32>,
      %get3A_493 = arith.index_cast %scan3A_398 : i32 to index
      %get3A_494 = arith.constant 64 : index
      %get3A_495 = tpu.vector_load %arg15[%get3A_493, %get3A_494] {strides = array<i32>} : memref<64x128xf32, #tpu.memory_space<vmem>>, vector<1x16xf32>,
      %get3A_496 = vector.shape_cast %get3A_495 : vector<1x16xf32> to vector<16xf32>
      %get3A_497 = arith.index_cast %scan3A_398 : i32 to index
      %get3A_498 = arith.constant 64 : index
      %get3A_499 = tpu.vector_load %arg17[%get3A_497, %get3A_498] {strides = array<i32>} : memref<64x128xf32, #tpu.memory_space<vmem>>, vector<1x16xf32>,
      %get3A_500 = vector.shape_cast %get3A_499 : vector<1x16xf32> to vector<16xf32>
      %get3A_501 = arith.index_cast %scan3A_398 : i32 to index
      %get3A_502 = arith.constant 64 : index
      %get3A_503 = tpu.vector_load %arg13[%get3A_501, %get3A_502] {strides = array<i32>} : memref<64x128xf32, #tpu.memory_space<vmem>>, vector<1x16xf32>,
      %get3A_504 = vector.shape_cast %get3A_503 : vector<1x16xf32> to vector<16xf32>
      %mul3A_505 = arith.mulf %get3A_500, %get3A_504 : vector<16xf32>
      %get3A_506 = arith.index_cast %scan3A_398 : i32 to index
      %get3A_507 = arith.constant 64 : index
      %get3A_508 = tpu.vector_load %arg11[%get3A_506, %get3A_507] {strides = array<i32>} : memref<64x128xf32, #tpu.memory_space<vmem>>, vector<1x16xf32>,
      %get3A_509 = vector.shape_cast %get3A_508 : vector<1x16xf32> to vector<16xf32>
      %add3A_510 = arith.addf %mul3A_505, %get3A_509 : vector<16xf32>
      %mul3A_511 = arith.mulf %get3A_496, %add3A_510 : vector<16xf32>
      %swap3A_512 = arith.index_cast %scan3A_398 : i32 to index
      %swap3A_513 = arith.constant 64 : index
      %swap3A_514 = tpu.vector_load %arg19[%swap3A_512, %swap3A_513] {strides = array<i32>} : memref<64x128xf32, #tpu.memory_space<vmem>>, vector<1x16xf32>,
      %swap3A_515 = vector.shape_cast %swap3A_514 : vector<1x16xf32> to vector<16xf32>
      %swap3A_516 = vector.shape_cast %mul3A_511 : vector<16xf32> to vector<1x16xf32>
      tpu.vector_store %arg19[%swap3A_512, %swap3A_513], %swap3A_516 {strides = array<i32>} : memref<64x128xf32, #tpu.memory_space<vmem>>, vector<1x16xf32>,
      %get3A_517 = arith.index_cast %scan3A_398 : i32 to index
      %get3A_518 = arith.constant 80 : index
      %get3A_519 = tpu.vector_load %arg15[%get3A_517, %get3A_518] {strides = array<i32>} : memref<64x128xf32, #tpu.memory_space<vmem>>, vector<1x16xf32>,
      %get3A_520 = vector.shape_cast %get3A_519 : vector<1x16xf32> to vector<16xf32>
      %get3A_521 = arith.index_cast %scan3A_398 : i32 to index
      %get3A_522 = arith.constant 80 : index
      %get3A_523 = tpu.vector_load %arg17[%get3A_521, %get3A_522] {strides = array<i32>} : memref<64x128xf32, #tpu.memory_space<vmem>>, vector<1x16xf32>,
      %get3A_524 = vector.shape_cast %get3A_523 : vector<1x16xf32> to vector<16xf32>
      %get3A_525 = arith.index_cast %scan3A_398 : i32 to index
      %get3A_526 = arith.constant 80 : index
      %get3A_527 = tpu.vector_load %arg13[%get3A_525, %get3A_526] {strides = array<i32>} : memref<64x128xf32, #tpu.memory_space<vmem>>, vector<1x16xf32>,
      %get3A_528 = vector.shape_cast %get3A_527 : vector<1x16xf32> to vector<16xf32>
      %mul3A_529 = arith.mulf %get3A_524, %get3A_528 : vector<16xf32>
      %get3A_530 = arith.index_cast %scan3A_398 : i32 to index
      %get3A_531 = arith.constant 80 : index
      %get3A_532 = tpu.vector_load %arg11[%get3A_530, %get3A_531] {strides = array<i32>} : memref<64x128xf32, #tpu.memory_space<vmem>>, vector<1x16xf32>,
      %get3A_533 = vector.shape_cast %get3A_532 : vector<1x16xf32> to vector<16xf32>
      %add3A_534 = arith.addf %mul3A_529, %get3A_533 : vector<16xf32>
      %mul3A_535 = arith.mulf %get3A_520, %add3A_534 : vector<16xf32>
      %swap3A_536 = arith.index_cast %scan3A_398 : i32 to index
      %swap3A_537 = arith.constant 80 : index
      %swap3A_538 = tpu.vector_load %arg19[%swap3A_536, %swap3A_537] {strides = array<i32>} : memref<64x128xf32, #tpu.memory_space<vmem>>, vector<1x16xf32>,
      %swap3A_539 = vector.shape_cast %swap3A_538 : vector<1x16xf32> to vector<16xf32>
      %swap3A_540 = vector.shape_cast %mul3A_535 : vector<16xf32> to vector<1x16xf32>
      tpu.vector_store %arg19[%swap3A_536, %swap3A_537], %swap3A_540 {strides = array<i32>} : memref<64x128xf32, #tpu.memory_space<vmem>>, vector<1x16xf32>,
      %get3A_541 = arith.index_cast %scan3A_398 : i32 to index
      %get3A_542 = arith.constant 96 : index
      %get3A_543 = tpu.vector_load %arg15[%get3A_541, %get3A_542] {strides = array<i32>} : memref<64x128xf32, #tpu.memory_space<vmem>>, vector<1x16xf32>,
      %get3A_544 = vector.shape_cast %get3A_543 : vector<1x16xf32> to vector<16xf32>
      %get3A_545 = arith.index_cast %scan3A_398 : i32 to index
      %get3A_546 = arith.constant 96 : index
      %get3A_547 = tpu.vector_load %arg17[%get3A_545, %get3A_546] {strides = array<i32>} : memref<64x128xf32, #tpu.memory_space<vmem>>, vector<1x16xf32>,
      %get3A_548 = vector.shape_cast %get3A_547 : vector<1x16xf32> to vector<16xf32>
      %get3A_549 = arith.index_cast %scan3A_398 : i32 to index
      %get3A_550 = arith.constant 96 : index
      %get3A_551 = tpu.vector_load %arg13[%get3A_549, %get3A_550] {strides = array<i32>} : memref<64x128xf32, #tpu.memory_space<vmem>>, vector<1x16xf32>,
      %get3A_552 = vector.shape_cast %get3A_551 : vector<1x16xf32> to vector<16xf32>
      %mul3A_553 = arith.mulf %get3A_548, %get3A_552 : vector<16xf32>
      %get3A_554 = arith.index_cast %scan3A_398 : i32 to index
      %get3A_555 = arith.constant 96 : index
      %get3A_556 = tpu.vector_load %arg11[%get3A_554, %get3A_555] {strides = array<i32>} : memref<64x128xf32, #tpu.memory_space<vmem>>, vector<1x16xf32>,
      %get3A_557 = vector.shape_cast %get3A_556 : vector<1x16xf32> to vector<16xf32>
      %add3A_558 = arith.addf %mul3A_553, %get3A_557 : vector<16xf32>
      %mul3A_559 = arith.mulf %get3A_544, %add3A_558 : vector<16xf32>
      %swap3A_560 = arith.index_cast %scan3A_398 : i32 to index
      %swap3A_561 = arith.constant 96 : index
      %swap3A_562 = tpu.vector_load %arg19[%swap3A_560, %swap3A_561] {strides = array<i32>} : memref<64x128xf32, #tpu.memory_space<vmem>>, vector<1x16xf32>,
      %swap3A_563 = vector.shape_cast %swap3A_562 : vector<1x16xf32> to vector<16xf32>
      %swap3A_564 = vector.shape_cast %mul3A_559 : vector<16xf32> to vector<1x16xf32>
      tpu.vector_store %arg19[%swap3A_560, %swap3A_561], %swap3A_564 {strides = array<i32>} : memref<64x128xf32, #tpu.memory_space<vmem>>, vector<1x16xf32>,
      %get3A_565 = arith.index_cast %scan3A_398 : i32 to index
      %get3A_566 = arith.constant 112 : index
      %get3A_567 = tpu.vector_load %arg15[%get3A_565, %get3A_566] {strides = array<i32>} : memref<64x128xf32, #tpu.memory_space<vmem>>, vector<1x16xf32>,
      %get3A_568 = vector.shape_cast %get3A_567 : vector<1x16xf32> to vector<16xf32>
      %get3A_569 = arith.index_cast %scan3A_398 : i32 to index
      %get3A_570 = arith.constant 112 : index
      %get3A_571 = tpu.vector_load %arg17[%get3A_569, %get3A_570] {strides = array<i32>} : memref<64x128xf32, #tpu.memory_space<vmem>>, vector<1x16xf32>,
      %get3A_572 = vector.shape_cast %get3A_571 : vector<1x16xf32> to vector<16xf32>
      %get3A_573 = arith.index_cast %scan3A_398 : i32 to index
      %get3A_574 = arith.constant 112 : index
      %get3A_575 = tpu.vector_load %arg13[%get3A_573, %get3A_574] {strides = array<i32>} : memref<64x128xf32, #tpu.memory_space<vmem>>, vector<1x16xf32>,
      %get3A_576 = vector.shape_cast %get3A_575 : vector<1x16xf32> to vector<16xf32>
      %mul3A_577 = arith.mulf %get3A_572, %get3A_576 : vector<16xf32>
      %get3A_578 = arith.index_cast %scan3A_398 : i32 to index
      %get3A_579 = arith.constant 112 : index
      %get3A_580 = tpu.vector_load %arg11[%get3A_578, %get3A_579] {strides = array<i32>} : memref<64x128xf32, #tpu.memory_space<vmem>>, vector<1x16xf32>,
      %get3A_581 = vector.shape_cast %get3A_580 : vector<1x16xf32> to vector<16xf32>
      %add3A_582 = arith.addf %mul3A_577, %get3A_581 : vector<16xf32>
      %mul3A_583 = arith.mulf %get3A_568, %add3A_582 : vector<16xf32>
      %swap3A_584 = arith.index_cast %scan3A_398 : i32 to index
      %swap3A_585 = arith.constant 112 : index
      %swap3A_586 = tpu.vector_load %arg19[%swap3A_584, %swap3A_585] {strides = array<i32>} : memref<64x128xf32, #tpu.memory_space<vmem>>, vector<1x16xf32>,
      %swap3A_587 = vector.shape_cast %swap3A_586 : vector<1x16xf32> to vector<16xf32>
      %swap3A_588 = vector.shape_cast %mul3A_583 : vector<16xf32> to vector<1x16xf32>
      tpu.vector_store %arg19[%swap3A_584, %swap3A_585], %swap3A_588 {strides = array<i32>} : memref<64x128xf32, #tpu.memory_space<vmem>>, vector<1x16xf32>,
    }
    %scan3A_383 = arith.constant 64 : i32
    %add3A_384 = arith.constant 448 : i32
    %add3A_385 = arith.addi %mul3A_2, %add3A_384 : i32
    %dma_start3A_386 = arith.constant 0 : i32
    %dma_start3A_387 = tpu.memref_slice %arg7[%add3A_385, %dma_start3A_386] : memref<16384x128xf32, #tpu.memory_space<hbm>> -> memref<64x128xf32, #tpu.memory_space<hbm>>
    %dma_start3A_388 = arith.constant 0 : i32
    %dma_start3A_389 = tpu.memref_slice %arg7[%add3A_385, %dma_start3A_388] : memref<16384x128xf32, #tpu.memory_space<hbm>> -> memref<64x128xf32, #tpu.memory_space<hbm>>
    tpu.enqueue_dma source(%arg19 : memref<64x128xf32, #tpu.memory_space<vmem>>) target(%dma_start3A_389 : memref<64x128xf32, #tpu.memory_space<hbm>>) target_semaphore(%arg33 : memref<!tpu.dma_semaphore, #tpu.memory_space<semaphore_mem>>)
    %dma_wait3A_390 = arith.constant 0 : i32
    %dma_wait3A_391 = tpu.memref_slice %arg7[%add3A_355, %dma_wait3A_390] : memref<16384x128xf32, #tpu.memory_space<hbm>> -> memref<64x128xf32, #tpu.memory_space<hbm>>
    %dma_wait3A_392 = arith.constant 0 : i32
    %dma_wait3A_393 = tpu.memref_slice %arg7[%add3A_355, %dma_wait3A_392] : memref<16384x128xf32, #tpu.memory_space<hbm>> -> memref<64x128xf32, #tpu.memory_space<hbm>>
    tpu.wait_dma2 semaphore(%arg32 : memref<!tpu.dma_semaphore, #tpu.memory_space<semaphore_mem>>) src(%arg18 : memref<64x128xf32, #tpu.memory_space<vmem>>) dst(%dma_wait3A_393 : memref<64x128xf32, #tpu.memory_space<hbm>>)
    %dma_wait3A_394 = arith.constant 0 : i32
    %dma_wait3A_395 = tpu.memref_slice %arg7[%add3A_385, %dma_wait3A_394] : memref<16384x128xf32, #tpu.memory_space<hbm>> -> memref<64x128xf32, #tpu.memory_space<hbm>>
    %dma_wait3A_396 = arith.constant 0 : i32
    %dma_wait3A_397 = tpu.memref_slice %arg7[%add3A_385, %dma_wait3A_396] : memref<16384x128xf32, #tpu.memory_space<hbm>> -> memref<64x128xf32, #tpu.memory_space<hbm>>
    tpu.wait_dma2 semaphore(%arg33 : memref<!tpu.dma_semaphore, #tpu.memory_space<semaphore_mem>>) src(%arg19 : memref<64x128xf32, #tpu.memory_space<vmem>>) dst(%dma_wait3A_397 : memref<64x128xf32, #tpu.memory_space<hbm>>)
    return
  }
}

</mosaic_0001>

<sc_bundles>
// kernel: _gauss_dropout_sc.3.cloned.1.call-start
scs
__scs_entry_jumppad:
0x0: {  	(pc) =	sbr.rel $0x88, $3  }
0x1: {  	(tag) =	ssettag $0x0;
	lr =	simm.s32 $0x1  }
0x2: {  	[smem:$0x3F9C] =	sst lr;
	_ =	strace $0xD0000000  }
0x3: {  	_ = 	snop  }
0x4: {  	_ = 	snop  }
0x5: {  	_ = 	snop  }
0x6: {  	_ = 	snop  }
0x7: {  	_ = 	snop  }
__scs_overlays_trampoline_lowered:
0x8: {  	[smem:$0x3FAB] =	sst s0  }
0x9: {  	[smem:$0x3FAC] =	sst s1  }
0xa: {  	[smem:$0x3FAD] =	sst s2  }
0xb: {  	[smem:$0x3FAE] =	sst s3  }
0xc: {  	[smem:$0x3FAF] =	sst s4  }
0xd: {  	[smem:$0x3FB0] =	sst s5  }
0xe: {  	[smem:$0x3FB1] =	sst s6  }
0xf: {  	[smem:$0x3FB2] =	sst s7  }
0x10: {  	[smem:$0x3FB3] =	sst s8  }
0x11: {  	[smem:$0x3FB4] =	sst s9;
	s0 =	simm.s32 @!p0 $0x0  }
0x12: {  	s1 =	sld [smem:$0x3F9A];
	s0 =	simm.s32 @p0 $0x1  }
0x13: {  	[smem:$0x3FB5] =	sst s0;
	s0 =	simm.s32 @!p1 $0x0  }
0x14: {  	s2 =	sld [smem:$0x3F99];
	s0 =	simm.s32 @p1 $0x1  }
0x15: {  	[smem:$0x3FB6] =	sst s0;
	s0 =	simm.s32 @!p2 $0x0  }
0x16: {  	s3 =	sld [smem:$0x3FDB];
	s0 =	simm.s32 @p2 $0x1  }
0x17: {  	s4 =	simm.s32 $0x1BF5;
	[smem:$0x3FB8] =	sst s0  }
0x18: {  	s0 =	sld [smem:$0x3F9B];
	_ =	swait.ge [sflag:s4], $0x0  }
0x19: {  	s7 =	sld [smem:$0x3F9C]  }
0x1a: {  	s8 =	sadd.s32 $0xFFFFE003, lr  }
0x1b: {  	s9 =	sadd.s32 $0xFFFFFEF7, lr;
	s5 =	simm.s32 $0xFFFFFFFF;
	p2 =	slt.u32 s8, $0xFFFFF086  }
0x1c: {  	p1 =	slt.u32 s9, $0xF7A;
	s5 =	simm.s32 @!p2 $0x0  }
0x1d: {  	s5 =	simm.s32 @p1 $0x1;
	p0 =	seq.s32 s7, s2  }
0x1e: {  	s7 =	smul.u32 @!p0 $0xF7A, s2;
	p2 =	seq.s32 @!p0 s5, $0x0  }
0x1f: {  	s9 =	smul.u32 $0xF7A, s1;
	s8 =	simm.s32 @!p0 $0x1BF5;
	p2 =	por !p2, p0  }
0x20: {  	[sflag:s8] =	ssyncset.s32 @!p0 $0xFFFFF086;
	s6 =	sadd.s32 @!p0 s3, s7;
	s7 =	simm.s32 @!p0 $0x108  }
0x21: {  	s3 =	sadd.s32 s3, s9;
	s6 =	sadd.s32 @!p0 $0x88, s6;
	s7 =	simm.s32 @p2 $0x1082  }
0x22: {  	[simem:s7], [sflag:s8] =	dma.local @!p0 [hbm:s6], $0xF7A  }
0x23: {  	s9 =	sor.u32 $0xD0000000, s2;
	s6 =	simm.s32 $0x108;
	_ =	swait.ge @!p0 [sflag:s8], $0x0  }
0x24: {  	s3 =	sadd.s32 $0x88, s3;
	s6 =	simm.s32 @!p1 $0x1082;
	[sflag:s4] =	ssyncset.s32 $0xFFFFF086  }
0x25: {  	[simem:s6], [sflag:s4] =	dma.local [hbm:s3], $0xF7A  }
0x26: {  	[smem:$0x3F9C] =	sst s1;
	(tag) =	ssettag s2;
	_ =	strace s9  }
0x27: {  	s1 =	sld [smem:$0x3FAC]  }
0x28: {  	s2 =	sld [smem:$0x3FAD]  }
0x29: {  	s4 =	sld [smem:$0x3FAF]  }
0x2a: {  	p0 =	seq.s32 s5, $0x0;
	s5 =	sld [smem:$0x3FB0]  }
0x2b: {  	s6 =	sld [smem:$0x3FB1]  }
0x2c: {  	s7 =	sld [smem:$0x3FB2]  }
0x2d: {  	s3 =	simm.s32 $0x108;
	s8 =	sld [smem:$0x3FB3]  }
0x2e: {  	s3 =	simm.s32 @!p0 $0x1082;
	s9 =	sld [smem:$0x3FB4]  }
0x2f: {  	lr =	sadd.s32 s0, s3;
	s0 =	sld [smem:$0x3FAB]  }
0x30: {  	s3 =	sld [smem:$0x3FAE]  }
0x31: {  	[smem:$0x3FB7] =	sst s10  }
0x32: {  	s10 =	sld [smem:$0x3FB5];
	_ =	sdelay $0x3  }
0x33: {  	p0 =	seq.s32 s10, $0x1;
	s10 =	sld [smem:$0x3FB7];
	_ =	sdelay $0x3  }
0x34: {  	[smem:$0x3FB7] =	sst s10  }
0x35: {  	s10 =	sld [smem:$0x3FB6];
	_ =	sdelay $0x3  }
0x36: {  	p1 =	seq.s32 s10, $0x1;
	s10 =	sld [smem:$0x3FB7];
	_ =	sdelay $0x3  }
0x37: {  	[smem:$0x3FB7] =	sst s10  }
0x38: {  	s10 =	sld [smem:$0x3FB8]  }
0x39: {  	_ = 	snop;
	(pc) =	sbr.ind lr, $3  }
0x3a: {  	_ = 	snop  }
0x3b: {  	_ = 	snop  }
0x3c: {  	p2 =	seq.s32 s10, $0x1;
	s10 =	sld [smem:$0x3FB7]  }
0x3d: {  	_ =	shalt  }
0x3e: {  	_ =	shalt  }
0x3f: {  	_ =	shalt  }
0x40: {  	_ =	shalt  }
0x41: {  	_ =	shalt  }
0x42: {  	_ =	shalt  }
0x43: {  	_ =	shalt  }
0x44: {  	_ =	shalt  }
0x45: {  	_ =	shalt  }
0x46: {  	_ =	shalt  }
0x47: {  	_ =	shalt  }
0x48: {  	_ =	shalt  }
0x49: {  	_ =	shalt  }
0x4a: {  	_ =	shalt  }
0x4b: {  	_ =	shalt  }
0x4c: {  	_ =	shalt  }
0x4d: {  	_ =	shalt  }
0x4e: {  	_ =	shalt  }
0x4f: {  	_ =	shalt  }
0x50: {  	_ =	shalt  }
0x51: {  	_ =	shalt  }
0x52: {  	_ =	shalt  }
0x53: {  	_ =	shalt  }
0x54: {  	_ =	shalt  }
0x55: {  	_ =	shalt  }
0x56: {  	_ =	shalt  }
0x57: {  	_ =	shalt  }
0x58: {  	_ =	shalt  }
0x59: {  	_ =	shalt  }
0x5a: {  	_ =	shalt  }
0x5b: {  	_ =	shalt  }
0x5c: {  	_ =	shalt  }
0x5d: {  	_ =	shalt  }
0x5e: {  	_ =	shalt  }
0x5f: {  	_ =	shalt  }
0x60: {  	_ =	shalt  }
0x61: {  	_ =	shalt  }
0x62: {  	_ =	shalt  }
0x63: {  	_ =	shalt  }
0x64: {  	_ =	shalt  }
0x65: {  	_ =	shalt  }
0x66: {  	_ =	shalt  }
0x67: {  	_ =	shalt  }
0x68: {  	_ =	shalt  }
0x69: {  	_ =	shalt  }
0x6a: {  	_ =	shalt  }
0x6b: {  	_ =	shalt  }
0x6c: {  	_ =	shalt  }
0x6d: {  	_ =	shalt  }
0x6e: {  	_ =	shalt  }
0x6f: {  	_ =	shalt  }
0x70: {  	_ =	shalt  }
0x71: {  	_ =	shalt  }
0x72: {  	_ =	shalt  }
0x73: {  	_ =	shalt  }
0x74: {  	_ =	shalt  }
0x75: {  	_ =	shalt  }
0x76: {  	_ =	shalt  }
0x77: {  	_ =	shalt  }
0x78: {  	_ =	shalt  }
0x79: {  	_ =	shalt  }
0x7a: {  	_ =	shalt  }
0x7b: {  	_ =	shalt  }
0x7c: {  	_ =	shalt  }
0x7d: {  	_ =	shalt  }
0x7e: {  	_ =	shalt  }
0x7f: {  	_ =	shalt  }
0x80: {  	_ =	shalt  }
0x81: {  	_ =	shalt  }
0x82: {  	_ =	shalt  }
0x83: {  	_ =	shalt  }
0x84: {  	_ =	shalt  }
0x85: {  	_ =	shalt  }
0x86: {  	_ =	shalt  }
0x87: {  	_ =	shalt  }
.Lfunc_end0:
.L_simem_size_0:
called_computation_lowered:
.L_overlay_start_0:
0x88: {  	s2 =	sld [smem:$0x3FD9]  }
0x89: {  	s3 =	sld [smem:$0x3FFE];
	_ =	sdelay $0x1  }
0x8a: {  	s1 =	srdreg.scid  }
0x8b: {  	s0 =	sand.u32 $0x1, s1  }
0x8c: {  	s18 =	sshll.u32 s0, $0xA;
	s2 =	sadd.s32 s3, s2  }
0x8d: {  	s2 =	sadd.s32 s2, s18  }
0x8e: {  	[smem:$0x3FC3] =	sst s2  }
0x8f: {  	_ = 	snop  }
0x90: {  	s2 =	sld [smem:$0x3FC9]  }
0x91: {  	s19 =	sld [smem:$0x3FC8]  }
0x92: {  	s4 =	sld [smem:$0x3FC7]  }
0x93: {  	s5 =	sld [smem:$0x3FC6]  }
0x94: {  	s6 =	sld [smem:$0x3FC5]  }
0x95: {  	s7 =	sld [smem:$0x3FD0];
	(tm) =	ssettm $0x1  }
0x96: {  	s8 =	sld [smem:$0x3FFB];
	_ =	sdelay $0x3  }
0x97: {  	_ =	strace s8  }
0x98: {  	s8 =	sld [smem:$0x3FFC];
	_ =	sdelay $0x3  }
0x99: {  	_ =	strace s8  }
0x9a: {  	s8 =	sld [smem:$0x3FFD];
	_ =	sdelay $0x3  }
0x9b: {  	_ =	strace s8  }
0x9c: {  	_ =	strace $0x8FFFFFFF  }
0x9d: {  	s20 =	sld [smem:$0x3FDB];
	_ =	sdelay $0x1  }
0x9e: {  	s9 =	simm.s32 $_scs_section_size  }
0x9f: {  	s10 =	simm.s32 $_size__tile_overlayer_lowered;
	s11 =	simm.s32 $_tile_overlayer_lowered  }
0xa0: {  	s23 =	simm.s32 $0x1BFF;
	s22 =	sshll.u32 s11, $0x1;
	s8 =	sadd.s32 s9, s20  }
0xa1: {  	s12 =	simm.s32 $0x0;
	s21 =	sshll.u32 s10, $0x1;
	s10 =	sadd.s32 s22, s8  }
0xa2: {  	[timem:s12], [sflag:s23] =	dma.local [hbm:s10], s21  }
0xa3: {  	_ =	swait.ge [sflag:s23], s21  }
0xa4: {  	s9 =	ssub.s32 $0x0, s21;
	[sflag:s23] =	ssyncset.done $0x0  }
0xa5: {  	[sflag:s23] =	ssyncadd.s32 s9;
	_ =	sdelay $0x1  }
0xa6: {  	s24 =	simm.s32 $0x1B8B  }
0xa7: {  	_ =	swait.ge [sflag:s24], $0x1  }
0xa8: {  	[sflag:s24] =	ssyncset.done $0x0  }
0xa9: {  	s25 =	simm.s32 $0x1B8E;
	[sflag:s24] =	ssyncadd.s32 $0xFFFFFFFF  }
0xaa: {  	s26 =	simm.s32 $execute0_lowered;
	[smem:$0x3FD2] =	sst s25  }
0xab: {  	s9 =	sshll.u32 s26, $0x1;
	_ =	strace $0x80000046;
	[dreg:$0x1] =	wrdreg $0xFFFFFFFF  }
0xac: {  	s28 =	simm.s32 $_size_execute0_lowered;
	s8 =	sadd.s32 s8, s9;
	[dreg:$0x0] =	wrdreg $0x0  }
0xad: {  	s9 =	sshll.u32 s28, $0x1;
	[dreg:$0x2] =	wrdreg s8  }
0xae: {  	[dreg:$0x3] =	wrdreg s9  }
0xaf: {  	[dreg:$0x4] =	wrdreg $0xC0  }
0xb0: {  	_ =	task [dreg:s12], $0x5FFFF  }
0xb1: {  	[dreg:$0x1] =	wrdreg $0xFFFFFFFF  }
0xb2: {  	[dreg:$0x0] =	wrdreg $0x60  }
0xb3: {  	[dreg:$0x2] =	wrdreg s2  }
0xb4: {  	[dreg:$0x3] =	wrdreg s19  }
0xb5: {  	[dreg:$0x4] =	wrdreg s4  }
0xb6: {  	[dreg:$0x5] =	wrdreg s5  }
0xb7: {  	[dreg:$0x6] =	wrdreg s6  }
0xb8: {  	[dreg:$0x7] =	wrdreg s7  }
0xb9: {  	[dreg:$0x8] =	wrdreg $0x181000  }
0xba: {  	[dreg:$0x9] =	wrdreg $0x1A0400  }
0xbb: {  	[dreg:$0xa] =	wrdreg $0x9  }
0xbc: {  	_ =	task.clear_ibuf [dreg:s12], $0xBFFFF;
	_ =	strace $0x90000046  }
0xbd: {  	s29 =	simm.s32 $0x9;
	_ =	strace $0x80000048  }
0xbe: {  	_ =	swait.ge [sflag:s29], $0x1  }
0xbf: {  	[sflag:s29] =	ssyncadd.s32 $0xFFFFFFFF  }
0xc0: {  	_ =	strace $0x90000048  }
0xc1: {  	_ =	sfence  }
0xc2: {  	s30 =	sld [smem:$0x0];
	_ =	sdelay $0x2  }
0xc3: {  	s31 =	sshll.u32 s1, $0xD;
	s1 =	sshrl.u32 s1, $0x2  }
0xc4: {  	s3 =	sand.u32 $0x4000, s31;
	s1 =	sadd.s32 s1, s30  }
0xc5: {  	s0 =	sor.u32 s3, s0;
	s1 =	sshll.u32 s1, $0x11  }
0xc6: {  	s0 =	sor.u32 s1, s0  }
0xc7: {  	s0 =	sadd.s32 $0x8F2B, s0  }
0xc8: {  	[sflag:s0] =	ssyncadd.remote.s32 $0x1  }
0xc9: {  	_ =	sfence.sel $0xFFFF  }
0xca: {  	[dreg:$0x0] =	wrdreg $0xFFFFFFFF;
	(pc) =	sbr.abs _section_cstart, $3  }
0xcb: {  	[dreg:$0x1] =	wrdreg $0xFFFFFFFF  }
0xcc: {  	_ =	task.clear_ibuf [dreg:s12], $0x2FFFF;
	_ =	strace $0x9FFFFFFF  }
0xcd: {  	(tm) =	ssettm $0x7FFFFFFF  }
tec
execute0_lowered:
.L_overlay_start_1:
0x0: {  	(tag) =	ssettag $0x1  }
0x1: {  	s5 =	rddreg [dreg:$0x0]  }
0x2: {  	s6 =	rddreg [dreg:$0x1]  }
0x3: {  	s3 =	rddreg [dreg:$0x4];
	s1 =	srdreg.scid  }
0x4: {  	s0 =	rddreg [dreg:$0x5];
	s17 =	stileid.u32;
	s1 =	sand.u32 $0x1, s1  }
0x5: {  	s30 =	rddreg [dreg:$0x6];
	s4 =	sshll.u32 s17, $0xA;
	s2 =	ssub.s32 $0x2, s1  }
0x6: {  	s7 =	sshll.u32 s1, $0x9;
	s1 =	simm.s32 $0x0;
	s8 =	sshrl.u32 s2, $0x1  }
0x7: {  	s7 =	sor.u32 s7, s4;
	[smem:$0x7FF] =	sst s1;
	s2 =	ssub.s32 s2, s8  }
0x8: {  	s16 =	sshrl.u32 s7, $0x3;
	s18 =	sshll.u32 s7, $0x4;
	s9 =	sor.u32 $0x40, s7  }
0x9: {  	s21 =	sor.u32 $0x80, s7;
	s12 =	sor.u32 $0xC0, s7;
	s8 =	sadd.s32 s6, s16  }
0xa: {  	s13 =	sor.u32 $0x100, s7;
	s10 =	sadd.s32 s5, s18;
	[dreg:$0x9] =	wrdreg s8  }
0xb: {  	s19 =	sadd.s32 s3, s18;
	s20 =	sshrl.u32 s9, $0x3;
	[dreg:$0xa] =	wrdreg s10  }
0xc: {  	s11 =	sshrl.u32 s21, $0x3;
	s22 =	sshrl.u32 s12, $0x3;
	[dreg:$0xb] =	wrdreg s19  }
0xd: {  	s10 =	sadd.s32 s6, s20;
	s19 =	sshll.u32 s12, $0x4;
	s12 =	rddreg [dreg:$0x2]  }
0xe: {  	s14 =	sshrl.u32 s13, $0x3;
	s11 =	sadd.s32 s6, s11;
	[dreg:$0xc] =	wrdreg s10  }
0xf: {  	s9 =	sshll.u32 s9, $0x4;
	s23 =	sadd.s32 s6, s14;
	[dreg:$0xd] =	wrdreg s11  }
0x10: {  	s26 =	sadd.s32 s5, s9;
	[dreg:$0xf] =	wrdreg s23  }
0x11: {  	s8 =	sadd.s32 s0, s18;
	[dreg:$0x13] =	wrdreg s26  }
0x12: {  	s18 =	sadd.s32 s0, s9;
	[dreg:$0x14] =	wrdreg s8  }
0x13: {  	s11 =	sadd.s32 s6, s22;
	[dreg:$0x16] =	wrdreg s18  }
0x14: {  	s15 =	sor.u32 $0x180, s7;
	s23 =	sadd.s32 s5, s19;
	[dreg:$0xe] =	wrdreg s11  }
0x15: {  	s22 =	sshll.u32 s13, $0x4;
	s8 =	sadd.s32 s0, s19;
	[dreg:$0x1a] =	wrdreg s23  }
0x16: {  	s11 =	sor.u32 $0x140, s7;
	[dreg:$0x1c] =	wrdreg s8;
	s26 =	sadd.s32 s5, s22  }
0x17: {  	s10 =	sadd.s32 s3, s22;
	s24 =	sshrl.u32 s11, $0x3;
	[dreg:$0x1d] =	wrdreg s26  }
0x18: {  	s25 =	sshrl.u32 s15, $0x3;
	[dreg:$0x1e] =	wrdreg s10;
	s14 =	sadd.s32 s6, s24  }
0x19: {  	s7 =	sor.u32 $0x1C0, s7;
	s24 =	sadd.s32 s3, s19;
	[dreg:$0x10] =	wrdreg s14  }
0x1a: {  	s16 =	sshrl.u32 s7, $0x3;
	s14 =	sadd.s32 s6, s25;
	[dreg:$0x1b] =	wrdreg s24  }
0x1b: {  	s25 =	sshll.u32 s11, $0x4;
	s11 =	sshll.u32 s15, $0x4;
	s15 =	rddreg [dreg:$0x3]  }
0x1c: {  	s6 =	sadd.s32 s6, s16;
	[dreg:$0x11] =	wrdreg s14  }
0x1d: {  	s28 =	simm.s32 $0x5;
	s16 =	sadd.s32 s3, s9;
	[dreg:$0x12] =	wrdreg s6  }
0x1e: {  	s29 =	simm.s32 $0x7;
	[dreg:$0x15] =	wrdreg s16;
	s13 =	sadd.s32 s5, s25  }
0x1f: {  	s31 =	simm.s32 $0x1;
	s8 =	sadd.s32 s0, s25;
	[smem:$0x7EC] =	sst s13  }
0x20: {  	p0 =	seq.s32 s17, $0xF;
	s16 =	sadd.s32 s5, s11;
	[smem:$0x7EE] =	sst s8  }
0x21: {  	s23 =	sadd.s32 $0x3C00, s12;
	s18 =	sadd.s32 s3, s11;
	[smem:$0x7EF] =	sst s16  }
0x22: {  	s14 =	sshll.u32 s21, $0x4;
	s19 =	sadd.s32 s0, s11;
	[smem:$0x7F1] =	sst s18  }
0x23: {  	s7 =	sshll.u32 s7, $0x4;
	s20 =	sadd.s32 s5, s14;
	[smem:$0x7F3] =	sst s19  }
0x24: {  	s10 =	simm.s32 $0x9;
	s21 =	sadd.s32 s3, s14;
	[dreg:$0x17] =	wrdreg s20  }
0x25: {  	s9 =	simm.s32 $0x12100;
	s6 =	sadd.s32 s0, s14;
	[dreg:$0x18] =	wrdreg s21  }
0x26: {  	s24 =	sadd.s32 $0x3C00, s15;
	s14 =	sadd.s32 s3, s25;
	[dreg:$0x19] =	wrdreg s6  }
0x27: {  	s11 =	simm.s32 $0xA;
	s5 =	sadd.s32 s5, s7;
	[smem:$0x7ED] =	sst s14  }
0x28: {  	s3 =	sadd.s32 s3, s7;
	s25 =	smax.u32 s2, $0x1;
	[smem:$0x7F0] =	sst s5  }
0x29: {  	s16 =	simm.s32 $0xB;
	s19 =	simm.s32 $0x80;
	[smem:$0x7F2] =	sst s3  }
0x2a: {  	s18 =	simm.s32 $0xA100;
	s6 =	sadd.s32 s0, s22;
	s3 =	rddreg [dreg:$0x7]  }
0x2b: {  	s2 =	simm.s32 $0x10100;
	s0 =	sadd.s32 s0, s7;
	[dreg:$0x1f] =	wrdreg s6  }
0x2c: {  	s8 =	simm.s32 $0x4;
	s20 =	sadd.s32 s12, s4;
	[smem:$0x7F4] =	sst s0  }
0x2d: {  	s21 =	sadd.s32 s15, s4;
	_ =	strace $0x80000047;
	[smem:$0x7F5] =	sst s20  }
0x2e: {  	s5 =	simm.s32 $0x28;
	s22 =	sshll.u32 s17, $0xD;
	[smem:$0x7F6] =	sst s21  }
0x2f: {  	s17 =	simm.s32 $0xC100;
	s7 =	simm.s32 $0x2;
	[smem:$0x7F7] =	sst s23  }
0x30: {  	s12 =	simm.s32 $0x0;
	s0 =	sadd.s32 s22, s3;
	[smem:$0x7F8] =	sst s24  }
0x31: {  	s5 =	simm.s32 @!p0 $0x40;
	s4 =	sadd.s32 s22, s30;
	[smem:$0x7F9] =	sst s0  }
0x32: {  	s26 =	sadd.s32 $0x1E000, s3;
	s22 =	simm.s32 $0x40;
	[smem:$0x7FA] =	sst s25  }
0x33: {  	s6 =	simm.s32 $0x8;
	s0 =	sadd.s32 $0x1E000, s30;
	[smem:$0x7FD] =	sst s26  }
0x34: {  	s20 =	simm.s32 $0x8100;
	s21 =	simm.s32 $0xE100;
	s23 =	simm.s32 $0x100  }
0x35: {  	s24 =	simm.s32 $0x4100;
	s25 =	simm.s32 $0x2100;
	s0 =	sshrl.u32 @p0 s0, $0x3  }
0x36: {  	s26 =	simm.s32 $0x6100;
	[smem:$0x7FB] =	sst s0;
	s0 =	sshrl.u32 @!p0 s4, $0x3  }
0x37: {  	s4 =	simm.s32 $0x6;
	[smem:$0x7FC] =	sst s0;
	s0 =	simm.s32 $0x3  }
.LBB2_1:
0x38: {  	s13 =	rddreg [dreg:$0x9]  }
0x39: {  	[tilespmem:s1], [sflag:$0xB] =	stream.linear.gather [hbm4b:s13+s1], $0x40, $0x38;
	[tilespmem:$0x1BF80] =	vst v63  }
0x3a: {  	_ =	swait.ge [sflag:s16], $0x40  }
0x3b: {  	[sflag:s16] =	ssyncset.done $0x0  }
0x3c: {  	s15 =	rddreg [dreg:$0xa];
	[sflag:s16] =	ssyncadd.s32 $0xFFFFFFC0  }
0x3d: {  	[tilespmem:s20], [sflag:$0x5] =	stream.linear.gather [hbm4b:s15+s1], $0x2000, $0x38;
	[tilespmem:$0x1BF80] =	vst v63  }
0x3e: {  	s14 =	rddreg [dreg:$0xb]  }
0x3f: {  	[tilespmem:s17], [sflag:$0x7] =	stream.linear.gather [hbm4b:s14+s1], $0x2000, $0x38;
	[tilespmem:$0x1BF80] =	vst v63  }
0x40: {  	s15 =	rddreg [dreg:$0xc]  }
0x41: {  	[tilespmem:s19], [sflag:$0xB] =	stream.linear.gather [hbm4b:s15+s1], $0x40, $0x38;
	[tilespmem:$0x1BF80] =	vst v63  }
0x42: {  	_ =	swait.ge [sflag:s16], $0x40  }
0x43: {  	s17 =	rddreg [dreg:$0x13]  }
0x44: {  	[sflag:s16] =	ssyncset.done $0x0;
	s14 =	sld [smem:$0x7F7]  }
0x45: {  	s15 =	sld [smem:$0x7FB];
	[sflag:s16] =	ssyncadd.s32 $0xFFFFFFC0  }
0x46: {  	[tilespmem:s18], [sflag:$0x6] =	stream.linear.gather [hbm4b:s17+s1], $0x2000, $0x38;
	[tilespmem:$0x1BF80] =	vst v63  }
0x47: {  	s13 =	simm.s32 @p0 $0x1FCB;
	s18 =	rddreg [dreg:$0x15]  }
0x48: {  	[tilespmem:s21], [sflag:$0x8] =	stream.linear.gather [hbm4b:s18+s1], $0x2000, $0x38;
	[tilespmem:$0x1BF80] =	vst v63  }
0x49: {  	[spmem:s15], [sflag:s13] =	dma.local @p0 [hbm:s14], $0x280  }
0x4a: {  	s13 =	simm.s32 @p0 $0xB  }
0x4b: {  	_ =	swait.ge @p0 [sflag:s13], $0x280  }
0x4c: {  	s17 =	sld [smem:$0x7F8]  }
0x4d: {  	[sflag:s13] =	ssyncset.done @p0 $0x0  }
0x4e: {  	s14 =	simm.s32 @p0 $0x0;
	s15 =	simm.s32 @p0 $0x14100;
	[sflag:s13] =	ssyncadd.s32 @p0 $0xFFFFFD80  }
0x4f: {  	[tilespmem:s15], [sflag:$0xB] =	stream.linear.gather @p0 [hbm4b:s17+s14], $0x1400, $0x38;
	[tilespmem:$0x1BF80] =	vst v63  }
0x50: {  	_ =	swait.ge @p0 [sflag:s13], $0x1400  }
0x51: {  	s15 =	sld [smem:$0x7F5]  }
0x52: {  	s14 =	stileid.u32;
	s17 =	sld [smem:$0x7FC]  }
0x53: {  	s14 =	sshll.u32 @!p0 s14, $0x6;
	[sflag:s13] =	ssyncset.done @p0 $0x0  }
0x54: {  	s14 =	sor.u32 @!p0 $0x1C0B, s14;
	[sflag:s13] =	ssyncadd.s32 @p0 $0xFFFFEC00  }
0x55: {  	[spmem:s17], [sflag:s14] =	dma.local @!p0 [hbm:s15], $0x400  }
0x56: {  	s14 =	simm.s32 @!p0 $0xB  }
0x57: {  	_ =	swait.ge @!p0 [sflag:s14], $0x400  }
0x58: {  	s18 =	sld [smem:$0x7F6]  }
0x59: {  	p2 =	sne.s32 s5, $0x1;
	[sflag:s14] =	ssyncset.done @!p0 $0x0  }
0x5a: {  	s15 =	simm.s32 @!p0 $0x0;
	s17 =	simm.s32 @!p0 $0x14100;
	[sflag:s14] =	ssyncadd.s32 @!p0 $0xFFFFFC00  }
0x5b: {  	[tilespmem:s17], [sflag:$0xB] =	stream.linear.gather @!p0 [hbm4b:s18+s15], $0x2000, $0x38;
	[tilespmem:$0x1BF80] =	vst v63  }
.Ltmp0:
0x5c: {  	_ = 	snop;
	(pc) =	sbr.rel @!p2 .LBB2_2-.Ltmp0, $4  }
0x5d: {  	_ =	swait.ge @!p0 [sflag:s14], $0x2000  }
0x5e: {  	[sflag:s14] =	ssyncset.done @!p0 $0x0  }
0x5f: {  	s17 =	simm.s32 $0x14140;
	[sflag:s14] =	ssyncadd.s32 @!p0 $0xFFFFE000  }
0x60: {  	p1 =	por $0x0, $0x0;
	s15 =	simm.s32 $0x16140;
	s18 =	sadd.s32 $0xFFFFFFFF, s5;
	v0 =	vld [tilespmem:s17+$0xFFFFFFC0]  }
0x61: {  	_ =	sdelay $0x3  }
0x62: {  	v0 =	vmul.f32 $1.442695020e+00, v0;
	_ =	sdelay $0x1  }
0x63: {  	(erf) = vpow2.f32 v0;
	_ =	sdelay $0x8  }
0x64: {  	v0 =	vpop (erf)  }
0x65: {  	[tilespmem:s15+$0xFFFFFFC0] =	vst v0  }
0x66: {  	v0 =	vld [tilespmem:s17+$0xFFFFFFD0];
	_ =	sdelay $0x4  }
0x67: {  	v0 =	vmul.f32 $1.442695020e+00, v0;
	_ =	sdelay $0x1  }
0x68: {  	(erf) = vpow2.f32 v0;
	_ =	sdelay $0x8  }
0x69: {  	v0 =	vpop (erf)  }
0x6a: {  	[tilespmem:s15+$0xFFFFFFD0] =	vst v0  }
0x6b: {  	v0 =	vld [tilespmem:s17+$0xFFFFFFE0];
	_ =	sdelay $0x4  }
0x6c: {  	v0 =	vmul.f32 $1.442695020e+00, v0;
	_ =	sdelay $0x1  }
0x6d: {  	(erf) = vpow2.f32 v0;
	_ =	sdelay $0x8  }
0x6e: {  	v0 =	vpop (erf)  }
0x6f: {  	[tilespmem:s15+$0xFFFFFFE0] =	vst v0  }
0x70: {  	v0 =	vld [tilespmem:s17+$0xFFFFFFF0];
	_ =	sdelay $0x4  }
0x71: {  	v0 =	vmul.f32 $1.442695020e+00, v0;
	_ =	sdelay $0x1  }
0x72: {  	(erf) = vpow2.f32 v0;
	_ =	sdelay $0x8  }
0x73: {  	v0 =	vpop (erf)  }
0x74: {  	[tilespmem:s15+$0xFFFFFFF0] =	vst v0  }
0x75: {  	v0 =	vld [tilespmem:s17+$0x0];
	_ =	sdelay $0x4  }
0x76: {  	v0 =	vmul.f32 $1.442695020e+00, v0;
	_ =	sdelay $0x1  }
0x77: {  	(erf) = vpow2.f32 v0;
	_ =	sdelay $0x8  }
0x78: {  	v0 =	vpop (erf)  }
0x79: {  	[tilespmem:s15+$0x0] =	vst v0  }
0x7a: {  	v0 =	vld [tilespmem:s17+$0x10];
	_ =	sdelay $0x4  }
0x7b: {  	v0 =	vmul.f32 $1.442695020e+00, v0;
	_ =	sdelay $0x1  }
0x7c: {  	(erf) = vpow2.f32 v0;
	_ =	sdelay $0x8  }
0x7d: {  	v0 =	vpop (erf)  }
0x7e: {  	[tilespmem:s15+$0x10] =	vst v0  }
0x7f: {  	v0 =	vld [tilespmem:s17+$0x20];
	_ =	sdelay $0x4  }
0x80: {  	v0 =	vmul.f32 $1.442695020e+00, v0;
	_ =	sdelay $0x1  }
0x81: {  	(erf) = vpow2.f32 v0;
	_ =	sdelay $0x8  }
0x82: {  	v0 =	vpop (erf)  }
0x83: {  	[tilespmem:s15+$0x20] =	vst v0  }
0x84: {  	v0 =	vld [tilespmem:s17+$0x30];
	_ =	sdelay $0x4  }
0x85: {  	v0 =	vmul.f32 $1.442695020e+00, v0;
	_ =	sdelay $0x1  }
0x86: {  	(erf) = vpow2.f32 v0;
	_ =	sdelay $0x5  }
0x87: {  	p2 =	sne.s32 s18, $0x1  }
.Ltmp1:
0x88: {  	_ = 	snop;
	(pc) =	sbr.rel @!p2 .LBB2_4-.Ltmp1, $4  }
0x89: {  	_ = 	snop  }
0x8a: {  	v0 =	vpop (erf)  }
0x8b: {  	s17 =	simm.s32 $0x141C0;
	[tilespmem:s15+$0x30] =	vst v0  }
0x8c: {  	s20 =	sadd.s32 $0xFFFFFFFF, s18;
	p1 =	por $0x1, $0x1;
	s18 =	simm.s32 $0x16140;
	v0 =	vld [tilespmem:s17+$0xFFFFFFC0]  }
.LBB2_5:
0x8d: {  	p2 =	sne.s32 s20, $0x1;
	_ =	sdelay $0x3  }
0x8e: {  	v0 =	vmul.f32 $1.442695020e+00, v0;
	_ =	sdelay $0x1  }
0x8f: {  	(erf) = vpow2.f32 v0;
	_ =	sdelay $0x8  }
0x90: {  	s18 =	sadd.s32 $0x80, s18;
	v0 =	vpop (erf)  }
0x91: {  	[tilespmem:s18+$0xFFFFFFC0] =	vst v0  }
0x92: {  	v0 =	vld [tilespmem:s17+$0xFFFFFFD0];
	_ =	sdelay $0x4  }
0x93: {  	v0 =	vmul.f32 $1.442695020e+00, v0;
	_ =	sdelay $0x1  }
0x94: {  	(erf) = vpow2.f32 v0;
	_ =	sdelay $0x8  }
0x95: {  	v0 =	vpop (erf)  }
0x96: {  	[tilespmem:s18+$0xFFFFFFD0] =	vst v0  }
0x97: {  	v0 =	vld [tilespmem:s17+$0xFFFFFFE0];
	_ =	sdelay $0x4  }
0x98: {  	v0 =	vmul.f32 $1.442695020e+00, v0;
	_ =	sdelay $0x1  }
0x99: {  	(erf) = vpow2.f32 v0;
	_ =	sdelay $0x8  }
0x9a: {  	v0 =	vpop (erf)  }
0x9b: {  	[tilespmem:s18+$0xFFFFFFE0] =	vst v0  }
0x9c: {  	v0 =	vld [tilespmem:s17+$0xFFFFFFF0];
	_ =	sdelay $0x4  }
0x9d: {  	v0 =	vmul.f32 $1.442695020e+00, v0;
	_ =	sdelay $0x1  }
0x9e: {  	(erf) = vpow2.f32 v0;
	_ =	sdelay $0x8  }
0x9f: {  	v0 =	vpop (erf)  }
0xa0: {  	[tilespmem:s18+$0xFFFFFFF0] =	vst v0  }
0xa1: {  	v0 =	vld [tilespmem:s17+$0x0];
	_ =	sdelay $0x4  }
0xa2: {  	v0 =	vmul.f32 $1.442695020e+00, v0;
	_ =	sdelay $0x1  }
0xa3: {  	(erf) = vpow2.f32 v0;
	_ =	sdelay $0x8  }
0xa4: {  	v0 =	vpop (erf)  }
0xa5: {  	[tilespmem:s18+$0x0] =	vst v0  }
0xa6: {  	v0 =	vld [tilespmem:s17+$0x10];
	_ =	sdelay $0x4  }
0xa7: {  	v0 =	vmul.f32 $1.442695020e+00, v0;
	_ =	sdelay $0x1  }
0xa8: {  	(erf) = vpow2.f32 v0;
	_ =	sdelay $0x8  }
0xa9: {  	v0 =	vpop (erf)  }
0xaa: {  	[tilespmem:s18+$0x10] =	vst v0  }
0xab: {  	v0 =	vld [tilespmem:s17+$0x20];
	_ =	sdelay $0x4  }
0xac: {  	v0 =	vmul.f32 $1.442695020e+00, v0;
	_ =	sdelay $0x1  }
0xad: {  	(erf) = vpow2.f32 v0;
	_ =	sdelay $0x8  }
0xae: {  	v0 =	vpop (erf)  }
0xaf: {  	[tilespmem:s18+$0x20] =	vst v0  }
0xb0: {  	v0 =	vld [tilespmem:s17+$0x30];
	_ =	sdelay $0x4  }
0xb1: {  	v0 =	vmul.f32 $1.442695020e+00, v0;
	_ =	sdelay $0x1  }
0xb2: {  	(erf) = vpow2.f32 v0;
	_ =	sdelay $0x6  }
.Ltmp2:
0xb3: {  	(pc) =	sbr.rel @p2 .LBB2_5-.Ltmp2, $4  }
0xb4: {  	_ = 	snop  }
0xb5: {  	v0 =	vpop (erf)  }
0xb6: {  	s17 =	sadd.s32 $0x80, s17;
	[tilespmem:s18+$0x30] =	vst v0  }
0xb7: {  	s20 =	sadd.s32 $0xFFFFFFFF, s20;
	v0 =	vld [tilespmem:s17+$0xFFFFFFC0]  }
0xb8: {  	s20 =	simm.s32 $0x8100  }
.LBB2_7:
0xb9: {  	_ =	sdelay $0x2  }
0xba: {  	v0 =	vmul.f32 $1.442695020e+00, v0;
	_ =	sdelay $0x1  }
0xbb: {  	(erf) = vpow2.f32 v0;
	_ =	sdelay $0x7  }
0xbc: {  	s18 =	sadd.s32 @p1 $0x80, s18  }
0xbd: {  	s15 =	smov.u32 @p1 s18;
	v0 =	vpop (erf)  }
0xbe: {  	[tilespmem:s15+$0xFFFFFFC0] =	vst v0  }
0xbf: {  	v0 =	vld [tilespmem:s17+$0xFFFFFFD0];
	_ =	sdelay $0x4  }
0xc0: {  	v0 =	vmul.f32 $1.442695020e+00, v0;
	_ =	sdelay $0x1  }
0xc1: {  	(erf) = vpow2.f32 v0;
	_ =	sdelay $0x8  }
0xc2: {  	v0 =	vpop (erf)  }
0xc3: {  	[tilespmem:s15+$0xFFFFFFD0] =	vst v0  }
0xc4: {  	v0 =	vld [tilespmem:s17+$0xFFFFFFE0];
	_ =	sdelay $0x4  }
0xc5: {  	v0 =	vmul.f32 $1.442695020e+00, v0;
	_ =	sdelay $0x1  }
0xc6: {  	(erf) = vpow2.f32 v0;
	_ =	sdelay $0x8  }
0xc7: {  	v0 =	vpop (erf)  }
0xc8: {  	[tilespmem:s15+$0xFFFFFFE0] =	vst v0  }
0xc9: {  	v0 =	vld [tilespmem:s17+$0xFFFFFFF0];
	_ =	sdelay $0x4  }
0xca: {  	v0 =	vmul.f32 $1.442695020e+00, v0;
	_ =	sdelay $0x1  }
0xcb: {  	(erf) = vpow2.f32 v0;
	_ =	sdelay $0x8  }
0xcc: {  	v0 =	vpop (erf)  }
0xcd: {  	[tilespmem:s15+$0xFFFFFFF0] =	vst v0  }
0xce: {  	v0 =	vld [tilespmem:s17+$0x0];
	_ =	sdelay $0x4  }
0xcf: {  	v0 =	vmul.f32 $1.442695020e+00, v0;
	_ =	sdelay $0x1  }
0xd0: {  	(erf) = vpow2.f32 v0;
	_ =	sdelay $0x8  }
0xd1: {  	v0 =	vpop (erf)  }
0xd2: {  	[tilespmem:s15+$0x0] =	vst v0  }
0xd3: {  	v0 =	vld [tilespmem:s17+$0x10];
	_ =	sdelay $0x4  }
0xd4: {  	v0 =	vmul.f32 $1.442695020e+00, v0;
	_ =	sdelay $0x1  }
0xd5: {  	(erf) = vpow2.f32 v0;
	_ =	sdelay $0x8  }
0xd6: {  	v0 =	vpop (erf)  }
0xd7: {  	[tilespmem:s15+$0x10] =	vst v0  }
0xd8: {  	v0 =	vld [tilespmem:s17+$0x20];
	_ =	sdelay $0x4  }
0xd9: {  	v0 =	vmul.f32 $1.442695020e+00, v0;
	_ =	sdelay $0x1  }
0xda: {  	(erf) = vpow2.f32 v0;
	_ =	sdelay $0x8  }
0xdb: {  	v0 =	vpop (erf)  }
0xdc: {  	[tilespmem:s15+$0x20] =	vst v0  }
0xdd: {  	v0 =	vld [tilespmem:s17+$0x30];
	_ =	sdelay $0x4  }
0xde: {  	v0 =	vmul.f32 $1.442695020e+00, v0;
	_ =	sdelay $0x1  }
0xdf: {  	(erf) = vpow2.f32 v0;
	_ =	sdelay $0x7  }
0xe0: {  	s17 =	sld [smem:$0x7FD]  }
0xe1: {  	v0 =	vpop (erf)  }
0xe2: {  	[tilespmem:s15+$0x30] =	vst v0;
	s15 =	simm.s32 @p0 $0x16100  }
0xe3: {  	[spmem:s17] =	stream.linear.scatter @p0 [tilespmem:s15], [sflag:$0xB], $0x1400, $0x38;
	[tilespmem:$0x1BF80] =	vst v63  }
0xe4: {  	_ =	swait.ge @p0 [sflag:s13], $0x1400  }
0xe5: {  	s15 =	sld [smem:$0x7F9]  }
0xe6: {  	[sflag:s13] =	ssyncset.done @p0 $0x0  }
0xe7: {  	[sflag:s13] =	ssyncadd.s32 @p0 $0xFFFFEC00;
	s13 =	simm.s32 @!p0 $0x16100  }
0xe8: {  	[spmem:s15] =	stream.linear.scatter @!p0 [tilespmem:s13], [sflag:$0xB], $0x2000, $0x38;
	[tilespmem:$0x1BF80] =	vst v63  }
0xe9: {  	_ =	swait.ge @!p0 [sflag:s14], $0x2000  }
0xea: {  	[sflag:s14] =	ssyncset.done @!p0 $0x0  }
0xeb: {  	[sflag:s14] =	ssyncadd.s32 @!p0 $0xFFFFE000  }
0xec: {  	s18 =	simm.s32 $0x0;
	[bflag:$0x0] =	sbarrier.arrive $0xFFFF  }
0xed: {  	[tilespmem:s23], [sflag:$0x1] =	stream.indirect.gather [spmem:s30], $0x80, s18, s22, $0xb8;
	[tilespmem:$0x1BF80] =	vst v63  }
0xee: {  	_ = 	snop  }
0xef: {  	[tilespmem:s24], [sflag:$0x3] =	stream.indirect.gather [spmem:s3], $0x80, s18, s22, $0xb8;
	[tilespmem:$0x1BF80] =	vst v63  }
0xf0: {  	_ = 	snop  }
0xf1: {  	[tilespmem:s25], [sflag:$0x2] =	stream.indirect.gather [spmem:s30], $0x80, s19, s22, $0xb8;
	[tilespmem:$0x1BF80] =	vst v63  }
0xf2: {  	_ = 	snop  }
0xf3: {  	[tilespmem:s26], [sflag:$0x4] =	stream.indirect.gather [spmem:s3], $0x80, s19, s22, $0xb8;
	[tilespmem:$0x1BF80] =	vst v63  }
0xf4: {  	_ =	swait.ge [sflag:s28], $0x2000  }
0xf5: {  	[sflag:s28] =	ssyncset.done $0x0  }
0xf6: {  	[sflag:s28] =	ssyncadd.s32 $0xFFFFE000  }
0xf7: {  	_ =	swait.ge [sflag:s29], $0x2000  }
0xf8: {  	[sflag:s29] =	ssyncset.done $0x0  }
0xf9: {  	[sflag:s29] =	ssyncadd.s32 $0xFFFFE000  }
0xfa: {  	_ =	swait.ge [sflag:s31], $0x2000  }
0xfb: {  	[sflag:s31] =	ssyncset.done $0x0  }
0xfc: {  	[sflag:s31] =	ssyncadd.s32 $0xFFFFE000  }
0xfd: {  	_ =	swait.ge [sflag:s0], $0x2000  }
0xfe: {  	[sflag:s0] =	ssyncset.done $0x0  }
0xff: {  	s13 =	simm.s32 $0x0;
	[sflag:s0] =	ssyncadd.s32 $0xFFFFE000  }
0x100: {  	v0 =	vld [tilespmem:s13+$0xC170]  }
0x101: {  	v1 =	vld [tilespmem:s13+$0x4170]  }
0x102: {  	v2 =	vld [tilespmem:s13+$0xC100]  }
0x103: {  	v3 =	vld [tilespmem:s13+$0x170]  }
0x104: {  	v4 =	vld [tilespmem:s13+$0x4100]  }
0x105: {  	v5 =	vld [tilespmem:s13+$0x8170]  }
0x106: {  	v6 =	vld [tilespmem:s13+$0xC110]  }
0x107: {  	v7 =	vld [tilespmem:s13+$0xC120]  }
0x108: {  	v8 =	vld [tilespmem:s13+$0xC130]  }
0x109: {  	v9 =	vld [tilespmem:s13+$0xC140]  }
0x10a: {  	v10 =	vld [tilespmem:s13+$0xC150]  }
0x10b: {  	v11 =	vld [tilespmem:s13+$0x4150]  }
0x10c: {  	v12 =	vld [tilespmem:s13+$0xC160]  }
0x10d: {  	v13 =	vld [tilespmem:s13+$0x4160]  }
0x10e: {  	v14 =	vld [tilespmem:s13+$0x100]  }
0x10f: {  	v15 =	vld [tilespmem:s13+$0x110]  }
0x110: {  	v16 =	vld [tilespmem:s13+$0x120]  }
0x111: {  	v17 =	vld [tilespmem:s13+$0x130]  }
0x112: {  	v18 =	vld [tilespmem:s13+$0x140];
	v0 =	vmul.f32 v1, v0  }
0x113: {  	v19 =	vld [tilespmem:s13+$0x150]  }
0x114: {  	v20 =	vld [tilespmem:s13+$0x160];
	v0 =	vadd.f32 v3, v0  }
0x115: {  	v1 =	vld [tilespmem:s13+$0x4110]  }
0x116: {  	v3 =	vld [tilespmem:s13+$0x4120];
	v0 =	vmul.f32 v0, v5  }
0x117: {  	v5 =	vld [tilespmem:s13+$0x4130]  }
0x118: {  	[tilespmem:s13+$0x10170] =	vst v0;
	v0 =	vld [tilespmem:s13+$0x4140]  }
0x119: {  	v21 =	vld [tilespmem:s13+$0x8100]  }
0x11a: {  	v22 =	vld [tilespmem:s13+$0x8110];
	v2 =	vmul.f32 v4, v2  }
0x11b: {  	v23 =	vld [tilespmem:s13+$0x8120];
	v4 =	vmul.f32 v1, v6  }
0x11c: {  	v1 =	vld [tilespmem:s13+$0x8130];
	v6 =	vadd.f32 v14, v2;
	v3 =	vmul.f32 v3, v7;
	v5 =	vmul.f32 v5, v8  }
0x11d: {  	v2 =	vld [tilespmem:s13+$0x8140];
	v0 =	vmul.f32 v0, v9;
	v9 =	vmul.f32 v11, v10;
	v11 =	vadd.f32 v15, v4  }
0x11e: {  	v63 =	vmul.f32 v6, v21;
	v62 =	vadd.f32 v16, v3;
	v10 =	vmul.f32 v13, v12;
	v4 =	vld [tilespmem:s13+$0x8150]  }
0x11f: {  	s14 =	simm.s32 $0x80;
	v6 =	vld [tilespmem:s13+$0x8160];
	v7 =	vadd.f32 v17, v5;
	v5 =	vadd.f32 v19, v9;
	v9 =	vmul.f32 v11, v22  }
0x120: {  	s15 =	simm.s32 $0x400;
	v8 =	vadd.f32 v18, v0;
	v0 =	vld [tilespmem:s14+$0xC170];
	v3 =	vadd.f32 v20, v10;
	[tilespmem:s13+$0x10100] =	vst v63;
	v10 =	vmul.f32 v62, v23  }
.LBB2_8:
0x121: {  	p1 =	sne.s32 s15, $0x7E00;
	v11 =	vld [tilespmem:s14+$0x4170];
	[tilespmem:s13+$0x10110] =	vst v9;
	v1 =	vmul.f32 v7, v1  }
0x122: {  	v7 =	vld [tilespmem:s14+$0xC100];
	[tilespmem:s13+$0x10120] =	vst v10;
	v2 =	vmul.f32 v8, v2  }
0x123: {  	v8 =	vld [tilespmem:s14+$0x170];
	[tilespmem:s13+$0x10130] =	vst v1;
	v1 =	vmul.f32 v5, v4  }
0x124: {  	v4 =	vld [tilespmem:s14+$0x4100];
	[tilespmem:s13+$0x10140] =	vst v2;
	v2 =	vmul.f32 v3, v6  }
0x125: {  	v3 =	vld [tilespmem:s14+$0x8170];
	[tilespmem:s13+$0x10150] =	vst v1  }
0x126: {  	v1 =	vld [tilespmem:s14+$0xC110];
	v0 =	vmul.f32 v11, v0;
	[tilespmem:s13+$0x10160] =	vst v2;
	s13 =	smov.u32 s14  }
0x127: {  	v2 =	vld [tilespmem:s13+$0x4110]  }
0x128: {  	v5 =	vld [tilespmem:s13+$0xC120];
	v0 =	vadd.f32 v8, v0  }
0x129: {  	v4 =	vmul.f32 v4, v7;
	v6 =	vld [tilespmem:s13+$0x4120]  }
0x12a: {  	v7 =	vld [tilespmem:s13+$0xC130];
	v0 =	vmul.f32 v0, v3  }
0x12b: {  	v3 =	vld [tilespmem:s13+$0x4130]  }
0x12c: {  	v1 =	vmul.f32 v2, v1;
	v2 =	vld [tilespmem:s13+$0xC140];
	[tilespmem:s13+$0x10170] =	vst v0  }
0x12d: {  	v0 =	vld [tilespmem:s13+$0x4140]  }
0x12e: {  	v5 =	vmul.f32 v6, v5;
	v6 =	vld [tilespmem:s13+$0xC150]  }
0x12f: {  	v8 =	vld [tilespmem:s13+$0x4150]  }
0x130: {  	v3 =	vmul.f32 v3, v7;
	v7 =	vld [tilespmem:s13+$0xC160]  }
0x131: {  	v9 =	vld [tilespmem:s13+$0x4160]  }
0x132: {  	v10 =	vld [tilespmem:s13+$0x100];
	v0 =	vmul.f32 v0, v2  }
0x133: {  	v2 =	vld [tilespmem:s13+$0x110]  }
0x134: {  	v11 =	vld [tilespmem:s13+$0x120];
	v6 =	vmul.f32 v8, v6  }
0x135: {  	v8 =	vld [tilespmem:s13+$0x130]  }
0x136: {  	v12 =	vld [tilespmem:s13+$0x140];
	v9 =	vmul.f32 v9, v7  }
0x137: {  	v4 =	vadd.f32 v10, v4;
	v10 =	vld [tilespmem:s13+$0x150]  }
0x138: {  	v13 =	vadd.f32 v2, v1;
	v14 =	vld [tilespmem:s13+$0x160]  }
0x139: {  	v15 =	vld [tilespmem:s13+$0x8100];
	v11 =	vadd.f32 v11, v5  }
0x13a: {  	v16 =	vld [tilespmem:s13+$0x8110];
	v7 =	vadd.f32 v8, v3  }
0x13b: {  	v17 =	vld [tilespmem:s13+$0x8120];
	v8 =	vadd.f32 v12, v0  }
.Ltmp3:
0x13c: {  	v1 =	vld [tilespmem:s13+$0x8130];
	v5 =	vadd.f32 v10, v6;
	(pc) =	sbr.rel @p1 .LBB2_8-.Ltmp3, $4  }
0x13d: {  	v2 =	vld [tilespmem:s13+$0x8140];
	v3 =	vadd.f32 v14, v9  }
0x13e: {  	v10 =	vmul.f32 v4, v15;
	v4 =	vld [tilespmem:s13+$0x8150]  }
0x13f: {  	s14 =	sshra.s32 s15, $0x2;
	v9 =	vmul.f32 v13, v16;
	v6 =	vld [tilespmem:s13+$0x8160]  }
0x140: {  	s15 =	sadd.s32 $0x200, s15;
	v0 =	vld [tilespmem:s14+$0xC170];
	[tilespmem:s13+$0x10100] =	vst v10;
	v10 =	vmul.f32 v11, v17  }
0x141: {  	v11 =	vld [tilespmem:s14+$0x4170];
	[tilespmem:s13+$0x10110] =	vst v9;
	v1 =	vmul.f32 v7, v1  }
0x142: {  	v9 =	vld [tilespmem:s14+$0xC100];
	[tilespmem:s13+$0x10120] =	vst v10;
	v2 =	vmul.f32 v8, v2  }
0x143: {  	v7 =	vld [tilespmem:s14+$0x170];
	[tilespmem:s13+$0x10130] =	vst v1;
	v4 =	vmul.f32 v5, v4  }
0x144: {  	v1 =	vld [tilespmem:s14+$0x4100];
	[tilespmem:s13+$0x10140] =	vst v2;
	v3 =	vmul.f32 v3, v6  }
0x145: {  	v2 =	vld [tilespmem:s14+$0x8170];
	[tilespmem:s13+$0x10150] =	vst v4  }
0x146: {  	v4 =	vld [tilespmem:s14+$0xC110];
	[tilespmem:s13+$0x10160] =	vst v3  }
0x147: {  	v3 =	vld [tilespmem:s14+$0x4110]  }
0x148: {  	v5 =	vld [tilespmem:s14+$0xC120]  }
0x149: {  	v6 =	vld [tilespmem:s14+$0x4120]  }
0x14a: {  	v8 =	vld [tilespmem:s14+$0xC140]  }
0x14b: {  	v10 =	vld [tilespmem:s14+$0xC150]  }
0x14c: {  	v0 =	vmul.f32 v11, v0;
	v11 =	vld [tilespmem:s14+$0x4150]  }
0x14d: {  	v12 =	vld [tilespmem:s14+$0xC160]  }
0x14e: {  	v13 =	vld [tilespmem:s14+$0x4160]  }
0x14f: {  	v14 =	vld [tilespmem:s14+$0x100]  }
0x150: {  	v15 =	vld [tilespmem:s14+$0x110]  }
0x151: {  	v16 =	vld [tilespmem:s14+$0x120]  }
0x152: {  	v17 =	vld [tilespmem:s14+$0x130]  }
0x153: {  	v18 =	vld [tilespmem:s14+$0x140]  }
0x154: {  	v19 =	vld [tilespmem:s14+$0x150]  }
0x155: {  	v20 =	vld [tilespmem:s14+$0x160];
	v0 =	vadd.f32 v7, v0  }
0x156: {  	v21 =	vld [tilespmem:s14+$0x8100]  }
0x157: {  	v7 =	vld [tilespmem:s14+$0xC130];
	v0 =	vmul.f32 v0, v2  }
0x158: {  	v2 =	vld [tilespmem:s14+$0x4130]  }
0x159: {  	[tilespmem:s14+$0x10170] =	vst v0;
	v0 =	vld [tilespmem:s14+$0x4140]  }
0x15a: {  	v1 =	vmul.f32 v1, v9;
	v9 =	vld [tilespmem:s14+$0x8110]  }
0x15b: {  	v3 =	vmul.f32 v3, v4;
	v4 =	vld [tilespmem:s14+$0x8120]  }
0x15c: {  	v5 =	vmul.f32 v6, v5;
	v1 =	vadd.f32 v14, v1;
	v6 =	vld [tilespmem:s14+$0x8130]  }
0x15d: {  	v3 =	vadd.f32 v15, v3;
	v2 =	vmul.f32 v2, v7;
	v7 =	vld [tilespmem:s14+$0x8140]  }
0x15e: {  	v5 =	vadd.f32 v16, v5;
	v1 =	vmul.f32 v1, v21;
	v0 =	vmul.f32 v0, v8;
	v8 =	vld [tilespmem:s14+$0x8150]  }
0x15f: {  	v10 =	vmul.f32 v11, v10;
	v3 =	vmul.f32 v3, v9;
	v9 =	vld [tilespmem:s14+$0x8160];
	v2 =	vadd.f32 v17, v2  }
0x160: {  	v11 =	vmul.f32 v13, v12;
	[tilespmem:s14+$0x10100] =	vst v1;
	v1 =	vmul.f32 v5, v4;
	v0 =	vadd.f32 v18, v0  }
0x161: {  	v4 =	vadd.f32 v19, v10;
	[tilespmem:s14+$0x10110] =	vst v3;
	v2 =	vmul.f32 v2, v6  }
0x162: {  	v3 =	vadd.f32 v20, v11;
	[tilespmem:s14+$0x10120] =	vst v1;
	v0 =	vmul.f32 v0, v7  }
0x163: {  	[tilespmem:s14+$0x10130] =	vst v2;
	v1 =	vmul.f32 v4, v8  }
0x164: {  	[tilespmem:s14+$0x10140] =	vst v0;
	v0 =	vmul.f32 v3, v9  }
0x165: {  	[tilespmem:s14+$0x10150] =	vst v1  }
0x166: {  	s18 =	rddreg [dreg:$0x14];
	s13 =	simm.s32 $0x0;
	[tilespmem:s14+$0x10160] =	vst v0  }
0x167: {  	[hbm4b:s18+s13] =	stream.linear.scatter [tilespmem:s2], [sflag:$0x9], $0x2000, $0x38;
	[tilespmem:$0x1BF80] =	vst v63  }
0x168: {  	s15 =	rddreg [dreg:$0xd]  }
0x169: {  	[tilespmem:s13], [sflag:$0xB] =	stream.linear.gather [hbm4b:s15+s13], $0x40, $0x38;
	[tilespmem:$0x1BF80] =	vst v63  }
0x16a: {  	_ =	swait.ge [sflag:s16], $0x40  }
0x16b: {  	[sflag:s16] =	ssyncset.done $0x0  }
0x16c: {  	s17 =	rddreg [dreg:$0x17];
	[sflag:s16] =	ssyncadd.s32 $0xFFFFFFC0  }
0x16d: {  	[tilespmem:s20], [sflag:$0x5] =	stream.linear.gather [hbm4b:s17+s13], $0x2000, $0x38;
	[tilespmem:$0x1BF80] =	vst v63  }
0x16e: {  	s18 =	rddreg [dreg:$0x18];
	s17 =	simm.s32 $0xC100  }
0x16f: {  	[tilespmem:s17], [sflag:$0x7] =	stream.linear.gather [hbm4b:s18+s13], $0x2000, $0x38;
	[tilespmem:$0x1BF80] =	vst v63  }
0x170: {  	_ = 	snop  }
0x171: {  	[tilespmem:s23], [sflag:$0x1] =	stream.indirect.gather [spmem:s30], $0x80, s13, s22, $0xb8;
	[tilespmem:$0x1BF80] =	vst v63  }
0x172: {  	_ = 	snop  }
0x173: {  	[tilespmem:s24], [sflag:$0x3] =	stream.indirect.gather [spmem:s3], $0x80, s13, s22, $0xb8;
	[tilespmem:$0x1BF80] =	vst v63  }
0x174: {  	_ =	swait.ge [sflag:s4], $0x2000  }
0x175: {  	[sflag:s4] =	ssyncset.done $0x0  }
0x176: {  	[sflag:s4] =	ssyncadd.s32 $0xFFFFE000  }
0x177: {  	_ =	swait.ge [sflag:s6], $0x2000  }
0x178: {  	[sflag:s6] =	ssyncset.done $0x0  }
0x179: {  	[sflag:s6] =	ssyncadd.s32 $0xFFFFE000  }
0x17a: {  	_ =	swait.ge [sflag:s7], $0x2000  }
0x17b: {  	[sflag:s7] =	ssyncset.done $0x0  }
0x17c: {  	[sflag:s7] =	ssyncadd.s32 $0xFFFFE000  }
0x17d: {  	_ =	swait.ge [sflag:s8], $0x2000  }
0x17e: {  	[sflag:s8] =	ssyncset.done $0x0  }
0x17f: {  	s13 =	simm.s32 $0x0;
	[sflag:s8] =	ssyncadd.s32 $0xFFFFE000  }
0x180: {  	v0 =	vld [tilespmem:s13+$0xE170]  }
0x181: {  	v1 =	vld [tilespmem:s13+$0x6170]  }
0x182: {  	v2 =	vld [tilespmem:s13+$0xE100]  }
0x183: {  	v3 =	vld [tilespmem:s13+$0x2170]  }
0x184: {  	v4 =	vld [tilespmem:s13+$0x6100]  }
0x185: {  	v5 =	vld [tilespmem:s13+$0xA170]  }
0x186: {  	v6 =	vld [tilespmem:s13+$0xE110]  }
0x187: {  	v7 =	vld [tilespmem:s13+$0xE120]  }
0x188: {  	v8 =	vld [tilespmem:s13+$0xE130]  }
0x189: {  	v9 =	vld [tilespmem:s13+$0xE140]  }
0x18a: {  	v10 =	vld [tilespmem:s13+$0xE150]  }
0x18b: {  	v11 =	vld [tilespmem:s13+$0x6150]  }
0x18c: {  	v52 =	vld [tilespmem:s13+$0xE160]  }
0x18d: {  	v53 =	vld [tilespmem:s13+$0x6160]  }
0x18e: {  	v54 =	vld [tilespmem:s13+$0x2100]  }
0x18f: {  	v55 =	vld [tilespmem:s13+$0x2110]  }
0x190: {  	v56 =	vld [tilespmem:s13+$0x2120]  }
0x191: {  	v57 =	vld [tilespmem:s13+$0x2130]  }
0x192: {  	v58 =	vld [tilespmem:s13+$0x2140];
	v0 =	vmul.f32 v1, v0  }
0x193: {  	v59 =	vld [tilespmem:s13+$0x2150]  }
0x194: {  	v60 =	vld [tilespmem:s13+$0x2160];
	v0 =	vadd.f32 v3, v0  }
0x195: {  	v1 =	vld [tilespmem:s13+$0x6110]  }
0x196: {  	v3 =	vld [tilespmem:s13+$0x6120];
	v0 =	vmul.f32 v0, v5  }
0x197: {  	v5 =	vld [tilespmem:s13+$0x6130]  }
0x198: {  	[tilespmem:s13+$0x12170] =	vst v0;
	v0 =	vld [tilespmem:s13+$0x6140]  }
0x199: {  	v61 =	vld [tilespmem:s13+$0xA100]  }
0x19a: {  	v22 =	vld [tilespmem:s13+$0xA110];
	v2 =	vmul.f32 v4, v2  }
0x19b: {  	v23 =	vld [tilespmem:s13+$0xA120];
	v4 =	vmul.f32 v1, v6  }
0x19c: {  	v1 =	vld [tilespmem:s13+$0xA130];
	v6 =	vadd.f32 v54, v2;
	v3 =	vmul.f32 v3, v7;
	v5 =	vmul.f32 v5, v8  }
0x19d: {  	v2 =	vld [tilespmem:s13+$0xA140];
	v0 =	vmul.f32 v0, v9;
	v9 =	vmul.f32 v11, v10;
	v11 =	vadd.f32 v55, v4  }
0x19e: {  	v63 =	vmul.f32 v6, v61;
	v62 =	vadd.f32 v56, v3;
	v10 =	vmul.f32 v53, v52;
	v4 =	vld [tilespmem:s13+$0xA150]  }
0x19f: {  	s14 =	simm.s32 $0x80;
	v6 =	vld [tilespmem:s13+$0xA160];
	v7 =	vadd.f32 v57, v5;
	v5 =	vadd.f32 v59, v9;
	v9 =	vmul.f32 v11, v22  }
0x1a0: {  	s15 =	simm.s32 $0x400;
	s18 =	simm.s32 $0xA100;
	v8 =	vadd.f32 v58, v0;
	v0 =	vld [tilespmem:s14+$0xE170];
	v3 =	vadd.f32 v60, v10;
	[tilespmem:s13+$0x12100] =	vst v63;
	v10 =	vmul.f32 v62, v23  }
.LBB2_10:
0x1a1: {  	p1 =	sne.s32 s15, $0x7E00;
	v11 =	vld [tilespmem:s14+$0x6170];
	[tilespmem:s13+$0x12110] =	vst v9;
	v1 =	vmul.f32 v7, v1  }
0x1a2: {  	v7 =	vld [tilespmem:s14+$0xE100];
	[tilespmem:s13+$0x12120] =	vst v10;
	v2 =	vmul.f32 v8, v2  }
0x1a3: {  	v8 =	vld [tilespmem:s14+$0x2170];
	[tilespmem:s13+$0x12130] =	vst v1;
	v1 =	vmul.f32 v5, v4  }
0x1a4: {  	v4 =	vld [tilespmem:s14+$0x6100];
	[tilespmem:s13+$0x12140] =	vst v2;
	v2 =	vmul.f32 v3, v6  }
0x1a5: {  	v3 =	vld [tilespmem:s14+$0xA170];
	[tilespmem:s13+$0x12150] =	vst v1  }
0x1a6: {  	v1 =	vld [tilespmem:s14+$0xE110];
	v0 =	vmul.f32 v11, v0;
	[tilespmem:s13+$0x12160] =	vst v2;
	s13 =	smov.u32 s14  }
0x1a7: {  	v2 =	vld [tilespmem:s13+$0x6110]  }
0x1a8: {  	v5 =	vld [tilespmem:s13+$0xE120];
	v0 =	vadd.f32 v8, v0  }
0x1a9: {  	v4 =	vmul.f32 v4, v7;
	v6 =	vld [tilespmem:s13+$0x6120]  }
0x1aa: {  	v7 =	vld [tilespmem:s13+$0xE130];
	v0 =	vmul.f32 v0, v3  }
0x1ab: {  	v3 =	vld [tilespmem:s13+$0x6130]  }
0x1ac: {  	v1 =	vmul.f32 v2, v1;
	v2 =	vld [tilespmem:s13+$0xE140];
	[tilespmem:s13+$0x12170] =	vst v0  }
0x1ad: {  	v0 =	vld [tilespmem:s13+$0x6140]  }
0x1ae: {  	v5 =	vmul.f32 v6, v5;
	v6 =	vld [tilespmem:s13+$0xE150]  }
0x1af: {  	v8 =	vld [tilespmem:s13+$0x6150]  }
0x1b0: {  	v3 =	vmul.f32 v3, v7;
	v7 =	vld [tilespmem:s13+$0xE160]  }
0x1b1: {  	v9 =	vld [tilespmem:s13+$0x6160]  }
0x1b2: {  	v10 =	vld [tilespmem:s13+$0x2100];
	v0 =	vmul.f32 v0, v2  }
0x1b3: {  	v2 =	vld [tilespmem:s13+$0x2110]  }
0x1b4: {  	v11 =	vld [tilespmem:s13+$0x2120];
	v6 =	vmul.f32 v8, v6  }
0x1b5: {  	v8 =	vld [tilespmem:s13+$0x2130]  }
0x1b6: {  	v12 =	vld [tilespmem:s13+$0x2140];
	v9 =	vmul.f32 v9, v7  }
0x1b7: {  	v4 =	vadd.f32 v10, v4;
	v10 =	vld [tilespmem:s13+$0x2150]  }
0x1b8: {  	v13 =	vadd.f32 v2, v1;
	v14 =	vld [tilespmem:s13+$0x2160]  }
0x1b9: {  	v15 =	vld [tilespmem:s13+$0xA100];
	v11 =	vadd.f32 v11, v5  }
0x1ba: {  	v16 =	vld [tilespmem:s13+$0xA110];
	v7 =	vadd.f32 v8, v3  }
0x1bb: {  	v17 =	vld [tilespmem:s13+$0xA120];
	v8 =	vadd.f32 v12, v0  }
.Ltmp4:
0x1bc: {  	v1 =	vld [tilespmem:s13+$0xA130];
	v5 =	vadd.f32 v10, v6;
	(pc) =	sbr.rel @p1 .LBB2_10-.Ltmp4, $4  }
0x1bd: {  	v2 =	vld [tilespmem:s13+$0xA140];
	v3 =	vadd.f32 v14, v9  }
0x1be: {  	v10 =	vmul.f32 v4, v15;
	v4 =	vld [tilespmem:s13+$0xA150]  }
0x1bf: {  	s14 =	sshra.s32 s15, $0x2;
	v9 =	vmul.f32 v13, v16;
	v6 =	vld [tilespmem:s13+$0xA160]  }
0x1c0: {  	s15 =	sadd.s32 $0x200, s15;
	v0 =	vld [tilespmem:s14+$0xE170];
	[tilespmem:s13+$0x12100] =	vst v10;
	v10 =	vmul.f32 v11, v17  }
0x1c1: {  	v11 =	vld [tilespmem:s14+$0x6170];
	[tilespmem:s13+$0x12110] =	vst v9;
	v1 =	vmul.f32 v7, v1  }
0x1c2: {  	v9 =	vld [tilespmem:s14+$0xE100];
	[tilespmem:s13+$0x12120] =	vst v10;
	v2 =	vmul.f32 v8, v2  }
0x1c3: {  	v7 =	vld [tilespmem:s14+$0x2170];
	[tilespmem:s13+$0x12130] =	vst v1;
	v4 =	vmul.f32 v5, v4  }
0x1c4: {  	v1 =	vld [tilespmem:s14+$0x6100];
	[tilespmem:s13+$0x12140] =	vst v2;
	v3 =	vmul.f32 v3, v6  }
0x1c5: {  	v2 =	vld [tilespmem:s14+$0xA170];
	[tilespmem:s13+$0x12150] =	vst v4  }
0x1c6: {  	v4 =	vld [tilespmem:s14+$0xE110];
	[tilespmem:s13+$0x12160] =	vst v3  }
0x1c7: {  	v3 =	vld [tilespmem:s14+$0x6110]  }
0x1c8: {  	v5 =	vld [tilespmem:s14+$0xE120]  }
0x1c9: {  	v6 =	vld [tilespmem:s14+$0x6120]  }
0x1ca: {  	v8 =	vld [tilespmem:s14+$0xE140]  }
0x1cb: {  	v10 =	vld [tilespmem:s14+$0xE150]  }
0x1cc: {  	v0 =	vmul.f32 v11, v0;
	v11 =	vld [tilespmem:s14+$0x6150]  }
0x1cd: {  	v12 =	vld [tilespmem:s14+$0xE160]  }
0x1ce: {  	v13 =	vld [tilespmem:s14+$0x6160]  }
0x1cf: {  	v14 =	vld [tilespmem:s14+$0x2100]  }
0x1d0: {  	v15 =	vld [tilespmem:s14+$0x2110]  }
0x1d1: {  	v16 =	vld [tilespmem:s14+$0x2120]  }
0x1d2: {  	v17 =	vld [tilespmem:s14+$0x2130]  }
0x1d3: {  	v18 =	vld [tilespmem:s14+$0x2140]  }
0x1d4: {  	v19 =	vld [tilespmem:s14+$0x2150]  }
0x1d5: {  	v20 =	vld [tilespmem:s14+$0x2160];
	v0 =	vadd.f32 v7, v0  }
0x1d6: {  	v21 =	vld [tilespmem:s14+$0xA100]  }
0x1d7: {  	v7 =	vld [tilespmem:s14+$0xE130];
	v0 =	vmul.f32 v0, v2  }
0x1d8: {  	v2 =	vld [tilespmem:s14+$0x6130]  }
0x1d9: {  	[tilespmem:s14+$0x12170] =	vst v0;
	v0 =	vld [tilespmem:s14+$0x6140]  }
0x1da: {  	v1 =	vmul.f32 v1, v9;
	v9 =	vld [tilespmem:s14+$0xA110]  }
0x1db: {  	v3 =	vmul.f32 v3, v4;
	v4 =	vld [tilespmem:s14+$0xA120]  }
0x1dc: {  	v5 =	vmul.f32 v6, v5;
	v1 =	vadd.f32 v14, v1;
	v6 =	vld [tilespmem:s14+$0xA130]  }
0x1dd: {  	v3 =	vadd.f32 v15, v3;
	v2 =	vmul.f32 v2, v7;
	v7 =	vld [tilespmem:s14+$0xA140]  }
0x1de: {  	v5 =	vadd.f32 v16, v5;
	v1 =	vmul.f32 v1, v21;
	v0 =	vmul.f32 v0, v8;
	v8 =	vld [tilespmem:s14+$0xA150]  }
0x1df: {  	v10 =	vmul.f32 v11, v10;
	v3 =	vmul.f32 v3, v9;
	v9 =	vld [tilespmem:s14+$0xA160];
	v2 =	vadd.f32 v17, v2  }
0x1e0: {  	v11 =	vmul.f32 v13, v12;
	[tilespmem:s14+$0x12100] =	vst v1;
	v1 =	vmul.f32 v5, v4;
	v0 =	vadd.f32 v18, v0  }
0x1e1: {  	v4 =	vadd.f32 v19, v10;
	[tilespmem:s14+$0x12110] =	vst v3;
	v2 =	vmul.f32 v2, v6  }
0x1e2: {  	v3 =	vadd.f32 v20, v11;
	[tilespmem:s14+$0x12120] =	vst v1;
	v0 =	vmul.f32 v0, v7  }
0x1e3: {  	[tilespmem:s14+$0x12130] =	vst v2;
	v1 =	vmul.f32 v4, v8  }
0x1e4: {  	[tilespmem:s14+$0x12140] =	vst v0;
	v0 =	vmul.f32 v3, v9  }
0x1e5: {  	[tilespmem:s14+$0x12150] =	vst v1  }
0x1e6: {  	s15 =	rddreg [dreg:$0x16];
	s13 =	simm.s32 $0x0;
	[tilespmem:s14+$0x12160] =	vst v0  }
0x1e7: {  	[hbm4b:s15+s13] =	stream.linear.scatter [tilespmem:s9], [sflag:$0xA], $0x2000, $0x38;
	[tilespmem:$0x1BF80] =	vst v63  }
0x1e8: {  	s15 =	rddreg [dreg:$0xe]  }
0x1e9: {  	[tilespmem:s19], [sflag:$0xB] =	stream.linear.gather [hbm4b:s15+s13], $0x40, $0x38;
	[tilespmem:$0x1BF80] =	vst v63  }
0x1ea: {  	_ =	swait.ge [sflag:s16], $0x40  }
0x1eb: {  	[sflag:s16] =	ssyncset.done $0x0  }
0x1ec: {  	s15 =	rddreg [dreg:$0x1a];
	[sflag:s16] =	ssyncadd.s32 $0xFFFFFFC0  }
0x1ed: {  	[tilespmem:s18], [sflag:$0x6] =	stream.linear.gather [hbm4b:s15+s13], $0x2000, $0x38;
	[tilespmem:$0x1BF80] =	vst v63  }
0x1ee: {  	s15 =	rddreg [dreg:$0x1b]  }
0x1ef: {  	[tilespmem:s21], [sflag:$0x8] =	stream.linear.gather [hbm4b:s15+s13], $0x2000, $0x38;
	[tilespmem:$0x1BF80] =	vst v63  }
0x1f0: {  	_ = 	snop  }
0x1f1: {  	[tilespmem:s25], [sflag:$0x2] =	stream.indirect.gather [spmem:s30], $0x80, s19, s22, $0xb8;
	[tilespmem:$0x1BF80] =	vst v63  }
0x1f2: {  	_ = 	snop  }
0x1f3: {  	[tilespmem:s26], [sflag:$0x4] =	stream.indirect.gather [spmem:s3], $0x80, s19, s22, $0xb8;
	[tilespmem:$0x1BF80] =	vst v63  }
0x1f4: {  	_ =	swait.ge [sflag:s28], $0x2000  }
0x1f5: {  	[sflag:s28] =	ssyncset.done $0x0  }
0x1f6: {  	[sflag:s28] =	ssyncadd.s32 $0xFFFFE000  }
0x1f7: {  	_ =	swait.ge [sflag:s29], $0x2000  }
0x1f8: {  	[sflag:s29] =	ssyncset.done $0x0  }
0x1f9: {  	[sflag:s29] =	ssyncadd.s32 $0xFFFFE000  }
0x1fa: {  	_ =	swait.ge [sflag:s31], $0x2000  }
0x1fb: {  	[sflag:s31] =	ssyncset.done $0x0  }
0x1fc: {  	[sflag:s31] =	ssyncadd.s32 $0xFFFFE000  }
0x1fd: {  	_ =	swait.ge [sflag:s0], $0x2000  }
0x1fe: {  	[sflag:s0] =	ssyncset.done $0x0  }
0x1ff: {  	[sflag:s0] =	ssyncadd.s32 $0xFFFFE000  }
0x200: {  	_ =	swait.ge [sflag:s10], $0x2000  }
0x201: {  	[sflag:s10] =	ssyncset.done $0x0  }
0x202: {  	s13 =	simm.s32 $0x0;
	[sflag:s10] =	ssyncadd.s32 $0xFFFFE000  }
0x203: {  	v0 =	vld [tilespmem:s13+$0xC170]  }
0x204: {  	v1 =	vld [tilespmem:s13+$0x4170]  }
0x205: {  	v2 =	vld [tilespmem:s13+$0xC100]  }
0x206: {  	v3 =	vld [tilespmem:s13+$0x170]  }
0x207: {  	v4 =	vld [tilespmem:s13+$0x4100]  }
0x208: {  	v5 =	vld [tilespmem:s13+$0x8170]  }
0x209: {  	v6 =	vld [tilespmem:s13+$0xC110]  }
0x20a: {  	v7 =	vld [tilespmem:s13+$0xC120]  }
0x20b: {  	v8 =	vld [tilespmem:s13+$0xC130]  }
0x20c: {  	v9 =	vld [tilespmem:s13+$0xC140]  }
0x20d: {  	v10 =	vld [tilespmem:s13+$0xC150]  }
0x20e: {  	v11 =	vld [tilespmem:s13+$0x4150]  }
0x20f: {  	v52 =	vld [tilespmem:s13+$0xC160]  }
0x210: {  	v53 =	vld [tilespmem:s13+$0x4160]  }
0x211: {  	v54 =	vld [tilespmem:s13+$0x100]  }
0x212: {  	v55 =	vld [tilespmem:s13+$0x110]  }
0x213: {  	v56 =	vld [tilespmem:s13+$0x120]  }
0x214: {  	v57 =	vld [tilespmem:s13+$0x130]  }
0x215: {  	v58 =	vld [tilespmem:s13+$0x140];
	v0 =	vmul.f32 v1, v0  }
0x216: {  	v59 =	vld [tilespmem:s13+$0x150]  }
0x217: {  	v60 =	vld [tilespmem:s13+$0x160];
	v0 =	vadd.f32 v3, v0  }
0x218: {  	v1 =	vld [tilespmem:s13+$0x4110]  }
0x219: {  	v3 =	vld [tilespmem:s13+$0x4120];
	v0 =	vmul.f32 v0, v5  }
0x21a: {  	v5 =	vld [tilespmem:s13+$0x4130]  }
0x21b: {  	[tilespmem:s13+$0x10170] =	vst v0;
	v0 =	vld [tilespmem:s13+$0x4140]  }
0x21c: {  	v61 =	vld [tilespmem:s13+$0x8100]  }
0x21d: {  	v22 =	vld [tilespmem:s13+$0x8110];
	v2 =	vmul.f32 v4, v2  }
0x21e: {  	v23 =	vld [tilespmem:s13+$0x8120];
	v4 =	vmul.f32 v1, v6  }
0x21f: {  	v1 =	vld [tilespmem:s13+$0x8130];
	v6 =	vadd.f32 v54, v2;
	v3 =	vmul.f32 v3, v7;
	v5 =	vmul.f32 v5, v8  }
0x220: {  	v2 =	vld [tilespmem:s13+$0x8140];
	v0 =	vmul.f32 v0, v9;
	v9 =	vmul.f32 v11, v10;
	v11 =	vadd.f32 v55, v4  }
0x221: {  	v63 =	vmul.f32 v6, v61;
	v62 =	vadd.f32 v56, v3;
	v10 =	vmul.f32 v53, v52;
	v4 =	vld [tilespmem:s13+$0x8150]  }
0x222: {  	s14 =	simm.s32 $0x80;
	v6 =	vld [tilespmem:s13+$0x8160];
	v7 =	vadd.f32 v57, v5;
	v5 =	vadd.f32 v59, v9;
	v9 =	vmul.f32 v11, v22  }
0x223: {  	s15 =	simm.s32 $0x400;
	v8 =	vadd.f32 v58, v0;
	v0 =	vld [tilespmem:s14+$0xC170];
	v3 =	vadd.f32 v60, v10;
	[tilespmem:s13+$0x10100] =	vst v63;
	v10 =	vmul.f32 v62, v23  }
.LBB2_12:
0x224: {  	p1 =	sne.s32 s15, $0x7E00;
	v11 =	vld [tilespmem:s14+$0x4170];
	[tilespmem:s13+$0x10110] =	vst v9;
	v1 =	vmul.f32 v7, v1  }
0x225: {  	v7 =	vld [tilespmem:s14+$0xC100];
	[tilespmem:s13+$0x10120] =	vst v10;
	v2 =	vmul.f32 v8, v2  }
0x226: {  	v8 =	vld [tilespmem:s14+$0x170];
	[tilespmem:s13+$0x10130] =	vst v1;
	v1 =	vmul.f32 v5, v4  }
0x227: {  	v4 =	vld [tilespmem:s14+$0x4100];
	[tilespmem:s13+$0x10140] =	vst v2;
	v2 =	vmul.f32 v3, v6  }
0x228: {  	v3 =	vld [tilespmem:s14+$0x8170];
	[tilespmem:s13+$0x10150] =	vst v1  }
0x229: {  	v1 =	vld [tilespmem:s14+$0xC110];
	v0 =	vmul.f32 v11, v0;
	[tilespmem:s13+$0x10160] =	vst v2;
	s13 =	smov.u32 s14  }
0x22a: {  	v2 =	vld [tilespmem:s13+$0x4110]  }
0x22b: {  	v5 =	vld [tilespmem:s13+$0xC120];
	v0 =	vadd.f32 v8, v0  }
0x22c: {  	v4 =	vmul.f32 v4, v7;
	v6 =	vld [tilespmem:s13+$0x4120]  }
0x22d: {  	v7 =	vld [tilespmem:s13+$0xC130];
	v0 =	vmul.f32 v0, v3  }
0x22e: {  	v3 =	vld [tilespmem:s13+$0x4130]  }
0x22f: {  	v1 =	vmul.f32 v2, v1;
	v2 =	vld [tilespmem:s13+$0xC140];
	[tilespmem:s13+$0x10170] =	vst v0  }
0x230: {  	v0 =	vld [tilespmem:s13+$0x4140]  }
0x231: {  	v5 =	vmul.f32 v6, v5;
	v6 =	vld [tilespmem:s13+$0xC150]  }
0x232: {  	v8 =	vld [tilespmem:s13+$0x4150]  }
0x233: {  	v3 =	vmul.f32 v3, v7;
	v7 =	vld [tilespmem:s13+$0xC160]  }
0x234: {  	v9 =	vld [tilespmem:s13+$0x4160]  }
0x235: {  	v10 =	vld [tilespmem:s13+$0x100];
	v0 =	vmul.f32 v0, v2  }
0x236: {  	v2 =	vld [tilespmem:s13+$0x110]  }
0x237: {  	v11 =	vld [tilespmem:s13+$0x120];
	v6 =	vmul.f32 v8, v6  }
0x238: {  	v8 =	vld [tilespmem:s13+$0x130]  }
0x239: {  	v12 =	vld [tilespmem:s13+$0x140];
	v9 =	vmul.f32 v9, v7  }
0x23a: {  	v4 =	vadd.f32 v10, v4;
	v10 =	vld [tilespmem:s13+$0x150]  }
0x23b: {  	v13 =	vadd.f32 v2, v1;
	v14 =	vld [tilespmem:s13+$0x160]  }
0x23c: {  	v15 =	vld [tilespmem:s13+$0x8100];
	v11 =	vadd.f32 v11, v5  }
0x23d: {  	v16 =	vld [tilespmem:s13+$0x8110];
	v7 =	vadd.f32 v8, v3  }
0x23e: {  	v17 =	vld [tilespmem:s13+$0x8120];
	v8 =	vadd.f32 v12, v0  }
.Ltmp5:
0x23f: {  	v1 =	vld [tilespmem:s13+$0x8130];
	v5 =	vadd.f32 v10, v6;
	(pc) =	sbr.rel @p1 .LBB2_12-.Ltmp5, $4  }
0x240: {  	v2 =	vld [tilespmem:s13+$0x8140];
	v3 =	vadd.f32 v14, v9  }
0x241: {  	v10 =	vmul.f32 v4, v15;
	v4 =	vld [tilespmem:s13+$0x8150]  }
0x242: {  	s14 =	sshra.s32 s15, $0x2;
	v9 =	vmul.f32 v13, v16;
	v6 =	vld [tilespmem:s13+$0x8160]  }
0x243: {  	s15 =	sadd.s32 $0x200, s15;
	v0 =	vld [tilespmem:s14+$0xC170];
	[tilespmem:s13+$0x10100] =	vst v10;
	v10 =	vmul.f32 v11, v17  }
0x244: {  	v11 =	vld [tilespmem:s14+$0x4170];
	[tilespmem:s13+$0x10110] =	vst v9;
	v1 =	vmul.f32 v7, v1  }
0x245: {  	v9 =	vld [tilespmem:s14+$0xC100];
	[tilespmem:s13+$0x10120] =	vst v10;
	v2 =	vmul.f32 v8, v2  }
0x246: {  	v7 =	vld [tilespmem:s14+$0x170];
	[tilespmem:s13+$0x10130] =	vst v1;
	v4 =	vmul.f32 v5, v4  }
0x247: {  	v1 =	vld [tilespmem:s14+$0x4100];
	[tilespmem:s13+$0x10140] =	vst v2;
	v3 =	vmul.f32 v3, v6  }
0x248: {  	v2 =	vld [tilespmem:s14+$0x8170];
	[tilespmem:s13+$0x10150] =	vst v4  }
0x249: {  	v4 =	vld [tilespmem:s14+$0xC110];
	[tilespmem:s13+$0x10160] =	vst v3  }
0x24a: {  	v3 =	vld [tilespmem:s14+$0x4110]  }
0x24b: {  	v5 =	vld [tilespmem:s14+$0xC120]  }
0x24c: {  	v6 =	vld [tilespmem:s14+$0x4120]  }
0x24d: {  	v8 =	vld [tilespmem:s14+$0xC140]  }
0x24e: {  	v10 =	vld [tilespmem:s14+$0xC150]  }
0x24f: {  	v0 =	vmul.f32 v11, v0;
	v11 =	vld [tilespmem:s14+$0x4150]  }
0x250: {  	v12 =	vld [tilespmem:s14+$0xC160]  }
0x251: {  	v13 =	vld [tilespmem:s14+$0x4160]  }
0x252: {  	v14 =	vld [tilespmem:s14+$0x100]  }
0x253: {  	v15 =	vld [tilespmem:s14+$0x110]  }
0x254: {  	v16 =	vld [tilespmem:s14+$0x120]  }
0x255: {  	v17 =	vld [tilespmem:s14+$0x130]  }
0x256: {  	v18 =	vld [tilespmem:s14+$0x140]  }
0x257: {  	v19 =	vld [tilespmem:s14+$0x150]  }
0x258: {  	v20 =	vld [tilespmem:s14+$0x160];
	v0 =	vadd.f32 v7, v0  }
0x259: {  	v21 =	vld [tilespmem:s14+$0x8100]  }
0x25a: {  	v7 =	vld [tilespmem:s14+$0xC130];
	v0 =	vmul.f32 v0, v2  }
0x25b: {  	v2 =	vld [tilespmem:s14+$0x4130]  }
0x25c: {  	[tilespmem:s14+$0x10170] =	vst v0;
	v0 =	vld [tilespmem:s14+$0x4140]  }
0x25d: {  	v1 =	vmul.f32 v1, v9;
	v9 =	vld [tilespmem:s14+$0x8110]  }
0x25e: {  	v3 =	vmul.f32 v3, v4;
	v4 =	vld [tilespmem:s14+$0x8120]  }
0x25f: {  	v5 =	vmul.f32 v6, v5;
	v1 =	vadd.f32 v14, v1;
	v6 =	vld [tilespmem:s14+$0x8130]  }
0x260: {  	v3 =	vadd.f32 v15, v3;
	v2 =	vmul.f32 v2, v7;
	v7 =	vld [tilespmem:s14+$0x8140]  }
0x261: {  	v5 =	vadd.f32 v16, v5;
	v1 =	vmul.f32 v1, v21;
	v0 =	vmul.f32 v0, v8;
	v8 =	vld [tilespmem:s14+$0x8150]  }
0x262: {  	v10 =	vmul.f32 v11, v10;
	v3 =	vmul.f32 v3, v9;
	v9 =	vld [tilespmem:s14+$0x8160];
	v2 =	vadd.f32 v17, v2  }
0x263: {  	v11 =	vmul.f32 v13, v12;
	[tilespmem:s14+$0x10100] =	vst v1;
	v1 =	vmul.f32 v5, v4;
	v0 =	vadd.f32 v18, v0  }
0x264: {  	v4 =	vadd.f32 v19, v10;
	[tilespmem:s14+$0x10110] =	vst v3;
	v2 =	vmul.f32 v2, v6  }
0x265: {  	v3 =	vadd.f32 v20, v11;
	[tilespmem:s14+$0x10120] =	vst v1;
	v0 =	vmul.f32 v0, v7  }
0x266: {  	[tilespmem:s14+$0x10130] =	vst v2;
	v1 =	vmul.f32 v4, v8  }
0x267: {  	[tilespmem:s14+$0x10140] =	vst v0;
	v0 =	vmul.f32 v3, v9  }
0x268: {  	[tilespmem:s14+$0x10150] =	vst v1  }
0x269: {  	s15 =	rddreg [dreg:$0x19];
	s13 =	simm.s32 $0x0;
	[tilespmem:s14+$0x10160] =	vst v0  }
0x26a: {  	[hbm4b:s15+s13] =	stream.linear.scatter [tilespmem:s2], [sflag:$0x9], $0x2000, $0x38;
	[tilespmem:$0x1BF80] =	vst v63  }
0x26b: {  	s15 =	rddreg [dreg:$0xf]  }
0x26c: {  	[tilespmem:s13], [sflag:$0xB] =	stream.linear.gather [hbm4b:s15+s13], $0x40, $0x38;
	[tilespmem:$0x1BF80] =	vst v63  }
0x26d: {  	_ =	swait.ge [sflag:s16], $0x40  }
0x26e: {  	[sflag:s16] =	ssyncset.done $0x0  }
0x26f: {  	s15 =	rddreg [dreg:$0x1d];
	[sflag:s16] =	ssyncadd.s32 $0xFFFFFFC0  }
0x270: {  	[tilespmem:s20], [sflag:$0x5] =	stream.linear.gather [hbm4b:s15+s13], $0x2000, $0x38;
	[tilespmem:$0x1BF80] =	vst v63  }
0x271: {  	s15 =	rddreg [dreg:$0x1e]  }
0x272: {  	[tilespmem:s17], [sflag:$0x7] =	stream.linear.gather [hbm4b:s15+s13], $0x2000, $0x38;
	[tilespmem:$0x1BF80] =	vst v63  }
0x273: {  	_ = 	snop  }
0x274: {  	[tilespmem:s23], [sflag:$0x1] =	stream.indirect.gather [spmem:s30], $0x80, s13, s22, $0xb8;
	[tilespmem:$0x1BF80] =	vst v63  }
0x275: {  	_ = 	snop  }
0x276: {  	[tilespmem:s24], [sflag:$0x3] =	stream.indirect.gather [spmem:s3], $0x80, s13, s22, $0xb8;
	[tilespmem:$0x1BF80] =	vst v63  }
0x277: {  	_ =	swait.ge [sflag:s4], $0x2000  }
0x278: {  	[sflag:s4] =	ssyncset.done $0x0  }
0x279: {  	[sflag:s4] =	ssyncadd.s32 $0xFFFFE000  }
0x27a: {  	_ =	swait.ge [sflag:s6], $0x2000  }
0x27b: {  	[sflag:s6] =	ssyncset.done $0x0  }
0x27c: {  	[sflag:s6] =	ssyncadd.s32 $0xFFFFE000  }
0x27d: {  	_ =	swait.ge [sflag:s7], $0x2000  }
0x27e: {  	[sflag:s7] =	ssyncset.done $0x0  }
0x27f: {  	[sflag:s7] =	ssyncadd.s32 $0xFFFFE000  }
0x280: {  	_ =	swait.ge [sflag:s8], $0x2000  }
0x281: {  	[sflag:s8] =	ssyncset.done $0x0  }
0x282: {  	[sflag:s8] =	ssyncadd.s32 $0xFFFFE000  }
0x283: {  	_ =	swait.ge [sflag:s11], $0x2000  }
0x284: {  	[sflag:s11] =	ssyncset.done $0x0  }
0x285: {  	s13 =	simm.s32 $0x0;
	[sflag:s11] =	ssyncadd.s32 $0xFFFFE000  }
0x286: {  	v0 =	vld [tilespmem:s13+$0xE170]  }
0x287: {  	v1 =	vld [tilespmem:s13+$0x6170]  }
0x288: {  	v2 =	vld [tilespmem:s13+$0xE100]  }
0x289: {  	v3 =	vld [tilespmem:s13+$0x2170]  }
0x28a: {  	v4 =	vld [tilespmem:s13+$0x6100]  }
0x28b: {  	v5 =	vld [tilespmem:s13+$0xA170]  }
0x28c: {  	v6 =	vld [tilespmem:s13+$0xE110]  }
0x28d: {  	v7 =	vld [tilespmem:s13+$0xE120]  }
0x28e: {  	v8 =	vld [tilespmem:s13+$0xE130]  }
0x28f: {  	v9 =	vld [tilespmem:s13+$0xE140]  }
0x290: {  	v10 =	vld [tilespmem:s13+$0xE150]  }
0x291: {  	v11 =	vld [tilespmem:s13+$0x6150]  }
0x292: {  	v52 =	vld [tilespmem:s13+$0xE160]  }
0x293: {  	v53 =	vld [tilespmem:s13+$0x6160]  }
0x294: {  	v54 =	vld [tilespmem:s13+$0x2100]  }
0x295: {  	v55 =	vld [tilespmem:s13+$0x2110]  }
0x296: {  	v56 =	vld [tilespmem:s13+$0x2120]  }
0x297: {  	v57 =	vld [tilespmem:s13+$0x2130]  }
0x298: {  	v58 =	vld [tilespmem:s13+$0x2140];
	v0 =	vmul.f32 v1, v0  }
0x299: {  	v59 =	vld [tilespmem:s13+$0x2150]  }
0x29a: {  	v60 =	vld [tilespmem:s13+$0x2160];
	v0 =	vadd.f32 v3, v0  }
0x29b: {  	v1 =	vld [tilespmem:s13+$0x6110]  }
0x29c: {  	v3 =	vld [tilespmem:s13+$0x6120];
	v0 =	vmul.f32 v0, v5  }
0x29d: {  	v5 =	vld [tilespmem:s13+$0x6130]  }
0x29e: {  	[tilespmem:s13+$0x12170] =	vst v0;
	v0 =	vld [tilespmem:s13+$0x6140]  }
0x29f: {  	v61 =	vld [tilespmem:s13+$0xA100]  }
0x2a0: {  	v22 =	vld [tilespmem:s13+$0xA110];
	v2 =	vmul.f32 v4, v2  }
0x2a1: {  	v23 =	vld [tilespmem:s13+$0xA120];
	v4 =	vmul.f32 v1, v6  }
0x2a2: {  	v1 =	vld [tilespmem:s13+$0xA130];
	v6 =	vadd.f32 v54, v2;
	v3 =	vmul.f32 v3, v7;
	v5 =	vmul.f32 v5, v8  }
0x2a3: {  	v2 =	vld [tilespmem:s13+$0xA140];
	v0 =	vmul.f32 v0, v9;
	v9 =	vmul.f32 v11, v10;
	v11 =	vadd.f32 v55, v4  }
0x2a4: {  	v63 =	vmul.f32 v6, v61;
	v62 =	vadd.f32 v56, v3;
	v10 =	vmul.f32 v53, v52;
	v4 =	vld [tilespmem:s13+$0xA150]  }
0x2a5: {  	s14 =	simm.s32 $0x80;
	v6 =	vld [tilespmem:s13+$0xA160];
	v7 =	vadd.f32 v57, v5;
	v5 =	vadd.f32 v59, v9;
	v9 =	vmul.f32 v11, v22  }
0x2a6: {  	s15 =	simm.s32 $0x400;
	v8 =	vadd.f32 v58, v0;
	v0 =	vld [tilespmem:s14+$0xE170];
	v3 =	vadd.f32 v60, v10;
	[tilespmem:s13+$0x12100] =	vst v63;
	v10 =	vmul.f32 v62, v23  }
.LBB2_14:
0x2a7: {  	p1 =	sne.s32 s15, $0x7E00;
	v11 =	vld [tilespmem:s14+$0x6170];
	[tilespmem:s13+$0x12110] =	vst v9;
	v1 =	vmul.f32 v7, v1  }
0x2a8: {  	v7 =	vld [tilespmem:s14+$0xE100];
	[tilespmem:s13+$0x12120] =	vst v10;
	v2 =	vmul.f32 v8, v2  }
0x2a9: {  	v8 =	vld [tilespmem:s14+$0x2170];
	[tilespmem:s13+$0x12130] =	vst v1;
	v1 =	vmul.f32 v5, v4  }
0x2aa: {  	v4 =	vld [tilespmem:s14+$0x6100];
	[tilespmem:s13+$0x12140] =	vst v2;
	v2 =	vmul.f32 v3, v6  }
0x2ab: {  	v3 =	vld [tilespmem:s14+$0xA170];
	[tilespmem:s13+$0x12150] =	vst v1  }
0x2ac: {  	v1 =	vld [tilespmem:s14+$0xE110];
	v0 =	vmul.f32 v11, v0;
	[tilespmem:s13+$0x12160] =	vst v2;
	s13 =	smov.u32 s14  }
0x2ad: {  	v2 =	vld [tilespmem:s13+$0x6110]  }
0x2ae: {  	v5 =	vld [tilespmem:s13+$0xE120];
	v0 =	vadd.f32 v8, v0  }
0x2af: {  	v4 =	vmul.f32 v4, v7;
	v6 =	vld [tilespmem:s13+$0x6120]  }
0x2b0: {  	v7 =	vld [tilespmem:s13+$0xE130];
	v0 =	vmul.f32 v0, v3  }
0x2b1: {  	v3 =	vld [tilespmem:s13+$0x6130]  }
0x2b2: {  	v1 =	vmul.f32 v2, v1;
	v2 =	vld [tilespmem:s13+$0xE140];
	[tilespmem:s13+$0x12170] =	vst v0  }
0x2b3: {  	v0 =	vld [tilespmem:s13+$0x6140]  }
0x2b4: {  	v5 =	vmul.f32 v6, v5;
	v6 =	vld [tilespmem:s13+$0xE150]  }
0x2b5: {  	v8 =	vld [tilespmem:s13+$0x6150]  }
0x2b6: {  	v3 =	vmul.f32 v3, v7;
	v7 =	vld [tilespmem:s13+$0xE160]  }
0x2b7: {  	v9 =	vld [tilespmem:s13+$0x6160]  }
0x2b8: {  	v10 =	vld [tilespmem:s13+$0x2100];
	v0 =	vmul.f32 v0, v2  }
0x2b9: {  	v2 =	vld [tilespmem:s13+$0x2110]  }
0x2ba: {  	v11 =	vld [tilespmem:s13+$0x2120];
	v6 =	vmul.f32 v8, v6  }
0x2bb: {  	v8 =	vld [tilespmem:s13+$0x2130]  }
0x2bc: {  	v12 =	vld [tilespmem:s13+$0x2140];
	v9 =	vmul.f32 v9, v7  }
0x2bd: {  	v4 =	vadd.f32 v10, v4;
	v10 =	vld [tilespmem:s13+$0x2150]  }
0x2be: {  	v13 =	vadd.f32 v2, v1;
	v14 =	vld [tilespmem:s13+$0x2160]  }
0x2bf: {  	v15 =	vld [tilespmem:s13+$0xA100];
	v11 =	vadd.f32 v11, v5  }
0x2c0: {  	v16 =	vld [tilespmem:s13+$0xA110];
	v7 =	vadd.f32 v8, v3  }
0x2c1: {  	v17 =	vld [tilespmem:s13+$0xA120];
	v8 =	vadd.f32 v12, v0  }
.Ltmp6:
0x2c2: {  	v1 =	vld [tilespmem:s13+$0xA130];
	v5 =	vadd.f32 v10, v6;
	(pc) =	sbr.rel @p1 .LBB2_14-.Ltmp6, $4  }
0x2c3: {  	v2 =	vld [tilespmem:s13+$0xA140];
	v3 =	vadd.f32 v14, v9  }
0x2c4: {  	v10 =	vmul.f32 v4, v15;
	v4 =	vld [tilespmem:s13+$0xA150]  }
0x2c5: {  	s14 =	sshra.s32 s15, $0x2;
	v9 =	vmul.f32 v13, v16;
	v6 =	vld [tilespmem:s13+$0xA160]  }
0x2c6: {  	s15 =	sadd.s32 $0x200, s15;
	v0 =	vld [tilespmem:s14+$0xE170];
	[tilespmem:s13+$0x12100] =	vst v10;
	v10 =	vmul.f32 v11, v17  }
0x2c7: {  	v11 =	vld [tilespmem:s14+$0x6170];
	[tilespmem:s13+$0x12110] =	vst v9;
	v1 =	vmul.f32 v7, v1  }
0x2c8: {  	v9 =	vld [tilespmem:s14+$0xE100];
	[tilespmem:s13+$0x12120] =	vst v10;
	v2 =	vmul.f32 v8, v2  }
0x2c9: {  	v7 =	vld [tilespmem:s14+$0x2170];
	[tilespmem:s13+$0x12130] =	vst v1;
	v4 =	vmul.f32 v5, v4  }
0x2ca: {  	v1 =	vld [tilespmem:s14+$0x6100];
	[tilespmem:s13+$0x12140] =	vst v2;
	v3 =	vmul.f32 v3, v6  }
0x2cb: {  	v2 =	vld [tilespmem:s14+$0xA170];
	[tilespmem:s13+$0x12150] =	vst v4  }
0x2cc: {  	v4 =	vld [tilespmem:s14+$0xE110];
	[tilespmem:s13+$0x12160] =	vst v3  }
0x2cd: {  	v3 =	vld [tilespmem:s14+$0x6110]  }
0x2ce: {  	v5 =	vld [tilespmem:s14+$0xE120]  }
0x2cf: {  	v6 =	vld [tilespmem:s14+$0x6120]  }
0x2d0: {  	v8 =	vld [tilespmem:s14+$0xE140]  }
0x2d1: {  	v10 =	vld [tilespmem:s14+$0xE150]  }
0x2d2: {  	v0 =	vmul.f32 v11, v0;
	v11 =	vld [tilespmem:s14+$0x6150]  }
0x2d3: {  	v12 =	vld [tilespmem:s14+$0xE160]  }
0x2d4: {  	v13 =	vld [tilespmem:s14+$0x6160]  }
0x2d5: {  	v14 =	vld [tilespmem:s14+$0x2100]  }
0x2d6: {  	v15 =	vld [tilespmem:s14+$0x2110]  }
0x2d7: {  	v16 =	vld [tilespmem:s14+$0x2120]  }
0x2d8: {  	v17 =	vld [tilespmem:s14+$0x2130]  }
0x2d9: {  	v18 =	vld [tilespmem:s14+$0x2140]  }
0x2da: {  	v19 =	vld [tilespmem:s14+$0x2150]  }
0x2db: {  	v20 =	vld [tilespmem:s14+$0x2160];
	v0 =	vadd.f32 v7, v0  }
0x2dc: {  	v21 =	vld [tilespmem:s14+$0xA100]  }
0x2dd: {  	v7 =	vld [tilespmem:s14+$0xE130];
	v0 =	vmul.f32 v0, v2  }
0x2de: {  	v2 =	vld [tilespmem:s14+$0x6130]  }
0x2df: {  	[tilespmem:s14+$0x12170] =	vst v0;
	v0 =	vld [tilespmem:s14+$0x6140]  }
0x2e0: {  	v1 =	vmul.f32 v1, v9;
	v9 =	vld [tilespmem:s14+$0xA110]  }
0x2e1: {  	v3 =	vmul.f32 v3, v4;
	v4 =	vld [tilespmem:s14+$0xA120]  }
0x2e2: {  	v5 =	vmul.f32 v6, v5;
	v1 =	vadd.f32 v14, v1;
	v6 =	vld [tilespmem:s14+$0xA130]  }
0x2e3: {  	v3 =	vadd.f32 v15, v3;
	v2 =	vmul.f32 v2, v7;
	v7 =	vld [tilespmem:s14+$0xA140]  }
0x2e4: {  	v5 =	vadd.f32 v16, v5;
	v1 =	vmul.f32 v1, v21;
	v0 =	vmul.f32 v0, v8;
	v8 =	vld [tilespmem:s14+$0xA150]  }
0x2e5: {  	v10 =	vmul.f32 v11, v10;
	v3 =	vmul.f32 v3, v9;
	v9 =	vld [tilespmem:s14+$0xA160];
	v2 =	vadd.f32 v17, v2  }
0x2e6: {  	v11 =	vmul.f32 v13, v12;
	[tilespmem:s14+$0x12100] =	vst v1;
	v1 =	vmul.f32 v5, v4;
	v0 =	vadd.f32 v18, v0  }
0x2e7: {  	v4 =	vadd.f32 v19, v10;
	[tilespmem:s14+$0x12110] =	vst v3;
	v2 =	vmul.f32 v2, v6  }
0x2e8: {  	v3 =	vadd.f32 v20, v11;
	[tilespmem:s14+$0x12120] =	vst v1;
	v0 =	vmul.f32 v0, v7  }
0x2e9: {  	[tilespmem:s14+$0x12130] =	vst v2;
	v1 =	vmul.f32 v4, v8  }
0x2ea: {  	[tilespmem:s14+$0x12140] =	vst v0;
	v0 =	vmul.f32 v3, v9  }
0x2eb: {  	[tilespmem:s14+$0x12150] =	vst v1  }
0x2ec: {  	s15 =	rddreg [dreg:$0x1c];
	s13 =	simm.s32 $0x0;
	[tilespmem:s14+$0x12160] =	vst v0  }
0x2ed: {  	[hbm4b:s15+s13] =	stream.linear.scatter [tilespmem:s9], [sflag:$0xA], $0x2000, $0x38;
	[tilespmem:$0x1BF80] =	vst v63  }
0x2ee: {  	s15 =	rddreg [dreg:$0x10]  }
0x2ef: {  	[tilespmem:s19], [sflag:$0xB] =	stream.linear.gather [hbm4b:s15+s13], $0x40, $0x38;
	[tilespmem:$0x1BF80] =	vst v63  }
0x2f0: {  	_ =	swait.ge [sflag:s16], $0x40  }
0x2f1: {  	s15 =	sld [smem:$0x7EC]  }
0x2f2: {  	[sflag:s16] =	ssyncset.done $0x0  }
0x2f3: {  	[sflag:s16] =	ssyncadd.s32 $0xFFFFFFC0  }
0x2f4: {  	[tilespmem:s18], [sflag:$0x6] =	stream.linear.gather [hbm4b:s15+s13], $0x2000, $0x38;
	[tilespmem:$0x1BF80] =	vst v63  }
0x2f5: {  	s15 =	sld [smem:$0x7ED];
	_ =	sdelay $0x2  }
0x2f6: {  	[tilespmem:s21], [sflag:$0x8] =	stream.linear.gather [hbm4b:s15+s13], $0x2000, $0x38;
	[tilespmem:$0x1BF80] =	vst v63  }
0x2f7: {  	_ = 	snop  }
0x2f8: {  	[tilespmem:s25], [sflag:$0x2] =	stream.indirect.gather [spmem:s30], $0x80, s19, s22, $0xb8;
	[tilespmem:$0x1BF80] =	vst v63  }
0x2f9: {  	_ = 	snop  }
0x2fa: {  	[tilespmem:s26], [sflag:$0x4] =	stream.indirect.gather [spmem:s3], $0x80, s19, s22, $0xb8;
	[tilespmem:$0x1BF80] =	vst v63  }
0x2fb: {  	_ =	swait.ge [sflag:s28], $0x2000  }
0x2fc: {  	[sflag:s28] =	ssyncset.done $0x0  }
0x2fd: {  	[sflag:s28] =	ssyncadd.s32 $0xFFFFE000  }
0x2fe: {  	_ =	swait.ge [sflag:s29], $0x2000  }
0x2ff: {  	[sflag:s29] =	ssyncset.done $0x0  }
0x300: {  	[sflag:s29] =	ssyncadd.s32 $0xFFFFE000  }
0x301: {  	_ =	swait.ge [sflag:s31], $0x2000  }
0x302: {  	[sflag:s31] =	ssyncset.done $0x0  }
0x303: {  	[sflag:s31] =	ssyncadd.s32 $0xFFFFE000  }
0x304: {  	_ =	swait.ge [sflag:s0], $0x2000  }
0x305: {  	[sflag:s0] =	ssyncset.done $0x0  }
0x306: {  	[sflag:s0] =	ssyncadd.s32 $0xFFFFE000  }
0x307: {  	_ =	swait.ge [sflag:s10], $0x2000  }
0x308: {  	[sflag:s10] =	ssyncset.done $0x0  }
0x309: {  	s13 =	simm.s32 $0x0;
	[sflag:s10] =	ssyncadd.s32 $0xFFFFE000  }
0x30a: {  	v0 =	vld [tilespmem:s13+$0xC170]  }
0x30b: {  	v1 =	vld [tilespmem:s13+$0x4170]  }
0x30c: {  	v2 =	vld [tilespmem:s13+$0xC100]  }
0x30d: {  	v3 =	vld [tilespmem:s13+$0x170]  }
0x30e: {  	v4 =	vld [tilespmem:s13+$0x4100]  }
0x30f: {  	v5 =	vld [tilespmem:s13+$0x8170]  }
0x310: {  	v6 =	vld [tilespmem:s13+$0xC110]  }
0x311: {  	v7 =	vld [tilespmem:s13+$0xC120]  }
0x312: {  	v8 =	vld [tilespmem:s13+$0xC130]  }
0x313: {  	v9 =	vld [tilespmem:s13+$0xC140]  }
0x314: {  	v10 =	vld [tilespmem:s13+$0xC150]  }
0x315: {  	v11 =	vld [tilespmem:s13+$0x4150]  }
0x316: {  	v52 =	vld [tilespmem:s13+$0xC160]  }
0x317: {  	v53 =	vld [tilespmem:s13+$0x4160]  }
0x318: {  	v54 =	vld [tilespmem:s13+$0x100]  }
0x319: {  	v55 =	vld [tilespmem:s13+$0x110]  }
0x31a: {  	v56 =	vld [tilespmem:s13+$0x120]  }
0x31b: {  	v57 =	vld [tilespmem:s13+$0x130]  }
0x31c: {  	v58 =	vld [tilespmem:s13+$0x140];
	v0 =	vmul.f32 v1, v0  }
0x31d: {  	v59 =	vld [tilespmem:s13+$0x150]  }
0x31e: {  	v60 =	vld [tilespmem:s13+$0x160];
	v0 =	vadd.f32 v3, v0  }
0x31f: {  	v1 =	vld [tilespmem:s13+$0x4110]  }
0x320: {  	v3 =	vld [tilespmem:s13+$0x4120];
	v0 =	vmul.f32 v0, v5  }
0x321: {  	v5 =	vld [tilespmem:s13+$0x4130]  }
0x322: {  	[tilespmem:s13+$0x10170] =	vst v0;
	v0 =	vld [tilespmem:s13+$0x4140]  }
0x323: {  	v61 =	vld [tilespmem:s13+$0x8100]  }
0x324: {  	v22 =	vld [tilespmem:s13+$0x8110];
	v2 =	vmul.f32 v4, v2  }
0x325: {  	v23 =	vld [tilespmem:s13+$0x8120];
	v4 =	vmul.f32 v1, v6  }
0x326: {  	v1 =	vld [tilespmem:s13+$0x8130];
	v6 =	vadd.f32 v54, v2;
	v3 =	vmul.f32 v3, v7;
	v5 =	vmul.f32 v5, v8  }
0x327: {  	v2 =	vld [tilespmem:s13+$0x8140];
	v0 =	vmul.f32 v0, v9;
	v9 =	vmul.f32 v11, v10;
	v11 =	vadd.f32 v55, v4  }
0x328: {  	v63 =	vmul.f32 v6, v61;
	v62 =	vadd.f32 v56, v3;
	v10 =	vmul.f32 v53, v52;
	v4 =	vld [tilespmem:s13+$0x8150]  }
0x329: {  	s14 =	simm.s32 $0x80;
	v6 =	vld [tilespmem:s13+$0x8160];
	v7 =	vadd.f32 v57, v5;
	v5 =	vadd.f32 v59, v9;
	v9 =	vmul.f32 v11, v22  }
0x32a: {  	s15 =	simm.s32 $0x400;
	v8 =	vadd.f32 v58, v0;
	v0 =	vld [tilespmem:s14+$0xC170];
	v3 =	vadd.f32 v60, v10;
	[tilespmem:s13+$0x10100] =	vst v63;
	v10 =	vmul.f32 v62, v23  }
.LBB2_16:
0x32b: {  	p1 =	sne.s32 s15, $0x7E00;
	v11 =	vld [tilespmem:s14+$0x4170];
	[tilespmem:s13+$0x10110] =	vst v9;
	v1 =	vmul.f32 v7, v1  }
0x32c: {  	v7 =	vld [tilespmem:s14+$0xC100];
	[tilespmem:s13+$0x10120] =	vst v10;
	v2 =	vmul.f32 v8, v2  }
0x32d: {  	v8 =	vld [tilespmem:s14+$0x170];
	[tilespmem:s13+$0x10130] =	vst v1;
	v1 =	vmul.f32 v5, v4  }
0x32e: {  	v4 =	vld [tilespmem:s14+$0x4100];
	[tilespmem:s13+$0x10140] =	vst v2;
	v2 =	vmul.f32 v3, v6  }
0x32f: {  	v3 =	vld [tilespmem:s14+$0x8170];
	[tilespmem:s13+$0x10150] =	vst v1  }
0x330: {  	v1 =	vld [tilespmem:s14+$0xC110];
	v0 =	vmul.f32 v11, v0;
	[tilespmem:s13+$0x10160] =	vst v2;
	s13 =	smov.u32 s14  }
0x331: {  	v2 =	vld [tilespmem:s13+$0x4110]  }
0x332: {  	v5 =	vld [tilespmem:s13+$0xC120];
	v0 =	vadd.f32 v8, v0  }
0x333: {  	v4 =	vmul.f32 v4, v7;
	v6 =	vld [tilespmem:s13+$0x4120]  }
0x334: {  	v7 =	vld [tilespmem:s13+$0xC130];
	v0 =	vmul.f32 v0, v3  }
0x335: {  	v3 =	vld [tilespmem:s13+$0x4130]  }
0x336: {  	v1 =	vmul.f32 v2, v1;
	v2 =	vld [tilespmem:s13+$0xC140];
	[tilespmem:s13+$0x10170] =	vst v0  }
0x337: {  	v0 =	vld [tilespmem:s13+$0x4140]  }
0x338: {  	v5 =	vmul.f32 v6, v5;
	v6 =	vld [tilespmem:s13+$0xC150]  }
0x339: {  	v8 =	vld [tilespmem:s13+$0x4150]  }
0x33a: {  	v3 =	vmul.f32 v3, v7;
	v7 =	vld [tilespmem:s13+$0xC160]  }
0x33b: {  	v9 =	vld [tilespmem:s13+$0x4160]  }
0x33c: {  	v10 =	vld [tilespmem:s13+$0x100];
	v0 =	vmul.f32 v0, v2  }
0x33d: {  	v2 =	vld [tilespmem:s13+$0x110]  }
0x33e: {  	v11 =	vld [tilespmem:s13+$0x120];
	v6 =	vmul.f32 v8, v6  }
0x33f: {  	v8 =	vld [tilespmem:s13+$0x130]  }
0x340: {  	v12 =	vld [tilespmem:s13+$0x140];
	v9 =	vmul.f32 v9, v7  }
0x341: {  	v4 =	vadd.f32 v10, v4;
	v10 =	vld [tilespmem:s13+$0x150]  }
0x342: {  	v13 =	vadd.f32 v2, v1;
	v14 =	vld [tilespmem:s13+$0x160]  }
0x343: {  	v15 =	vld [tilespmem:s13+$0x8100];
	v11 =	vadd.f32 v11, v5  }
0x344: {  	v16 =	vld [tilespmem:s13+$0x8110];
	v7 =	vadd.f32 v8, v3  }
0x345: {  	v17 =	vld [tilespmem:s13+$0x8120];
	v8 =	vadd.f32 v12, v0  }
.Ltmp7:
0x346: {  	v1 =	vld [tilespmem:s13+$0x8130];
	v5 =	vadd.f32 v10, v6;
	(pc) =	sbr.rel @p1 .LBB2_16-.Ltmp7, $4  }
0x347: {  	v2 =	vld [tilespmem:s13+$0x8140];
	v3 =	vadd.f32 v14, v9  }
0x348: {  	v10 =	vmul.f32 v4, v15;
	v4 =	vld [tilespmem:s13+$0x8150]  }
0x349: {  	s14 =	sshra.s32 s15, $0x2;
	v9 =	vmul.f32 v13, v16;
	v6 =	vld [tilespmem:s13+$0x8160]  }
0x34a: {  	s15 =	sadd.s32 $0x200, s15;
	v0 =	vld [tilespmem:s14+$0xC170];
	[tilespmem:s13+$0x10100] =	vst v10;
	v10 =	vmul.f32 v11, v17  }
0x34b: {  	v11 =	vld [tilespmem:s14+$0x4170];
	[tilespmem:s13+$0x10110] =	vst v9;
	v1 =	vmul.f32 v7, v1  }
0x34c: {  	v9 =	vld [tilespmem:s14+$0xC100];
	[tilespmem:s13+$0x10120] =	vst v10;
	v2 =	vmul.f32 v8, v2  }
0x34d: {  	v7 =	vld [tilespmem:s14+$0x170];
	[tilespmem:s13+$0x10130] =	vst v1;
	v4 =	vmul.f32 v5, v4  }
0x34e: {  	v1 =	vld [tilespmem:s14+$0x4100];
	[tilespmem:s13+$0x10140] =	vst v2;
	v3 =	vmul.f32 v3, v6  }
0x34f: {  	v2 =	vld [tilespmem:s14+$0x8170];
	[tilespmem:s13+$0x10150] =	vst v4  }
0x350: {  	v4 =	vld [tilespmem:s14+$0xC110];
	[tilespmem:s13+$0x10160] =	vst v3  }
0x351: {  	v3 =	vld [tilespmem:s14+$0x4110]  }
0x352: {  	v5 =	vld [tilespmem:s14+$0xC120]  }
0x353: {  	v6 =	vld [tilespmem:s14+$0x4120]  }
0x354: {  	v8 =	vld [tilespmem:s14+$0xC140]  }
0x355: {  	v10 =	vld [tilespmem:s14+$0xC150]  }
0x356: {  	v0 =	vmul.f32 v11, v0;
	v11 =	vld [tilespmem:s14+$0x4150]  }
0x357: {  	v12 =	vld [tilespmem:s14+$0xC160]  }
0x358: {  	v13 =	vld [tilespmem:s14+$0x4160]  }
0x359: {  	v14 =	vld [tilespmem:s14+$0x100]  }
0x35a: {  	v15 =	vld [tilespmem:s14+$0x110]  }
0x35b: {  	v16 =	vld [tilespmem:s14+$0x120]  }
0x35c: {  	v17 =	vld [tilespmem:s14+$0x130]  }
0x35d: {  	v18 =	vld [tilespmem:s14+$0x140]  }
0x35e: {  	v19 =	vld [tilespmem:s14+$0x150]  }
0x35f: {  	v20 =	vld [tilespmem:s14+$0x160];
	v0 =	vadd.f32 v7, v0  }
0x360: {  	v21 =	vld [tilespmem:s14+$0x8100]  }
0x361: {  	v7 =	vld [tilespmem:s14+$0xC130];
	v0 =	vmul.f32 v0, v2  }
0x362: {  	v2 =	vld [tilespmem:s14+$0x4130]  }
0x363: {  	[tilespmem:s14+$0x10170] =	vst v0;
	v0 =	vld [tilespmem:s14+$0x4140]  }
0x364: {  	v1 =	vmul.f32 v1, v9;
	v9 =	vld [tilespmem:s14+$0x8110]  }
0x365: {  	v3 =	vmul.f32 v3, v4;
	v4 =	vld [tilespmem:s14+$0x8120]  }
0x366: {  	v5 =	vmul.f32 v6, v5;
	v1 =	vadd.f32 v14, v1;
	v6 =	vld [tilespmem:s14+$0x8130]  }
0x367: {  	v3 =	vadd.f32 v15, v3;
	v2 =	vmul.f32 v2, v7;
	v7 =	vld [tilespmem:s14+$0x8140]  }
0x368: {  	v5 =	vadd.f32 v16, v5;
	v1 =	vmul.f32 v1, v21;
	v0 =	vmul.f32 v0, v8;
	v8 =	vld [tilespmem:s14+$0x8150]  }
0x369: {  	v10 =	vmul.f32 v11, v10;
	v3 =	vmul.f32 v3, v9;
	v9 =	vld [tilespmem:s14+$0x8160];
	v2 =	vadd.f32 v17, v2  }
0x36a: {  	v11 =	vmul.f32 v13, v12;
	[tilespmem:s14+$0x10100] =	vst v1;
	v1 =	vmul.f32 v5, v4;
	v0 =	vadd.f32 v18, v0  }
0x36b: {  	v4 =	vadd.f32 v19, v10;
	[tilespmem:s14+$0x10110] =	vst v3;
	v2 =	vmul.f32 v2, v6  }
0x36c: {  	v3 =	vadd.f32 v20, v11;
	[tilespmem:s14+$0x10120] =	vst v1;
	v0 =	vmul.f32 v0, v7  }
0x36d: {  	[tilespmem:s14+$0x10130] =	vst v2;
	v1 =	vmul.f32 v4, v8  }
0x36e: {  	[tilespmem:s14+$0x10140] =	vst v0;
	v0 =	vmul.f32 v3, v9  }
0x36f: {  	[tilespmem:s14+$0x10150] =	vst v1  }
0x370: {  	s15 =	rddreg [dreg:$0x1f];
	s13 =	simm.s32 $0x0;
	[tilespmem:s14+$0x10160] =	vst v0  }
0x371: {  	[hbm4b:s15+s13] =	stream.linear.scatter [tilespmem:s2], [sflag:$0x9], $0x2000, $0x38;
	[tilespmem:$0x1BF80] =	vst v63  }
0x372: {  	s15 =	rddreg [dreg:$0x11]  }
0x373: {  	[tilespmem:s13], [sflag:$0xB] =	stream.linear.gather [hbm4b:s15+s13], $0x40, $0x38;
	[tilespmem:$0x1BF80] =	vst v63  }
0x374: {  	_ =	swait.ge [sflag:s16], $0x40  }
0x375: {  	s15 =	sld [smem:$0x7EF]  }
0x376: {  	[sflag:s16] =	ssyncset.done $0x0  }
0x377: {  	[sflag:s16] =	ssyncadd.s32 $0xFFFFFFC0  }
0x378: {  	[tilespmem:s20], [sflag:$0x5] =	stream.linear.gather [hbm4b:s15+s13], $0x2000, $0x38;
	[tilespmem:$0x1BF80] =	vst v63  }
0x379: {  	s15 =	sld [smem:$0x7F1];
	_ =	sdelay $0x2  }
0x37a: {  	[tilespmem:s17], [sflag:$0x7] =	stream.linear.gather [hbm4b:s15+s13], $0x2000, $0x38;
	[tilespmem:$0x1BF80] =	vst v63  }
0x37b: {  	_ = 	snop  }
0x37c: {  	[tilespmem:s23], [sflag:$0x1] =	stream.indirect.gather [spmem:s30], $0x80, s13, s22, $0xb8;
	[tilespmem:$0x1BF80] =	vst v63  }
0x37d: {  	_ = 	snop  }
0x37e: {  	[tilespmem:s24], [sflag:$0x3] =	stream.indirect.gather [spmem:s3], $0x80, s13, s22, $0xb8;
	[tilespmem:$0x1BF80] =	vst v63  }
0x37f: {  	_ =	swait.ge [sflag:s4], $0x2000  }
0x380: {  	[sflag:s4] =	ssyncset.done $0x0  }
0x381: {  	[sflag:s4] =	ssyncadd.s32 $0xFFFFE000  }
0x382: {  	_ =	swait.ge [sflag:s6], $0x2000  }
0x383: {  	[sflag:s6] =	ssyncset.done $0x0  }
0x384: {  	[sflag:s6] =	ssyncadd.s32 $0xFFFFE000  }
0x385: {  	_ =	swait.ge [sflag:s7], $0x2000  }
0x386: {  	[sflag:s7] =	ssyncset.done $0x0  }
0x387: {  	[sflag:s7] =	ssyncadd.s32 $0xFFFFE000  }
0x388: {  	_ =	swait.ge [sflag:s8], $0x2000  }
0x389: {  	[sflag:s8] =	ssyncset.done $0x0  }
0x38a: {  	[sflag:s8] =	ssyncadd.s32 $0xFFFFE000  }
0x38b: {  	_ =	swait.ge [sflag:s11], $0x2000  }
0x38c: {  	[sflag:s11] =	ssyncset.done $0x0  }
0x38d: {  	s13 =	simm.s32 $0x0;
	[sflag:s11] =	ssyncadd.s32 $0xFFFFE000  }
0x38e: {  	v0 =	vld [tilespmem:s13+$0xE170]  }
0x38f: {  	v1 =	vld [tilespmem:s13+$0x6170]  }
0x390: {  	v2 =	vld [tilespmem:s13+$0xE100]  }
0x391: {  	v3 =	vld [tilespmem:s13+$0x2170]  }
0x392: {  	v4 =	vld [tilespmem:s13+$0x6100]  }
0x393: {  	v5 =	vld [tilespmem:s13+$0xA170]  }
0x394: {  	v6 =	vld [tilespmem:s13+$0xE110]  }
0x395: {  	v7 =	vld [tilespmem:s13+$0xE120]  }
0x396: {  	v8 =	vld [tilespmem:s13+$0xE130]  }
0x397: {  	v9 =	vld [tilespmem:s13+$0xE140]  }
0x398: {  	v10 =	vld [tilespmem:s13+$0xE150]  }
0x399: {  	v11 =	vld [tilespmem:s13+$0x6150]  }
0x39a: {  	v52 =	vld [tilespmem:s13+$0xE160]  }
0x39b: {  	v53 =	vld [tilespmem:s13+$0x6160]  }
0x39c: {  	v54 =	vld [tilespmem:s13+$0x2100]  }
0x39d: {  	v55 =	vld [tilespmem:s13+$0x2110]  }
0x39e: {  	v56 =	vld [tilespmem:s13+$0x2120]  }
0x39f: {  	v57 =	vld [tilespmem:s13+$0x2130]  }
0x3a0: {  	v58 =	vld [tilespmem:s13+$0x2140];
	v0 =	vmul.f32 v1, v0  }
0x3a1: {  	v59 =	vld [tilespmem:s13+$0x2150]  }
0x3a2: {  	v60 =	vld [tilespmem:s13+$0x2160];
	v0 =	vadd.f32 v3, v0  }
0x3a3: {  	v1 =	vld [tilespmem:s13+$0x6110]  }
0x3a4: {  	v3 =	vld [tilespmem:s13+$0x6120];
	v0 =	vmul.f32 v0, v5  }
0x3a5: {  	v5 =	vld [tilespmem:s13+$0x6130]  }
0x3a6: {  	[tilespmem:s13+$0x12170] =	vst v0;
	v0 =	vld [tilespmem:s13+$0x6140]  }
0x3a7: {  	v61 =	vld [tilespmem:s13+$0xA100]  }
0x3a8: {  	v22 =	vld [tilespmem:s13+$0xA110];
	v2 =	vmul.f32 v4, v2  }
0x3a9: {  	v23 =	vld [tilespmem:s13+$0xA120];
	v4 =	vmul.f32 v1, v6  }
0x3aa: {  	v1 =	vld [tilespmem:s13+$0xA130];
	v6 =	vadd.f32 v54, v2;
	v3 =	vmul.f32 v3, v7;
	v5 =	vmul.f32 v5, v8  }
0x3ab: {  	v2 =	vld [tilespmem:s13+$0xA140];
	v0 =	vmul.f32 v0, v9;
	v9 =	vmul.f32 v11, v10;
	v11 =	vadd.f32 v55, v4  }
0x3ac: {  	v63 =	vmul.f32 v6, v61;
	v62 =	vadd.f32 v56, v3;
	v10 =	vmul.f32 v53, v52;
	v4 =	vld [tilespmem:s13+$0xA150]  }
0x3ad: {  	s14 =	simm.s32 $0x80;
	v6 =	vld [tilespmem:s13+$0xA160];
	v7 =	vadd.f32 v57, v5;
	v5 =	vadd.f32 v59, v9;
	v9 =	vmul.f32 v11, v22  }
0x3ae: {  	s15 =	simm.s32 $0x400;
	v8 =	vadd.f32 v58, v0;
	v0 =	vld [tilespmem:s14+$0xE170];
	v3 =	vadd.f32 v60, v10;
	[tilespmem:s13+$0x12100] =	vst v63;
	v10 =	vmul.f32 v62, v23  }
.LBB2_18:
0x3af: {  	p1 =	sne.s32 s15, $0x7E00;
	v11 =	vld [tilespmem:s14+$0x6170];
	[tilespmem:s13+$0x12110] =	vst v9;
	v1 =	vmul.f32 v7, v1  }
0x3b0: {  	v7 =	vld [tilespmem:s14+$0xE100];
	[tilespmem:s13+$0x12120] =	vst v10;
	v2 =	vmul.f32 v8, v2  }
0x3b1: {  	v8 =	vld [tilespmem:s14+$0x2170];
	[tilespmem:s13+$0x12130] =	vst v1;
	v1 =	vmul.f32 v5, v4  }
0x3b2: {  	v4 =	vld [tilespmem:s14+$0x6100];
	[tilespmem:s13+$0x12140] =	vst v2;
	v2 =	vmul.f32 v3, v6  }
0x3b3: {  	v3 =	vld [tilespmem:s14+$0xA170];
	[tilespmem:s13+$0x12150] =	vst v1  }
0x3b4: {  	v1 =	vld [tilespmem:s14+$0xE110];
	v0 =	vmul.f32 v11, v0;
	[tilespmem:s13+$0x12160] =	vst v2;
	s13 =	smov.u32 s14  }
0x3b5: {  	v2 =	vld [tilespmem:s13+$0x6110]  }
0x3b6: {  	v5 =	vld [tilespmem:s13+$0xE120];
	v0 =	vadd.f32 v8, v0  }
0x3b7: {  	v4 =	vmul.f32 v4, v7;
	v6 =	vld [tilespmem:s13+$0x6120]  }
0x3b8: {  	v7 =	vld [tilespmem:s13+$0xE130];
	v0 =	vmul.f32 v0, v3  }
0x3b9: {  	v3 =	vld [tilespmem:s13+$0x6130]  }
0x3ba: {  	v1 =	vmul.f32 v2, v1;
	v2 =	vld [tilespmem:s13+$0xE140];
	[tilespmem:s13+$0x12170] =	vst v0  }
0x3bb: {  	v0 =	vld [tilespmem:s13+$0x6140]  }
0x3bc: {  	v5 =	vmul.f32 v6, v5;
	v6 =	vld [tilespmem:s13+$0xE150]  }
0x3bd: {  	v8 =	vld [tilespmem:s13+$0x6150]  }
0x3be: {  	v3 =	vmul.f32 v3, v7;
	v7 =	vld [tilespmem:s13+$0xE160]  }
0x3bf: {  	v9 =	vld [tilespmem:s13+$0x6160]  }
0x3c0: {  	v10 =	vld [tilespmem:s13+$0x2100];
	v0 =	vmul.f32 v0, v2  }
0x3c1: {  	v2 =	vld [tilespmem:s13+$0x2110]  }
0x3c2: {  	v11 =	vld [tilespmem:s13+$0x2120];
	v6 =	vmul.f32 v8, v6  }
0x3c3: {  	v8 =	vld [tilespmem:s13+$0x2130]  }
0x3c4: {  	v12 =	vld [tilespmem:s13+$0x2140];
	v9 =	vmul.f32 v9, v7  }
0x3c5: {  	v4 =	vadd.f32 v10, v4;
	v10 =	vld [tilespmem:s13+$0x2150]  }
0x3c6: {  	v13 =	vadd.f32 v2, v1;
	v14 =	vld [tilespmem:s13+$0x2160]  }
0x3c7: {  	v15 =	vld [tilespmem:s13+$0xA100];
	v11 =	vadd.f32 v11, v5  }
0x3c8: {  	v16 =	vld [tilespmem:s13+$0xA110];
	v7 =	vadd.f32 v8, v3  }
0x3c9: {  	v17 =	vld [tilespmem:s13+$0xA120];
	v8 =	vadd.f32 v12, v0  }
.Ltmp8:
0x3ca: {  	v1 =	vld [tilespmem:s13+$0xA130];
	v5 =	vadd.f32 v10, v6;
	(pc) =	sbr.rel @p1 .LBB2_18-.Ltmp8, $4  }
0x3cb: {  	v2 =	vld [tilespmem:s13+$0xA140];
	v3 =	vadd.f32 v14, v9  }
0x3cc: {  	v10 =	vmul.f32 v4, v15;
	v4 =	vld [tilespmem:s13+$0xA150]  }
0x3cd: {  	s14 =	sshra.s32 s15, $0x2;
	v9 =	vmul.f32 v13, v16;
	v6 =	vld [tilespmem:s13+$0xA160]  }
0x3ce: {  	s15 =	sadd.s32 $0x200, s15;
	v0 =	vld [tilespmem:s14+$0xE170];
	[tilespmem:s13+$0x12100] =	vst v10;
	v10 =	vmul.f32 v11, v17  }
0x3cf: {  	v11 =	vld [tilespmem:s14+$0x6170];
	[tilespmem:s13+$0x12110] =	vst v9;
	v1 =	vmul.f32 v7, v1  }
0x3d0: {  	v9 =	vld [tilespmem:s14+$0xE100];
	[tilespmem:s13+$0x12120] =	vst v10;
	v2 =	vmul.f32 v8, v2  }
0x3d1: {  	v7 =	vld [tilespmem:s14+$0x2170];
	[tilespmem:s13+$0x12130] =	vst v1;
	v4 =	vmul.f32 v5, v4  }
0x3d2: {  	v1 =	vld [tilespmem:s14+$0x6100];
	[tilespmem:s13+$0x12140] =	vst v2;
	v3 =	vmul.f32 v3, v6  }
0x3d3: {  	v2 =	vld [tilespmem:s14+$0xA170];
	[tilespmem:s13+$0x12150] =	vst v4  }
0x3d4: {  	v4 =	vld [tilespmem:s14+$0xE110];
	[tilespmem:s13+$0x12160] =	vst v3  }
0x3d5: {  	v3 =	vld [tilespmem:s14+$0x6110]  }
0x3d6: {  	v5 =	vld [tilespmem:s14+$0xE120]  }
0x3d7: {  	v6 =	vld [tilespmem:s14+$0x6120]  }
0x3d8: {  	v8 =	vld [tilespmem:s14+$0xE140]  }
0x3d9: {  	v10 =	vld [tilespmem:s14+$0xE150]  }
0x3da: {  	v0 =	vmul.f32 v11, v0;
	v11 =	vld [tilespmem:s14+$0x6150]  }
0x3db: {  	v12 =	vld [tilespmem:s14+$0xE160]  }
0x3dc: {  	v13 =	vld [tilespmem:s14+$0x6160]  }
0x3dd: {  	v14 =	vld [tilespmem:s14+$0x2100]  }
0x3de: {  	v15 =	vld [tilespmem:s14+$0x2110]  }
0x3df: {  	v16 =	vld [tilespmem:s14+$0x2120]  }
0x3e0: {  	v17 =	vld [tilespmem:s14+$0x2130]  }
0x3e1: {  	v18 =	vld [tilespmem:s14+$0x2140]  }
0x3e2: {  	v19 =	vld [tilespmem:s14+$0x2150]  }
0x3e3: {  	v20 =	vld [tilespmem:s14+$0x2160];
	v0 =	vadd.f32 v7, v0  }
0x3e4: {  	v21 =	vld [tilespmem:s14+$0xA100]  }
0x3e5: {  	v7 =	vld [tilespmem:s14+$0xE130];
	v0 =	vmul.f32 v0, v2  }
0x3e6: {  	v2 =	vld [tilespmem:s14+$0x6130]  }
0x3e7: {  	[tilespmem:s14+$0x12170] =	vst v0;
	v0 =	vld [tilespmem:s14+$0x6140]  }
0x3e8: {  	v1 =	vmul.f32 v1, v9;
	v9 =	vld [tilespmem:s14+$0xA110]  }
0x3e9: {  	v3 =	vmul.f32 v3, v4;
	v4 =	vld [tilespmem:s14+$0xA120]  }
0x3ea: {  	v5 =	vmul.f32 v6, v5;
	v1 =	vadd.f32 v14, v1;
	v6 =	vld [tilespmem:s14+$0xA130]  }
0x3eb: {  	v3 =	vadd.f32 v15, v3;
	v2 =	vmul.f32 v2, v7;
	v7 =	vld [tilespmem:s14+$0xA140]  }
0x3ec: {  	v5 =	vadd.f32 v16, v5;
	v1 =	vmul.f32 v1, v21;
	v0 =	vmul.f32 v0, v8;
	v8 =	vld [tilespmem:s14+$0xA150]  }
0x3ed: {  	v10 =	vmul.f32 v11, v10;
	v3 =	vmul.f32 v3, v9;
	v9 =	vld [tilespmem:s14+$0xA160];
	v2 =	vadd.f32 v17, v2  }
0x3ee: {  	v11 =	vmul.f32 v13, v12;
	[tilespmem:s14+$0x12100] =	vst v1;
	v1 =	vmul.f32 v5, v4;
	v0 =	vadd.f32 v18, v0  }
0x3ef: {  	v4 =	vadd.f32 v19, v10;
	[tilespmem:s14+$0x12110] =	vst v3;
	v2 =	vmul.f32 v2, v6  }
0x3f0: {  	v3 =	vadd.f32 v20, v11;
	[tilespmem:s14+$0x12120] =	vst v1;
	v0 =	vmul.f32 v0, v7  }
0x3f1: {  	[tilespmem:s14+$0x12130] =	vst v2;
	v1 =	vmul.f32 v4, v8  }
0x3f2: {  	s15 =	sld [smem:$0x7EE];
	[tilespmem:s14+$0x12140] =	vst v0;
	v0 =	vmul.f32 v3, v9  }
0x3f3: {  	[tilespmem:s14+$0x12150] =	vst v1  }
0x3f4: {  	s13 =	simm.s32 $0x0;
	[tilespmem:s14+$0x12160] =	vst v0  }
0x3f5: {  	[hbm4b:s15+s13] =	stream.linear.scatter [tilespmem:s9], [sflag:$0xA], $0x2000, $0x38;
	[tilespmem:$0x1BF80] =	vst v63  }
0x3f6: {  	s15 =	rddreg [dreg:$0x12]  }
0x3f7: {  	[tilespmem:s19], [sflag:$0xB] =	stream.linear.gather [hbm4b:s15+s13], $0x40, $0x38;
	[tilespmem:$0x1BF80] =	vst v63  }
0x3f8: {  	_ =	swait.ge [sflag:s16], $0x40  }
0x3f9: {  	s15 =	sld [smem:$0x7F0]  }
0x3fa: {  	[sflag:s16] =	ssyncset.done $0x0  }
0x3fb: {  	[sflag:s16] =	ssyncadd.s32 $0xFFFFFFC0  }
0x3fc: {  	[tilespmem:s18], [sflag:$0x6] =	stream.linear.gather [hbm4b:s15+s13], $0x2000, $0x38;
	[tilespmem:$0x1BF80] =	vst v63  }
0x3fd: {  	s15 =	sld [smem:$0x7F2];
	_ =	sdelay $0x2  }
0x3fe: {  	[tilespmem:s21], [sflag:$0x8] =	stream.linear.gather [hbm4b:s15+s13], $0x2000, $0x38;
	[tilespmem:$0x1BF80] =	vst v63  }
0x3ff: {  	_ = 	snop  }
0x400: {  	[tilespmem:s25], [sflag:$0x2] =	stream.indirect.gather [spmem:s30], $0x80, s19, s22, $0xb8;
	[tilespmem:$0x1BF80] =	vst v63  }
0x401: {  	_ = 	snop  }
0x402: {  	[tilespmem:s26], [sflag:$0x4] =	stream.indirect.gather [spmem:s3], $0x80, s19, s22, $0xb8;
	[tilespmem:$0x1BF80] =	vst v63  }
0x403: {  	_ =	swait.ge [sflag:s28], $0x2000  }
0x404: {  	[sflag:s28] =	ssyncset.done $0x0  }
0x405: {  	[sflag:s28] =	ssyncadd.s32 $0xFFFFE000  }
0x406: {  	_ =	swait.ge [sflag:s29], $0x2000  }
0x407: {  	[sflag:s29] =	ssyncset.done $0x0  }
0x408: {  	[sflag:s29] =	ssyncadd.s32 $0xFFFFE000  }
0x409: {  	_ =	swait.ge [sflag:s31], $0x2000  }
0x40a: {  	[sflag:s31] =	ssyncset.done $0x0  }
0x40b: {  	[sflag:s31] =	ssyncadd.s32 $0xFFFFE000  }
0x40c: {  	_ =	swait.ge [sflag:s0], $0x2000  }
0x40d: {  	[sflag:s0] =	ssyncset.done $0x0  }
0x40e: {  	[sflag:s0] =	ssyncadd.s32 $0xFFFFE000  }
0x40f: {  	_ =	swait.ge [sflag:s10], $0x2000  }
0x410: {  	[sflag:s10] =	ssyncset.done $0x0  }
0x411: {  	s13 =	simm.s32 $0x0;
	[sflag:s10] =	ssyncadd.s32 $0xFFFFE000  }
0x412: {  	v0 =	vld [tilespmem:s13+$0xC170]  }
0x413: {  	v1 =	vld [tilespmem:s13+$0x4170]  }
0x414: {  	v2 =	vld [tilespmem:s13+$0xC100]  }
0x415: {  	v3 =	vld [tilespmem:s13+$0x170]  }
0x416: {  	v4 =	vld [tilespmem:s13+$0x4100]  }
0x417: {  	v5 =	vld [tilespmem:s13+$0x8170]  }
0x418: {  	v6 =	vld [tilespmem:s13+$0xC110]  }
0x419: {  	v7 =	vld [tilespmem:s13+$0xC120]  }
0x41a: {  	v8 =	vld [tilespmem:s13+$0xC130]  }
0x41b: {  	v9 =	vld [tilespmem:s13+$0xC140]  }
0x41c: {  	v10 =	vld [tilespmem:s13+$0xC150]  }
0x41d: {  	v11 =	vld [tilespmem:s13+$0x4150]  }
0x41e: {  	v52 =	vld [tilespmem:s13+$0xC160]  }
0x41f: {  	v53 =	vld [tilespmem:s13+$0x4160]  }
0x420: {  	v54 =	vld [tilespmem:s13+$0x100]  }
0x421: {  	v55 =	vld [tilespmem:s13+$0x110]  }
0x422: {  	v56 =	vld [tilespmem:s13+$0x120]  }
0x423: {  	v57 =	vld [tilespmem:s13+$0x130]  }
0x424: {  	v58 =	vld [tilespmem:s13+$0x140];
	v0 =	vmul.f32 v1, v0  }
0x425: {  	v59 =	vld [tilespmem:s13+$0x150]  }
0x426: {  	v60 =	vld [tilespmem:s13+$0x160];
	v0 =	vadd.f32 v3, v0  }
0x427: {  	v1 =	vld [tilespmem:s13+$0x4110]  }
0x428: {  	v3 =	vld [tilespmem:s13+$0x4120];
	v0 =	vmul.f32 v0, v5  }
0x429: {  	v5 =	vld [tilespmem:s13+$0x4130]  }
0x42a: {  	[tilespmem:s13+$0x10170] =	vst v0;
	v0 =	vld [tilespmem:s13+$0x4140]  }
0x42b: {  	v61 =	vld [tilespmem:s13+$0x8100]  }
0x42c: {  	v22 =	vld [tilespmem:s13+$0x8110];
	v2 =	vmul.f32 v4, v2  }
0x42d: {  	v23 =	vld [tilespmem:s13+$0x8120];
	v4 =	vmul.f32 v1, v6  }
0x42e: {  	v1 =	vld [tilespmem:s13+$0x8130];
	v6 =	vadd.f32 v54, v2;
	v3 =	vmul.f32 v3, v7;
	v5 =	vmul.f32 v5, v8  }
0x42f: {  	v2 =	vld [tilespmem:s13+$0x8140];
	v0 =	vmul.f32 v0, v9;
	v9 =	vmul.f32 v11, v10;
	v11 =	vadd.f32 v55, v4  }
0x430: {  	v63 =	vmul.f32 v6, v61;
	v62 =	vadd.f32 v56, v3;
	v10 =	vmul.f32 v53, v52;
	v4 =	vld [tilespmem:s13+$0x8150]  }
0x431: {  	s14 =	simm.s32 $0x80;
	v6 =	vld [tilespmem:s13+$0x8160];
	v7 =	vadd.f32 v57, v5;
	v5 =	vadd.f32 v59, v9;
	v9 =	vmul.f32 v11, v22  }
0x432: {  	s15 =	simm.s32 $0x400;
	v8 =	vadd.f32 v58, v0;
	v0 =	vld [tilespmem:s14+$0xC170];
	v3 =	vadd.f32 v60, v10;
	[tilespmem:s13+$0x10100] =	vst v63;
	v10 =	vmul.f32 v62, v23  }
.LBB2_20:
0x433: {  	p1 =	sne.s32 s15, $0x7E00;
	v11 =	vld [tilespmem:s14+$0x4170];
	[tilespmem:s13+$0x10110] =	vst v9;
	v1 =	vmul.f32 v7, v1  }
0x434: {  	v7 =	vld [tilespmem:s14+$0xC100];
	[tilespmem:s13+$0x10120] =	vst v10;
	v2 =	vmul.f32 v8, v2  }
0x435: {  	v8 =	vld [tilespmem:s14+$0x170];
	[tilespmem:s13+$0x10130] =	vst v1;
	v1 =	vmul.f32 v5, v4  }
0x436: {  	v4 =	vld [tilespmem:s14+$0x4100];
	[tilespmem:s13+$0x10140] =	vst v2;
	v2 =	vmul.f32 v3, v6  }
0x437: {  	v3 =	vld [tilespmem:s14+$0x8170];
	[tilespmem:s13+$0x10150] =	vst v1  }
0x438: {  	v1 =	vld [tilespmem:s14+$0xC110];
	v0 =	vmul.f32 v11, v0;
	[tilespmem:s13+$0x10160] =	vst v2;
	s13 =	smov.u32 s14  }
0x439: {  	v2 =	vld [tilespmem:s13+$0x4110]  }
0x43a: {  	v5 =	vld [tilespmem:s13+$0xC120];
	v0 =	vadd.f32 v8, v0  }
0x43b: {  	v4 =	vmul.f32 v4, v7;
	v6 =	vld [tilespmem:s13+$0x4120]  }
0x43c: {  	v7 =	vld [tilespmem:s13+$0xC130];
	v0 =	vmul.f32 v0, v3  }
0x43d: {  	v3 =	vld [tilespmem:s13+$0x4130]  }
0x43e: {  	v1 =	vmul.f32 v2, v1;
	v2 =	vld [tilespmem:s13+$0xC140];
	[tilespmem:s13+$0x10170] =	vst v0  }
0x43f: {  	v0 =	vld [tilespmem:s13+$0x4140]  }
0x440: {  	v5 =	vmul.f32 v6, v5;
	v6 =	vld [tilespmem:s13+$0xC150]  }
0x441: {  	v8 =	vld [tilespmem:s13+$0x4150]  }
0x442: {  	v3 =	vmul.f32 v3, v7;
	v7 =	vld [tilespmem:s13+$0xC160]  }
0x443: {  	v9 =	vld [tilespmem:s13+$0x4160]  }
0x444: {  	v10 =	vld [tilespmem:s13+$0x100];
	v0 =	vmul.f32 v0, v2  }
0x445: {  	v2 =	vld [tilespmem:s13+$0x110]  }
0x446: {  	v11 =	vld [tilespmem:s13+$0x120];
	v6 =	vmul.f32 v8, v6  }
0x447: {  	v8 =	vld [tilespmem:s13+$0x130]  }
0x448: {  	v12 =	vld [tilespmem:s13+$0x140];
	v9 =	vmul.f32 v9, v7  }
0x449: {  	v4 =	vadd.f32 v10, v4;
	v10 =	vld [tilespmem:s13+$0x150]  }
0x44a: {  	v13 =	vadd.f32 v2, v1;
	v14 =	vld [tilespmem:s13+$0x160]  }
0x44b: {  	v15 =	vld [tilespmem:s13+$0x8100];
	v11 =	vadd.f32 v11, v5  }
0x44c: {  	v16 =	vld [tilespmem:s13+$0x8110];
	v7 =	vadd.f32 v8, v3  }
0x44d: {  	v17 =	vld [tilespmem:s13+$0x8120];
	v8 =	vadd.f32 v12, v0  }
.Ltmp9:
0x44e: {  	v1 =	vld [tilespmem:s13+$0x8130];
	v5 =	vadd.f32 v10, v6;
	(pc) =	sbr.rel @p1 .LBB2_20-.Ltmp9, $4  }
0x44f: {  	v2 =	vld [tilespmem:s13+$0x8140];
	v3 =	vadd.f32 v14, v9  }
0x450: {  	v10 =	vmul.f32 v4, v15;
	v4 =	vld [tilespmem:s13+$0x8150]  }
0x451: {  	s14 =	sshra.s32 s15, $0x2;
	v9 =	vmul.f32 v13, v16;
	v6 =	vld [tilespmem:s13+$0x8160]  }
0x452: {  	s15 =	sadd.s32 $0x200, s15;
	v0 =	vld [tilespmem:s14+$0xC170];
	[tilespmem:s13+$0x10100] =	vst v10;
	v10 =	vmul.f32 v11, v17  }
0x453: {  	v11 =	vld [tilespmem:s14+$0x4170];
	[tilespmem:s13+$0x10110] =	vst v9;
	v1 =	vmul.f32 v7, v1  }
0x454: {  	v9 =	vld [tilespmem:s14+$0xC100];
	[tilespmem:s13+$0x10120] =	vst v10;
	v2 =	vmul.f32 v8, v2  }
0x455: {  	v7 =	vld [tilespmem:s14+$0x170];
	[tilespmem:s13+$0x10130] =	vst v1;
	v4 =	vmul.f32 v5, v4  }
0x456: {  	v1 =	vld [tilespmem:s14+$0x4100];
	[tilespmem:s13+$0x10140] =	vst v2;
	v3 =	vmul.f32 v3, v6  }
0x457: {  	v2 =	vld [tilespmem:s14+$0x8170];
	[tilespmem:s13+$0x10150] =	vst v4  }
0x458: {  	v4 =	vld [tilespmem:s14+$0xC110];
	[tilespmem:s13+$0x10160] =	vst v3  }
0x459: {  	v3 =	vld [tilespmem:s14+$0x4110]  }
0x45a: {  	v5 =	vld [tilespmem:s14+$0xC120]  }
0x45b: {  	v6 =	vld [tilespmem:s14+$0x4120]  }
0x45c: {  	v8 =	vld [tilespmem:s14+$0xC140]  }
0x45d: {  	v10 =	vld [tilespmem:s14+$0xC150]  }
0x45e: {  	v0 =	vmul.f32 v11, v0;
	v11 =	vld [tilespmem:s14+$0x4150]  }
0x45f: {  	v12 =	vld [tilespmem:s14+$0xC160]  }
0x460: {  	v13 =	vld [tilespmem:s14+$0x4160]  }
0x461: {  	v14 =	vld [tilespmem:s14+$0x100]  }
0x462: {  	v15 =	vld [tilespmem:s14+$0x110]  }
0x463: {  	v16 =	vld [tilespmem:s14+$0x120]  }
0x464: {  	v17 =	vld [tilespmem:s14+$0x130]  }
0x465: {  	v18 =	vld [tilespmem:s14+$0x140]  }
0x466: {  	v19 =	vld [tilespmem:s14+$0x150]  }
0x467: {  	v20 =	vld [tilespmem:s14+$0x160];
	v0 =	vadd.f32 v7, v0  }
0x468: {  	v21 =	vld [tilespmem:s14+$0x8100]  }
0x469: {  	v7 =	vld [tilespmem:s14+$0xC130];
	v0 =	vmul.f32 v0, v2  }
0x46a: {  	v2 =	vld [tilespmem:s14+$0x4130]  }
0x46b: {  	[tilespmem:s14+$0x10170] =	vst v0;
	v0 =	vld [tilespmem:s14+$0x4140]  }
0x46c: {  	v1 =	vmul.f32 v1, v9;
	v9 =	vld [tilespmem:s14+$0x8110]  }
0x46d: {  	v3 =	vmul.f32 v3, v4;
	v4 =	vld [tilespmem:s14+$0x8120]  }
0x46e: {  	v5 =	vmul.f32 v6, v5;
	v1 =	vadd.f32 v14, v1;
	v6 =	vld [tilespmem:s14+$0x8130]  }
0x46f: {  	v3 =	vadd.f32 v15, v3;
	v2 =	vmul.f32 v2, v7;
	v7 =	vld [tilespmem:s14+$0x8140]  }
0x470: {  	v5 =	vadd.f32 v16, v5;
	v1 =	vmul.f32 v1, v21;
	v0 =	vmul.f32 v0, v8;
	v8 =	vld [tilespmem:s14+$0x8150]  }
0x471: {  	v10 =	vmul.f32 v11, v10;
	v3 =	vmul.f32 v3, v9;
	v9 =	vld [tilespmem:s14+$0x8160];
	v2 =	vadd.f32 v17, v2  }
0x472: {  	v11 =	vmul.f32 v13, v12;
	[tilespmem:s14+$0x10100] =	vst v1;
	v1 =	vmul.f32 v5, v4;
	v0 =	vadd.f32 v18, v0  }
0x473: {  	v4 =	vadd.f32 v19, v10;
	[tilespmem:s14+$0x10110] =	vst v3;
	v2 =	vmul.f32 v2, v6  }
0x474: {  	v3 =	vadd.f32 v20, v11;
	[tilespmem:s14+$0x10120] =	vst v1;
	v0 =	vmul.f32 v0, v7  }
0x475: {  	[tilespmem:s14+$0x10130] =	vst v2;
	v1 =	vmul.f32 v4, v8  }
0x476: {  	s15 =	sld [smem:$0x7F3];
	[tilespmem:s14+$0x10140] =	vst v0;
	v0 =	vmul.f32 v3, v9  }
0x477: {  	[tilespmem:s14+$0x10150] =	vst v1  }
0x478: {  	[tilespmem:s14+$0x10160] =	vst v0;
	s14 =	simm.s32 $0x0  }
0x479: {  	[hbm4b:s15+s14] =	stream.linear.scatter [tilespmem:s2], [sflag:$0x9], $0x2000, $0x38;
	[tilespmem:$0x1BF80] =	vst v63  }
0x47a: {  	_ =	swait.ge [sflag:s4], $0x2000  }
0x47b: {  	[sflag:s4] =	ssyncset.done $0x0  }
0x47c: {  	[sflag:s4] =	ssyncadd.s32 $0xFFFFE000  }
0x47d: {  	_ =	swait.ge [sflag:s6], $0x2000  }
0x47e: {  	[sflag:s6] =	ssyncset.done $0x0  }
0x47f: {  	[sflag:s6] =	ssyncadd.s32 $0xFFFFE000  }
0x480: {  	_ =	swait.ge [sflag:s7], $0x2000  }
0x481: {  	[sflag:s7] =	ssyncset.done $0x0  }
0x482: {  	[sflag:s7] =	ssyncadd.s32 $0xFFFFE000  }
0x483: {  	_ =	swait.ge [sflag:s8], $0x2000  }
0x484: {  	[sflag:s8] =	ssyncset.done $0x0  }
0x485: {  	[sflag:s8] =	ssyncadd.s32 $0xFFFFE000  }
0x486: {  	_ =	swait.ge [sflag:s11], $0x2000  }
0x487: {  	[sflag:s11] =	ssyncset.done $0x0  }
0x488: {  	s13 =	simm.s32 $0x0;
	[sflag:s11] =	ssyncadd.s32 $0xFFFFE000  }
0x489: {  	v0 =	vld [tilespmem:s13+$0xE170]  }
0x48a: {  	v1 =	vld [tilespmem:s13+$0x6170]  }
0x48b: {  	v2 =	vld [tilespmem:s13+$0xE100]  }
0x48c: {  	v3 =	vld [tilespmem:s13+$0x2170]  }
0x48d: {  	v4 =	vld [tilespmem:s13+$0x6100]  }
0x48e: {  	v5 =	vld [tilespmem:s13+$0xA170]  }
0x48f: {  	v6 =	vld [tilespmem:s13+$0xE110]  }
0x490: {  	v7 =	vld [tilespmem:s13+$0xE120]  }
0x491: {  	v8 =	vld [tilespmem:s13+$0xE130]  }
0x492: {  	v9 =	vld [tilespmem:s13+$0xE140]  }
0x493: {  	v10 =	vld [tilespmem:s13+$0xE150]  }
0x494: {  	v11 =	vld [tilespmem:s13+$0x6150]  }
0x495: {  	v52 =	vld [tilespmem:s13+$0xE160]  }
0x496: {  	v53 =	vld [tilespmem:s13+$0x6160]  }
0x497: {  	v54 =	vld [tilespmem:s13+$0x2100]  }
0x498: {  	v55 =	vld [tilespmem:s13+$0x2110]  }
0x499: {  	v56 =	vld [tilespmem:s13+$0x2120]  }
0x49a: {  	v57 =	vld [tilespmem:s13+$0x2130]  }
0x49b: {  	v58 =	vld [tilespmem:s13+$0x2140];
	v0 =	vmul.f32 v1, v0  }
0x49c: {  	v59 =	vld [tilespmem:s13+$0x2150]  }
0x49d: {  	v60 =	vld [tilespmem:s13+$0x2160];
	v0 =	vadd.f32 v3, v0  }
0x49e: {  	v1 =	vld [tilespmem:s13+$0x6110]  }
0x49f: {  	v3 =	vld [tilespmem:s13+$0x6120];
	v0 =	vmul.f32 v0, v5  }
0x4a0: {  	v5 =	vld [tilespmem:s13+$0x6130]  }
0x4a1: {  	[tilespmem:s13+$0x12170] =	vst v0;
	v0 =	vld [tilespmem:s13+$0x6140]  }
0x4a2: {  	v61 =	vld [tilespmem:s13+$0xA100]  }
0x4a3: {  	v22 =	vld [tilespmem:s13+$0xA110];
	v2 =	vmul.f32 v4, v2  }
0x4a4: {  	v23 =	vld [tilespmem:s13+$0xA120];
	v4 =	vmul.f32 v1, v6  }
0x4a5: {  	v1 =	vld [tilespmem:s13+$0xA130];
	v6 =	vadd.f32 v54, v2;
	v3 =	vmul.f32 v3, v7;
	v5 =	vmul.f32 v5, v8  }
0x4a6: {  	v2 =	vld [tilespmem:s13+$0xA140];
	v0 =	vmul.f32 v0, v9;
	v9 =	vmul.f32 v11, v10;
	v11 =	vadd.f32 v55, v4  }
0x4a7: {  	v63 =	vmul.f32 v6, v61;
	v62 =	vadd.f32 v56, v3;
	v10 =	vmul.f32 v53, v52;
	v4 =	vld [tilespmem:s13+$0xA150]  }
0x4a8: {  	s14 =	simm.s32 $0x80;
	v6 =	vld [tilespmem:s13+$0xA160];
	v7 =	vadd.f32 v57, v5;
	v5 =	vadd.f32 v59, v9;
	v9 =	vmul.f32 v11, v22  }
0x4a9: {  	s15 =	simm.s32 $0x400;
	v8 =	vadd.f32 v58, v0;
	v0 =	vld [tilespmem:s14+$0xE170];
	v3 =	vadd.f32 v60, v10;
	[tilespmem:s13+$0x12100] =	vst v63;
	v10 =	vmul.f32 v62, v23  }
.LBB2_22:
0x4aa: {  	p1 =	sne.s32 s15, $0x7E00;
	v11 =	vld [tilespmem:s14+$0x6170];
	[tilespmem:s13+$0x12110] =	vst v9;
	v1 =	vmul.f32 v7, v1  }
0x4ab: {  	v7 =	vld [tilespmem:s14+$0xE100];
	[tilespmem:s13+$0x12120] =	vst v10;
	v2 =	vmul.f32 v8, v2  }
0x4ac: {  	v8 =	vld [tilespmem:s14+$0x2170];
	[tilespmem:s13+$0x12130] =	vst v1;
	v1 =	vmul.f32 v5, v4  }
0x4ad: {  	v4 =	vld [tilespmem:s14+$0x6100];
	[tilespmem:s13+$0x12140] =	vst v2;
	v2 =	vmul.f32 v3, v6  }
0x4ae: {  	v3 =	vld [tilespmem:s14+$0xA170];
	[tilespmem:s13+$0x12150] =	vst v1  }
0x4af: {  	v1 =	vld [tilespmem:s14+$0xE110];
	v0 =	vmul.f32 v11, v0;
	[tilespmem:s13+$0x12160] =	vst v2;
	s13 =	smov.u32 s14  }
0x4b0: {  	v2 =	vld [tilespmem:s13+$0x6110]  }
0x4b1: {  	v5 =	vld [tilespmem:s13+$0xE120];
	v0 =	vadd.f32 v8, v0  }
0x4b2: {  	v4 =	vmul.f32 v4, v7;
	v6 =	vld [tilespmem:s13+$0x6120]  }
0x4b3: {  	v7 =	vld [tilespmem:s13+$0xE130];
	v0 =	vmul.f32 v0, v3  }
0x4b4: {  	v3 =	vld [tilespmem:s13+$0x6130]  }
0x4b5: {  	v1 =	vmul.f32 v2, v1;
	v2 =	vld [tilespmem:s13+$0xE140];
	[tilespmem:s13+$0x12170] =	vst v0  }
0x4b6: {  	v0 =	vld [tilespmem:s13+$0x6140]  }
0x4b7: {  	v5 =	vmul.f32 v6, v5;
	v6 =	vld [tilespmem:s13+$0xE150]  }
0x4b8: {  	v8 =	vld [tilespmem:s13+$0x6150]  }
0x4b9: {  	v3 =	vmul.f32 v3, v7;
	v7 =	vld [tilespmem:s13+$0xE160]  }
0x4ba: {  	v9 =	vld [tilespmem:s13+$0x6160]  }
0x4bb: {  	v10 =	vld [tilespmem:s13+$0x2100];
	v0 =	vmul.f32 v0, v2  }
0x4bc: {  	v2 =	vld [tilespmem:s13+$0x2110]  }
0x4bd: {  	v11 =	vld [tilespmem:s13+$0x2120];
	v6 =	vmul.f32 v8, v6  }
0x4be: {  	v8 =	vld [tilespmem:s13+$0x2130]  }
0x4bf: {  	v12 =	vld [tilespmem:s13+$0x2140];
	v9 =	vmul.f32 v9, v7  }
0x4c0: {  	v4 =	vadd.f32 v10, v4;
	v10 =	vld [tilespmem:s13+$0x2150]  }
0x4c1: {  	v13 =	vadd.f32 v2, v1;
	v14 =	vld [tilespmem:s13+$0x2160]  }
0x4c2: {  	v15 =	vld [tilespmem:s13+$0xA100];
	v11 =	vadd.f32 v11, v5  }
0x4c3: {  	v16 =	vld [tilespmem:s13+$0xA110];
	v7 =	vadd.f32 v8, v3  }
0x4c4: {  	v17 =	vld [tilespmem:s13+$0xA120];
	v8 =	vadd.f32 v12, v0  }
.Ltmp10:
0x4c5: {  	v1 =	vld [tilespmem:s13+$0xA130];
	v5 =	vadd.f32 v10, v6;
	(pc) =	sbr.rel @p1 .LBB2_22-.Ltmp10, $4  }
0x4c6: {  	v2 =	vld [tilespmem:s13+$0xA140];
	v3 =	vadd.f32 v14, v9  }
0x4c7: {  	v10 =	vmul.f32 v4, v15;
	v4 =	vld [tilespmem:s13+$0xA150]  }
0x4c8: {  	s14 =	sshra.s32 s15, $0x2;
	v9 =	vmul.f32 v13, v16;
	v6 =	vld [tilespmem:s13+$0xA160]  }
0x4c9: {  	s15 =	sadd.s32 $0x200, s15;
	v0 =	vld [tilespmem:s14+$0xE170];
	[tilespmem:s13+$0x12100] =	vst v10;
	v10 =	vmul.f32 v11, v17  }
0x4ca: {  	v11 =	vld [tilespmem:s14+$0x6170];
	[tilespmem:s13+$0x12110] =	vst v9;
	v1 =	vmul.f32 v7, v1  }
0x4cb: {  	v9 =	vld [tilespmem:s14+$0xE100];
	[tilespmem:s13+$0x12120] =	vst v10;
	v2 =	vmul.f32 v8, v2  }
0x4cc: {  	v44 =	vld [tilespmem:s14+$0x2170];
	[tilespmem:s13+$0x12130] =	vst v1;
	v4 =	vmul.f32 v5, v4  }
0x4cd: {  	v1 =	vld [tilespmem:s14+$0x6100];
	[tilespmem:s13+$0x12140] =	vst v2;
	v3 =	vmul.f32 v3, v6  }
0x4ce: {  	v2 =	vld [tilespmem:s14+$0xA170];
	[tilespmem:s13+$0x12150] =	vst v4  }
0x4cf: {  	v4 =	vld [tilespmem:s14+$0xE110];
	[tilespmem:s13+$0x12160] =	vst v3  }
0x4d0: {  	v3 =	vld [tilespmem:s14+$0x6110]  }
0x4d1: {  	v45 =	vld [tilespmem:s14+$0xE120]  }
0x4d2: {  	v46 =	vld [tilespmem:s14+$0x6120]  }
0x4d3: {  	v47 =	vld [tilespmem:s14+$0xE130]  }
0x4d4: {  	v48 =	vld [tilespmem:s14+$0x6130]  }
0x4d5: {  	v49 =	vld [tilespmem:s14+$0xE140]  }
0x4d6: {  	v50 =	vld [tilespmem:s14+$0x6140]  }
0x4d7: {  	v10 =	vld [tilespmem:s14+$0xE150]  }
0x4d8: {  	v51 =	vld [tilespmem:s14+$0x6150]  }
0x4d9: {  	v12 =	vld [tilespmem:s14+$0xE160]  }
0x4da: {  	v13 =	vld [tilespmem:s14+$0x6160]  }
0x4db: {  	v14 =	vld [tilespmem:s14+$0x2100]  }
0x4dc: {  	v15 =	vld [tilespmem:s14+$0x2110]  }
0x4dd: {  	v16 =	vld [tilespmem:s14+$0x2120]  }
0x4de: {  	v17 =	vld [tilespmem:s14+$0x2130]  }
0x4df: {  	v18 =	vld [tilespmem:s14+$0x2140]  }
0x4e0: {  	v19 =	vld [tilespmem:s14+$0x2150]  }
0x4e1: {  	v0 =	vmul.f32 v11, v0;
	v20 =	vld [tilespmem:s14+$0x2160]  }
0x4e2: {  	v21 =	vld [tilespmem:s14+$0xA100]  }
0x4e3: {  	v52 =	vld [tilespmem:s14+$0xA110];
	v0 =	vadd.f32 v44, v0;
	v1 =	vmul.f32 v1, v9  }
0x4e4: {  	v53 =	vld [tilespmem:s14+$0xA120];
	v3 =	vmul.f32 v3, v4  }
0x4e5: {  	v54 =	vld [tilespmem:s14+$0xA130];
	v0 =	vmul.f32 v0, v2;
	v5 =	vmul.f32 v46, v45;
	v1 =	vadd.f32 v14, v1  }
0x4e6: {  	v55 =	vld [tilespmem:s14+$0xA140];
	v2 =	vmul.f32 v48, v47;
	v3 =	vadd.f32 v15, v3  }
0x4e7: {  	v56 =	vld [tilespmem:s14+$0xA150];
	[tilespmem:s14+$0x12170] =	vst v0;
	v0 =	vmul.f32 v50, v49;
	v5 =	vadd.f32 v16, v5;
	v1 =	vmul.f32 v1, v21  }
0x4e8: {  	v57 =	vld [tilespmem:s14+$0xA160];
	v10 =	vmul.f32 v51, v10;
	v2 =	vadd.f32 v17, v2;
	v3 =	vmul.f32 v3, v52  }
0x4e9: {  	v58 =	vmul.f32 v13, v12;
	v0 =	vadd.f32 v18, v0;
	[tilespmem:s14+$0x12100] =	vst v1;
	v59 =	vmul.f32 v5, v53  }
0x4ea: {  	v60 =	vadd.f32 v19, v10;
	v2 =	vmul.f32 v2, v54;
	[tilespmem:s14+$0x12110] =	vst v3  }
0x4eb: {  	v61 =	vadd.f32 v20, v58;
	v0 =	vmul.f32 v0, v55;
	[tilespmem:s14+$0x12120] =	vst v59  }
0x4ec: {  	v62 =	vmul.f32 v60, v56;
	[tilespmem:s14+$0x12130] =	vst v2  }
0x4ed: {  	v63 =	vmul.f32 v61, v57;
	[tilespmem:s14+$0x12140] =	vst v0  }
0x4ee: {  	[tilespmem:s14+$0x12150] =	vst v62  }
0x4ef: {  	[tilespmem:s14+$0x12160] =	vst v63;
	s14 =	sld [smem:$0x7F4];
	_ =	sdelay $0x2  }
0x4f0: {  	[hbm4b:s14+s1] =	stream.linear.scatter [tilespmem:s9], [sflag:$0xA], $0x2000, $0x38;
	[tilespmem:$0x1BF80] =	vst v63  }
0x4f1: {  	_ =	swait.ge [sflag:s10], $0x2000  }
0x4f2: {  	[sflag:s10] =	ssyncset.done $0x0  }
0x4f3: {  	[sflag:s10] =	ssyncadd.s32 $0xFFFFE000  }
0x4f4: {  	_ =	swait.ge [sflag:s11], $0x2000  }
0x4f5: {  	s15 =	sld [smem:$0x7FA];
	_ =	sdelay $0x1  }
0x4f6: {  	s12 =	sadd.s32 $0x1, s12  }
0x4f7: {  	p1 =	sne.s32 s12, s15  }
.Ltmp11:
0x4f8: {  	_ = 	snop;
	(pc) =	sbr.rel @p1 .LBB2_1-.Ltmp11, $4  }
.Ltmp12:
0x4f9: {  	_ = 	snop;
	(pc) =	sbr.rel @!p1 .LBB2_24-.Ltmp12, $4  }
0x4fa: {  	_ = 	snop  }
0x4fb: {  	[sflag:s11] =	ssyncset.done $0x0  }
0x4fc: {  	[sflag:s11] =	ssyncadd.s32 $0xFFFFE000  }
0x4fd: {  	_ = 	snop  }
.LBB2_2:
.Ltmp13:
0x4fe: {  	(pc) =	sbr.rel .LBB2_7-.Ltmp13, $2  }
0x4ff: {  	_ =	sdelay $0x2  }
0x500: {  	s18 =	simm.s32 $0x16140  }
.LBB2_4:
.Ltmp14:
0x501: {  	(pc) =	sbr.rel .LBB2_7-.Ltmp14, $2  }
0x502: {  	_ =	sdelay $0x2  }
0x503: {  	s18 =	simm.s32 $0x16140;
	s20 =	simm.s32 $0x8100  }
.LBB2_24:
0x504: {  	_ =	sfence.sel $0x180000  }
0x505: {  	[bflag:$0x0] =	sbarrier.arrive $0xFFFF  }
0x506: {  	_ =	strace $0x90000047  }
0x507: {  	s0 =	stileid.u32;
	[bflag:$0x2] =	sbarrier.arrive $0xFFFF  }
0x508: {  	p0 =	sne.s32 s0, $0x0;
	s0 =	rddreg [dreg:$0x8]  }
0x509: {  	s0 =	sadd.s32 @!p0 $0x100000, s0  }
0x50a: {  	[sflag:s0] =	ssyncadd.tile.s32 @!p0 $0x1;
	_ =	shalt  }
.Lfunc_end2:
_tile_overlayer_lowered:
.L_overlay_start_2:
0x50b: {  	(tag) =	ssettag $0x2  }
0x50c: {  	s0 =	rddreg [dreg:$0x0];
	s2 =	stileid.u32  }
0x50d: {  	s1 =	rddreg [dreg:$0x1];
	p0 =	sne.s32 s2, $0x0  }
0x50e: {  	s3 =	rddreg [dreg:$0x2];
	[bflag:$0x3] =	sbarrier.arrive $0xFFFF;
	s2 =	simm.s32 @!p0 $0x1C0B  }
0x50f: {  	[timem:s3], [sflag:s2] =	dma.local @!p0 [hbm:s0], s1  }
0x510: {  	s0 =	simm.s32 @!p0 $0xB  }
0x511: {  	_ =	swait.ge @!p0 [sflag:s0], s1  }
0x512: {  	s1 =	ssub.s32 @!p0 $0x0, s1;
	[sflag:s0] =	ssyncset.done @!p0 $0x0  }
0x513: {  	[sflag:s0] =	ssyncadd.s32 @!p0 s1  }
0x514: {  	[bflag:$0x3] =	sbarrier.arrive $0xFFFF  }
0x515: {  	_ =	shalt  }

</sc_bundles>
